<compile_context>
chip_gen: v7x
topology: tpu7x:2x2x1
jax: 0.10.2.dev20260603
libtpu: 0.0.44.dev20260713+nightly
codegen_flags: <defaults>
</compile_context>

<pallas_src>
import functools

import jax
import jax.numpy as jnp
from jax import lax
from jax.experimental import pallas as pl
from jax.experimental.pallas import tpu as pltpu
from jax.experimental.pallas import tpu_sc as plsc

N = 100000
B = 512
F = 128
D = 32
NC = 2
NS = 16
NW = NC * NS
CHUNK = 128
NCHUNK = 25
ACC = 520
PTR_PAD = 528
TRASH = B
SEG_SLICE = B // NS


def _seg_sum_body(x_hbm, h_hbm, ptr_hbm, zx_hbm, sx_hbm, sh_hbm,
                  ptr_v, xbuf0, xbuf1, hraw0, hraw1, hpad0, hpad1,
                  ids0, ids1, stage, idsa, idsb, accx, acch, dsem0, dsem1):
    c = lax.axis_index("c")
    sid = lax.axis_index("s")
    wid = c * NS + sid
    row0 = (wid * (N // 8) // NW) * 8
    row1 = ((wid + 1) * (N // 8) // NW) * 8
    xbuf = (xbuf0, xbuf1)
    hraw = (hraw0, hraw1)
    hpad = (hpad0, hpad1)
    ids = (ids0, ids1)
    dsem = (dsem0, dsem1)

    pltpu.sync_copy(ptr_hbm, ptr_v)
    pltpu.sync_copy(zx_hbm, accx.at[pl.ds(sid * SEG_SLICE, SEG_SLICE)])
    pltpu.sync_copy(zx_hbm, acch.at[pl.ds(sid * SEG_SLICE, SEG_SLICE)])
    for p in range(2):
        for q in range(CHUNK // SEG_SLICE):
            pltpu.sync_copy(zx_hbm, hpad[p].at[pl.ds(q * SEG_SLICE, SEG_SLICE)])
    pltpu.sync_copy(zx_hbm.at[pl.ds(0, 16)], stage)
    plsc.subcore_barrier()

    iota = lax.iota(jnp.int32, 16)

    def chunk_base(k):
        return pl.multiple_of(
            jnp.minimum(row0 + k * CHUNK, N - CHUNK), 8)

    def start_fetch(k, p):
        base = chunk_base(k)
        pltpu.async_copy(x_hbm.at[pl.ds(base, CHUNK)], xbuf[p], dsem[p])
        pltpu.async_copy(h_hbm.at[pl.ds(base, CHUNK)], hraw[p], dsem[p])

    def wait_fetch(p):
        pltpu.make_async_copy(x_hbm.at[pl.ds(0, CHUNK)], xbuf[p],
                              dsem[p]).wait()
        pltpu.make_async_copy(h_hbm.at[pl.ds(0, CHUNK)], hraw[p],
                              dsem[p]).wait()

    def process(k, p):
        cbase = row0 + k * CHUNK
        base = chunk_base(k)

        mx = jnp.int32(0)
        mn = jnp.int32(TRASH)
        two = jnp.int32(1)
        idvs = []
        for v in range(CHUNK // 16):
            g = base + v * 16 + iota
            lo = jnp.zeros((16,), jnp.int32)
            hi = jnp.full((16,), B + 1, jnp.int32)
            for _ in range(10):
                mid = (lo + hi) >> 1
                vals = plsc.load_gather(ptr_v, [mid])
                pred = vals <= g
                lo = jnp.where(pred, mid, lo)
                hi = jnp.where(pred, hi, mid)
            valid = (g >= cbase) & (g < row1)
            idv = jnp.where(valid, lo, TRASH)
            ids[p][pl.ds(v * 16, 16)] = idv
            idvs.append(idv)
            mx = jnp.maximum(mx, jnp.max(idv))
            mn = jnp.minimum(mn, jnp.min(idv))
        for idv in idvs:
            inset = ((idv == mn) | (idv == mx)).astype(jnp.int32)
            two = jnp.minimum(two, jnp.min(inset))

        @pl.when(two == 1)
        def _():
            def red_body(r, accs):
                m = plsc.load_gather(ids[p], [jnp.full((16,), r, jnp.int32)])
                isa = m == mn
                xr = [xbuf[p][r, pl.ds(16 * j, 16)] for j in range(8)]
                hr = [hraw[p][r, pl.ds(16 * j, 16)] for j in range(2)]
                return (
                    tuple(accs[j] + jnp.where(isa, xr[j], 0.0)
                          for j in range(8))
                    + tuple(accs[8 + j] + xr[j] for j in range(8))
                    + tuple(accs[16 + j] + jnp.where(isa, hr[j], 0.0)
                            for j in range(2))
                    + tuple(accs[18 + j] + hr[j] for j in range(2)))

            accs = lax.fori_loop(0, CHUNK, red_body,
                                 tuple(jnp.zeros((16,), jnp.float32)
                                       for _ in range(20)))
            for j in range(8):
                stage[0, pl.ds(16 * j, 16)] = accs[j]
                stage[1, pl.ds(16 * j, 16)] = accs[8 + j] - accs[j]
            for j in range(2):
                stage[2, pl.ds(16 * j, 16)] = accs[16 + j]
                stage[3, pl.ds(16 * j, 16)] = accs[18 + j] - accs[16 + j]
            idsa[pl.ds(0, 16)] = jnp.where(
                iota == 0, mn, jnp.where(iota == 1, mx, TRASH))
            idsb[pl.ds(0, 16)] = jnp.where(
                iota == 2, mn, jnp.where(iota == 3, mx, TRASH))
            pltpu.sync_copy(stage, accx.at[idsa], add=True)
            pltpu.sync_copy(stage, acch.at[idsb], add=True)

        @pl.when(two == 0)
        def _():
            def pack_body(q, carry):
                for u in range(4):
                    r = q * 4 + u
                    hpad[p][r, pl.ds(0, 16)] = hraw[p][r, pl.ds(0, 16)]
                    hpad[p][r, pl.ds(16, 16)] = hraw[p][r, pl.ds(16, 16)]
                return carry

            lax.fori_loop(0, CHUNK // 4, pack_body, jnp.int32(0))
            pltpu.sync_copy(xbuf[p], accx.at[ids[p]], add=True)
            pltpu.sync_copy(hpad[p], acch.at[ids[p]], add=True)

    start_fetch(0, 0)
    start_fetch(1, 1)

    def step(t, carry):
        for p in range(2):
            k = 2 * t + p
            wait_fetch(p)
            process(k, p)
            start_fetch(k + 2, p)
        return carry

    lax.fori_loop(0, (NCHUNK + 1) // 2, step, jnp.int32(0))
    wait_fetch(0)
    wait_fetch(1)
    plsc.subcore_barrier()

    pltpu.sync_copy(accx.at[pl.ds(sid * SEG_SLICE, SEG_SLICE)],
                    sx_hbm.at[c, pl.ds(sid * SEG_SLICE, SEG_SLICE)])
    pltpu.sync_copy(acch.at[pl.ds(sid * SEG_SLICE, SEG_SLICE)],
                    sh_hbm.at[c, pl.ds(sid * SEG_SLICE, SEG_SLICE)])


_seg_sum = functools.partial(
    pl.kernel,
    out_type=(
        jax.ShapeDtypeStruct((NC, B, F), jnp.float32),
        jax.ShapeDtypeStruct((NC, B, F), jnp.float32),
    ),
    mesh=plsc.VectorSubcoreMesh(core_axis_name="c", subcore_axis_name="s",
                                num_cores=NC, num_subcores=NS),
    compiler_params=pltpu.CompilerParams(needs_layout_passes=False),
    scratch_types=[
        pltpu.VMEM((PTR_PAD,), jnp.int32),
        pltpu.VMEM((CHUNK, F), jnp.float32),
        pltpu.VMEM((CHUNK, F), jnp.float32),
        pltpu.VMEM((CHUNK, D), jnp.float32),
        pltpu.VMEM((CHUNK, D), jnp.float32),
        pltpu.VMEM((CHUNK, F), jnp.float32),
        pltpu.VMEM((CHUNK, F), jnp.float32),
        pltpu.VMEM((CHUNK,), jnp.int32),
        pltpu.VMEM((CHUNK,), jnp.int32),
        pltpu.VMEM((16, F), jnp.float32),
        pltpu.VMEM((16,), jnp.int32),
        pltpu.VMEM((16,), jnp.int32),
        pltpu.VMEM_SHARED((ACC, F), jnp.float32),
        pltpu.VMEM_SHARED((ACC, F), jnp.float32),
        pltpu.SemaphoreType.DMA,
        pltpu.SemaphoreType.DMA,
    ],
)(_seg_sum_body)


def _proj_body(sx_ref, sh_ref, w_ref, b_ref, cnt_ref, o_ref):
    sx = sx_ref[0] + sx_ref[1]
    sh = (sh_ref[0] + sh_ref[1])[:, :D]
    wx = w_ref[:, :F]
    wh = w_ref[:, F:]
    dn = (((1,), (1,)), ((), ()))
    o_ref[...] = (
        lax.dot_general(sx, wx, dn, preferred_element_type=jnp.float32)
        + lax.dot_general(sh, wh, dn, preferred_element_type=jnp.float32)
        + cnt_ref[...] * b_ref[...]
    )


def kernel(h_node, x, ptr, W, b):
    ptr = ptr.astype(jnp.int32)
    ptr_pad = jnp.concatenate(
        [ptr, jnp.full((PTR_PAD - B - 1,), N, jnp.int32)])
    zx = jnp.zeros((SEG_SLICE, F), jnp.float32)
    sx, sh = _seg_sum(x, h_node, ptr_pad, zx)
    cnt = (ptr[1:] - ptr[:-1]).astype(jnp.float32).reshape(B, 1)
    return pl.pallas_call(
        _proj_body,
        out_shape=jax.ShapeDtypeStruct((B, D), jnp.float32),
    )(sx, sh, W, b.reshape(1, D), cnt)

# --- scband reference (transcript-rebuilt; emitter-appended) ---
"""Pipeline reference for scband-dag-encoder-29188597743898 (READ-ONLY COPY).

The authoritative reference and input builder live on the scoring server;
editing this copy changes nothing except your own understanding.
"""

import jax, jax.numpy as jnp
import numpy as np

N = 100000  # total nodes across batched DAGs
B = 512     # number of graphs
F = 128     # num_node_features
D = 32      # embed_dim


def setup_inputs(seed: int = 0) -> dict:
    key = jax.random.key(seed)
    k1, k2, k3, k4, k5 = jax.random.split(key, 5)
    h_node = jax.random.normal(k1, (N, D), dtype=jnp.float32)
    x = jax.random.normal(k2, (N, F), dtype=jnp.float32)
    inner = jnp.sort(jax.random.randint(k3, (B - 1,), 0, N, dtype=jnp.int32))
    ptr = jnp.concatenate([jnp.zeros((1,), dtype=jnp.int32), inner, jnp.full((1,), N, dtype=jnp.int32)])
    in_dim = F + D
    scale = 1.0 / np.sqrt(in_dim)
    W = jax.random.uniform(k4, (D, in_dim), dtype=jnp.float32, minval=-scale, maxval=scale)
    b = jax.random.uniform(k5, (D,), dtype=jnp.float32, minval=-scale, maxval=scale)
    return {"h_node": h_node, "x": x, "ptr": ptr, "W": W, "b": b}


def reference(h_node, x, ptr, W, b):
    # h_node = torch.cat([dag_batch.x, h_node], dim=1)
    h = jnp.concatenate([x, h_node], axis=1)
    # self.linear(h_node)
    y = jnp.dot(h, W.T) + b
    # segment_csr(y, ptr) with default reduce='sum'
    n = h.shape[0]
    num_segments = ptr.shape[0] - 1
    seg_ids = jnp.searchsorted(ptr, jnp.arange(n, dtype=ptr.dtype), side='right') - 1
    h_dag = jax.ops.segment_sum(y, seg_ids, num_segments=num_segments)
    return h_dag

if __name__ == "__main__":
    import jax
    _d = setup_inputs()
    print(jax.jit(kernel)(*tuple(_d.values())))

</pallas_src>

<mosaic_0001>
#map = affine_map<(d0, d1) -> (0, 0)>
#map1 = affine_map<(d0, d1) -> (0)>
#map2 = affine_map<(d0, d1) -> (0, 0, 0)>
module attributes {stable_mosaic.version = 14 : i64} {
  func.func @_seg_sum_body(%arg0: i32, %arg1: i32, %arg2: memref<100000x128xf32, #tpu.memory_space<hbm>>, %arg3: memref<100000x32xf32, #tpu.memory_space<hbm>>, %arg4: memref<528xi32, #tpu.memory_space<hbm>>, %arg5: memref<32x128xf32, #tpu.memory_space<hbm>>, %arg6: memref<2x512x128xf32, #tpu.memory_space<hbm>>, %arg7: memref<2x512x128xf32, #tpu.memory_space<hbm>>, %arg8: memref<528xi32, #tpu.memory_space<vmem>>, %arg9: memref<128x128xf32, #tpu.memory_space<vmem>>, %arg10: memref<128x128xf32, #tpu.memory_space<vmem>>, %arg11: memref<128x32xf32, #tpu.memory_space<vmem>>, %arg12: memref<128x32xf32, #tpu.memory_space<vmem>>, %arg13: memref<128x128xf32, #tpu.memory_space<vmem>>, %arg14: memref<128x128xf32, #tpu.memory_space<vmem>>, %arg15: memref<128xi32, #tpu.memory_space<vmem>>, %arg16: memref<128xi32, #tpu.memory_space<vmem>>, %arg17: memref<16x128xf32, #tpu.memory_space<vmem>>, %arg18: memref<16xi32, #tpu.memory_space<vmem>>, %arg19: memref<16xi32, #tpu.memory_space<vmem>>, %arg20: memref<520x128xf32, #tpu.memory_space<vmem_shared>>, %arg21: memref<520x128xf32, #tpu.memory_space<vmem_shared>>, %arg22: memref<!tpu.dma_semaphore, #tpu.memory_space<semaphore_mem>>, %arg23: memref<!tpu.dma_semaphore, #tpu.memory_space<semaphore_mem>>) attributes {dimension_semantics = [#tpu.dimension_semantics<core_parallel>, #tpu.dimension_semantics<subcore_parallel>], iteration_bounds = array<i64: 2, 16>, scalar_prefetch = 0 : i64, scratch_operands = 16 : i64, tpu.core_type = #tpu.core_type<sc_vector_subcore>, window_params = [{transform_indices = #map}, {transform_indices = #map}, {transform_indices = #map1}, {transform_indices = #map}, {transform_indices = #map2}, {transform_indices = #map2}]} {
    %mul3A = arith.constant 16 : i32
    %mul3A_0 = arith.muli %arg0, %mul3A : i32
    %add3A = arith.addi %mul3A_0, %arg1 : i32
    %mul3A_1 = arith.constant 12500 : i32
    %mul3A_2 = arith.muli %add3A, %mul3A_1 : i32
    %jit3A = arith.constant 32 : i32
    %div3A = arith.divsi %mul3A_2, %jit3A : i32
    %sign3A = arith.constant 0 : i32
    %sign3A_3 = arith.cmpi sgt, %mul3A_2, %sign3A : i32
    %sign3A_4 = arith.extui %sign3A_3 : i1 to i32
    %sign3A_5 = arith.constant 0 : i32
    %sign3A_6 = arith.cmpi slt, %mul3A_2, %sign3A_5 : i32
    %sign3A_7 = arith.extui %sign3A_6 : i1 to i32
    %sign3A_8 = arith.subi %sign3A_4, %sign3A_7 : i32
    %sign3A_9 = arith.constant 0 : i32
    %sign3A_10 = arith.cmpi sgt, %jit3A, %sign3A_9 : i32
    %sign3A_11 = arith.extui %sign3A_10 : i1 to i32
    %sign3A_12 = arith.constant 0 : i32
    %sign3A_13 = arith.cmpi slt, %jit3A, %sign3A_12 : i32
    %sign3A_14 = arith.extui %sign3A_13 : i1 to i32
    %sign3A_15 = arith.subi %sign3A_11, %sign3A_14 : i32
    %ne3A = arith.cmpi ne, %sign3A_8, %sign3A_15 : i32
    %rem3A = arith.remsi %mul3A_2, %jit3A : i32
    %ne3A_16 = arith.constant 0 : i32
    %ne3A_17 = arith.cmpi ne, %rem3A, %ne3A_16 : i32
    %and3A = arith.andi %ne3A, %ne3A_17 : i1
    %sub3A = arith.constant 1 : i32
    %sub3A_18 = arith.subi %div3A, %sub3A : i32
    %select_n3A = arith.select %and3A, %sub3A_18, %div3A : i32
    %mul3A_19 = arith.constant 8 : i32
    %mul3A_20 = arith.muli %select_n3A, %mul3A_19 : i32
    %add3A_21 = arith.constant 1 : i32
    %add3A_22 = arith.addi %add3A, %add3A_21 : i32
    %mul3A_23 = arith.constant 12500 : i32
    %mul3A_24 = arith.muli %add3A_22, %mul3A_23 : i32
    %jit3A_25 = arith.constant 32 : i32
    %div3A_26 = arith.divsi %mul3A_24, %jit3A_25 : i32
    %sign3A_27 = arith.constant 0 : i32
    %sign3A_28 = arith.cmpi sgt, %mul3A_24, %sign3A_27 : i32
    %sign3A_29 = arith.extui %sign3A_28 : i1 to i32
    %sign3A_30 = arith.constant 0 : i32
    %sign3A_31 = arith.cmpi slt, %mul3A_24, %sign3A_30 : i32
    %sign3A_32 = arith.extui %sign3A_31 : i1 to i32
    %sign3A_33 = arith.subi %sign3A_29, %sign3A_32 : i32
    %sign3A_34 = arith.constant 0 : i32
    %sign3A_35 = arith.cmpi sgt, %jit3A_25, %sign3A_34 : i32
    %sign3A_36 = arith.extui %sign3A_35 : i1 to i32
    %sign3A_37 = arith.constant 0 : i32
    %sign3A_38 = arith.cmpi slt, %jit3A_25, %sign3A_37 : i32
    %sign3A_39 = arith.extui %sign3A_38 : i1 to i32
    %sign3A_40 = arith.subi %sign3A_36, %sign3A_39 : i32
    %ne3A_41 = arith.cmpi ne, %sign3A_33, %sign3A_40 : i32
    %rem3A_42 = arith.remsi %mul3A_24, %jit3A_25 : i32
    %ne3A_43 = arith.constant 0 : i32
    %ne3A_44 = arith.cmpi ne, %rem3A_42, %ne3A_43 : i32
    %and3A_45 = arith.andi %ne3A_41, %ne3A_44 : i1
    %sub3A_46 = arith.constant 1 : i32
    %sub3A_47 = arith.subi %div3A_26, %sub3A_46 : i32
    %select_n3A_48 = arith.select %and3A_45, %sub3A_47, %div3A_26 : i32
    %mul3A_49 = arith.constant 8 : i32
    %mul3A_50 = arith.muli %select_n3A_48, %mul3A_49 : i32
    "tpu.region"() ({
      %run_scoped3A = tpu.sem_alloc : memref<!tpu.dma_semaphore, #tpu.memory_space<semaphore_mem>>
      tpu.enqueue_dma source(%arg4 : memref<528xi32, #tpu.memory_space<hbm>>) target(%arg8 : memref<528xi32, #tpu.memory_space<vmem>>) target_semaphore(%run_scoped3A : memref<!tpu.dma_semaphore, #tpu.memory_space<semaphore_mem>>)
      tpu.wait_dma2 semaphore(%run_scoped3A : memref<!tpu.dma_semaphore, #tpu.memory_space<semaphore_mem>>) src(%arg4 : memref<528xi32, #tpu.memory_space<hbm>>) dst(%arg8 : memref<528xi32, #tpu.memory_space<vmem>>)
      tpu.yield
    }) : () -> ()
    %mul3A_51 = arith.constant 32 : i32
    %mul3A_52 = arith.muli %arg1, %mul3A_51 : i32
    "tpu.region"() ({
      %run_scoped3A = tpu.sem_alloc : memref<!tpu.dma_semaphore, #tpu.memory_space<semaphore_mem>>
      %dma_start3A_115 = arith.constant 0 : i32
      %dma_start3A_116 = tpu.memref_slice %arg20[%mul3A_52, %dma_start3A_115] : memref<520x128xf32, #tpu.memory_space<vmem_shared>> -> memref<32x128xf32, #tpu.memory_space<vmem_shared>>
      tpu.enqueue_dma source(%arg5 : memref<32x128xf32, #tpu.memory_space<hbm>>) target(%dma_start3A_116 : memref<32x128xf32, #tpu.memory_space<vmem_shared>>) target_semaphore(%run_scoped3A : memref<!tpu.dma_semaphore, #tpu.memory_space<semaphore_mem>>)
      %dma_wait3A_117 = arith.constant 0 : i32
      %dma_wait3A_118 = tpu.memref_slice %arg20[%mul3A_52, %dma_wait3A_117] : memref<520x128xf32, #tpu.memory_space<vmem_shared>> -> memref<32x128xf32, #tpu.memory_space<vmem_shared>>
      tpu.wait_dma2 semaphore(%run_scoped3A : memref<!tpu.dma_semaphore, #tpu.memory_space<semaphore_mem>>) src(%arg5 : memref<32x128xf32, #tpu.memory_space<hbm>>) dst(%dma_wait3A_118 : memref<32x128xf32, #tpu.memory_space<vmem_shared>>)
      tpu.yield
    }) : () -> ()
    %mul3A_53 = arith.constant 32 : i32
    %mul3A_54 = arith.muli %arg1, %mul3A_53 : i32
    "tpu.region"() ({
      %run_scoped3A = tpu.sem_alloc : memref<!tpu.dma_semaphore, #tpu.memory_space<semaphore_mem>>
      %dma_start3A_115 = arith.constant 0 : i32
      %dma_start3A_116 = tpu.memref_slice %arg21[%mul3A_54, %dma_start3A_115] : memref<520x128xf32, #tpu.memory_space<vmem_shared>> -> memref<32x128xf32, #tpu.memory_space<vmem_shared>>
      tpu.enqueue_dma source(%arg5 : memref<32x128xf32, #tpu.memory_space<hbm>>) target(%dma_start3A_116 : memref<32x128xf32, #tpu.memory_space<vmem_shared>>) target_semaphore(%run_scoped3A : memref<!tpu.dma_semaphore, #tpu.memory_space<semaphore_mem>>)
      %dma_wait3A_117 = arith.constant 0 : i32
      %dma_wait3A_118 = tpu.memref_slice %arg21[%mul3A_54, %dma_wait3A_117] : memref<520x128xf32, #tpu.memory_space<vmem_shared>> -> memref<32x128xf32, #tpu.memory_space<vmem_shared>>
      tpu.wait_dma2 semaphore(%run_scoped3A : memref<!tpu.dma_semaphore, #tpu.memory_space<semaphore_mem>>) src(%arg5 : memref<32x128xf32, #tpu.memory_space<hbm>>) dst(%dma_wait3A_118 : memref<32x128xf32, #tpu.memory_space<vmem_shared>>)
      tpu.yield
    }) : () -> ()
    "tpu.region"() ({
      %run_scoped3A = tpu.sem_alloc : memref<!tpu.dma_semaphore, #tpu.memory_space<semaphore_mem>>
      %dma_start3A_115 = arith.constant 0 : i32
      %dma_start3A_116 = arith.constant 0 : i32
      %dma_start3A_117 = tpu.memref_slice %arg13[%dma_start3A_115, %dma_start3A_116] : memref<128x128xf32, #tpu.memory_space<vmem>> -> memref<32x128xf32, #tpu.memory_space<vmem>>
      %dma_start3A_118 = arith.constant 0 : i32
      %dma_start3A_119 = arith.constant 0 : i32
      %dma_start3A_120 = tpu.memref_slice %arg13[%dma_start3A_118, %dma_start3A_119] : memref<128x128xf32, #tpu.memory_space<vmem>> -> memref<32x128xf32, #tpu.memory_space<vmem>>
      tpu.enqueue_dma source(%arg5 : memref<32x128xf32, #tpu.memory_space<hbm>>) target(%dma_start3A_120 : memref<32x128xf32, #tpu.memory_space<vmem>>) target_semaphore(%run_scoped3A : memref<!tpu.dma_semaphore, #tpu.memory_space<semaphore_mem>>)
      %dma_wait3A_121 = arith.constant 0 : i32
      %dma_wait3A_122 = arith.constant 0 : i32
      %dma_wait3A_123 = tpu.memref_slice %arg13[%dma_wait3A_121, %dma_wait3A_122] : memref<128x128xf32, #tpu.memory_space<vmem>> -> memref<32x128xf32, #tpu.memory_space<vmem>>
      %dma_wait3A_124 = arith.constant 0 : i32
      %dma_wait3A_125 = arith.constant 0 : i32
      %dma_wait3A_126 = tpu.memref_slice %arg13[%dma_wait3A_124, %dma_wait3A_125] : memref<128x128xf32, #tpu.memory_space<vmem>> -> memref<32x128xf32, #tpu.memory_space<vmem>>
      tpu.wait_dma2 semaphore(%run_scoped3A : memref<!tpu.dma_semaphore, #tpu.memory_space<semaphore_mem>>) src(%arg5 : memref<32x128xf32, #tpu.memory_space<hbm>>) dst(%dma_wait3A_126 : memref<32x128xf32, #tpu.memory_space<vmem>>)
      tpu.yield
    }) : () -> ()
    "tpu.region"() ({
      %run_scoped3A = tpu.sem_alloc : memref<!tpu.dma_semaphore, #tpu.memory_space<semaphore_mem>>
      %dma_start3A_115 = arith.constant 32 : i32
      %dma_start3A_116 = arith.constant 0 : i32
      %dma_start3A_117 = tpu.memref_slice %arg13[%dma_start3A_115, %dma_start3A_116] : memref<128x128xf32, #tpu.memory_space<vmem>> -> memref<32x128xf32, #tpu.memory_space<vmem>>
      %dma_start3A_118 = arith.constant 32 : i32
      %dma_start3A_119 = arith.constant 0 : i32
      %dma_start3A_120 = tpu.memref_slice %arg13[%dma_start3A_118, %dma_start3A_119] : memref<128x128xf32, #tpu.memory_space<vmem>> -> memref<32x128xf32, #tpu.memory_space<vmem>>
      tpu.enqueue_dma source(%arg5 : memref<32x128xf32, #tpu.memory_space<hbm>>) target(%dma_start3A_120 : memref<32x128xf32, #tpu.memory_space<vmem>>) target_semaphore(%run_scoped3A : memref<!tpu.dma_semaphore, #tpu.memory_space<semaphore_mem>>)
      %dma_wait3A_121 = arith.constant 32 : i32
      %dma_wait3A_122 = arith.constant 0 : i32
      %dma_wait3A_123 = tpu.memref_slice %arg13[%dma_wait3A_121, %dma_wait3A_122] : memref<128x128xf32, #tpu.memory_space<vmem>> -> memref<32x128xf32, #tpu.memory_space<vmem>>
      %dma_wait3A_124 = arith.constant 32 : i32
      %dma_wait3A_125 = arith.constant 0 : i32
      %dma_wait3A_126 = tpu.memref_slice %arg13[%dma_wait3A_124, %dma_wait3A_125] : memref<128x128xf32, #tpu.memory_space<vmem>> -> memref<32x128xf32, #tpu.memory_space<vmem>>
      tpu.wait_dma2 semaphore(%run_scoped3A : memref<!tpu.dma_semaphore, #tpu.memory_space<semaphore_mem>>) src(%arg5 : memref<32x128xf32, #tpu.memory_space<hbm>>) dst(%dma_wait3A_126 : memref<32x128xf32, #tpu.memory_space<vmem>>)
      tpu.yield
    }) : () -> ()
    "tpu.region"() ({
      %run_scoped3A = tpu.sem_alloc : memref<!tpu.dma_semaphore, #tpu.memory_space<semaphore_mem>>
      %dma_start3A_115 = arith.constant 64 : i32
      %dma_start3A_116 = arith.constant 0 : i32
      %dma_start3A_117 = tpu.memref_slice %arg13[%dma_start3A_115, %dma_start3A_116] : memref<128x128xf32, #tpu.memory_space<vmem>> -> memref<32x128xf32, #tpu.memory_space<vmem>>
      %dma_start3A_118 = arith.constant 64 : i32
      %dma_start3A_119 = arith.constant 0 : i32
      %dma_start3A_120 = tpu.memref_slice %arg13[%dma_start3A_118, %dma_start3A_119] : memref<128x128xf32, #tpu.memory_space<vmem>> -> memref<32x128xf32, #tpu.memory_space<vmem>>
      tpu.enqueue_dma source(%arg5 : memref<32x128xf32, #tpu.memory_space<hbm>>) target(%dma_start3A_120 : memref<32x128xf32, #tpu.memory_space<vmem>>) target_semaphore(%run_scoped3A : memref<!tpu.dma_semaphore, #tpu.memory_space<semaphore_mem>>)
      %dma_wait3A_121 = arith.constant 64 : i32
      %dma_wait3A_122 = arith.constant 0 : i32
      %dma_wait3A_123 = tpu.memref_slice %arg13[%dma_wait3A_121, %dma_wait3A_122] : memref<128x128xf32, #tpu.memory_space<vmem>> -> memref<32x128xf32, #tpu.memory_space<vmem>>
      %dma_wait3A_124 = arith.constant 64 : i32
      %dma_wait3A_125 = arith.constant 0 : i32
      %dma_wait3A_126 = tpu.memref_slice %arg13[%dma_wait3A_124, %dma_wait3A_125] : memref<128x128xf32, #tpu.memory_space<vmem>> -> memref<32x128xf32, #tpu.memory_space<vmem>>
      tpu.wait_dma2 semaphore(%run_scoped3A : memref<!tpu.dma_semaphore, #tpu.memory_space<semaphore_mem>>) src(%arg5 : memref<32x128xf32, #tpu.memory_space<hbm>>) dst(%dma_wait3A_126 : memref<32x128xf32, #tpu.memory_space<vmem>>)
      tpu.yield
    }) : () -> ()
    "tpu.region"() ({
      %run_scoped3A = tpu.sem_alloc : memref<!tpu.dma_semaphore, #tpu.memory_space<semaphore_mem>>
      %dma_start3A_115 = arith.constant 96 : i32
      %dma_start3A_116 = arith.constant 0 : i32
      %dma_start3A_117 = tpu.memref_slice %arg13[%dma_start3A_115, %dma_start3A_116] : memref<128x128xf32, #tpu.memory_space<vmem>> -> memref<32x128xf32, #tpu.memory_space<vmem>>
      %dma_start3A_118 = arith.constant 96 : i32
      %dma_start3A_119 = arith.constant 0 : i32
      %dma_start3A_120 = tpu.memref_slice %arg13[%dma_start3A_118, %dma_start3A_119] : memref<128x128xf32, #tpu.memory_space<vmem>> -> memref<32x128xf32, #tpu.memory_space<vmem>>
      tpu.enqueue_dma source(%arg5 : memref<32x128xf32, #tpu.memory_space<hbm>>) target(%dma_start3A_120 : memref<32x128xf32, #tpu.memory_space<vmem>>) target_semaphore(%run_scoped3A : memref<!tpu.dma_semaphore, #tpu.memory_space<semaphore_mem>>)
      %dma_wait3A_121 = arith.constant 96 : i32
      %dma_wait3A_122 = arith.constant 0 : i32
      %dma_wait3A_123 = tpu.memref_slice %arg13[%dma_wait3A_121, %dma_wait3A_122] : memref<128x128xf32, #tpu.memory_space<vmem>> -> memref<32x128xf32, #tpu.memory_space<vmem>>
      %dma_wait3A_124 = arith.constant 96 : i32
      %dma_wait3A_125 = arith.constant 0 : i32
      %dma_wait3A_126 = tpu.memref_slice %arg13[%dma_wait3A_124, %dma_wait3A_125] : memref<128x128xf32, #tpu.memory_space<vmem>> -> memref<32x128xf32, #tpu.memory_space<vmem>>
      tpu.wait_dma2 semaphore(%run_scoped3A : memref<!tpu.dma_semaphore, #tpu.memory_space<semaphore_mem>>) src(%arg5 : memref<32x128xf32, #tpu.memory_space<hbm>>) dst(%dma_wait3A_126 : memref<32x128xf32, #tpu.memory_space<vmem>>)
      tpu.yield
    }) : () -> ()
    "tpu.region"() ({
      %run_scoped3A = tpu.sem_alloc : memref<!tpu.dma_semaphore, #tpu.memory_space<semaphore_mem>>
      %dma_start3A_115 = arith.constant 0 : i32
      %dma_start3A_116 = arith.constant 0 : i32
      %dma_start3A_117 = tpu.memref_slice %arg14[%dma_start3A_115, %dma_start3A_116] : memref<128x128xf32, #tpu.memory_space<vmem>> -> memref<32x128xf32, #tpu.memory_space<vmem>>
      %dma_start3A_118 = arith.constant 0 : i32
      %dma_start3A_119 = arith.constant 0 : i32
      %dma_start3A_120 = tpu.memref_slice %arg14[%dma_start3A_118, %dma_start3A_119] : memref<128x128xf32, #tpu.memory_space<vmem>> -> memref<32x128xf32, #tpu.memory_space<vmem>>
      tpu.enqueue_dma source(%arg5 : memref<32x128xf32, #tpu.memory_space<hbm>>) target(%dma_start3A_120 : memref<32x128xf32, #tpu.memory_space<vmem>>) target_semaphore(%run_scoped3A : memref<!tpu.dma_semaphore, #tpu.memory_space<semaphore_mem>>)
      %dma_wait3A_121 = arith.constant 0 : i32
      %dma_wait3A_122 = arith.constant 0 : i32
      %dma_wait3A_123 = tpu.memref_slice %arg14[%dma_wait3A_121, %dma_wait3A_122] : memref<128x128xf32, #tpu.memory_space<vmem>> -> memref<32x128xf32, #tpu.memory_space<vmem>>
      %dma_wait3A_124 = arith.constant 0 : i32
      %dma_wait3A_125 = arith.constant 0 : i32
      %dma_wait3A_126 = tpu.memref_slice %arg14[%dma_wait3A_124, %dma_wait3A_125] : memref<128x128xf32, #tpu.memory_space<vmem>> -> memref<32x128xf32, #tpu.memory_space<vmem>>
      tpu.wait_dma2 semaphore(%run_scoped3A : memref<!tpu.dma_semaphore, #tpu.memory_space<semaphore_mem>>) src(%arg5 : memref<32x128xf32, #tpu.memory_space<hbm>>) dst(%dma_wait3A_126 : memref<32x128xf32, #tpu.memory_space<vmem>>)
      tpu.yield
    }) : () -> ()
    "tpu.region"() ({
      %run_scoped3A = tpu.sem_alloc : memref<!tpu.dma_semaphore, #tpu.memory_space<semaphore_mem>>
      %dma_start3A_115 = arith.constant 32 : i32
      %dma_start3A_116 = arith.constant 0 : i32
      %dma_start3A_117 = tpu.memref_slice %arg14[%dma_start3A_115, %dma_start3A_116] : memref<128x128xf32, #tpu.memory_space<vmem>> -> memref<32x128xf32, #tpu.memory_space<vmem>>
      %dma_start3A_118 = arith.constant 32 : i32
      %dma_start3A_119 = arith.constant 0 : i32
      %dma_start3A_120 = tpu.memref_slice %arg14[%dma_start3A_118, %dma_start3A_119] : memref<128x128xf32, #tpu.memory_space<vmem>> -> memref<32x128xf32, #tpu.memory_space<vmem>>
      tpu.enqueue_dma source(%arg5 : memref<32x128xf32, #tpu.memory_space<hbm>>) target(%dma_start3A_120 : memref<32x128xf32, #tpu.memory_space<vmem>>) target_semaphore(%run_scoped3A : memref<!tpu.dma_semaphore, #tpu.memory_space<semaphore_mem>>)
      %dma_wait3A_121 = arith.constant 32 : i32
      %dma_wait3A_122 = arith.constant 0 : i32
      %dma_wait3A_123 = tpu.memref_slice %arg14[%dma_wait3A_121, %dma_wait3A_122] : memref<128x128xf32, #tpu.memory_space<vmem>> -> memref<32x128xf32, #tpu.memory_space<vmem>>
      %dma_wait3A_124 = arith.constant 32 : i32
      %dma_wait3A_125 = arith.constant 0 : i32
      %dma_wait3A_126 = tpu.memref_slice %arg14[%dma_wait3A_124, %dma_wait3A_125] : memref<128x128xf32, #tpu.memory_space<vmem>> -> memref<32x128xf32, #tpu.memory_space<vmem>>
      tpu.wait_dma2 semaphore(%run_scoped3A : memref<!tpu.dma_semaphore, #tpu.memory_space<semaphore_mem>>) src(%arg5 : memref<32x128xf32, #tpu.memory_space<hbm>>) dst(%dma_wait3A_126 : memref<32x128xf32, #tpu.memory_space<vmem>>)
      tpu.yield
    }) : () -> ()
    "tpu.region"() ({
      %run_scoped3A = tpu.sem_alloc : memref<!tpu.dma_semaphore, #tpu.memory_space<semaphore_mem>>
      %dma_start3A_115 = arith.constant 64 : i32
      %dma_start3A_116 = arith.constant 0 : i32
      %dma_start3A_117 = tpu.memref_slice %arg14[%dma_start3A_115, %dma_start3A_116] : memref<128x128xf32, #tpu.memory_space<vmem>> -> memref<32x128xf32, #tpu.memory_space<vmem>>
      %dma_start3A_118 = arith.constant 64 : i32
      %dma_start3A_119 = arith.constant 0 : i32
      %dma_start3A_120 = tpu.memref_slice %arg14[%dma_start3A_118, %dma_start3A_119] : memref<128x128xf32, #tpu.memory_space<vmem>> -> memref<32x128xf32, #tpu.memory_space<vmem>>
      tpu.enqueue_dma source(%arg5 : memref<32x128xf32, #tpu.memory_space<hbm>>) target(%dma_start3A_120 : memref<32x128xf32, #tpu.memory_space<vmem>>) target_semaphore(%run_scoped3A : memref<!tpu.dma_semaphore, #tpu.memory_space<semaphore_mem>>)
      %dma_wait3A_121 = arith.constant 64 : i32
      %dma_wait3A_122 = arith.constant 0 : i32
      %dma_wait3A_123 = tpu.memref_slice %arg14[%dma_wait3A_121, %dma_wait3A_122] : memref<128x128xf32, #tpu.memory_space<vmem>> -> memref<32x128xf32, #tpu.memory_space<vmem>>
      %dma_wait3A_124 = arith.constant 64 : i32
      %dma_wait3A_125 = arith.constant 0 : i32
      %dma_wait3A_126 = tpu.memref_slice %arg14[%dma_wait3A_124, %dma_wait3A_125] : memref<128x128xf32, #tpu.memory_space<vmem>> -> memref<32x128xf32, #tpu.memory_space<vmem>>
      tpu.wait_dma2 semaphore(%run_scoped3A : memref<!tpu.dma_semaphore, #tpu.memory_space<semaphore_mem>>) src(%arg5 : memref<32x128xf32, #tpu.memory_space<hbm>>) dst(%dma_wait3A_126 : memref<32x128xf32, #tpu.memory_space<vmem>>)
      tpu.yield
    }) : () -> ()
    "tpu.region"() ({
      %run_scoped3A = tpu.sem_alloc : memref<!tpu.dma_semaphore, #tpu.memory_space<semaphore_mem>>
      %dma_start3A_115 = arith.constant 96 : i32
      %dma_start3A_116 = arith.constant 0 : i32
      %dma_start3A_117 = tpu.memref_slice %arg14[%dma_start3A_115, %dma_start3A_116] : memref<128x128xf32, #tpu.memory_space<vmem>> -> memref<32x128xf32, #tpu.memory_space<vmem>>
      %dma_start3A_118 = arith.constant 96 : i32
      %dma_start3A_119 = arith.constant 0 : i32
      %dma_start3A_120 = tpu.memref_slice %arg14[%dma_start3A_118, %dma_start3A_119] : memref<128x128xf32, #tpu.memory_space<vmem>> -> memref<32x128xf32, #tpu.memory_space<vmem>>
      tpu.enqueue_dma source(%arg5 : memref<32x128xf32, #tpu.memory_space<hbm>>) target(%dma_start3A_120 : memref<32x128xf32, #tpu.memory_space<vmem>>) target_semaphore(%run_scoped3A : memref<!tpu.dma_semaphore, #tpu.memory_space<semaphore_mem>>)
      %dma_wait3A_121 = arith.constant 96 : i32
      %dma_wait3A_122 = arith.constant 0 : i32
      %dma_wait3A_123 = tpu.memref_slice %arg14[%dma_wait3A_121, %dma_wait3A_122] : memref<128x128xf32, #tpu.memory_space<vmem>> -> memref<32x128xf32, #tpu.memory_space<vmem>>
      %dma_wait3A_124 = arith.constant 96 : i32
      %dma_wait3A_125 = arith.constant 0 : i32
      %dma_wait3A_126 = tpu.memref_slice %arg14[%dma_wait3A_124, %dma_wait3A_125] : memref<128x128xf32, #tpu.memory_space<vmem>> -> memref<32x128xf32, #tpu.memory_space<vmem>>
      tpu.wait_dma2 semaphore(%run_scoped3A : memref<!tpu.dma_semaphore, #tpu.memory_space<semaphore_mem>>) src(%arg5 : memref<32x128xf32, #tpu.memory_space<hbm>>) dst(%dma_wait3A_126 : memref<32x128xf32, #tpu.memory_space<vmem>>)
      tpu.yield
    }) : () -> ()
    "tpu.region"() ({
      %run_scoped3A = tpu.sem_alloc : memref<!tpu.dma_semaphore, #tpu.memory_space<semaphore_mem>>
      %dma_start3A_115 = arith.constant 0 : i32
      %dma_start3A_116 = arith.constant 0 : i32
      %dma_start3A_117 = tpu.memref_slice %arg5[%dma_start3A_115, %dma_start3A_116] : memref<32x128xf32, #tpu.memory_space<hbm>> -> memref<16x128xf32, #tpu.memory_space<hbm>>
      %dma_start3A_118 = arith.constant 0 : i32
      %dma_start3A_119 = arith.constant 0 : i32
      %dma_start3A_120 = tpu.memref_slice %arg5[%dma_start3A_118, %dma_start3A_119] : memref<32x128xf32, #tpu.memory_space<hbm>> -> memref<16x128xf32, #tpu.memory_space<hbm>>
      tpu.enqueue_dma source(%dma_start3A_120 : memref<16x128xf32, #tpu.memory_space<hbm>>) target(%arg17 : memref<16x128xf32, #tpu.memory_space<vmem>>) target_semaphore(%run_scoped3A : memref<!tpu.dma_semaphore, #tpu.memory_space<semaphore_mem>>)
      %dma_wait3A_121 = arith.constant 0 : i32
      %dma_wait3A_122 = arith.constant 0 : i32
      %dma_wait3A_123 = tpu.memref_slice %arg5[%dma_wait3A_121, %dma_wait3A_122] : memref<32x128xf32, #tpu.memory_space<hbm>> -> memref<16x128xf32, #tpu.memory_space<hbm>>
      %dma_wait3A_124 = arith.constant 0 : i32
      %dma_wait3A_125 = arith.constant 0 : i32
      %dma_wait3A_126 = tpu.memref_slice %arg5[%dma_wait3A_124, %dma_wait3A_125] : memref<32x128xf32, #tpu.memory_space<hbm>> -> memref<16x128xf32, #tpu.memory_space<hbm>>
      tpu.wait_dma2 semaphore(%run_scoped3A : memref<!tpu.dma_semaphore, #tpu.memory_space<semaphore_mem>>) src(%dma_wait3A_126 : memref<16x128xf32, #tpu.memory_space<hbm>>) dst(%arg17 : memref<16x128xf32, #tpu.memory_space<vmem>>)
      tpu.yield
    }) : () -> ()
    %barrier3A = arith.constant 0 : index
    tpu.barrier barrier_id(%barrier3A)
    %iota3A = tpu.iota {dimensions = array<i32: 0>} : vector<16xi32>
    %add3A_55 = arith.constant 0 : i32
    %add3A_56 = arith.addi %mul3A_20, %add3A_55 : i32
    %min3A = arith.constant 99872 : i32
    %min3A_57 = arith.minsi %add3A_56, %min3A : i32
    %multiple_of3A = tpu.assume_multiple %min3A_57, 8 : i32
    %dma_start3A = arith.constant 0 : i32
    %dma_start3A_58 = tpu.memref_slice %arg2[%multiple_of3A, %dma_start3A] : memref<100000x128xf32, #tpu.memory_space<hbm>> -> memref<128x128xf32, #tpu.memory_space<hbm>>
    %dma_start3A_59 = arith.constant 0 : i32
    %dma_start3A_60 = tpu.memref_slice %arg2[%multiple_of3A, %dma_start3A_59] : memref<100000x128xf32, #tpu.memory_space<hbm>> -> memref<128x128xf32, #tpu.memory_space<hbm>>
    tpu.enqueue_dma source(%dma_start3A_60 : memref<128x128xf32, #tpu.memory_space<hbm>>) target(%arg9 : memref<128x128xf32, #tpu.memory_space<vmem>>) target_semaphore(%arg22 : memref<!tpu.dma_semaphore, #tpu.memory_space<semaphore_mem>>)
    %dma_start3A_61 = arith.constant 0 : i32
    %dma_start3A_62 = tpu.memref_slice %arg3[%multiple_of3A, %dma_start3A_61] : memref<100000x32xf32, #tpu.memory_space<hbm>> -> memref<128x32xf32, #tpu.memory_space<hbm>>
    %dma_start3A_63 = arith.constant 0 : i32
    %dma_start3A_64 = tpu.memref_slice %arg3[%multiple_of3A, %dma_start3A_63] : memref<100000x32xf32, #tpu.memory_space<hbm>> -> memref<128x32xf32, #tpu.memory_space<hbm>>
    tpu.enqueue_dma source(%dma_start3A_64 : memref<128x32xf32, #tpu.memory_space<hbm>>) target(%arg11 : memref<128x32xf32, #tpu.memory_space<vmem>>) target_semaphore(%arg22 : memref<!tpu.dma_semaphore, #tpu.memory_space<semaphore_mem>>)
    %add3A_65 = arith.constant 128 : i32
    %add3A_66 = arith.addi %mul3A_20, %add3A_65 : i32
    %min3A_67 = arith.constant 99872 : i32
    %min3A_68 = arith.minsi %add3A_66, %min3A_67 : i32
    %multiple_of3A_69 = tpu.assume_multiple %min3A_68, 8 : i32
    %dma_start3A_70 = arith.constant 0 : i32
    %dma_start3A_71 = tpu.memref_slice %arg2[%multiple_of3A_69, %dma_start3A_70] : memref<100000x128xf32, #tpu.memory_space<hbm>> -> memref<128x128xf32, #tpu.memory_space<hbm>>
    %dma_start3A_72 = arith.constant 0 : i32
    %dma_start3A_73 = tpu.memref_slice %arg2[%multiple_of3A_69, %dma_start3A_72] : memref<100000x128xf32, #tpu.memory_space<hbm>> -> memref<128x128xf32, #tpu.memory_space<hbm>>
    tpu.enqueue_dma source(%dma_start3A_73 : memref<128x128xf32, #tpu.memory_space<hbm>>) target(%arg10 : memref<128x128xf32, #tpu.memory_space<vmem>>) target_semaphore(%arg23 : memref<!tpu.dma_semaphore, #tpu.memory_space<semaphore_mem>>)
    %dma_start3A_74 = arith.constant 0 : i32
    %dma_start3A_75 = tpu.memref_slice %arg3[%multiple_of3A_69, %dma_start3A_74] : memref<100000x32xf32, #tpu.memory_space<hbm>> -> memref<128x32xf32, #tpu.memory_space<hbm>>
    %dma_start3A_76 = arith.constant 0 : i32
    %dma_start3A_77 = tpu.memref_slice %arg3[%multiple_of3A_69, %dma_start3A_76] : memref<100000x32xf32, #tpu.memory_space<hbm>> -> memref<128x32xf32, #tpu.memory_space<hbm>>
    tpu.enqueue_dma source(%dma_start3A_77 : memref<128x32xf32, #tpu.memory_space<hbm>>) target(%arg12 : memref<128x32xf32, #tpu.memory_space<vmem>>) target_semaphore(%arg23 : memref<!tpu.dma_semaphore, #tpu.memory_space<semaphore_mem>>)
    %scan3A = arith.constant 0 : i32
    %scan3A_78 = arith.constant 0 : i32
    %scan3A_79 = arith.constant 13 : i32
    %scan3A_80 = arith.addi %scan3A_78, %scan3A_79 : i32
    %scan3A_81 = arith.constant 1 : i32
    scf.for %scan3A_115 = %scan3A_78 to %scan3A_80 step %scan3A_81  : i32 {
      %mul3A_116 = arith.constant 2 : i32
      %mul3A_117 = arith.muli %mul3A_116, %scan3A_115 : i32
      %add3A_118 = arith.constant 0 : i32
      %add3A_119 = arith.addi %mul3A_117, %add3A_118 : i32
      %dma_wait3A_120 = arith.constant 0 : i32
      %dma_wait3A_121 = arith.constant 0 : i32
      %dma_wait3A_122 = tpu.memref_slice %arg2[%dma_wait3A_120, %dma_wait3A_121] : memref<100000x128xf32, #tpu.memory_space<hbm>> -> memref<128x128xf32, #tpu.memory_space<hbm>>
      %dma_wait3A_123 = arith.constant 0 : i32
      %dma_wait3A_124 = arith.constant 0 : i32
      %dma_wait3A_125 = tpu.memref_slice %arg2[%dma_wait3A_123, %dma_wait3A_124] : memref<100000x128xf32, #tpu.memory_space<hbm>> -> memref<128x128xf32, #tpu.memory_space<hbm>>
      tpu.wait_dma2 semaphore(%arg22 : memref<!tpu.dma_semaphore, #tpu.memory_space<semaphore_mem>>) src(%dma_wait3A_125 : memref<128x128xf32, #tpu.memory_space<hbm>>) dst(%arg9 : memref<128x128xf32, #tpu.memory_space<vmem>>)
      %dma_wait3A_126 = arith.constant 0 : i32
      %dma_wait3A_127 = arith.constant 0 : i32
      %dma_wait3A_128 = tpu.memref_slice %arg3[%dma_wait3A_126, %dma_wait3A_127] : memref<100000x32xf32, #tpu.memory_space<hbm>> -> memref<128x32xf32, #tpu.memory_space<hbm>>
      %dma_wait3A_129 = arith.constant 0 : i32
      %dma_wait3A_130 = arith.constant 0 : i32
      %dma_wait3A_131 = tpu.memref_slice %arg3[%dma_wait3A_129, %dma_wait3A_130] : memref<100000x32xf32, #tpu.memory_space<hbm>> -> memref<128x32xf32, #tpu.memory_space<hbm>>
      tpu.wait_dma2 semaphore(%arg22 : memref<!tpu.dma_semaphore, #tpu.memory_space<semaphore_mem>>) src(%dma_wait3A_131 : memref<128x32xf32, #tpu.memory_space<hbm>>) dst(%arg11 : memref<128x32xf32, #tpu.memory_space<vmem>>)
      %mul3A_132 = arith.constant 128 : i32
      %mul3A_133 = arith.muli %add3A_119, %mul3A_132 : i32
      %add3A_134 = arith.addi %mul3A_20, %mul3A_133 : i32
      %mul3A_135 = arith.constant 128 : i32
      %mul3A_136 = arith.muli %add3A_119, %mul3A_135 : i32
      %add3A_137 = arith.addi %mul3A_20, %mul3A_136 : i32
      %min3A_138 = arith.constant 99872 : i32
      %min3A_139 = arith.minsi %add3A_137, %min3A_138 : i32
      %multiple_of3A_140 = tpu.assume_multiple %min3A_139, 8 : i32
      %add3A_141 = arith.constant 0 : i32
      %add3A_142 = arith.addi %multiple_of3A_140, %add3A_141 : i32
      %add3A_143 = vector.broadcast %add3A_142 : i32 to vector<16xi32>
      %add3A_144 = arith.addi %add3A_143, %iota3A : vector<16xi32>
      %broadcast_in_dim3A = arith.constant 0 : i32
      %broadcast_in_dim3A_145 = vector.broadcast %broadcast_in_dim3A : i32 to vector<16xi32>
      %broadcast_in_dim3A_146 = arith.constant 513 : i32
      %broadcast_in_dim3A_147 = vector.broadcast %broadcast_in_dim3A_146 : i32 to vector<16xi32>
      %add3A_148 = arith.addi %broadcast_in_dim3A_145, %broadcast_in_dim3A_147 : vector<16xi32>
      %shift_right_arithmetic3A = arith.constant 1 : i32
      %shift_right_arithmetic3A_149 = vector.broadcast %shift_right_arithmetic3A : i32 to vector<16xi32>
      %shift_right_arithmetic3A_150 = arith.shrsi %add3A_148, %shift_right_arithmetic3A_149 : vector<16xi32>
      %gather3A = tpu.vector_load_idx %arg8[%shift_right_arithmetic3A_150] : memref<528xi32, #tpu.memory_space<vmem>>[vector<16xi32>], vector<16xi32>,
      %le3A = arith.cmpi sle, %gather3A, %add3A_144 : vector<16xi32>
      %select_n3A_151 = arith.select %le3A, %shift_right_arithmetic3A_150, %broadcast_in_dim3A_145 : vector<16xi1>, vector<16xi32>
      %select_n3A_152 = arith.select %le3A, %broadcast_in_dim3A_147, %shift_right_arithmetic3A_150 : vector<16xi1>, vector<16xi32>
      %add3A_153 = arith.addi %select_n3A_151, %select_n3A_152 : vector<16xi32>
      %shift_right_arithmetic3A_154 = arith.constant 1 : i32
      %shift_right_arithmetic3A_155 = vector.broadcast %shift_right_arithmetic3A_154 : i32 to vector<16xi32>
      %shift_right_arithmetic3A_156 = arith.shrsi %add3A_153, %shift_right_arithmetic3A_155 : vector<16xi32>
      %gather3A_157 = tpu.vector_load_idx %arg8[%shift_right_arithmetic3A_156] : memref<528xi32, #tpu.memory_space<vmem>>[vector<16xi32>], vector<16xi32>,
      %le3A_158 = arith.cmpi sle, %gather3A_157, %add3A_144 : vector<16xi32>
      %select_n3A_159 = arith.select %le3A_158, %shift_right_arithmetic3A_156, %select_n3A_151 : vector<16xi1>, vector<16xi32>
      %select_n3A_160 = arith.select %le3A_158, %select_n3A_152, %shift_right_arithmetic3A_156 : vector<16xi1>, vector<16xi32>
      %add3A_161 = arith.addi %select_n3A_159, %select_n3A_160 : vector<16xi32>
      %shift_right_arithmetic3A_162 = arith.constant 1 : i32
      %shift_right_arithmetic3A_163 = vector.broadcast %shift_right_arithmetic3A_162 : i32 to vector<16xi32>
      %shift_right_arithmetic3A_164 = arith.shrsi %add3A_161, %shift_right_arithmetic3A_163 : vector<16xi32>
      %gather3A_165 = tpu.vector_load_idx %arg8[%shift_right_arithmetic3A_164] : memref<528xi32, #tpu.memory_space<vmem>>[vector<16xi32>], vector<16xi32>,
      %le3A_166 = arith.cmpi sle, %gather3A_165, %add3A_144 : vector<16xi32>
      %select_n3A_167 = arith.select %le3A_166, %shift_right_arithmetic3A_164, %select_n3A_159 : vector<16xi1>, vector<16xi32>
      %select_n3A_168 = arith.select %le3A_166, %select_n3A_160, %shift_right_arithmetic3A_164 : vector<16xi1>, vector<16xi32>
      %add3A_169 = arith.addi %select_n3A_167, %select_n3A_168 : vector<16xi32>
      %shift_right_arithmetic3A_170 = arith.constant 1 : i32
      %shift_right_arithmetic3A_171 = vector.broadcast %shift_right_arithmetic3A_170 : i32 to vector<16xi32>
      %shift_right_arithmetic3A_172 = arith.shrsi %add3A_169, %shift_right_arithmetic3A_171 : vector<16xi32>
      %gather3A_173 = tpu.vector_load_idx %arg8[%shift_right_arithmetic3A_172] : memref<528xi32, #tpu.memory_space<vmem>>[vector<16xi32>], vector<16xi32>,
      %le3A_174 = arith.cmpi sle, %gather3A_173, %add3A_144 : vector<16xi32>
      %select_n3A_175 = arith.select %le3A_174, %shift_right_arithmetic3A_172, %select_n3A_167 : vector<16xi1>, vector<16xi32>
      %select_n3A_176 = arith.select %le3A_174, %select_n3A_168, %shift_right_arithmetic3A_172 : vector<16xi1>, vector<16xi32>
      %add3A_177 = arith.addi %select_n3A_175, %select_n3A_176 : vector<16xi32>
      %shift_right_arithmetic3A_178 = arith.constant 1 : i32
      %shift_right_arithmetic3A_179 = vector.broadcast %shift_right_arithmetic3A_178 : i32 to vector<16xi32>
      %shift_right_arithmetic3A_180 = arith.shrsi %add3A_177, %shift_right_arithmetic3A_179 : vector<16xi32>
      %gather3A_181 = tpu.vector_load_idx %arg8[%shift_right_arithmetic3A_180] : memref<528xi32, #tpu.memory_space<vmem>>[vector<16xi32>], vector<16xi32>,
      %le3A_182 = arith.cmpi sle, %gather3A_181, %add3A_144 : vector<16xi32>
      %select_n3A_183 = arith.select %le3A_182, %shift_right_arithmetic3A_180, %select_n3A_175 : vector<16xi1>, vector<16xi32>
      %select_n3A_184 = arith.select %le3A_182, %select_n3A_176, %shift_right_arithmetic3A_180 : vector<16xi1>, vector<16xi32>
      %add3A_185 = arith.addi %select_n3A_183, %select_n3A_184 : vector<16xi32>
      %shift_right_arithmetic3A_186 = arith.constant 1 : i32
      %shift_right_arithmetic3A_187 = vector.broadcast %shift_right_arithmetic3A_186 : i32 to vector<16xi32>
      %shift_right_arithmetic3A_188 = arith.shrsi %add3A_185, %shift_right_arithmetic3A_187 : vector<16xi32>
      %gather3A_189 = tpu.vector_load_idx %arg8[%shift_right_arithmetic3A_188] : memref<528xi32, #tpu.memory_space<vmem>>[vector<16xi32>], vector<16xi32>,
      %le3A_190 = arith.cmpi sle, %gather3A_189, %add3A_144 : vector<16xi32>
      %select_n3A_191 = arith.select %le3A_190, %shift_right_arithmetic3A_188, %select_n3A_183 : vector<16xi1>, vector<16xi32>
      %select_n3A_192 = arith.select %le3A_190, %select_n3A_184, %shift_right_arithmetic3A_188 : vector<16xi1>, vector<16xi32>
      %add3A_193 = arith.addi %select_n3A_191, %select_n3A_192 : vector<16xi32>
      %shift_right_arithmetic3A_194 = arith.constant 1 : i32
      %shift_right_arithmetic3A_195 = vector.broadcast %shift_right_arithmetic3A_194 : i32 to vector<16xi32>
      %shift_right_arithmetic3A_196 = arith.shrsi %add3A_193, %shift_right_arithmetic3A_195 : vector<16xi32>
      %gather3A_197 = tpu.vector_load_idx %arg8[%shift_right_arithmetic3A_196] : memref<528xi32, #tpu.memory_space<vmem>>[vector<16xi32>], vector<16xi32>,
      %le3A_198 = arith.cmpi sle, %gather3A_197, %add3A_144 : vector<16xi32>
      %select_n3A_199 = arith.select %le3A_198, %shift_right_arithmetic3A_196, %select_n3A_191 : vector<16xi1>, vector<16xi32>
      %select_n3A_200 = arith.select %le3A_198, %select_n3A_192, %shift_right_arithmetic3A_196 : vector<16xi1>, vector<16xi32>
      %add3A_201 = arith.addi %select_n3A_199, %select_n3A_200 : vector<16xi32>
      %shift_right_arithmetic3A_202 = arith.constant 1 : i32
      %shift_right_arithmetic3A_203 = vector.broadcast %shift_right_arithmetic3A_202 : i32 to vector<16xi32>
      %shift_right_arithmetic3A_204 = arith.shrsi %add3A_201, %shift_right_arithmetic3A_203 : vector<16xi32>
      %gather3A_205 = tpu.vector_load_idx %arg8[%shift_right_arithmetic3A_204] : memref<528xi32, #tpu.memory_space<vmem>>[vector<16xi32>], vector<16xi32>,
      %le3A_206 = arith.cmpi sle, %gather3A_205, %add3A_144 : vector<16xi32>
      %select_n3A_207 = arith.select %le3A_206, %shift_right_arithmetic3A_204, %select_n3A_199 : vector<16xi1>, vector<16xi32>
      %select_n3A_208 = arith.select %le3A_206, %select_n3A_200, %shift_right_arithmetic3A_204 : vector<16xi1>, vector<16xi32>
      %add3A_209 = arith.addi %select_n3A_207, %select_n3A_208 : vector<16xi32>
      %shift_right_arithmetic3A_210 = arith.constant 1 : i32
      %shift_right_arithmetic3A_211 = vector.broadcast %shift_right_arithmetic3A_210 : i32 to vector<16xi32>
      %shift_right_arithmetic3A_212 = arith.shrsi %add3A_209, %shift_right_arithmetic3A_211 : vector<16xi32>
      %gather3A_213 = tpu.vector_load_idx %arg8[%shift_right_arithmetic3A_212] : memref<528xi32, #tpu.memory_space<vmem>>[vector<16xi32>], vector<16xi32>,
      %le3A_214 = arith.cmpi sle, %gather3A_213, %add3A_144 : vector<16xi32>
      %select_n3A_215 = arith.select %le3A_214, %shift_right_arithmetic3A_212, %select_n3A_207 : vector<16xi1>, vector<16xi32>
      %select_n3A_216 = arith.select %le3A_214, %select_n3A_208, %shift_right_arithmetic3A_212 : vector<16xi1>, vector<16xi32>
      %add3A_217 = arith.addi %select_n3A_215, %select_n3A_216 : vector<16xi32>
      %shift_right_arithmetic3A_218 = arith.constant 1 : i32
      %shift_right_arithmetic3A_219 = vector.broadcast %shift_right_arithmetic3A_218 : i32 to vector<16xi32>
      %shift_right_arithmetic3A_220 = arith.shrsi %add3A_217, %shift_right_arithmetic3A_219 : vector<16xi32>
      %gather3A_221 = tpu.vector_load_idx %arg8[%shift_right_arithmetic3A_220] : memref<528xi32, #tpu.memory_space<vmem>>[vector<16xi32>], vector<16xi32>,
      %le3A_222 = arith.cmpi sle, %gather3A_221, %add3A_144 : vector<16xi32>
      %select_n3A_223 = arith.select %le3A_222, %shift_right_arithmetic3A_220, %select_n3A_215 : vector<16xi1>, vector<16xi32>
      %select_n3A_224 = arith.select %le3A_222, %select_n3A_216, %shift_right_arithmetic3A_220 : vector<16xi1>, vector<16xi32>
      %ge3A = vector.broadcast %add3A_134 : i32 to vector<16xi32>
      %ge3A_225 = arith.cmpi sge, %add3A_144, %ge3A : vector<16xi32>
      %lt3A = vector.broadcast %mul3A_50 : i32 to vector<16xi32>
      %lt3A_226 = arith.cmpi slt, %add3A_144, %lt3A : vector<16xi32>
      %and3A_227 = arith.andi %ge3A_225, %lt3A_226 : vector<16xi1>
      %jit3A_228 = arith.constant 512 : i32
      %broadcast_in_dim3A_229 = vector.broadcast %jit3A_228 : i32 to vector<16xi32>
      %select_n3A_230 = arith.select %and3A_227, %select_n3A_223, %broadcast_in_dim3A_229 : vector<16xi1>, vector<16xi32>
      %swap3A = arith.constant 0 : index
      %swap3A_231 = tpu.vector_load %arg15[%swap3A] {strides = array<i32>} : memref<128xi32, #tpu.memory_space<vmem>>, vector<16xi32>,
      tpu.vector_store %arg15[%swap3A], %select_n3A_230 {strides = array<i32>} : memref<128xi32, #tpu.memory_space<vmem>>, vector<16xi32>,
      %reduce_max3A = arith.constant true
      %reduce_max3A_232 = vector.broadcast %reduce_max3A : i1 to vector<16xi1>
      %reduce_max3A_233 = arith.constant -2147483648 : i32
      %reduce_max3A_234 = vector.broadcast %reduce_max3A_233 : i32 to vector<16xi32>
      %reduce_max3A_235 = arith.xori %select_n3A_230, %reduce_max3A_234 : vector<16xi32>
      %reduce_max3A_236 = tpu.scan <max>, %reduce_max3A_235 masked %reduce_max3A_232 : vector<16xi32>, vector<16xi1> -> vector<16xi32>
      %reduce_max3A_237 = arith.xori %reduce_max3A_236, %reduce_max3A_234 : vector<16xi32>
      %reduce_max3A_238 = vector.extract %reduce_max3A_237[15] : i32 from vector<16xi32>
      %max3A = arith.constant 0 : i32
      %max3A_239 = arith.maxsi %max3A, %reduce_max3A_238 : i32
      %reduce_min3A = arith.constant true
      %reduce_min3A_240 = vector.broadcast %reduce_min3A : i1 to vector<16xi1>
      %reduce_min3A_241 = arith.constant -2147483648 : i32
      %reduce_min3A_242 = vector.broadcast %reduce_min3A_241 : i32 to vector<16xi32>
      %reduce_min3A_243 = arith.xori %select_n3A_230, %reduce_min3A_242 : vector<16xi32>
      %reduce_min3A_244 = tpu.scan <min>, %reduce_min3A_243 masked %reduce_min3A_240 : vector<16xi32>, vector<16xi1> -> vector<16xi32>
      %reduce_min3A_245 = arith.xori %reduce_min3A_244, %reduce_min3A_242 : vector<16xi32>
      %reduce_min3A_246 = vector.extract %reduce_min3A_245[15] : i32 from vector<16xi32>
      %min3A_247 = arith.constant 512 : i32
      %min3A_248 = arith.minsi %min3A_247, %reduce_min3A_246 : i32
      %add3A_249 = arith.constant 16 : i32
      %add3A_250 = arith.addi %multiple_of3A_140, %add3A_249 : i32
      %add3A_251 = vector.broadcast %add3A_250 : i32 to vector<16xi32>
      %add3A_252 = arith.addi %add3A_251, %iota3A : vector<16xi32>
      %broadcast_in_dim3A_253 = arith.constant 0 : i32
      %broadcast_in_dim3A_254 = vector.broadcast %broadcast_in_dim3A_253 : i32 to vector<16xi32>
      %broadcast_in_dim3A_255 = arith.constant 513 : i32
      %broadcast_in_dim3A_256 = vector.broadcast %broadcast_in_dim3A_255 : i32 to vector<16xi32>
      %add3A_257 = arith.addi %broadcast_in_dim3A_254, %broadcast_in_dim3A_256 : vector<16xi32>
      %shift_right_arithmetic3A_258 = arith.constant 1 : i32
      %shift_right_arithmetic3A_259 = vector.broadcast %shift_right_arithmetic3A_258 : i32 to vector<16xi32>
      %shift_right_arithmetic3A_260 = arith.shrsi %add3A_257, %shift_right_arithmetic3A_259 : vector<16xi32>
      %gather3A_261 = tpu.vector_load_idx %arg8[%shift_right_arithmetic3A_260] : memref<528xi32, #tpu.memory_space<vmem>>[vector<16xi32>], vector<16xi32>,
      %le3A_262 = arith.cmpi sle, %gather3A_261, %add3A_252 : vector<16xi32>
      %select_n3A_263 = arith.select %le3A_262, %shift_right_arithmetic3A_260, %broadcast_in_dim3A_254 : vector<16xi1>, vector<16xi32>
      %select_n3A_264 = arith.select %le3A_262, %broadcast_in_dim3A_256, %shift_right_arithmetic3A_260 : vector<16xi1>, vector<16xi32>
      %add3A_265 = arith.addi %select_n3A_263, %select_n3A_264 : vector<16xi32>
      %shift_right_arithmetic3A_266 = arith.constant 1 : i32
      %shift_right_arithmetic3A_267 = vector.broadcast %shift_right_arithmetic3A_266 : i32 to vector<16xi32>
      %shift_right_arithmetic3A_268 = arith.shrsi %add3A_265, %shift_right_arithmetic3A_267 : vector<16xi32>
      %gather3A_269 = tpu.vector_load_idx %arg8[%shift_right_arithmetic3A_268] : memref<528xi32, #tpu.memory_space<vmem>>[vector<16xi32>], vector<16xi32>,
      %le3A_270 = arith.cmpi sle, %gather3A_269, %add3A_252 : vector<16xi32>
      %select_n3A_271 = arith.select %le3A_270, %shift_right_arithmetic3A_268, %select_n3A_263 : vector<16xi1>, vector<16xi32>
      %select_n3A_272 = arith.select %le3A_270, %select_n3A_264, %shift_right_arithmetic3A_268 : vector<16xi1>, vector<16xi32>
      %add3A_273 = arith.addi %select_n3A_271, %select_n3A_272 : vector<16xi32>
      %shift_right_arithmetic3A_274 = arith.constant 1 : i32
      %shift_right_arithmetic3A_275 = vector.broadcast %shift_right_arithmetic3A_274 : i32 to vector<16xi32>
      %shift_right_arithmetic3A_276 = arith.shrsi %add3A_273, %shift_right_arithmetic3A_275 : vector<16xi32>
      %gather3A_277 = tpu.vector_load_idx %arg8[%shift_right_arithmetic3A_276] : memref<528xi32, #tpu.memory_space<vmem>>[vector<16xi32>], vector<16xi32>,
      %le3A_278 = arith.cmpi sle, %gather3A_277, %add3A_252 : vector<16xi32>
      %select_n3A_279 = arith.select %le3A_278, %shift_right_arithmetic3A_276, %select_n3A_271 : vector<16xi1>, vector<16xi32>
      %select_n3A_280 = arith.select %le3A_278, %select_n3A_272, %shift_right_arithmetic3A_276 : vector<16xi1>, vector<16xi32>
      %add3A_281 = arith.addi %select_n3A_279, %select_n3A_280 : vector<16xi32>
      %shift_right_arithmetic3A_282 = arith.constant 1 : i32
      %shift_right_arithmetic3A_283 = vector.broadcast %shift_right_arithmetic3A_282 : i32 to vector<16xi32>
      %shift_right_arithmetic3A_284 = arith.shrsi %add3A_281, %shift_right_arithmetic3A_283 : vector<16xi32>
      %gather3A_285 = tpu.vector_load_idx %arg8[%shift_right_arithmetic3A_284] : memref<528xi32, #tpu.memory_space<vmem>>[vector<16xi32>], vector<16xi32>,
      %le3A_286 = arith.cmpi sle, %gather3A_285, %add3A_252 : vector<16xi32>
      %select_n3A_287 = arith.select %le3A_286, %shift_right_arithmetic3A_284, %select_n3A_279 : vector<16xi1>, vector<16xi32>
      %select_n3A_288 = arith.select %le3A_286, %select_n3A_280, %shift_right_arithmetic3A_284 : vector<16xi1>, vector<16xi32>
      %add3A_289 = arith.addi %select_n3A_287, %select_n3A_288 : vector<16xi32>
      %shift_right_arithmetic3A_290 = arith.constant 1 : i32
      %shift_right_arithmetic3A_291 = vector.broadcast %shift_right_arithmetic3A_290 : i32 to vector<16xi32>
      %shift_right_arithmetic3A_292 = arith.shrsi %add3A_289, %shift_right_arithmetic3A_291 : vector<16xi32>
      %gather3A_293 = tpu.vector_load_idx %arg8[%shift_right_arithmetic3A_292] : memref<528xi32, #tpu.memory_space<vmem>>[vector<16xi32>], vector<16xi32>,
      %le3A_294 = arith.cmpi sle, %gather3A_293, %add3A_252 : vector<16xi32>
      %select_n3A_295 = arith.select %le3A_294, %shift_right_arithmetic3A_292, %select_n3A_287 : vector<16xi1>, vector<16xi32>
      %select_n3A_296 = arith.select %le3A_294, %select_n3A_288, %shift_right_arithmetic3A_292 : vector<16xi1>, vector<16xi32>
      %add3A_297 = arith.addi %select_n3A_295, %select_n3A_296 : vector<16xi32>
      %shift_right_arithmetic3A_298 = arith.constant 1 : i32
      %shift_right_arithmetic3A_299 = vector.broadcast %shift_right_arithmetic3A_298 : i32 to vector<16xi32>
      %shift_right_arithmetic3A_300 = arith.shrsi %add3A_297, %shift_right_arithmetic3A_299 : vector<16xi32>
      %gather3A_301 = tpu.vector_load_idx %arg8[%shift_right_arithmetic3A_300] : memref<528xi32, #tpu.memory_space<vmem>>[vector<16xi32>], vector<16xi32>,
      %le3A_302 = arith.cmpi sle, %gather3A_301, %add3A_252 : vector<16xi32>
      %select_n3A_303 = arith.select %le3A_302, %shift_right_arithmetic3A_300, %select_n3A_295 : vector<16xi1>, vector<16xi32>
      %select_n3A_304 = arith.select %le3A_302, %select_n3A_296, %shift_right_arithmetic3A_300 : vector<16xi1>, vector<16xi32>
      %add3A_305 = arith.addi %select_n3A_303, %select_n3A_304 : vector<16xi32>
      %shift_right_arithmetic3A_306 = arith.constant 1 : i32
      %shift_right_arithmetic3A_307 = vector.broadcast %shift_right_arithmetic3A_306 : i32 to vector<16xi32>
      %shift_right_arithmetic3A_308 = arith.shrsi %add3A_305, %shift_right_arithmetic3A_307 : vector<16xi32>
      %gather3A_309 = tpu.vector_load_idx %arg8[%shift_right_arithmetic3A_308] : memref<528xi32, #tpu.memory_space<vmem>>[vector<16xi32>], vector<16xi32>,
      %le3A_310 = arith.cmpi sle, %gather3A_309, %add3A_252 : vector<16xi32>
      %select_n3A_311 = arith.select %le3A_310, %shift_right_arithmetic3A_308, %select_n3A_303 : vector<16xi1>, vector<16xi32>
      %select_n3A_312 = arith.select %le3A_310, %select_n3A_304, %shift_right_arithmetic3A_308 : vector<16xi1>, vector<16xi32>
      %add3A_313 = arith.addi %select_n3A_311, %select_n3A_312 : vector<16xi32>
      %shift_right_arithmetic3A_314 = arith.constant 1 : i32
      %shift_right_arithmetic3A_315 = vector.broadcast %shift_right_arithmetic3A_314 : i32 to vector<16xi32>
      %shift_right_arithmetic3A_316 = arith.shrsi %add3A_313, %shift_right_arithmetic3A_315 : vector<16xi32>
      %gather3A_317 = tpu.vector_load_idx %arg8[%shift_right_arithmetic3A_316] : memref<528xi32, #tpu.memory_space<vmem>>[vector<16xi32>], vector<16xi32>,
      %le3A_318 = arith.cmpi sle, %gather3A_317, %add3A_252 : vector<16xi32>
      %select_n3A_319 = arith.select %le3A_318, %shift_right_arithmetic3A_316, %select_n3A_311 : vector<16xi1>, vector<16xi32>
      %select_n3A_320 = arith.select %le3A_318, %select_n3A_312, %shift_right_arithmetic3A_316 : vector<16xi1>, vector<16xi32>
      %add3A_321 = arith.addi %select_n3A_319, %select_n3A_320 : vector<16xi32>
      %shift_right_arithmetic3A_322 = arith.constant 1 : i32
      %shift_right_arithmetic3A_323 = vector.broadcast %shift_right_arithmetic3A_322 : i32 to vector<16xi32>
      %shift_right_arithmetic3A_324 = arith.shrsi %add3A_321, %shift_right_arithmetic3A_323 : vector<16xi32>
      %gather3A_325 = tpu.vector_load_idx %arg8[%shift_right_arithmetic3A_324] : memref<528xi32, #tpu.memory_space<vmem>>[vector<16xi32>], vector<16xi32>,
      %le3A_326 = arith.cmpi sle, %gather3A_325, %add3A_252 : vector<16xi32>
      %select_n3A_327 = arith.select %le3A_326, %shift_right_arithmetic3A_324, %select_n3A_319 : vector<16xi1>, vector<16xi32>
      %select_n3A_328 = arith.select %le3A_326, %select_n3A_320, %shift_right_arithmetic3A_324 : vector<16xi1>, vector<16xi32>
      %add3A_329 = arith.addi %select_n3A_327, %select_n3A_328 : vector<16xi32>
      %shift_right_arithmetic3A_330 = arith.constant 1 : i32
      %shift_right_arithmetic3A_331 = vector.broadcast %shift_right_arithmetic3A_330 : i32 to vector<16xi32>
      %shift_right_arithmetic3A_332 = arith.shrsi %add3A_329, %shift_right_arithmetic3A_331 : vector<16xi32>
      %gather3A_333 = tpu.vector_load_idx %arg8[%shift_right_arithmetic3A_332] : memref<528xi32, #tpu.memory_space<vmem>>[vector<16xi32>], vector<16xi32>,
      %le3A_334 = arith.cmpi sle, %gather3A_333, %add3A_252 : vector<16xi32>
      %select_n3A_335 = arith.select %le3A_334, %shift_right_arithmetic3A_332, %select_n3A_327 : vector<16xi1>, vector<16xi32>
      %select_n3A_336 = arith.select %le3A_334, %select_n3A_328, %shift_right_arithmetic3A_332 : vector<16xi1>, vector<16xi32>
      %ge3A_337 = vector.broadcast %add3A_134 : i32 to vector<16xi32>
      %ge3A_338 = arith.cmpi sge, %add3A_252, %ge3A_337 : vector<16xi32>
      %lt3A_339 = vector.broadcast %mul3A_50 : i32 to vector<16xi32>
      %lt3A_340 = arith.cmpi slt, %add3A_252, %lt3A_339 : vector<16xi32>
      %and3A_341 = arith.andi %ge3A_338, %lt3A_340 : vector<16xi1>
      %jit3A_342 = arith.constant 512 : i32
      %broadcast_in_dim3A_343 = vector.broadcast %jit3A_342 : i32 to vector<16xi32>
      %select_n3A_344 = arith.select %and3A_341, %select_n3A_335, %broadcast_in_dim3A_343 : vector<16xi1>, vector<16xi32>
      %swap3A_345 = arith.constant 16 : index
      %swap3A_346 = tpu.vector_load %arg15[%swap3A_345] {strides = array<i32>} : memref<128xi32, #tpu.memory_space<vmem>>, vector<16xi32>,
      tpu.vector_store %arg15[%swap3A_345], %select_n3A_344 {strides = array<i32>} : memref<128xi32, #tpu.memory_space<vmem>>, vector<16xi32>,
      %reduce_max3A_347 = arith.constant true
      %reduce_max3A_348 = vector.broadcast %reduce_max3A_347 : i1 to vector<16xi1>
      %reduce_max3A_349 = arith.constant -2147483648 : i32
      %reduce_max3A_350 = vector.broadcast %reduce_max3A_349 : i32 to vector<16xi32>
      %reduce_max3A_351 = arith.xori %select_n3A_344, %reduce_max3A_350 : vector<16xi32>
      %reduce_max3A_352 = tpu.scan <max>, %reduce_max3A_351 masked %reduce_max3A_348 : vector<16xi32>, vector<16xi1> -> vector<16xi32>
      %reduce_max3A_353 = arith.xori %reduce_max3A_352, %reduce_max3A_350 : vector<16xi32>
      %reduce_max3A_354 = vector.extract %reduce_max3A_353[15] : i32 from vector<16xi32>
      %max3A_355 = arith.maxsi %max3A_239, %reduce_max3A_354 : i32
      %reduce_min3A_356 = arith.constant true
      %reduce_min3A_357 = vector.broadcast %reduce_min3A_356 : i1 to vector<16xi1>
      %reduce_min3A_358 = arith.constant -2147483648 : i32
      %reduce_min3A_359 = vector.broadcast %reduce_min3A_358 : i32 to vector<16xi32>
      %reduce_min3A_360 = arith.xori %select_n3A_344, %reduce_min3A_359 : vector<16xi32>
      %reduce_min3A_361 = tpu.scan <min>, %reduce_min3A_360 masked %reduce_min3A_357 : vector<16xi32>, vector<16xi1> -> vector<16xi32>
      %reduce_min3A_362 = arith.xori %reduce_min3A_361, %reduce_min3A_359 : vector<16xi32>
      %reduce_min3A_363 = vector.extract %reduce_min3A_362[15] : i32 from vector<16xi32>
      %min3A_364 = arith.minsi %min3A_248, %reduce_min3A_363 : i32
      %add3A_365 = arith.constant 32 : i32
      %add3A_366 = arith.addi %multiple_of3A_140, %add3A_365 : i32
      %add3A_367 = vector.broadcast %add3A_366 : i32 to vector<16xi32>
      %add3A_368 = arith.addi %add3A_367, %iota3A : vector<16xi32>
      %broadcast_in_dim3A_369 = arith.constant 0 : i32
      %broadcast_in_dim3A_370 = vector.broadcast %broadcast_in_dim3A_369 : i32 to vector<16xi32>
      %broadcast_in_dim3A_371 = arith.constant 513 : i32
      %broadcast_in_dim3A_372 = vector.broadcast %broadcast_in_dim3A_371 : i32 to vector<16xi32>
      %add3A_373 = arith.addi %broadcast_in_dim3A_370, %broadcast_in_dim3A_372 : vector<16xi32>
      %shift_right_arithmetic3A_374 = arith.constant 1 : i32
      %shift_right_arithmetic3A_375 = vector.broadcast %shift_right_arithmetic3A_374 : i32 to vector<16xi32>
      %shift_right_arithmetic3A_376 = arith.shrsi %add3A_373, %shift_right_arithmetic3A_375 : vector<16xi32>
      %gather3A_377 = tpu.vector_load_idx %arg8[%shift_right_arithmetic3A_376] : memref<528xi32, #tpu.memory_space<vmem>>[vector<16xi32>], vector<16xi32>,
      %le3A_378 = arith.cmpi sle, %gather3A_377, %add3A_368 : vector<16xi32>
      %select_n3A_379 = arith.select %le3A_378, %shift_right_arithmetic3A_376, %broadcast_in_dim3A_370 : vector<16xi1>, vector<16xi32>
      %select_n3A_380 = arith.select %le3A_378, %broadcast_in_dim3A_372, %shift_right_arithmetic3A_376 : vector<16xi1>, vector<16xi32>
      %add3A_381 = arith.addi %select_n3A_379, %select_n3A_380 : vector<16xi32>
      %shift_right_arithmetic3A_382 = arith.constant 1 : i32
      %shift_right_arithmetic3A_383 = vector.broadcast %shift_right_arithmetic3A_382 : i32 to vector<16xi32>
      %shift_right_arithmetic3A_384 = arith.shrsi %add3A_381, %shift_right_arithmetic3A_383 : vector<16xi32>
      %gather3A_385 = tpu.vector_load_idx %arg8[%shift_right_arithmetic3A_384] : memref<528xi32, #tpu.memory_space<vmem>>[vector<16xi32>], vector<16xi32>,
      %le3A_386 = arith.cmpi sle, %gather3A_385, %add3A_368 : vector<16xi32>
      %select_n3A_387 = arith.select %le3A_386, %shift_right_arithmetic3A_384, %select_n3A_379 : vector<16xi1>, vector<16xi32>
      %select_n3A_388 = arith.select %le3A_386, %select_n3A_380, %shift_right_arithmetic3A_384 : vector<16xi1>, vector<16xi32>
      %add3A_389 = arith.addi %select_n3A_387, %select_n3A_388 : vector<16xi32>
      %shift_right_arithmetic3A_390 = arith.constant 1 : i32
      %shift_right_arithmetic3A_391 = vector.broadcast %shift_right_arithmetic3A_390 : i32 to vector<16xi32>
      %shift_right_arithmetic3A_392 = arith.shrsi %add3A_389, %shift_right_arithmetic3A_391 : vector<16xi32>
      %gather3A_393 = tpu.vector_load_idx %arg8[%shift_right_arithmetic3A_392] : memref<528xi32, #tpu.memory_space<vmem>>[vector<16xi32>], vector<16xi32>,
      %le3A_394 = arith.cmpi sle, %gather3A_393, %add3A_368 : vector<16xi32>
      %select_n3A_395 = arith.select %le3A_394, %shift_right_arithmetic3A_392, %select_n3A_387 : vector<16xi1>, vector<16xi32>
      %select_n3A_396 = arith.select %le3A_394, %select_n3A_388, %shift_right_arithmetic3A_392 : vector<16xi1>, vector<16xi32>
      %add3A_397 = arith.addi %select_n3A_395, %select_n3A_396 : vector<16xi32>
      %shift_right_arithmetic3A_398 = arith.constant 1 : i32
      %shift_right_arithmetic3A_399 = vector.broadcast %shift_right_arithmetic3A_398 : i32 to vector<16xi32>
      %shift_right_arithmetic3A_400 = arith.shrsi %add3A_397, %shift_right_arithmetic3A_399 : vector<16xi32>
      %gather3A_401 = tpu.vector_load_idx %arg8[%shift_right_arithmetic3A_400] : memref<528xi32, #tpu.memory_space<vmem>>[vector<16xi32>], vector<16xi32>,
      %le3A_402 = arith.cmpi sle, %gather3A_401, %add3A_368 : vector<16xi32>
      %select_n3A_403 = arith.select %le3A_402, %shift_right_arithmetic3A_400, %select_n3A_395 : vector<16xi1>, vector<16xi32>
      %select_n3A_404 = arith.select %le3A_402, %select_n3A_396, %shift_right_arithmetic3A_400 : vector<16xi1>, vector<16xi32>
      %add3A_405 = arith.addi %select_n3A_403, %select_n3A_404 : vector<16xi32>
      %shift_right_arithmetic3A_406 = arith.constant 1 : i32
      %shift_right_arithmetic3A_407 = vector.broadcast %shift_right_arithmetic3A_406 : i32 to vector<16xi32>
      %shift_right_arithmetic3A_408 = arith.shrsi %add3A_405, %shift_right_arithmetic3A_407 : vector<16xi32>
      %gather3A_409 = tpu.vector_load_idx %arg8[%shift_right_arithmetic3A_408] : memref<528xi32, #tpu.memory_space<vmem>>[vector<16xi32>], vector<16xi32>,
      %le3A_410 = arith.cmpi sle, %gather3A_409, %add3A_368 : vector<16xi32>
      %select_n3A_411 = arith.select %le3A_410, %shift_right_arithmetic3A_408, %select_n3A_403 : vector<16xi1>, vector<16xi32>
      %select_n3A_412 = arith.select %le3A_410, %select_n3A_404, %shift_right_arithmetic3A_408 : vector<16xi1>, vector<16xi32>
      %add3A_413 = arith.addi %select_n3A_411, %select_n3A_412 : vector<16xi32>
      %shift_right_arithmetic3A_414 = arith.constant 1 : i32
      %shift_right_arithmetic3A_415 = vector.broadcast %shift_right_arithmetic3A_414 : i32 to vector<16xi32>
      %shift_right_arithmetic3A_416 = arith.shrsi %add3A_413, %shift_right_arithmetic3A_415 : vector<16xi32>
      %gather3A_417 = tpu.vector_load_idx %arg8[%shift_right_arithmetic3A_416] : memref<528xi32, #tpu.memory_space<vmem>>[vector<16xi32>], vector<16xi32>,
      %le3A_418 = arith.cmpi sle, %gather3A_417, %add3A_368 : vector<16xi32>
      %select_n3A_419 = arith.select %le3A_418, %shift_right_arithmetic3A_416, %select_n3A_411 : vector<16xi1>, vector<16xi32>
      %select_n3A_420 = arith.select %le3A_418, %select_n3A_412, %shift_right_arithmetic3A_416 : vector<16xi1>, vector<16xi32>
      %add3A_421 = arith.addi %select_n3A_419, %select_n3A_420 : vector<16xi32>
      %shift_right_arithmetic3A_422 = arith.constant 1 : i32
      %shift_right_arithmetic3A_423 = vector.broadcast %shift_right_arithmetic3A_422 : i32 to vector<16xi32>
      %shift_right_arithmetic3A_424 = arith.shrsi %add3A_421, %shift_right_arithmetic3A_423 : vector<16xi32>
      %gather3A_425 = tpu.vector_load_idx %arg8[%shift_right_arithmetic3A_424] : memref<528xi32, #tpu.memory_space<vmem>>[vector<16xi32>], vector<16xi32>,
      %le3A_426 = arith.cmpi sle, %gather3A_425, %add3A_368 : vector<16xi32>
      %select_n3A_427 = arith.select %le3A_426, %shift_right_arithmetic3A_424, %select_n3A_419 : vector<16xi1>, vector<16xi32>
      %select_n3A_428 = arith.select %le3A_426, %select_n3A_420, %shift_right_arithmetic3A_424 : vector<16xi1>, vector<16xi32>
      %add3A_429 = arith.addi %select_n3A_427, %select_n3A_428 : vector<16xi32>
      %shift_right_arithmetic3A_430 = arith.constant 1 : i32
      %shift_right_arithmetic3A_431 = vector.broadcast %shift_right_arithmetic3A_430 : i32 to vector<16xi32>
      %shift_right_arithmetic3A_432 = arith.shrsi %add3A_429, %shift_right_arithmetic3A_431 : vector<16xi32>
      %gather3A_433 = tpu.vector_load_idx %arg8[%shift_right_arithmetic3A_432] : memref<528xi32, #tpu.memory_space<vmem>>[vector<16xi32>], vector<16xi32>,
      %le3A_434 = arith.cmpi sle, %gather3A_433, %add3A_368 : vector<16xi32>
      %select_n3A_435 = arith.select %le3A_434, %shift_right_arithmetic3A_432, %select_n3A_427 : vector<16xi1>, vector<16xi32>
      %select_n3A_436 = arith.select %le3A_434, %select_n3A_428, %shift_right_arithmetic3A_432 : vector<16xi1>, vector<16xi32>
      %add3A_437 = arith.addi %select_n3A_435, %select_n3A_436 : vector<16xi32>
      %shift_right_arithmetic3A_438 = arith.constant 1 : i32
      %shift_right_arithmetic3A_439 = vector.broadcast %shift_right_arithmetic3A_438 : i32 to vector<16xi32>
      %shift_right_arithmetic3A_440 = arith.shrsi %add3A_437, %shift_right_arithmetic3A_439 : vector<16xi32>
      %gather3A_441 = tpu.vector_load_idx %arg8[%shift_right_arithmetic3A_440] : memref<528xi32, #tpu.memory_space<vmem>>[vector<16xi32>], vector<16xi32>,
      %le3A_442 = arith.cmpi sle, %gather3A_441, %add3A_368 : vector<16xi32>
      %select_n3A_443 = arith.select %le3A_442, %shift_right_arithmetic3A_440, %select_n3A_435 : vector<16xi1>, vector<16xi32>
      %select_n3A_444 = arith.select %le3A_442, %select_n3A_436, %shift_right_arithmetic3A_440 : vector<16xi1>, vector<16xi32>
      %add3A_445 = arith.addi %select_n3A_443, %select_n3A_444 : vector<16xi32>
      %shift_right_arithmetic3A_446 = arith.constant 1 : i32
      %shift_right_arithmetic3A_447 = vector.broadcast %shift_right_arithmetic3A_446 : i32 to vector<16xi32>
      %shift_right_arithmetic3A_448 = arith.shrsi %add3A_445, %shift_right_arithmetic3A_447 : vector<16xi32>
      %gather3A_449 = tpu.vector_load_idx %arg8[%shift_right_arithmetic3A_448] : memref<528xi32, #tpu.memory_space<vmem>>[vector<16xi32>], vector<16xi32>,
      %le3A_450 = arith.cmpi sle, %gather3A_449, %add3A_368 : vector<16xi32>
      %select_n3A_451 = arith.select %le3A_450, %shift_right_arithmetic3A_448, %select_n3A_443 : vector<16xi1>, vector<16xi32>
      %select_n3A_452 = arith.select %le3A_450, %select_n3A_444, %shift_right_arithmetic3A_448 : vector<16xi1>, vector<16xi32>
      %ge3A_453 = vector.broadcast %add3A_134 : i32 to vector<16xi32>
      %ge3A_454 = arith.cmpi sge, %add3A_368, %ge3A_453 : vector<16xi32>
      %lt3A_455 = vector.broadcast %mul3A_50 : i32 to vector<16xi32>
      %lt3A_456 = arith.cmpi slt, %add3A_368, %lt3A_455 : vector<16xi32>
      %and3A_457 = arith.andi %ge3A_454, %lt3A_456 : vector<16xi1>
      %jit3A_458 = arith.constant 512 : i32
      %broadcast_in_dim3A_459 = vector.broadcast %jit3A_458 : i32 to vector<16xi32>
      %select_n3A_460 = arith.select %and3A_457, %select_n3A_451, %broadcast_in_dim3A_459 : vector<16xi1>, vector<16xi32>
      %swap3A_461 = arith.constant 32 : index
      %swap3A_462 = tpu.vector_load %arg15[%swap3A_461] {strides = array<i32>} : memref<128xi32, #tpu.memory_space<vmem>>, vector<16xi32>,
      tpu.vector_store %arg15[%swap3A_461], %select_n3A_460 {strides = array<i32>} : memref<128xi32, #tpu.memory_space<vmem>>, vector<16xi32>,
      %reduce_max3A_463 = arith.constant true
      %reduce_max3A_464 = vector.broadcast %reduce_max3A_463 : i1 to vector<16xi1>
      %reduce_max3A_465 = arith.constant -2147483648 : i32
      %reduce_max3A_466 = vector.broadcast %reduce_max3A_465 : i32 to vector<16xi32>
      %reduce_max3A_467 = arith.xori %select_n3A_460, %reduce_max3A_466 : vector<16xi32>
      %reduce_max3A_468 = tpu.scan <max>, %reduce_max3A_467 masked %reduce_max3A_464 : vector<16xi32>, vector<16xi1> -> vector<16xi32>
      %reduce_max3A_469 = arith.xori %reduce_max3A_468, %reduce_max3A_466 : vector<16xi32>
      %reduce_max3A_470 = vector.extract %reduce_max3A_469[15] : i32 from vector<16xi32>
      %max3A_471 = arith.maxsi %max3A_355, %reduce_max3A_470 : i32
      %reduce_min3A_472 = arith.constant true
      %reduce_min3A_473 = vector.broadcast %reduce_min3A_472 : i1 to vector<16xi1>
      %reduce_min3A_474 = arith.constant -2147483648 : i32
      %reduce_min3A_475 = vector.broadcast %reduce_min3A_474 : i32 to vector<16xi32>
      %reduce_min3A_476 = arith.xori %select_n3A_460, %reduce_min3A_475 : vector<16xi32>
      %reduce_min3A_477 = tpu.scan <min>, %reduce_min3A_476 masked %reduce_min3A_473 : vector<16xi32>, vector<16xi1> -> vector<16xi32>
      %reduce_min3A_478 = arith.xori %reduce_min3A_477, %reduce_min3A_475 : vector<16xi32>
      %reduce_min3A_479 = vector.extract %reduce_min3A_478[15] : i32 from vector<16xi32>
      %min3A_480 = arith.minsi %min3A_364, %reduce_min3A_479 : i32
      %add3A_481 = arith.constant 48 : i32
      %add3A_482 = arith.addi %multiple_of3A_140, %add3A_481 : i32
      %add3A_483 = vector.broadcast %add3A_482 : i32 to vector<16xi32>
      %add3A_484 = arith.addi %add3A_483, %iota3A : vector<16xi32>
      %broadcast_in_dim3A_485 = arith.constant 0 : i32
      %broadcast_in_dim3A_486 = vector.broadcast %broadcast_in_dim3A_485 : i32 to vector<16xi32>
      %broadcast_in_dim3A_487 = arith.constant 513 : i32
      %broadcast_in_dim3A_488 = vector.broadcast %broadcast_in_dim3A_487 : i32 to vector<16xi32>
      %add3A_489 = arith.addi %broadcast_in_dim3A_486, %broadcast_in_dim3A_488 : vector<16xi32>
      %shift_right_arithmetic3A_490 = arith.constant 1 : i32
      %shift_right_arithmetic3A_491 = vector.broadcast %shift_right_arithmetic3A_490 : i32 to vector<16xi32>
      %shift_right_arithmetic3A_492 = arith.shrsi %add3A_489, %shift_right_arithmetic3A_491 : vector<16xi32>
      %gather3A_493 = tpu.vector_load_idx %arg8[%shift_right_arithmetic3A_492] : memref<528xi32, #tpu.memory_space<vmem>>[vector<16xi32>], vector<16xi32>,
      %le3A_494 = arith.cmpi sle, %gather3A_493, %add3A_484 : vector<16xi32>
      %select_n3A_495 = arith.select %le3A_494, %shift_right_arithmetic3A_492, %broadcast_in_dim3A_486 : vector<16xi1>, vector<16xi32>
      %select_n3A_496 = arith.select %le3A_494, %broadcast_in_dim3A_488, %shift_right_arithmetic3A_492 : vector<16xi1>, vector<16xi32>
      %add3A_497 = arith.addi %select_n3A_495, %select_n3A_496 : vector<16xi32>
      %shift_right_arithmetic3A_498 = arith.constant 1 : i32
      %shift_right_arithmetic3A_499 = vector.broadcast %shift_right_arithmetic3A_498 : i32 to vector<16xi32>
      %shift_right_arithmetic3A_500 = arith.shrsi %add3A_497, %shift_right_arithmetic3A_499 : vector<16xi32>
      %gather3A_501 = tpu.vector_load_idx %arg8[%shift_right_arithmetic3A_500] : memref<528xi32, #tpu.memory_space<vmem>>[vector<16xi32>], vector<16xi32>,
      %le3A_502 = arith.cmpi sle, %gather3A_501, %add3A_484 : vector<16xi32>
      %select_n3A_503 = arith.select %le3A_502, %shift_right_arithmetic3A_500, %select_n3A_495 : vector<16xi1>, vector<16xi32>
      %select_n3A_504 = arith.select %le3A_502, %select_n3A_496, %shift_right_arithmetic3A_500 : vector<16xi1>, vector<16xi32>
      %add3A_505 = arith.addi %select_n3A_503, %select_n3A_504 : vector<16xi32>
      %shift_right_arithmetic3A_506 = arith.constant 1 : i32
      %shift_right_arithmetic3A_507 = vector.broadcast %shift_right_arithmetic3A_506 : i32 to vector<16xi32>
      %shift_right_arithmetic3A_508 = arith.shrsi %add3A_505, %shift_right_arithmetic3A_507 : vector<16xi32>
      %gather3A_509 = tpu.vector_load_idx %arg8[%shift_right_arithmetic3A_508] : memref<528xi32, #tpu.memory_space<vmem>>[vector<16xi32>], vector<16xi32>,
      %le3A_510 = arith.cmpi sle, %gather3A_509, %add3A_484 : vector<16xi32>
      %select_n3A_511 = arith.select %le3A_510, %shift_right_arithmetic3A_508, %select_n3A_503 : vector<16xi1>, vector<16xi32>
      %select_n3A_512 = arith.select %le3A_510, %select_n3A_504, %shift_right_arithmetic3A_508 : vector<16xi1>, vector<16xi32>
      %add3A_513 = arith.addi %select_n3A_511, %select_n3A_512 : vector<16xi32>
      %shift_right_arithmetic3A_514 = arith.constant 1 : i32
      %shift_right_arithmetic3A_515 = vector.broadcast %shift_right_arithmetic3A_514 : i32 to vector<16xi32>
      %shift_right_arithmetic3A_516 = arith.shrsi %add3A_513, %shift_right_arithmetic3A_515 : vector<16xi32>
      %gather3A_517 = tpu.vector_load_idx %arg8[%shift_right_arithmetic3A_516] : memref<528xi32, #tpu.memory_space<vmem>>[vector<16xi32>], vector<16xi32>,
      %le3A_518 = arith.cmpi sle, %gather3A_517, %add3A_484 : vector<16xi32>
      %select_n3A_519 = arith.select %le3A_518, %shift_right_arithmetic3A_516, %select_n3A_511 : vector<16xi1>, vector<16xi32>
      %select_n3A_520 = arith.select %le3A_518, %select_n3A_512, %shift_right_arithmetic3A_516 : vector<16xi1>, vector<16xi32>
      %add3A_521 = arith.addi %select_n3A_519, %select_n3A_520 : vector<16xi32>
      %shift_right_arithmetic3A_522 = arith.constant 1 : i32
      %shift_right_arithmetic3A_523 = vector.broadcast %shift_right_arithmetic3A_522 : i32 to vector<16xi32>
      %shift_right_arithmetic3A_524 = arith.shrsi %add3A_521, %shift_right_arithmetic3A_523 : vector<16xi32>
      %gather3A_525 = tpu.vector_load_idx %arg8[%shift_right_arithmetic3A_524] : memref<528xi32, #tpu.memory_space<vmem>>[vector<16xi32>], vector<16xi32>,
      %le3A_526 = arith.cmpi sle, %gather3A_525, %add3A_484 : vector<16xi32>
      %select_n3A_527 = arith.select %le3A_526, %shift_right_arithmetic3A_524, %select_n3A_519 : vector<16xi1>, vector<16xi32>
      %select_n3A_528 = arith.select %le3A_526, %select_n3A_520, %shift_right_arithmetic3A_524 : vector<16xi1>, vector<16xi32>
      %add3A_529 = arith.addi %select_n3A_527, %select_n3A_528 : vector<16xi32>
      %shift_right_arithmetic3A_530 = arith.constant 1 : i32
      %shift_right_arithmetic3A_531 = vector.broadcast %shift_right_arithmetic3A_530 : i32 to vector<16xi32>
      %shift_right_arithmetic3A_532 = arith.shrsi %add3A_529, %shift_right_arithmetic3A_531 : vector<16xi32>
      %gather3A_533 = tpu.vector_load_idx %arg8[%shift_right_arithmetic3A_532] : memref<528xi32, #tpu.memory_space<vmem>>[vector<16xi32>], vector<16xi32>,
      %le3A_534 = arith.cmpi sle, %gather3A_533, %add3A_484 : vector<16xi32>
      %select_n3A_535 = arith.select %le3A_534, %shift_right_arithmetic3A_532, %select_n3A_527 : vector<16xi1>, vector<16xi32>
      %select_n3A_536 = arith.select %le3A_534, %select_n3A_528, %shift_right_arithmetic3A_532 : vector<16xi1>, vector<16xi32>
      %add3A_537 = arith.addi %select_n3A_535, %select_n3A_536 : vector<16xi32>
      %shift_right_arithmetic3A_538 = arith.constant 1 : i32
      %shift_right_arithmetic3A_539 = vector.broadcast %shift_right_arithmetic3A_538 : i32 to vector<16xi32>
      %shift_right_arithmetic3A_540 = arith.shrsi %add3A_537, %shift_right_arithmetic3A_539 : vector<16xi32>
      %gather3A_541 = tpu.vector_load_idx %arg8[%shift_right_arithmetic3A_540] : memref<528xi32, #tpu.memory_space<vmem>>[vector<16xi32>], vector<16xi32>,
      %le3A_542 = arith.cmpi sle, %gather3A_541, %add3A_484 : vector<16xi32>
      %select_n3A_543 = arith.select %le3A_542, %shift_right_arithmetic3A_540, %select_n3A_535 : vector<16xi1>, vector<16xi32>
      %select_n3A_544 = arith.select %le3A_542, %select_n3A_536, %shift_right_arithmetic3A_540 : vector<16xi1>, vector<16xi32>
      %add3A_545 = arith.addi %select_n3A_543, %select_n3A_544 : vector<16xi32>
      %shift_right_arithmetic3A_546 = arith.constant 1 : i32
      %shift_right_arithmetic3A_547 = vector.broadcast %shift_right_arithmetic3A_546 : i32 to vector<16xi32>
      %shift_right_arithmetic3A_548 = arith.shrsi %add3A_545, %shift_right_arithmetic3A_547 : vector<16xi32>
      %gather3A_549 = tpu.vector_load_idx %arg8[%shift_right_arithmetic3A_548] : memref<528xi32, #tpu.memory_space<vmem>>[vector<16xi32>], vector<16xi32>,
      %le3A_550 = arith.cmpi sle, %gather3A_549, %add3A_484 : vector<16xi32>
      %select_n3A_551 = arith.select %le3A_550, %shift_right_arithmetic3A_548, %select_n3A_543 : vector<16xi1>, vector<16xi32>
      %select_n3A_552 = arith.select %le3A_550, %select_n3A_544, %shift_right_arithmetic3A_548 : vector<16xi1>, vector<16xi32>
      %add3A_553 = arith.addi %select_n3A_551, %select_n3A_552 : vector<16xi32>
      %shift_right_arithmetic3A_554 = arith.constant 1 : i32
      %shift_right_arithmetic3A_555 = vector.broadcast %shift_right_arithmetic3A_554 : i32 to vector<16xi32>
      %shift_right_arithmetic3A_556 = arith.shrsi %add3A_553, %shift_right_arithmetic3A_555 : vector<16xi32>
      %gather3A_557 = tpu.vector_load_idx %arg8[%shift_right_arithmetic3A_556] : memref<528xi32, #tpu.memory_space<vmem>>[vector<16xi32>], vector<16xi32>,
      %le3A_558 = arith.cmpi sle, %gather3A_557, %add3A_484 : vector<16xi32>
      %select_n3A_559 = arith.select %le3A_558, %shift_right_arithmetic3A_556, %select_n3A_551 : vector<16xi1>, vector<16xi32>
      %select_n3A_560 = arith.select %le3A_558, %select_n3A_552, %shift_right_arithmetic3A_556 : vector<16xi1>, vector<16xi32>
      %add3A_561 = arith.addi %select_n3A_559, %select_n3A_560 : vector<16xi32>
      %shift_right_arithmetic3A_562 = arith.constant 1 : i32
      %shift_right_arithmetic3A_563 = vector.broadcast %shift_right_arithmetic3A_562 : i32 to vector<16xi32>
      %shift_right_arithmetic3A_564 = arith.shrsi %add3A_561, %shift_right_arithmetic3A_563 : vector<16xi32>
      %gather3A_565 = tpu.vector_load_idx %arg8[%shift_right_arithmetic3A_564] : memref<528xi32, #tpu.memory_space<vmem>>[vector<16xi32>], vector<16xi32>,
      %le3A_566 = arith.cmpi sle, %gather3A_565, %add3A_484 : vector<16xi32>
      %select_n3A_567 = arith.select %le3A_566, %shift_right_arithmetic3A_564, %select_n3A_559 : vector<16xi1>, vector<16xi32>
      %select_n3A_568 = arith.select %le3A_566, %select_n3A_560, %shift_right_arithmetic3A_564 : vector<16xi1>, vector<16xi32>
      %ge3A_569 = vector.broadcast %add3A_134 : i32 to vector<16xi32>
      %ge3A_570 = arith.cmpi sge, %add3A_484, %ge3A_569 : vector<16xi32>
      %lt3A_571 = vector.broadcast %mul3A_50 : i32 to vector<16xi32>
      %lt3A_572 = arith.cmpi slt, %add3A_484, %lt3A_571 : vector<16xi32>
      %and3A_573 = arith.andi %ge3A_570, %lt3A_572 : vector<16xi1>
      %jit3A_574 = arith.constant 512 : i32
      %broadcast_in_dim3A_575 = vector.broadcast %jit3A_574 : i32 to vector<16xi32>
      %select_n3A_576 = arith.select %and3A_573, %select_n3A_567, %broadcast_in_dim3A_575 : vector<16xi1>, vector<16xi32>
      %swap3A_577 = arith.constant 48 : index
      %swap3A_578 = tpu.vector_load %arg15[%swap3A_577] {strides = array<i32>} : memref<128xi32, #tpu.memory_space<vmem>>, vector<16xi32>,
      tpu.vector_store %arg15[%swap3A_577], %select_n3A_576 {strides = array<i32>} : memref<128xi32, #tpu.memory_space<vmem>>, vector<16xi32>,
      %reduce_max3A_579 = arith.constant true
      %reduce_max3A_580 = vector.broadcast %reduce_max3A_579 : i1 to vector<16xi1>
      %reduce_max3A_581 = arith.constant -2147483648 : i32
      %reduce_max3A_582 = vector.broadcast %reduce_max3A_581 : i32 to vector<16xi32>
      %reduce_max3A_583 = arith.xori %select_n3A_576, %reduce_max3A_582 : vector<16xi32>
      %reduce_max3A_584 = tpu.scan <max>, %reduce_max3A_583 masked %reduce_max3A_580 : vector<16xi32>, vector<16xi1> -> vector<16xi32>
      %reduce_max3A_585 = arith.xori %reduce_max3A_584, %reduce_max3A_582 : vector<16xi32>
      %reduce_max3A_586 = vector.extract %reduce_max3A_585[15] : i32 from vector<16xi32>
      %max3A_587 = arith.maxsi %max3A_471, %reduce_max3A_586 : i32
      %reduce_min3A_588 = arith.constant true
      %reduce_min3A_589 = vector.broadcast %reduce_min3A_588 : i1 to vector<16xi1>
      %reduce_min3A_590 = arith.constant -2147483648 : i32
      %reduce_min3A_591 = vector.broadcast %reduce_min3A_590 : i32 to vector<16xi32>
      %reduce_min3A_592 = arith.xori %select_n3A_576, %reduce_min3A_591 : vector<16xi32>
      %reduce_min3A_593 = tpu.scan <min>, %reduce_min3A_592 masked %reduce_min3A_589 : vector<16xi32>, vector<16xi1> -> vector<16xi32>
      %reduce_min3A_594 = arith.xori %reduce_min3A_593, %reduce_min3A_591 : vector<16xi32>
      %reduce_min3A_595 = vector.extract %reduce_min3A_594[15] : i32 from vector<16xi32>
      %min3A_596 = arith.minsi %min3A_480, %reduce_min3A_595 : i32
      %add3A_597 = arith.constant 64 : i32
      %add3A_598 = arith.addi %multiple_of3A_140, %add3A_597 : i32
      %add3A_599 = vector.broadcast %add3A_598 : i32 to vector<16xi32>
      %add3A_600 = arith.addi %add3A_599, %iota3A : vector<16xi32>
      %broadcast_in_dim3A_601 = arith.constant 0 : i32
      %broadcast_in_dim3A_602 = vector.broadcast %broadcast_in_dim3A_601 : i32 to vector<16xi32>
      %broadcast_in_dim3A_603 = arith.constant 513 : i32
      %broadcast_in_dim3A_604 = vector.broadcast %broadcast_in_dim3A_603 : i32 to vector<16xi32>
      %add3A_605 = arith.addi %broadcast_in_dim3A_602, %broadcast_in_dim3A_604 : vector<16xi32>
      %shift_right_arithmetic3A_606 = arith.constant 1 : i32
      %shift_right_arithmetic3A_607 = vector.broadcast %shift_right_arithmetic3A_606 : i32 to vector<16xi32>
      %shift_right_arithmetic3A_608 = arith.shrsi %add3A_605, %shift_right_arithmetic3A_607 : vector<16xi32>
      %gather3A_609 = tpu.vector_load_idx %arg8[%shift_right_arithmetic3A_608] : memref<528xi32, #tpu.memory_space<vmem>>[vector<16xi32>], vector<16xi32>,
      %le3A_610 = arith.cmpi sle, %gather3A_609, %add3A_600 : vector<16xi32>
      %select_n3A_611 = arith.select %le3A_610, %shift_right_arithmetic3A_608, %broadcast_in_dim3A_602 : vector<16xi1>, vector<16xi32>
      %select_n3A_612 = arith.select %le3A_610, %broadcast_in_dim3A_604, %shift_right_arithmetic3A_608 : vector<16xi1>, vector<16xi32>
      %add3A_613 = arith.addi %select_n3A_611, %select_n3A_612 : vector<16xi32>
      %shift_right_arithmetic3A_614 = arith.constant 1 : i32
      %shift_right_arithmetic3A_615 = vector.broadcast %shift_right_arithmetic3A_614 : i32 to vector<16xi32>
      %shift_right_arithmetic3A_616 = arith.shrsi %add3A_613, %shift_right_arithmetic3A_615 : vector<16xi32>
      %gather3A_617 = tpu.vector_load_idx %arg8[%shift_right_arithmetic3A_616] : memref<528xi32, #tpu.memory_space<vmem>>[vector<16xi32>], vector<16xi32>,
      %le3A_618 = arith.cmpi sle, %gather3A_617, %add3A_600 : vector<16xi32>
      %select_n3A_619 = arith.select %le3A_618, %shift_right_arithmetic3A_616, %select_n3A_611 : vector<16xi1>, vector<16xi32>
      %select_n3A_620 = arith.select %le3A_618, %select_n3A_612, %shift_right_arithmetic3A_616 : vector<16xi1>, vector<16xi32>
      %add3A_621 = arith.addi %select_n3A_619, %select_n3A_620 : vector<16xi32>
      %shift_right_arithmetic3A_622 = arith.constant 1 : i32
      %shift_right_arithmetic3A_623 = vector.broadcast %shift_right_arithmetic3A_622 : i32 to vector<16xi32>
      %shift_right_arithmetic3A_624 = arith.shrsi %add3A_621, %shift_right_arithmetic3A_623 : vector<16xi32>
      %gather3A_625 = tpu.vector_load_idx %arg8[%shift_right_arithmetic3A_624] : memref<528xi32, #tpu.memory_space<vmem>>[vector<16xi32>], vector<16xi32>,
      %le3A_626 = arith.cmpi sle, %gather3A_625, %add3A_600 : vector<16xi32>
      %select_n3A_627 = arith.select %le3A_626, %shift_right_arithmetic3A_624, %select_n3A_619 : vector<16xi1>, vector<16xi32>
      %select_n3A_628 = arith.select %le3A_626, %select_n3A_620, %shift_right_arithmetic3A_624 : vector<16xi1>, vector<16xi32>
      %add3A_629 = arith.addi %select_n3A_627, %select_n3A_628 : vector<16xi32>
      %shift_right_arithmetic3A_630 = arith.constant 1 : i32
      %shift_right_arithmetic3A_631 = vector.broadcast %shift_right_arithmetic3A_630 : i32 to vector<16xi32>
      %shift_right_arithmetic3A_632 = arith.shrsi %add3A_629, %shift_right_arithmetic3A_631 : vector<16xi32>
      %gather3A_633 = tpu.vector_load_idx %arg8[%shift_right_arithmetic3A_632] : memref<528xi32, #tpu.memory_space<vmem>>[vector<16xi32>], vector<16xi32>,
      %le3A_634 = arith.cmpi sle, %gather3A_633, %add3A_600 : vector<16xi32>
      %select_n3A_635 = arith.select %le3A_634, %shift_right_arithmetic3A_632, %select_n3A_627 : vector<16xi1>, vector<16xi32>
      %select_n3A_636 = arith.select %le3A_634, %select_n3A_628, %shift_right_arithmetic3A_632 : vector<16xi1>, vector<16xi32>
      %add3A_637 = arith.addi %select_n3A_635, %select_n3A_636 : vector<16xi32>
      %shift_right_arithmetic3A_638 = arith.constant 1 : i32
      %shift_right_arithmetic3A_639 = vector.broadcast %shift_right_arithmetic3A_638 : i32 to vector<16xi32>
      %shift_right_arithmetic3A_640 = arith.shrsi %add3A_637, %shift_right_arithmetic3A_639 : vector<16xi32>
      %gather3A_641 = tpu.vector_load_idx %arg8[%shift_right_arithmetic3A_640] : memref<528xi32, #tpu.memory_space<vmem>>[vector<16xi32>], vector<16xi32>,
      %le3A_642 = arith.cmpi sle, %gather3A_641, %add3A_600 : vector<16xi32>
      %select_n3A_643 = arith.select %le3A_642, %shift_right_arithmetic3A_640, %select_n3A_635 : vector<16xi1>, vector<16xi32>
      %select_n3A_644 = arith.select %le3A_642, %select_n3A_636, %shift_right_arithmetic3A_640 : vector<16xi1>, vector<16xi32>
      %add3A_645 = arith.addi %select_n3A_643, %select_n3A_644 : vector<16xi32>
      %shift_right_arithmetic3A_646 = arith.constant 1 : i32
      %shift_right_arithmetic3A_647 = vector.broadcast %shift_right_arithmetic3A_646 : i32 to vector<16xi32>
      %shift_right_arithmetic3A_648 = arith.shrsi %add3A_645, %shift_right_arithmetic3A_647 : vector<16xi32>
      %gather3A_649 = tpu.vector_load_idx %arg8[%shift_right_arithmetic3A_648] : memref<528xi32, #tpu.memory_space<vmem>>[vector<16xi32>], vector<16xi32>,
      %le3A_650 = arith.cmpi sle, %gather3A_649, %add3A_600 : vector<16xi32>
      %select_n3A_651 = arith.select %le3A_650, %shift_right_arithmetic3A_648, %select_n3A_643 : vector<16xi1>, vector<16xi32>
      %select_n3A_652 = arith.select %le3A_650, %select_n3A_644, %shift_right_arithmetic3A_648 : vector<16xi1>, vector<16xi32>
      %add3A_653 = arith.addi %select_n3A_651, %select_n3A_652 : vector<16xi32>
      %shift_right_arithmetic3A_654 = arith.constant 1 : i32
      %shift_right_arithmetic3A_655 = vector.broadcast %shift_right_arithmetic3A_654 : i32 to vector<16xi32>
      %shift_right_arithmetic3A_656 = arith.shrsi %add3A_653, %shift_right_arithmetic3A_655 : vector<16xi32>
      %gather3A_657 = tpu.vector_load_idx %arg8[%shift_right_arithmetic3A_656] : memref<528xi32, #tpu.memory_space<vmem>>[vector<16xi32>], vector<16xi32>,
      %le3A_658 = arith.cmpi sle, %gather3A_657, %add3A_600 : vector<16xi32>
      %select_n3A_659 = arith.select %le3A_658, %shift_right_arithmetic3A_656, %select_n3A_651 : vector<16xi1>, vector<16xi32>
      %select_n3A_660 = arith.select %le3A_658, %select_n3A_652, %shift_right_arithmetic3A_656 : vector<16xi1>, vector<16xi32>
      %add3A_661 = arith.addi %select_n3A_659, %select_n3A_660 : vector<16xi32>
      %shift_right_arithmetic3A_662 = arith.constant 1 : i32
      %shift_right_arithmetic3A_663 = vector.broadcast %shift_right_arithmetic3A_662 : i32 to vector<16xi32>
      %shift_right_arithmetic3A_664 = arith.shrsi %add3A_661, %shift_right_arithmetic3A_663 : vector<16xi32>
      %gather3A_665 = tpu.vector_load_idx %arg8[%shift_right_arithmetic3A_664] : memref<528xi32, #tpu.memory_space<vmem>>[vector<16xi32>], vector<16xi32>,
      %le3A_666 = arith.cmpi sle, %gather3A_665, %add3A_600 : vector<16xi32>
      %select_n3A_667 = arith.select %le3A_666, %shift_right_arithmetic3A_664, %select_n3A_659 : vector<16xi1>, vector<16xi32>
      %select_n3A_668 = arith.select %le3A_666, %select_n3A_660, %shift_right_arithmetic3A_664 : vector<16xi1>, vector<16xi32>
      %add3A_669 = arith.addi %select_n3A_667, %select_n3A_668 : vector<16xi32>
      %shift_right_arithmetic3A_670 = arith.constant 1 : i32
      %shift_right_arithmetic3A_671 = vector.broadcast %shift_right_arithmetic3A_670 : i32 to vector<16xi32>
      %shift_right_arithmetic3A_672 = arith.shrsi %add3A_669, %shift_right_arithmetic3A_671 : vector<16xi32>
      %gather3A_673 = tpu.vector_load_idx %arg8[%shift_right_arithmetic3A_672] : memref<528xi32, #tpu.memory_space<vmem>>[vector<16xi32>], vector<16xi32>,
      %le3A_674 = arith.cmpi sle, %gather3A_673, %add3A_600 : vector<16xi32>
      %select_n3A_675 = arith.select %le3A_674, %shift_right_arithmetic3A_672, %select_n3A_667 : vector<16xi1>, vector<16xi32>
      %select_n3A_676 = arith.select %le3A_674, %select_n3A_668, %shift_right_arithmetic3A_672 : vector<16xi1>, vector<16xi32>
      %add3A_677 = arith.addi %select_n3A_675, %select_n3A_676 : vector<16xi32>
      %shift_right_arithmetic3A_678 = arith.constant 1 : i32
      %shift_right_arithmetic3A_679 = vector.broadcast %shift_right_arithmetic3A_678 : i32 to vector<16xi32>
      %shift_right_arithmetic3A_680 = arith.shrsi %add3A_677, %shift_right_arithmetic3A_679 : vector<16xi32>
      %gather3A_681 = tpu.vector_load_idx %arg8[%shift_right_arithmetic3A_680] : memref<528xi32, #tpu.memory_space<vmem>>[vector<16xi32>], vector<16xi32>,
      %le3A_682 = arith.cmpi sle, %gather3A_681, %add3A_600 : vector<16xi32>
      %select_n3A_683 = arith.select %le3A_682, %shift_right_arithmetic3A_680, %select_n3A_675 : vector<16xi1>, vector<16xi32>
      %select_n3A_684 = arith.select %le3A_682, %select_n3A_676, %shift_right_arithmetic3A_680 : vector<16xi1>, vector<16xi32>
      %ge3A_685 = vector.broadcast %add3A_134 : i32 to vector<16xi32>
      %ge3A_686 = arith.cmpi sge, %add3A_600, %ge3A_685 : vector<16xi32>
      %lt3A_687 = vector.broadcast %mul3A_50 : i32 to vector<16xi32>
      %lt3A_688 = arith.cmpi slt, %add3A_600, %lt3A_687 : vector<16xi32>
      %and3A_689 = arith.andi %ge3A_686, %lt3A_688 : vector<16xi1>
      %jit3A_690 = arith.constant 512 : i32
      %broadcast_in_dim3A_691 = vector.broadcast %jit3A_690 : i32 to vector<16xi32>
      %select_n3A_692 = arith.select %and3A_689, %select_n3A_683, %broadcast_in_dim3A_691 : vector<16xi1>, vector<16xi32>
      %swap3A_693 = arith.constant 64 : index
      %swap3A_694 = tpu.vector_load %arg15[%swap3A_693] {strides = array<i32>} : memref<128xi32, #tpu.memory_space<vmem>>, vector<16xi32>,
      tpu.vector_store %arg15[%swap3A_693], %select_n3A_692 {strides = array<i32>} : memref<128xi32, #tpu.memory_space<vmem>>, vector<16xi32>,
      %reduce_max3A_695 = arith.constant true
      %reduce_max3A_696 = vector.broadcast %reduce_max3A_695 : i1 to vector<16xi1>
      %reduce_max3A_697 = arith.constant -2147483648 : i32
      %reduce_max3A_698 = vector.broadcast %reduce_max3A_697 : i32 to vector<16xi32>
      %reduce_max3A_699 = arith.xori %select_n3A_692, %reduce_max3A_698 : vector<16xi32>
      %reduce_max3A_700 = tpu.scan <max>, %reduce_max3A_699 masked %reduce_max3A_696 : vector<16xi32>, vector<16xi1> -> vector<16xi32>
      %reduce_max3A_701 = arith.xori %reduce_max3A_700, %reduce_max3A_698 : vector<16xi32>
      %reduce_max3A_702 = vector.extract %reduce_max3A_701[15] : i32 from vector<16xi32>
      %max3A_703 = arith.maxsi %max3A_587, %reduce_max3A_702 : i32
      %reduce_min3A_704 = arith.constant true
      %reduce_min3A_705 = vector.broadcast %reduce_min3A_704 : i1 to vector<16xi1>
      %reduce_min3A_706 = arith.constant -2147483648 : i32
      %reduce_min3A_707 = vector.broadcast %reduce_min3A_706 : i32 to vector<16xi32>
      %reduce_min3A_708 = arith.xori %select_n3A_692, %reduce_min3A_707 : vector<16xi32>
      %reduce_min3A_709 = tpu.scan <min>, %reduce_min3A_708 masked %reduce_min3A_705 : vector<16xi32>, vector<16xi1> -> vector<16xi32>
      %reduce_min3A_710 = arith.xori %reduce_min3A_709, %reduce_min3A_707 : vector<16xi32>
      %reduce_min3A_711 = vector.extract %reduce_min3A_710[15] : i32 from vector<16xi32>
      %min3A_712 = arith.minsi %min3A_596, %reduce_min3A_711 : i32
      %add3A_713 = arith.constant 80 : i32
      %add3A_714 = arith.addi %multiple_of3A_140, %add3A_713 : i32
      %add3A_715 = vector.broadcast %add3A_714 : i32 to vector<16xi32>
      %add3A_716 = arith.addi %add3A_715, %iota3A : vector<16xi32>
      %broadcast_in_dim3A_717 = arith.constant 0 : i32
      %broadcast_in_dim3A_718 = vector.broadcast %broadcast_in_dim3A_717 : i32 to vector<16xi32>
      %broadcast_in_dim3A_719 = arith.constant 513 : i32
      %broadcast_in_dim3A_720 = vector.broadcast %broadcast_in_dim3A_719 : i32 to vector<16xi32>
      %add3A_721 = arith.addi %broadcast_in_dim3A_718, %broadcast_in_dim3A_720 : vector<16xi32>
      %shift_right_arithmetic3A_722 = arith.constant 1 : i32
      %shift_right_arithmetic3A_723 = vector.broadcast %shift_right_arithmetic3A_722 : i32 to vector<16xi32>
      %shift_right_arithmetic3A_724 = arith.shrsi %add3A_721, %shift_right_arithmetic3A_723 : vector<16xi32>
      %gather3A_725 = tpu.vector_load_idx %arg8[%shift_right_arithmetic3A_724] : memref<528xi32, #tpu.memory_space<vmem>>[vector<16xi32>], vector<16xi32>,
      %le3A_726 = arith.cmpi sle, %gather3A_725, %add3A_716 : vector<16xi32>
      %select_n3A_727 = arith.select %le3A_726, %shift_right_arithmetic3A_724, %broadcast_in_dim3A_718 : vector<16xi1>, vector<16xi32>
      %select_n3A_728 = arith.select %le3A_726, %broadcast_in_dim3A_720, %shift_right_arithmetic3A_724 : vector<16xi1>, vector<16xi32>
      %add3A_729 = arith.addi %select_n3A_727, %select_n3A_728 : vector<16xi32>
      %shift_right_arithmetic3A_730 = arith.constant 1 : i32
      %shift_right_arithmetic3A_731 = vector.broadcast %shift_right_arithmetic3A_730 : i32 to vector<16xi32>
      %shift_right_arithmetic3A_732 = arith.shrsi %add3A_729, %shift_right_arithmetic3A_731 : vector<16xi32>
      %gather3A_733 = tpu.vector_load_idx %arg8[%shift_right_arithmetic3A_732] : memref<528xi32, #tpu.memory_space<vmem>>[vector<16xi32>], vector<16xi32>,
      %le3A_734 = arith.cmpi sle, %gather3A_733, %add3A_716 : vector<16xi32>
      %select_n3A_735 = arith.select %le3A_734, %shift_right_arithmetic3A_732, %select_n3A_727 : vector<16xi1>, vector<16xi32>
      %select_n3A_736 = arith.select %le3A_734, %select_n3A_728, %shift_right_arithmetic3A_732 : vector<16xi1>, vector<16xi32>
      %add3A_737 = arith.addi %select_n3A_735, %select_n3A_736 : vector<16xi32>
      %shift_right_arithmetic3A_738 = arith.constant 1 : i32
      %shift_right_arithmetic3A_739 = vector.broadcast %shift_right_arithmetic3A_738 : i32 to vector<16xi32>
      %shift_right_arithmetic3A_740 = arith.shrsi %add3A_737, %shift_right_arithmetic3A_739 : vector<16xi32>
      %gather3A_741 = tpu.vector_load_idx %arg8[%shift_right_arithmetic3A_740] : memref<528xi32, #tpu.memory_space<vmem>>[vector<16xi32>], vector<16xi32>,
      %le3A_742 = arith.cmpi sle, %gather3A_741, %add3A_716 : vector<16xi32>
      %select_n3A_743 = arith.select %le3A_742, %shift_right_arithmetic3A_740, %select_n3A_735 : vector<16xi1>, vector<16xi32>
      %select_n3A_744 = arith.select %le3A_742, %select_n3A_736, %shift_right_arithmetic3A_740 : vector<16xi1>, vector<16xi32>
      %add3A_745 = arith.addi %select_n3A_743, %select_n3A_744 : vector<16xi32>
      %shift_right_arithmetic3A_746 = arith.constant 1 : i32
      %shift_right_arithmetic3A_747 = vector.broadcast %shift_right_arithmetic3A_746 : i32 to vector<16xi32>
      %shift_right_arithmetic3A_748 = arith.shrsi %add3A_745, %shift_right_arithmetic3A_747 : vector<16xi32>
      %gather3A_749 = tpu.vector_load_idx %arg8[%shift_right_arithmetic3A_748] : memref<528xi32, #tpu.memory_space<vmem>>[vector<16xi32>], vector<16xi32>,
      %le3A_750 = arith.cmpi sle, %gather3A_749, %add3A_716 : vector<16xi32>
      %select_n3A_751 = arith.select %le3A_750, %shift_right_arithmetic3A_748, %select_n3A_743 : vector<16xi1>, vector<16xi32>
      %select_n3A_752 = arith.select %le3A_750, %select_n3A_744, %shift_right_arithmetic3A_748 : vector<16xi1>, vector<16xi32>
      %add3A_753 = arith.addi %select_n3A_751, %select_n3A_752 : vector<16xi32>
      %shift_right_arithmetic3A_754 = arith.constant 1 : i32
      %shift_right_arithmetic3A_755 = vector.broadcast %shift_right_arithmetic3A_754 : i32 to vector<16xi32>
      %shift_right_arithmetic3A_756 = arith.shrsi %add3A_753, %shift_right_arithmetic3A_755 : vector<16xi32>
      %gather3A_757 = tpu.vector_load_idx %arg8[%shift_right_arithmetic3A_756] : memref<528xi32, #tpu.memory_space<vmem>>[vector<16xi32>], vector<16xi32>,
      %le3A_758 = arith.cmpi sle, %gather3A_757, %add3A_716 : vector<16xi32>
      %select_n3A_759 = arith.select %le3A_758, %shift_right_arithmetic3A_756, %select_n3A_751 : vector<16xi1>, vector<16xi32>
      %select_n3A_760 = arith.select %le3A_758, %select_n3A_752, %shift_right_arithmetic3A_756 : vector<16xi1>, vector<16xi32>
      %add3A_761 = arith.addi %select_n3A_759, %select_n3A_760 : vector<16xi32>
      %shift_right_arithmetic3A_762 = arith.constant 1 : i32
      %shift_right_arithmetic3A_763 = vector.broadcast %shift_right_arithmetic3A_762 : i32 to vector<16xi32>
      %shift_right_arithmetic3A_764 = arith.shrsi %add3A_761, %shift_right_arithmetic3A_763 : vector<16xi32>
      %gather3A_765 = tpu.vector_load_idx %arg8[%shift_right_arithmetic3A_764] : memref<528xi32, #tpu.memory_space<vmem>>[vector<16xi32>], vector<16xi32>,
      %le3A_766 = arith.cmpi sle, %gather3A_765, %add3A_716 : vector<16xi32>
      %select_n3A_767 = arith.select %le3A_766, %shift_right_arithmetic3A_764, %select_n3A_759 : vector<16xi1>, vector<16xi32>
      %select_n3A_768 = arith.select %le3A_766, %select_n3A_760, %shift_right_arithmetic3A_764 : vector<16xi1>, vector<16xi32>
      %add3A_769 = arith.addi %select_n3A_767, %select_n3A_768 : vector<16xi32>
      %shift_right_arithmetic3A_770 = arith.constant 1 : i32
      %shift_right_arithmetic3A_771 = vector.broadcast %shift_right_arithmetic3A_770 : i32 to vector<16xi32>
      %shift_right_arithmetic3A_772 = arith.shrsi %add3A_769, %shift_right_arithmetic3A_771 : vector<16xi32>
      %gather3A_773 = tpu.vector_load_idx %arg8[%shift_right_arithmetic3A_772] : memref<528xi32, #tpu.memory_space<vmem>>[vector<16xi32>], vector<16xi32>,
      %le3A_774 = arith.cmpi sle, %gather3A_773, %add3A_716 : vector<16xi32>
      %select_n3A_775 = arith.select %le3A_774, %shift_right_arithmetic3A_772, %select_n3A_767 : vector<16xi1>, vector<16xi32>
      %select_n3A_776 = arith.select %le3A_774, %select_n3A_768, %shift_right_arithmetic3A_772 : vector<16xi1>, vector<16xi32>
      %add3A_777 = arith.addi %select_n3A_775, %select_n3A_776 : vector<16xi32>
      %shift_right_arithmetic3A_778 = arith.constant 1 : i32
      %shift_right_arithmetic3A_779 = vector.broadcast %shift_right_arithmetic3A_778 : i32 to vector<16xi32>
      %shift_right_arithmetic3A_780 = arith.shrsi %add3A_777, %shift_right_arithmetic3A_779 : vector<16xi32>
      %gather3A_781 = tpu.vector_load_idx %arg8[%shift_right_arithmetic3A_780] : memref<528xi32, #tpu.memory_space<vmem>>[vector<16xi32>], vector<16xi32>,
      %le3A_782 = arith.cmpi sle, %gather3A_781, %add3A_716 : vector<16xi32>
      %select_n3A_783 = arith.select %le3A_782, %shift_right_arithmetic3A_780, %select_n3A_775 : vector<16xi1>, vector<16xi32>
      %select_n3A_784 = arith.select %le3A_782, %select_n3A_776, %shift_right_arithmetic3A_780 : vector<16xi1>, vector<16xi32>
      %add3A_785 = arith.addi %select_n3A_783, %select_n3A_784 : vector<16xi32>
      %shift_right_arithmetic3A_786 = arith.constant 1 : i32
      %shift_right_arithmetic3A_787 = vector.broadcast %shift_right_arithmetic3A_786 : i32 to vector<16xi32>
      %shift_right_arithmetic3A_788 = arith.shrsi %add3A_785, %shift_right_arithmetic3A_787 : vector<16xi32>
      %gather3A_789 = tpu.vector_load_idx %arg8[%shift_right_arithmetic3A_788] : memref<528xi32, #tpu.memory_space<vmem>>[vector<16xi32>], vector<16xi32>,
      %le3A_790 = arith.cmpi sle, %gather3A_789, %add3A_716 : vector<16xi32>
      %select_n3A_791 = arith.select %le3A_790, %shift_right_arithmetic3A_788, %select_n3A_783 : vector<16xi1>, vector<16xi32>
      %select_n3A_792 = arith.select %le3A_790, %select_n3A_784, %shift_right_arithmetic3A_788 : vector<16xi1>, vector<16xi32>
      %add3A_793 = arith.addi %select_n3A_791, %select_n3A_792 : vector<16xi32>
      %shift_right_arithmetic3A_794 = arith.constant 1 : i32
      %shift_right_arithmetic3A_795 = vector.broadcast %shift_right_arithmetic3A_794 : i32 to vector<16xi32>
      %shift_right_arithmetic3A_796 = arith.shrsi %add3A_793, %shift_right_arithmetic3A_795 : vector<16xi32>
      %gather3A_797 = tpu.vector_load_idx %arg8[%shift_right_arithmetic3A_796] : memref<528xi32, #tpu.memory_space<vmem>>[vector<16xi32>], vector<16xi32>,
      %le3A_798 = arith.cmpi sle, %gather3A_797, %add3A_716 : vector<16xi32>
      %select_n3A_799 = arith.select %le3A_798, %shift_right_arithmetic3A_796, %select_n3A_791 : vector<16xi1>, vector<16xi32>
      %select_n3A_800 = arith.select %le3A_798, %select_n3A_792, %shift_right_arithmetic3A_796 : vector<16xi1>, vector<16xi32>
      %ge3A_801 = vector.broadcast %add3A_134 : i32 to vector<16xi32>
      %ge3A_802 = arith.cmpi sge, %add3A_716, %ge3A_801 : vector<16xi32>
      %lt3A_803 = vector.broadcast %mul3A_50 : i32 to vector<16xi32>
      %lt3A_804 = arith.cmpi slt, %add3A_716, %lt3A_803 : vector<16xi32>
      %and3A_805 = arith.andi %ge3A_802, %lt3A_804 : vector<16xi1>
      %jit3A_806 = arith.constant 512 : i32
      %broadcast_in_dim3A_807 = vector.broadcast %jit3A_806 : i32 to vector<16xi32>
      %select_n3A_808 = arith.select %and3A_805, %select_n3A_799, %broadcast_in_dim3A_807 : vector<16xi1>, vector<16xi32>
      %swap3A_809 = arith.constant 80 : index
      %swap3A_810 = tpu.vector_load %arg15[%swap3A_809] {strides = array<i32>} : memref<128xi32, #tpu.memory_space<vmem>>, vector<16xi32>,
      tpu.vector_store %arg15[%swap3A_809], %select_n3A_808 {strides = array<i32>} : memref<128xi32, #tpu.memory_space<vmem>>, vector<16xi32>,
      %reduce_max3A_811 = arith.constant true
      %reduce_max3A_812 = vector.broadcast %reduce_max3A_811 : i1 to vector<16xi1>
      %reduce_max3A_813 = arith.constant -2147483648 : i32
      %reduce_max3A_814 = vector.broadcast %reduce_max3A_813 : i32 to vector<16xi32>
      %reduce_max3A_815 = arith.xori %select_n3A_808, %reduce_max3A_814 : vector<16xi32>
      %reduce_max3A_816 = tpu.scan <max>, %reduce_max3A_815 masked %reduce_max3A_812 : vector<16xi32>, vector<16xi1> -> vector<16xi32>
      %reduce_max3A_817 = arith.xori %reduce_max3A_816, %reduce_max3A_814 : vector<16xi32>
      %reduce_max3A_818 = vector.extract %reduce_max3A_817[15] : i32 from vector<16xi32>
      %max3A_819 = arith.maxsi %max3A_703, %reduce_max3A_818 : i32
      %reduce_min3A_820 = arith.constant true
      %reduce_min3A_821 = vector.broadcast %reduce_min3A_820 : i1 to vector<16xi1>
      %reduce_min3A_822 = arith.constant -2147483648 : i32
      %reduce_min3A_823 = vector.broadcast %reduce_min3A_822 : i32 to vector<16xi32>
      %reduce_min3A_824 = arith.xori %select_n3A_808, %reduce_min3A_823 : vector<16xi32>
      %reduce_min3A_825 = tpu.scan <min>, %reduce_min3A_824 masked %reduce_min3A_821 : vector<16xi32>, vector<16xi1> -> vector<16xi32>
      %reduce_min3A_826 = arith.xori %reduce_min3A_825, %reduce_min3A_823 : vector<16xi32>
      %reduce_min3A_827 = vector.extract %reduce_min3A_826[15] : i32 from vector<16xi32>
      %min3A_828 = arith.minsi %min3A_712, %reduce_min3A_827 : i32
      %add3A_829 = arith.constant 96 : i32
      %add3A_830 = arith.addi %multiple_of3A_140, %add3A_829 : i32
      %add3A_831 = vector.broadcast %add3A_830 : i32 to vector<16xi32>
      %add3A_832 = arith.addi %add3A_831, %iota3A : vector<16xi32>
      %broadcast_in_dim3A_833 = arith.constant 0 : i32
      %broadcast_in_dim3A_834 = vector.broadcast %broadcast_in_dim3A_833 : i32 to vector<16xi32>
      %broadcast_in_dim3A_835 = arith.constant 513 : i32
      %broadcast_in_dim3A_836 = vector.broadcast %broadcast_in_dim3A_835 : i32 to vector<16xi32>
      %add3A_837 = arith.addi %broadcast_in_dim3A_834, %broadcast_in_dim3A_836 : vector<16xi32>
      %shift_right_arithmetic3A_838 = arith.constant 1 : i32
      %shift_right_arithmetic3A_839 = vector.broadcast %shift_right_arithmetic3A_838 : i32 to vector<16xi32>
      %shift_right_arithmetic3A_840 = arith.shrsi %add3A_837, %shift_right_arithmetic3A_839 : vector<16xi32>
      %gather3A_841 = tpu.vector_load_idx %arg8[%shift_right_arithmetic3A_840] : memref<528xi32, #tpu.memory_space<vmem>>[vector<16xi32>], vector<16xi32>,
      %le3A_842 = arith.cmpi sle, %gather3A_841, %add3A_832 : vector<16xi32>
      %select_n3A_843 = arith.select %le3A_842, %shift_right_arithmetic3A_840, %broadcast_in_dim3A_834 : vector<16xi1>, vector<16xi32>
      %select_n3A_844 = arith.select %le3A_842, %broadcast_in_dim3A_836, %shift_right_arithmetic3A_840 : vector<16xi1>, vector<16xi32>
      %add3A_845 = arith.addi %select_n3A_843, %select_n3A_844 : vector<16xi32>
      %shift_right_arithmetic3A_846 = arith.constant 1 : i32
      %shift_right_arithmetic3A_847 = vector.broadcast %shift_right_arithmetic3A_846 : i32 to vector<16xi32>
      %shift_right_arithmetic3A_848 = arith.shrsi %add3A_845, %shift_right_arithmetic3A_847 : vector<16xi32>
      %gather3A_849 = tpu.vector_load_idx %arg8[%shift_right_arithmetic3A_848] : memref<528xi32, #tpu.memory_space<vmem>>[vector<16xi32>], vector<16xi32>,
      %le3A_850 = arith.cmpi sle, %gather3A_849, %add3A_832 : vector<16xi32>
      %select_n3A_851 = arith.select %le3A_850, %shift_right_arithmetic3A_848, %select_n3A_843 : vector<16xi1>, vector<16xi32>
      %select_n3A_852 = arith.select %le3A_850, %select_n3A_844, %shift_right_arithmetic3A_848 : vector<16xi1>, vector<16xi32>
      %add3A_853 = arith.addi %select_n3A_851, %select_n3A_852 : vector<16xi32>
      %shift_right_arithmetic3A_854 = arith.constant 1 : i32
      %shift_right_arithmetic3A_855 = vector.broadcast %shift_right_arithmetic3A_854 : i32 to vector<16xi32>
      %shift_right_arithmetic3A_856 = arith.shrsi %add3A_853, %shift_right_arithmetic3A_855 : vector<16xi32>
      %gather3A_857 = tpu.vector_load_idx %arg8[%shift_right_arithmetic3A_856] : memref<528xi32, #tpu.memory_space<vmem>>[vector<16xi32>], vector<16xi32>,
      %le3A_858 = arith.cmpi sle, %gather3A_857, %add3A_832 : vector<16xi32>
      %select_n3A_859 = arith.select %le3A_858, %shift_right_arithmetic3A_856, %select_n3A_851 : vector<16xi1>, vector<16xi32>
      %select_n3A_860 = arith.select %le3A_858, %select_n3A_852, %shift_right_arithmetic3A_856 : vector<16xi1>, vector<16xi32>
      %add3A_861 = arith.addi %select_n3A_859, %select_n3A_860 : vector<16xi32>
      %shift_right_arithmetic3A_862 = arith.constant 1 : i32
      %shift_right_arithmetic3A_863 = vector.broadcast %shift_right_arithmetic3A_862 : i32 to vector<16xi32>
      %shift_right_arithmetic3A_864 = arith.shrsi %add3A_861, %shift_right_arithmetic3A_863 : vector<16xi32>
      %gather3A_865 = tpu.vector_load_idx %arg8[%shift_right_arithmetic3A_864] : memref<528xi32, #tpu.memory_space<vmem>>[vector<16xi32>], vector<16xi32>,
      %le3A_866 = arith.cmpi sle, %gather3A_865, %add3A_832 : vector<16xi32>
      %select_n3A_867 = arith.select %le3A_866, %shift_right_arithmetic3A_864, %select_n3A_859 : vector<16xi1>, vector<16xi32>
      %select_n3A_868 = arith.select %le3A_866, %select_n3A_860, %shift_right_arithmetic3A_864 : vector<16xi1>, vector<16xi32>
      %add3A_869 = arith.addi %select_n3A_867, %select_n3A_868 : vector<16xi32>
      %shift_right_arithmetic3A_870 = arith.constant 1 : i32
      %shift_right_arithmetic3A_871 = vector.broadcast %shift_right_arithmetic3A_870 : i32 to vector<16xi32>
      %shift_right_arithmetic3A_872 = arith.shrsi %add3A_869, %shift_right_arithmetic3A_871 : vector<16xi32>
      %gather3A_873 = tpu.vector_load_idx %arg8[%shift_right_arithmetic3A_872] : memref<528xi32, #tpu.memory_space<vmem>>[vector<16xi32>], vector<16xi32>,
      %le3A_874 = arith.cmpi sle, %gather3A_873, %add3A_832 : vector<16xi32>
      %select_n3A_875 = arith.select %le3A_874, %shift_right_arithmetic3A_872, %select_n3A_867 : vector<16xi1>, vector<16xi32>
      %select_n3A_876 = arith.select %le3A_874, %select_n3A_868, %shift_right_arithmetic3A_872 : vector<16xi1>, vector<16xi32>
      %add3A_877 = arith.addi %select_n3A_875, %select_n3A_876 : vector<16xi32>
      %shift_right_arithmetic3A_878 = arith.constant 1 : i32
      %shift_right_arithmetic3A_879 = vector.broadcast %shift_right_arithmetic3A_878 : i32 to vector<16xi32>
      %shift_right_arithmetic3A_880 = arith.shrsi %add3A_877, %shift_right_arithmetic3A_879 : vector<16xi32>
      %gather3A_881 = tpu.vector_load_idx %arg8[%shift_right_arithmetic3A_880] : memref<528xi32, #tpu.memory_space<vmem>>[vector<16xi32>], vector<16xi32>,
      %le3A_882 = arith.cmpi sle, %gather3A_881, %add3A_832 : vector<16xi32>
      %select_n3A_883 = arith.select %le3A_882, %shift_right_arithmetic3A_880, %select_n3A_875 : vector<16xi1>, vector<16xi32>
      %select_n3A_884 = arith.select %le3A_882, %select_n3A_876, %shift_right_arithmetic3A_880 : vector<16xi1>, vector<16xi32>
      %add3A_885 = arith.addi %select_n3A_883, %select_n3A_884 : vector<16xi32>
      %shift_right_arithmetic3A_886 = arith.constant 1 : i32
      %shift_right_arithmetic3A_887 = vector.broadcast %shift_right_arithmetic3A_886 : i32 to vector<16xi32>
      %shift_right_arithmetic3A_888 = arith.shrsi %add3A_885, %shift_right_arithmetic3A_887 : vector<16xi32>
      %gather3A_889 = tpu.vector_load_idx %arg8[%shift_right_arithmetic3A_888] : memref<528xi32, #tpu.memory_space<vmem>>[vector<16xi32>], vector<16xi32>,
      %le3A_890 = arith.cmpi sle, %gather3A_889, %add3A_832 : vector<16xi32>
      %select_n3A_891 = arith.select %le3A_890, %shift_right_arithmetic3A_888, %select_n3A_883 : vector<16xi1>, vector<16xi32>
      %select_n3A_892 = arith.select %le3A_890, %select_n3A_884, %shift_right_arithmetic3A_888 : vector<16xi1>, vector<16xi32>
      %add3A_893 = arith.addi %select_n3A_891, %select_n3A_892 : vector<16xi32>
      %shift_right_arithmetic3A_894 = arith.constant 1 : i32
      %shift_right_arithmetic3A_895 = vector.broadcast %shift_right_arithmetic3A_894 : i32 to vector<16xi32>
      %shift_right_arithmetic3A_896 = arith.shrsi %add3A_893, %shift_right_arithmetic3A_895 : vector<16xi32>
      %gather3A_897 = tpu.vector_load_idx %arg8[%shift_right_arithmetic3A_896] : memref<528xi32, #tpu.memory_space<vmem>>[vector<16xi32>], vector<16xi32>,
      %le3A_898 = arith.cmpi sle, %gather3A_897, %add3A_832 : vector<16xi32>
      %select_n3A_899 = arith.select %le3A_898, %shift_right_arithmetic3A_896, %select_n3A_891 : vector<16xi1>, vector<16xi32>
      %select_n3A_900 = arith.select %le3A_898, %select_n3A_892, %shift_right_arithmetic3A_896 : vector<16xi1>, vector<16xi32>
      %add3A_901 = arith.addi %select_n3A_899, %select_n3A_900 : vector<16xi32>
      %shift_right_arithmetic3A_902 = arith.constant 1 : i32
      %shift_right_arithmetic3A_903 = vector.broadcast %shift_right_arithmetic3A_902 : i32 to vector<16xi32>
      %shift_right_arithmetic3A_904 = arith.shrsi %add3A_901, %shift_right_arithmetic3A_903 : vector<16xi32>
      %gather3A_905 = tpu.vector_load_idx %arg8[%shift_right_arithmetic3A_904] : memref<528xi32, #tpu.memory_space<vmem>>[vector<16xi32>], vector<16xi32>,
      %le3A_906 = arith.cmpi sle, %gather3A_905, %add3A_832 : vector<16xi32>
      %select_n3A_907 = arith.select %le3A_906, %shift_right_arithmetic3A_904, %select_n3A_899 : vector<16xi1>, vector<16xi32>
      %select_n3A_908 = arith.select %le3A_906, %select_n3A_900, %shift_right_arithmetic3A_904 : vector<16xi1>, vector<16xi32>
      %add3A_909 = arith.addi %select_n3A_907, %select_n3A_908 : vector<16xi32>
      %shift_right_arithmetic3A_910 = arith.constant 1 : i32
      %shift_right_arithmetic3A_911 = vector.broadcast %shift_right_arithmetic3A_910 : i32 to vector<16xi32>
      %shift_right_arithmetic3A_912 = arith.shrsi %add3A_909, %shift_right_arithmetic3A_911 : vector<16xi32>
      %gather3A_913 = tpu.vector_load_idx %arg8[%shift_right_arithmetic3A_912] : memref<528xi32, #tpu.memory_space<vmem>>[vector<16xi32>], vector<16xi32>,
      %le3A_914 = arith.cmpi sle, %gather3A_913, %add3A_832 : vector<16xi32>
      %select_n3A_915 = arith.select %le3A_914, %shift_right_arithmetic3A_912, %select_n3A_907 : vector<16xi1>, vector<16xi32>
      %select_n3A_916 = arith.select %le3A_914, %select_n3A_908, %shift_right_arithmetic3A_912 : vector<16xi1>, vector<16xi32>
      %ge3A_917 = vector.broadcast %add3A_134 : i32 to vector<16xi32>
      %ge3A_918 = arith.cmpi sge, %add3A_832, %ge3A_917 : vector<16xi32>
      %lt3A_919 = vector.broadcast %mul3A_50 : i32 to vector<16xi32>
      %lt3A_920 = arith.cmpi slt, %add3A_832, %lt3A_919 : vector<16xi32>
      %and3A_921 = arith.andi %ge3A_918, %lt3A_920 : vector<16xi1>
      %jit3A_922 = arith.constant 512 : i32
      %broadcast_in_dim3A_923 = vector.broadcast %jit3A_922 : i32 to vector<16xi32>
      %select_n3A_924 = arith.select %and3A_921, %select_n3A_915, %broadcast_in_dim3A_923 : vector<16xi1>, vector<16xi32>
      %swap3A_925 = arith.constant 96 : index
      %swap3A_926 = tpu.vector_load %arg15[%swap3A_925] {strides = array<i32>} : memref<128xi32, #tpu.memory_space<vmem>>, vector<16xi32>,
      tpu.vector_store %arg15[%swap3A_925], %select_n3A_924 {strides = array<i32>} : memref<128xi32, #tpu.memory_space<vmem>>, vector<16xi32>,
      %reduce_max3A_927 = arith.constant true
      %reduce_max3A_928 = vector.broadcast %reduce_max3A_927 : i1 to vector<16xi1>
      %reduce_max3A_929 = arith.constant -2147483648 : i32
      %reduce_max3A_930 = vector.broadcast %reduce_max3A_929 : i32 to vector<16xi32>
      %reduce_max3A_931 = arith.xori %select_n3A_924, %reduce_max3A_930 : vector<16xi32>
      %reduce_max3A_932 = tpu.scan <max>, %reduce_max3A_931 masked %reduce_max3A_928 : vector<16xi32>, vector<16xi1> -> vector<16xi32>
      %reduce_max3A_933 = arith.xori %reduce_max3A_932, %reduce_max3A_930 : vector<16xi32>
      %reduce_max3A_934 = vector.extract %reduce_max3A_933[15] : i32 from vector<16xi32>
      %max3A_935 = arith.maxsi %max3A_819, %reduce_max3A_934 : i32
      %reduce_min3A_936 = arith.constant true
      %reduce_min3A_937 = vector.broadcast %reduce_min3A_936 : i1 to vector<16xi1>
      %reduce_min3A_938 = arith.constant -2147483648 : i32
      %reduce_min3A_939 = vector.broadcast %reduce_min3A_938 : i32 to vector<16xi32>
      %reduce_min3A_940 = arith.xori %select_n3A_924, %reduce_min3A_939 : vector<16xi32>
      %reduce_min3A_941 = tpu.scan <min>, %reduce_min3A_940 masked %reduce_min3A_937 : vector<16xi32>, vector<16xi1> -> vector<16xi32>
      %reduce_min3A_942 = arith.xori %reduce_min3A_941, %reduce_min3A_939 : vector<16xi32>
      %reduce_min3A_943 = vector.extract %reduce_min3A_942[15] : i32 from vector<16xi32>
      %min3A_944 = arith.minsi %min3A_828, %reduce_min3A_943 : i32
      %add3A_945 = arith.constant 112 : i32
      %add3A_946 = arith.addi %multiple_of3A_140, %add3A_945 : i32
      %add3A_947 = vector.broadcast %add3A_946 : i32 to vector<16xi32>
      %add3A_948 = arith.addi %add3A_947, %iota3A : vector<16xi32>
      %broadcast_in_dim3A_949 = arith.constant 0 : i32
      %broadcast_in_dim3A_950 = vector.broadcast %broadcast_in_dim3A_949 : i32 to vector<16xi32>
      %broadcast_in_dim3A_951 = arith.constant 513 : i32
      %broadcast_in_dim3A_952 = vector.broadcast %broadcast_in_dim3A_951 : i32 to vector<16xi32>
      %add3A_953 = arith.addi %broadcast_in_dim3A_950, %broadcast_in_dim3A_952 : vector<16xi32>
      %shift_right_arithmetic3A_954 = arith.constant 1 : i32
      %shift_right_arithmetic3A_955 = vector.broadcast %shift_right_arithmetic3A_954 : i32 to vector<16xi32>
      %shift_right_arithmetic3A_956 = arith.shrsi %add3A_953, %shift_right_arithmetic3A_955 : vector<16xi32>
      %gather3A_957 = tpu.vector_load_idx %arg8[%shift_right_arithmetic3A_956] : memref<528xi32, #tpu.memory_space<vmem>>[vector<16xi32>], vector<16xi32>,
      %le3A_958 = arith.cmpi sle, %gather3A_957, %add3A_948 : vector<16xi32>
      %select_n3A_959 = arith.select %le3A_958, %shift_right_arithmetic3A_956, %broadcast_in_dim3A_950 : vector<16xi1>, vector<16xi32>
      %select_n3A_960 = arith.select %le3A_958, %broadcast_in_dim3A_952, %shift_right_arithmetic3A_956 : vector<16xi1>, vector<16xi32>
      %add3A_961 = arith.addi %select_n3A_959, %select_n3A_960 : vector<16xi32>
      %shift_right_arithmetic3A_962 = arith.constant 1 : i32
      %shift_right_arithmetic3A_963 = vector.broadcast %shift_right_arithmetic3A_962 : i32 to vector<16xi32>
      %shift_right_arithmetic3A_964 = arith.shrsi %add3A_961, %shift_right_arithmetic3A_963 : vector<16xi32>
      %gather3A_965 = tpu.vector_load_idx %arg8[%shift_right_arithmetic3A_964] : memref<528xi32, #tpu.memory_space<vmem>>[vector<16xi32>], vector<16xi32>,
      %le3A_966 = arith.cmpi sle, %gather3A_965, %add3A_948 : vector<16xi32>
      %select_n3A_967 = arith.select %le3A_966, %shift_right_arithmetic3A_964, %select_n3A_959 : vector<16xi1>, vector<16xi32>
      %select_n3A_968 = arith.select %le3A_966, %select_n3A_960, %shift_right_arithmetic3A_964 : vector<16xi1>, vector<16xi32>
      %add3A_969 = arith.addi %select_n3A_967, %select_n3A_968 : vector<16xi32>
      %shift_right_arithmetic3A_970 = arith.constant 1 : i32
      %shift_right_arithmetic3A_971 = vector.broadcast %shift_right_arithmetic3A_970 : i32 to vector<16xi32>
      %shift_right_arithmetic3A_972 = arith.shrsi %add3A_969, %shift_right_arithmetic3A_971 : vector<16xi32>
      %gather3A_973 = tpu.vector_load_idx %arg8[%shift_right_arithmetic3A_972] : memref<528xi32, #tpu.memory_space<vmem>>[vector<16xi32>], vector<16xi32>,
      %le3A_974 = arith.cmpi sle, %gather3A_973, %add3A_948 : vector<16xi32>
      %select_n3A_975 = arith.select %le3A_974, %shift_right_arithmetic3A_972, %select_n3A_967 : vector<16xi1>, vector<16xi32>
      %select_n3A_976 = arith.select %le3A_974, %select_n3A_968, %shift_right_arithmetic3A_972 : vector<16xi1>, vector<16xi32>
      %add3A_977 = arith.addi %select_n3A_975, %select_n3A_976 : vector<16xi32>
      %shift_right_arithmetic3A_978 = arith.constant 1 : i32
      %shift_right_arithmetic3A_979 = vector.broadcast %shift_right_arithmetic3A_978 : i32 to vector<16xi32>
      %shift_right_arithmetic3A_980 = arith.shrsi %add3A_977, %shift_right_arithmetic3A_979 : vector<16xi32>
      %gather3A_981 = tpu.vector_load_idx %arg8[%shift_right_arithmetic3A_980] : memref<528xi32, #tpu.memory_space<vmem>>[vector<16xi32>], vector<16xi32>,
      %le3A_982 = arith.cmpi sle, %gather3A_981, %add3A_948 : vector<16xi32>
      %select_n3A_983 = arith.select %le3A_982, %shift_right_arithmetic3A_980, %select_n3A_975 : vector<16xi1>, vector<16xi32>
      %select_n3A_984 = arith.select %le3A_982, %select_n3A_976, %shift_right_arithmetic3A_980 : vector<16xi1>, vector<16xi32>
      %add3A_985 = arith.addi %select_n3A_983, %select_n3A_984 : vector<16xi32>
      %shift_right_arithmetic3A_986 = arith.constant 1 : i32
      %shift_right_arithmetic3A_987 = vector.broadcast %shift_right_arithmetic3A_986 : i32 to vector<16xi32>
      %shift_right_arithmetic3A_988 = arith.shrsi %add3A_985, %shift_right_arithmetic3A_987 : vector<16xi32>
      %gather3A_989 = tpu.vector_load_idx %arg8[%shift_right_arithmetic3A_988] : memref<528xi32, #tpu.memory_space<vmem>>[vector<16xi32>], vector<16xi32>,
      %le3A_990 = arith.cmpi sle, %gather3A_989, %add3A_948 : vector<16xi32>
      %select_n3A_991 = arith.select %le3A_990, %shift_right_arithmetic3A_988, %select_n3A_983 : vector<16xi1>, vector<16xi32>
      %select_n3A_992 = arith.select %le3A_990, %select_n3A_984, %shift_right_arithmetic3A_988 : vector<16xi1>, vector<16xi32>
      %add3A_993 = arith.addi %select_n3A_991, %select_n3A_992 : vector<16xi32>
      %shift_right_arithmetic3A_994 = arith.constant 1 : i32
      %shift_right_arithmetic3A_995 = vector.broadcast %shift_right_arithmetic3A_994 : i32 to vector<16xi32>
      %shift_right_arithmetic3A_996 = arith.shrsi %add3A_993, %shift_right_arithmetic3A_995 : vector<16xi32>
      %gather3A_997 = tpu.vector_load_idx %arg8[%shift_right_arithmetic3A_996] : memref<528xi32, #tpu.memory_space<vmem>>[vector<16xi32>], vector<16xi32>,
      %le3A_998 = arith.cmpi sle, %gather3A_997, %add3A_948 : vector<16xi32>
      %select_n3A_999 = arith.select %le3A_998, %shift_right_arithmetic3A_996, %select_n3A_991 : vector<16xi1>, vector<16xi32>
      %select_n3A_1000 = arith.select %le3A_998, %select_n3A_992, %shift_right_arithmetic3A_996 : vector<16xi1>, vector<16xi32>
      %add3A_1001 = arith.addi %select_n3A_999, %select_n3A_1000 : vector<16xi32>
      %shift_right_arithmetic3A_1002 = arith.constant 1 : i32
      %shift_right_arithmetic3A_1003 = vector.broadcast %shift_right_arithmetic3A_1002 : i32 to vector<16xi32>
      %shift_right_arithmetic3A_1004 = arith.shrsi %add3A_1001, %shift_right_arithmetic3A_1003 : vector<16xi32>
      %gather3A_1005 = tpu.vector_load_idx %arg8[%shift_right_arithmetic3A_1004] : memref<528xi32, #tpu.memory_space<vmem>>[vector<16xi32>], vector<16xi32>,
      %le3A_1006 = arith.cmpi sle, %gather3A_1005, %add3A_948 : vector<16xi32>
      %select_n3A_1007 = arith.select %le3A_1006, %shift_right_arithmetic3A_1004, %select_n3A_999 : vector<16xi1>, vector<16xi32>
      %select_n3A_1008 = arith.select %le3A_1006, %select_n3A_1000, %shift_right_arithmetic3A_1004 : vector<16xi1>, vector<16xi32>
      %add3A_1009 = arith.addi %select_n3A_1007, %select_n3A_1008 : vector<16xi32>
      %shift_right_arithmetic3A_1010 = arith.constant 1 : i32
      %shift_right_arithmetic3A_1011 = vector.broadcast %shift_right_arithmetic3A_1010 : i32 to vector<16xi32>
      %shift_right_arithmetic3A_1012 = arith.shrsi %add3A_1009, %shift_right_arithmetic3A_1011 : vector<16xi32>
      %gather3A_1013 = tpu.vector_load_idx %arg8[%shift_right_arithmetic3A_1012] : memref<528xi32, #tpu.memory_space<vmem>>[vector<16xi32>], vector<16xi32>,
      %le3A_1014 = arith.cmpi sle, %gather3A_1013, %add3A_948 : vector<16xi32>
      %select_n3A_1015 = arith.select %le3A_1014, %shift_right_arithmetic3A_1012, %select_n3A_1007 : vector<16xi1>, vector<16xi32>
      %select_n3A_1016 = arith.select %le3A_1014, %select_n3A_1008, %shift_right_arithmetic3A_1012 : vector<16xi1>, vector<16xi32>
      %add3A_1017 = arith.addi %select_n3A_1015, %select_n3A_1016 : vector<16xi32>
      %shift_right_arithmetic3A_1018 = arith.constant 1 : i32
      %shift_right_arithmetic3A_1019 = vector.broadcast %shift_right_arithmetic3A_1018 : i32 to vector<16xi32>
      %shift_right_arithmetic3A_1020 = arith.shrsi %add3A_1017, %shift_right_arithmetic3A_1019 : vector<16xi32>
      %gather3A_1021 = tpu.vector_load_idx %arg8[%shift_right_arithmetic3A_1020] : memref<528xi32, #tpu.memory_space<vmem>>[vector<16xi32>], vector<16xi32>,
      %le3A_1022 = arith.cmpi sle, %gather3A_1021, %add3A_948 : vector<16xi32>
      %select_n3A_1023 = arith.select %le3A_1022, %shift_right_arithmetic3A_1020, %select_n3A_1015 : vector<16xi1>, vector<16xi32>
      %select_n3A_1024 = arith.select %le3A_1022, %select_n3A_1016, %shift_right_arithmetic3A_1020 : vector<16xi1>, vector<16xi32>
      %add3A_1025 = arith.addi %select_n3A_1023, %select_n3A_1024 : vector<16xi32>
      %shift_right_arithmetic3A_1026 = arith.constant 1 : i32
      %shift_right_arithmetic3A_1027 = vector.broadcast %shift_right_arithmetic3A_1026 : i32 to vector<16xi32>
      %shift_right_arithmetic3A_1028 = arith.shrsi %add3A_1025, %shift_right_arithmetic3A_1027 : vector<16xi32>
      %gather3A_1029 = tpu.vector_load_idx %arg8[%shift_right_arithmetic3A_1028] : memref<528xi32, #tpu.memory_space<vmem>>[vector<16xi32>], vector<16xi32>,
      %le3A_1030 = arith.cmpi sle, %gather3A_1029, %add3A_948 : vector<16xi32>
      %select_n3A_1031 = arith.select %le3A_1030, %shift_right_arithmetic3A_1028, %select_n3A_1023 : vector<16xi1>, vector<16xi32>
      %select_n3A_1032 = arith.select %le3A_1030, %select_n3A_1024, %shift_right_arithmetic3A_1028 : vector<16xi1>, vector<16xi32>
      %ge3A_1033 = vector.broadcast %add3A_134 : i32 to vector<16xi32>
      %ge3A_1034 = arith.cmpi sge, %add3A_948, %ge3A_1033 : vector<16xi32>
      %lt3A_1035 = vector.broadcast %mul3A_50 : i32 to vector<16xi32>
      %lt3A_1036 = arith.cmpi slt, %add3A_948, %lt3A_1035 : vector<16xi32>
      %and3A_1037 = arith.andi %ge3A_1034, %lt3A_1036 : vector<16xi1>
      %jit3A_1038 = arith.constant 512 : i32
      %broadcast_in_dim3A_1039 = vector.broadcast %jit3A_1038 : i32 to vector<16xi32>
      %select_n3A_1040 = arith.select %and3A_1037, %select_n3A_1031, %broadcast_in_dim3A_1039 : vector<16xi1>, vector<16xi32>
      %swap3A_1041 = arith.constant 112 : index
      %swap3A_1042 = tpu.vector_load %arg15[%swap3A_1041] {strides = array<i32>} : memref<128xi32, #tpu.memory_space<vmem>>, vector<16xi32>,
      tpu.vector_store %arg15[%swap3A_1041], %select_n3A_1040 {strides = array<i32>} : memref<128xi32, #tpu.memory_space<vmem>>, vector<16xi32>,
      %reduce_max3A_1043 = arith.constant true
      %reduce_max3A_1044 = vector.broadcast %reduce_max3A_1043 : i1 to vector<16xi1>
      %reduce_max3A_1045 = arith.constant -2147483648 : i32
      %reduce_max3A_1046 = vector.broadcast %reduce_max3A_1045 : i32 to vector<16xi32>
      %reduce_max3A_1047 = arith.xori %select_n3A_1040, %reduce_max3A_1046 : vector<16xi32>
      %reduce_max3A_1048 = tpu.scan <max>, %reduce_max3A_1047 masked %reduce_max3A_1044 : vector<16xi32>, vector<16xi1> -> vector<16xi32>
      %reduce_max3A_1049 = arith.xori %reduce_max3A_1048, %reduce_max3A_1046 : vector<16xi32>
      %reduce_max3A_1050 = vector.extract %reduce_max3A_1049[15] : i32 from vector<16xi32>
      %max3A_1051 = arith.maxsi %max3A_935, %reduce_max3A_1050 : i32
      %reduce_min3A_1052 = arith.constant true
      %reduce_min3A_1053 = vector.broadcast %reduce_min3A_1052 : i1 to vector<16xi1>
      %reduce_min3A_1054 = arith.constant -2147483648 : i32
      %reduce_min3A_1055 = vector.broadcast %reduce_min3A_1054 : i32 to vector<16xi32>
      %reduce_min3A_1056 = arith.xori %select_n3A_1040, %reduce_min3A_1055 : vector<16xi32>
      %reduce_min3A_1057 = tpu.scan <min>, %reduce_min3A_1056 masked %reduce_min3A_1053 : vector<16xi32>, vector<16xi1> -> vector<16xi32>
      %reduce_min3A_1058 = arith.xori %reduce_min3A_1057, %reduce_min3A_1055 : vector<16xi32>
      %reduce_min3A_1059 = vector.extract %reduce_min3A_1058[15] : i32 from vector<16xi32>
      %min3A_1060 = arith.minsi %min3A_944, %reduce_min3A_1059 : i32
      %eq3A = vector.broadcast %min3A_1060 : i32 to vector<16xi32>
      %eq3A_1061 = arith.cmpi eq, %select_n3A_230, %eq3A : vector<16xi32>
      %eq3A_1062 = vector.broadcast %max3A_1051 : i32 to vector<16xi32>
      %eq3A_1063 = arith.cmpi eq, %select_n3A_230, %eq3A_1062 : vector<16xi32>
      %or3A = arith.ori %eq3A_1061, %eq3A_1063 : vector<16xi1>
      %convert_element_type3A = arith.extui %or3A : vector<16xi1> to vector<16xi32>
      %reduce_min3A_1064 = arith.constant true
      %reduce_min3A_1065 = vector.broadcast %reduce_min3A_1064 : i1 to vector<16xi1>
      %reduce_min3A_1066 = arith.constant -2147483648 : i32
      %reduce_min3A_1067 = vector.broadcast %reduce_min3A_1066 : i32 to vector<16xi32>
      %reduce_min3A_1068 = arith.xori %convert_element_type3A, %reduce_min3A_1067 : vector<16xi32>
      %reduce_min3A_1069 = tpu.scan <min>, %reduce_min3A_1068 masked %reduce_min3A_1065 : vector<16xi32>, vector<16xi1> -> vector<16xi32>
      %reduce_min3A_1070 = arith.xori %reduce_min3A_1069, %reduce_min3A_1067 : vector<16xi32>
      %reduce_min3A_1071 = vector.extract %reduce_min3A_1070[15] : i32 from vector<16xi32>
      %min3A_1072 = arith.constant 1 : i32
      %min3A_1073 = arith.minsi %min3A_1072, %reduce_min3A_1071 : i32
      %eq3A_1074 = vector.broadcast %min3A_1060 : i32 to vector<16xi32>
      %eq3A_1075 = arith.cmpi eq, %select_n3A_344, %eq3A_1074 : vector<16xi32>
      %eq3A_1076 = vector.broadcast %max3A_1051 : i32 to vector<16xi32>
      %eq3A_1077 = arith.cmpi eq, %select_n3A_344, %eq3A_1076 : vector<16xi32>
      %or3A_1078 = arith.ori %eq3A_1075, %eq3A_1077 : vector<16xi1>
      %convert_element_type3A_1079 = arith.extui %or3A_1078 : vector<16xi1> to vector<16xi32>
      %reduce_min3A_1080 = arith.constant true
      %reduce_min3A_1081 = vector.broadcast %reduce_min3A_1080 : i1 to vector<16xi1>
      %reduce_min3A_1082 = arith.constant -2147483648 : i32
      %reduce_min3A_1083 = vector.broadcast %reduce_min3A_1082 : i32 to vector<16xi32>
      %reduce_min3A_1084 = arith.xori %convert_element_type3A_1079, %reduce_min3A_1083 : vector<16xi32>
      %reduce_min3A_1085 = tpu.scan <min>, %reduce_min3A_1084 masked %reduce_min3A_1081 : vector<16xi32>, vector<16xi1> -> vector<16xi32>
      %reduce_min3A_1086 = arith.xori %reduce_min3A_1085, %reduce_min3A_1083 : vector<16xi32>
      %reduce_min3A_1087 = vector.extract %reduce_min3A_1086[15] : i32 from vector<16xi32>
      %min3A_1088 = arith.minsi %min3A_1073, %reduce_min3A_1087 : i32
      %eq3A_1089 = vector.broadcast %min3A_1060 : i32 to vector<16xi32>
      %eq3A_1090 = arith.cmpi eq, %select_n3A_460, %eq3A_1089 : vector<16xi32>
      %eq3A_1091 = vector.broadcast %max3A_1051 : i32 to vector<16xi32>
      %eq3A_1092 = arith.cmpi eq, %select_n3A_460, %eq3A_1091 : vector<16xi32>
      %or3A_1093 = arith.ori %eq3A_1090, %eq3A_1092 : vector<16xi1>
      %convert_element_type3A_1094 = arith.extui %or3A_1093 : vector<16xi1> to vector<16xi32>
      %reduce_min3A_1095 = arith.constant true
      %reduce_min3A_1096 = vector.broadcast %reduce_min3A_1095 : i1 to vector<16xi1>
      %reduce_min3A_1097 = arith.constant -2147483648 : i32
      %reduce_min3A_1098 = vector.broadcast %reduce_min3A_1097 : i32 to vector<16xi32>
      %reduce_min3A_1099 = arith.xori %convert_element_type3A_1094, %reduce_min3A_1098 : vector<16xi32>
      %reduce_min3A_1100 = tpu.scan <min>, %reduce_min3A_1099 masked %reduce_min3A_1096 : vector<16xi32>, vector<16xi1> -> vector<16xi32>
      %reduce_min3A_1101 = arith.xori %reduce_min3A_1100, %reduce_min3A_1098 : vector<16xi32>
      %reduce_min3A_1102 = vector.extract %reduce_min3A_1101[15] : i32 from vector<16xi32>
      %min3A_1103 = arith.minsi %min3A_1088, %reduce_min3A_1102 : i32
      %eq3A_1104 = vector.broadcast %min3A_1060 : i32 to vector<16xi32>
      %eq3A_1105 = arith.cmpi eq, %select_n3A_576, %eq3A_1104 : vector<16xi32>
      %eq3A_1106 = vector.broadcast %max3A_1051 : i32 to vector<16xi32>
      %eq3A_1107 = arith.cmpi eq, %select_n3A_576, %eq3A_1106 : vector<16xi32>
      %or3A_1108 = arith.ori %eq3A_1105, %eq3A_1107 : vector<16xi1>
      %convert_element_type3A_1109 = arith.extui %or3A_1108 : vector<16xi1> to vector<16xi32>
      %reduce_min3A_1110 = arith.constant true
      %reduce_min3A_1111 = vector.broadcast %reduce_min3A_1110 : i1 to vector<16xi1>
      %reduce_min3A_1112 = arith.constant -2147483648 : i32
      %reduce_min3A_1113 = vector.broadcast %reduce_min3A_1112 : i32 to vector<16xi32>
      %reduce_min3A_1114 = arith.xori %convert_element_type3A_1109, %reduce_min3A_1113 : vector<16xi32>
      %reduce_min3A_1115 = tpu.scan <min>, %reduce_min3A_1114 masked %reduce_min3A_1111 : vector<16xi32>, vector<16xi1> -> vector<16xi32>
      %reduce_min3A_1116 = arith.xori %reduce_min3A_1115, %reduce_min3A_1113 : vector<16xi32>
      %reduce_min3A_1117 = vector.extract %reduce_min3A_1116[15] : i32 from vector<16xi32>
      %min3A_1118 = arith.minsi %min3A_1103, %reduce_min3A_1117 : i32
      %eq3A_1119 = vector.broadcast %min3A_1060 : i32 to vector<16xi32>
      %eq3A_1120 = arith.cmpi eq, %select_n3A_692, %eq3A_1119 : vector<16xi32>
      %eq3A_1121 = vector.broadcast %max3A_1051 : i32 to vector<16xi32>
      %eq3A_1122 = arith.cmpi eq, %select_n3A_692, %eq3A_1121 : vector<16xi32>
      %or3A_1123 = arith.ori %eq3A_1120, %eq3A_1122 : vector<16xi1>
      %convert_element_type3A_1124 = arith.extui %or3A_1123 : vector<16xi1> to vector<16xi32>
      %reduce_min3A_1125 = arith.constant true
      %reduce_min3A_1126 = vector.broadcast %reduce_min3A_1125 : i1 to vector<16xi1>
      %reduce_min3A_1127 = arith.constant -2147483648 : i32
      %reduce_min3A_1128 = vector.broadcast %reduce_min3A_1127 : i32 to vector<16xi32>
      %reduce_min3A_1129 = arith.xori %convert_element_type3A_1124, %reduce_min3A_1128 : vector<16xi32>
      %reduce_min3A_1130 = tpu.scan <min>, %reduce_min3A_1129 masked %reduce_min3A_1126 : vector<16xi32>, vector<16xi1> -> vector<16xi32>
      %reduce_min3A_1131 = arith.xori %reduce_min3A_1130, %reduce_min3A_1128 : vector<16xi32>
      %reduce_min3A_1132 = vector.extract %reduce_min3A_1131[15] : i32 from vector<16xi32>
      %min3A_1133 = arith.minsi %min3A_1118, %reduce_min3A_1132 : i32
      %eq3A_1134 = vector.broadcast %min3A_1060 : i32 to vector<16xi32>
      %eq3A_1135 = arith.cmpi eq, %select_n3A_808, %eq3A_1134 : vector<16xi32>
      %eq3A_1136 = vector.broadcast %max3A_1051 : i32 to vector<16xi32>
      %eq3A_1137 = arith.cmpi eq, %select_n3A_808, %eq3A_1136 : vector<16xi32>
      %or3A_1138 = arith.ori %eq3A_1135, %eq3A_1137 : vector<16xi1>
      %convert_element_type3A_1139 = arith.extui %or3A_1138 : vector<16xi1> to vector<16xi32>
      %reduce_min3A_1140 = arith.constant true
      %reduce_min3A_1141 = vector.broadcast %reduce_min3A_1140 : i1 to vector<16xi1>
      %reduce_min3A_1142 = arith.constant -2147483648 : i32
      %reduce_min3A_1143 = vector.broadcast %reduce_min3A_1142 : i32 to vector<16xi32>
      %reduce_min3A_1144 = arith.xori %convert_element_type3A_1139, %reduce_min3A_1143 : vector<16xi32>
      %reduce_min3A_1145 = tpu.scan <min>, %reduce_min3A_1144 masked %reduce_min3A_1141 : vector<16xi32>, vector<16xi1> -> vector<16xi32>
      %reduce_min3A_1146 = arith.xori %reduce_min3A_1145, %reduce_min3A_1143 : vector<16xi32>
      %reduce_min3A_1147 = vector.extract %reduce_min3A_1146[15] : i32 from vector<16xi32>
      %min3A_1148 = arith.minsi %min3A_1133, %reduce_min3A_1147 : i32
      %eq3A_1149 = vector.broadcast %min3A_1060 : i32 to vector<16xi32>
      %eq3A_1150 = arith.cmpi eq, %select_n3A_924, %eq3A_1149 : vector<16xi32>
      %eq3A_1151 = vector.broadcast %max3A_1051 : i32 to vector<16xi32>
      %eq3A_1152 = arith.cmpi eq, %select_n3A_924, %eq3A_1151 : vector<16xi32>
      %or3A_1153 = arith.ori %eq3A_1150, %eq3A_1152 : vector<16xi1>
      %convert_element_type3A_1154 = arith.extui %or3A_1153 : vector<16xi1> to vector<16xi32>
      %reduce_min3A_1155 = arith.constant true
      %reduce_min3A_1156 = vector.broadcast %reduce_min3A_1155 : i1 to vector<16xi1>
      %reduce_min3A_1157 = arith.constant -2147483648 : i32
      %reduce_min3A_1158 = vector.broadcast %reduce_min3A_1157 : i32 to vector<16xi32>
      %reduce_min3A_1159 = arith.xori %convert_element_type3A_1154, %reduce_min3A_1158 : vector<16xi32>
      %reduce_min3A_1160 = tpu.scan <min>, %reduce_min3A_1159 masked %reduce_min3A_1156 : vector<16xi32>, vector<16xi1> -> vector<16xi32>
      %reduce_min3A_1161 = arith.xori %reduce_min3A_1160, %reduce_min3A_1158 : vector<16xi32>
      %reduce_min3A_1162 = vector.extract %reduce_min3A_1161[15] : i32 from vector<16xi32>
      %min3A_1163 = arith.minsi %min3A_1148, %reduce_min3A_1162 : i32
      %eq3A_1164 = vector.broadcast %min3A_1060 : i32 to vector<16xi32>
      %eq3A_1165 = arith.cmpi eq, %select_n3A_1040, %eq3A_1164 : vector<16xi32>
      %eq3A_1166 = vector.broadcast %max3A_1051 : i32 to vector<16xi32>
      %eq3A_1167 = arith.cmpi eq, %select_n3A_1040, %eq3A_1166 : vector<16xi32>
      %or3A_1168 = arith.ori %eq3A_1165, %eq3A_1167 : vector<16xi1>
      %convert_element_type3A_1169 = arith.extui %or3A_1168 : vector<16xi1> to vector<16xi32>
      %reduce_min3A_1170 = arith.constant true
      %reduce_min3A_1171 = vector.broadcast %reduce_min3A_1170 : i1 to vector<16xi1>
      %reduce_min3A_1172 = arith.constant -2147483648 : i32
      %reduce_min3A_1173 = vector.broadcast %reduce_min3A_1172 : i32 to vector<16xi32>
      %reduce_min3A_1174 = arith.xori %convert_element_type3A_1169, %reduce_min3A_1173 : vector<16xi32>
      %reduce_min3A_1175 = tpu.scan <min>, %reduce_min3A_1174 masked %reduce_min3A_1171 : vector<16xi32>, vector<16xi1> -> vector<16xi32>
      %reduce_min3A_1176 = arith.xori %reduce_min3A_1175, %reduce_min3A_1173 : vector<16xi32>
      %reduce_min3A_1177 = vector.extract %reduce_min3A_1176[15] : i32 from vector<16xi32>
      %min3A_1178 = arith.minsi %min3A_1163, %reduce_min3A_1177 : i32
      %eq3A_1179 = arith.constant 1 : i32
      %eq3A_1180 = arith.cmpi eq, %min3A_1178, %eq3A_1179 : i32
      %convert_element_type3A_1181 = arith.extui %eq3A_1180 : i1 to i32
      %cond3A = arith.constant 0 : i32
      %cond3A_1182 = arith.cmpi ne, %convert_element_type3A_1181, %cond3A : i32
      scf.if %cond3A_1182 {
        %broadcast_in_dim3A_2306 = arith.constant 0.000000e+00 : f32
        %broadcast_in_dim3A_2307 = vector.broadcast %broadcast_in_dim3A_2306 : f32 to vector<16xf32>
        %broadcast_in_dim3A_2308 = arith.constant 0.000000e+00 : f32
        %broadcast_in_dim3A_2309 = vector.broadcast %broadcast_in_dim3A_2308 : f32 to vector<16xf32>
        %broadcast_in_dim3A_2310 = arith.constant 0.000000e+00 : f32
        %broadcast_in_dim3A_2311 = vector.broadcast %broadcast_in_dim3A_2310 : f32 to vector<16xf32>
        %broadcast_in_dim3A_2312 = arith.constant 0.000000e+00 : f32
        %broadcast_in_dim3A_2313 = vector.broadcast %broadcast_in_dim3A_2312 : f32 to vector<16xf32>
        %broadcast_in_dim3A_2314 = arith.constant 0.000000e+00 : f32
        %broadcast_in_dim3A_2315 = vector.broadcast %broadcast_in_dim3A_2314 : f32 to vector<16xf32>
        %broadcast_in_dim3A_2316 = arith.constant 0.000000e+00 : f32
        %broadcast_in_dim3A_2317 = vector.broadcast %broadcast_in_dim3A_2316 : f32 to vector<16xf32>
        %broadcast_in_dim3A_2318 = arith.constant 0.000000e+00 : f32
        %broadcast_in_dim3A_2319 = vector.broadcast %broadcast_in_dim3A_2318 : f32 to vector<16xf32>
        %broadcast_in_dim3A_2320 = arith.constant 0.000000e+00 : f32
        %broadcast_in_dim3A_2321 = vector.broadcast %broadcast_in_dim3A_2320 : f32 to vector<16xf32>
        %broadcast_in_dim3A_2322 = arith.constant 0.000000e+00 : f32
        %broadcast_in_dim3A_2323 = vector.broadcast %broadcast_in_dim3A_2322 : f32 to vector<16xf32>
        %broadcast_in_dim3A_2324 = arith.constant 0.000000e+00 : f32
        %broadcast_in_dim3A_2325 = vector.broadcast %broadcast_in_dim3A_2324 : f32 to vector<16xf32>
        %broadcast_in_dim3A_2326 = arith.constant 0.000000e+00 : f32
        %broadcast_in_dim3A_2327 = vector.broadcast %broadcast_in_dim3A_2326 : f32 to vector<16xf32>
        %broadcast_in_dim3A_2328 = arith.constant 0.000000e+00 : f32
        %broadcast_in_dim3A_2329 = vector.broadcast %broadcast_in_dim3A_2328 : f32 to vector<16xf32>
        %broadcast_in_dim3A_2330 = arith.constant 0.000000e+00 : f32
        %broadcast_in_dim3A_2331 = vector.broadcast %broadcast_in_dim3A_2330 : f32 to vector<16xf32>
        %broadcast_in_dim3A_2332 = arith.constant 0.000000e+00 : f32
        %broadcast_in_dim3A_2333 = vector.broadcast %broadcast_in_dim3A_2332 : f32 to vector<16xf32>
        %broadcast_in_dim3A_2334 = arith.constant 0.000000e+00 : f32
        %broadcast_in_dim3A_2335 = vector.broadcast %broadcast_in_dim3A_2334 : f32 to vector<16xf32>
        %broadcast_in_dim3A_2336 = arith.constant 0.000000e+00 : f32
        %broadcast_in_dim3A_2337 = vector.broadcast %broadcast_in_dim3A_2336 : f32 to vector<16xf32>
        %broadcast_in_dim3A_2338 = arith.constant 0.000000e+00 : f32
        %broadcast_in_dim3A_2339 = vector.broadcast %broadcast_in_dim3A_2338 : f32 to vector<16xf32>
        %broadcast_in_dim3A_2340 = arith.constant 0.000000e+00 : f32
        %broadcast_in_dim3A_2341 = vector.broadcast %broadcast_in_dim3A_2340 : f32 to vector<16xf32>
        %broadcast_in_dim3A_2342 = arith.constant 0.000000e+00 : f32
        %broadcast_in_dim3A_2343 = vector.broadcast %broadcast_in_dim3A_2342 : f32 to vector<16xf32>
        %broadcast_in_dim3A_2344 = arith.constant 0.000000e+00 : f32
        %broadcast_in_dim3A_2345 = vector.broadcast %broadcast_in_dim3A_2344 : f32 to vector<16xf32>
        %scan3A_2346 = arith.constant 0 : i32
        %scan3A_2347 = arith.constant 128 : i32
        %scan3A_2348 = arith.addi %scan3A_2346, %scan3A_2347 : i32
        %scan3A_2349 = arith.constant 1 : i32
        %scan3A_2350:20 = scf.for %scan3A_2470 = %scan3A_2346 to %scan3A_2348 step %scan3A_2349 iter_args(%scan3A_2471 = %broadcast_in_dim3A_2307, %scan3A_2472 = %broadcast_in_dim3A_2309, %scan3A_2473 = %broadcast_in_dim3A_2311, %scan3A_2474 = %broadcast_in_dim3A_2313, %scan3A_2475 = %broadcast_in_dim3A_2315, %scan3A_2476 = %broadcast_in_dim3A_2317, %scan3A_2477 = %broadcast_in_dim3A_2319, %scan3A_2478 = %broadcast_in_dim3A_2321, %scan3A_2479 = %broadcast_in_dim3A_2323, %scan3A_2480 = %broadcast_in_dim3A_2325, %scan3A_2481 = %broadcast_in_dim3A_2327, %scan3A_2482 = %broadcast_in_dim3A_2329, %scan3A_2483 = %broadcast_in_dim3A_2331, %scan3A_2484 = %broadcast_in_dim3A_2333, %scan3A_2485 = %broadcast_in_dim3A_2335, %scan3A_2486 = %broadcast_in_dim3A_2337, %scan3A_2487 = %broadcast_in_dim3A_2339, %scan3A_2488 = %broadcast_in_dim3A_2341, %scan3A_2489 = %broadcast_in_dim3A_2343, %scan3A_2490 = %broadcast_in_dim3A_2345) -> (vector<16xf32>, vector<16xf32>, vector<16xf32>, vector<16xf32>, vector<16xf32>, vector<16xf32>, vector<16xf32>, vector<16xf32>, vector<16xf32>, vector<16xf32>, vector<16xf32>, vector<16xf32>, vector<16xf32>, vector<16xf32>, vector<16xf32>, vector<16xf32>, vector<16xf32>, vector<16xf32>, vector<16xf32>, vector<16xf32>)  : i32 {
          %broadcast_in_dim3A_2491 = vector.broadcast %scan3A_2470 : i32 to vector<16xi32>
          %gather3A_2492 = tpu.vector_load_idx %arg15[%broadcast_in_dim3A_2491] : memref<128xi32, #tpu.memory_space<vmem>>[vector<16xi32>], vector<16xi32>,
          %eq3A_2493 = vector.broadcast %min3A_1060 : i32 to vector<16xi32>
          %eq3A_2494 = arith.cmpi eq, %gather3A_2492, %eq3A_2493 : vector<16xi32>
          %get3A = arith.index_cast %scan3A_2470 : i32 to index
          %get3A_2495 = arith.constant 0 : index
          %get3A_2496 = tpu.vector_load %arg9[%get3A, %get3A_2495] {strides = array<i32>} : memref<128x128xf32, #tpu.memory_space<vmem>>, vector<16xf32>,
          %get3A_2497 = arith.index_cast %scan3A_2470 : i32 to index
          %get3A_2498 = arith.constant 16 : index
          %get3A_2499 = tpu.vector_load %arg9[%get3A_2497, %get3A_2498] {strides = array<i32>} : memref<128x128xf32, #tpu.memory_space<vmem>>, vector<16xf32>,
          %get3A_2500 = arith.index_cast %scan3A_2470 : i32 to index
          %get3A_2501 = arith.constant 32 : index
          %get3A_2502 = tpu.vector_load %arg9[%get3A_2500, %get3A_2501] {strides = array<i32>} : memref<128x128xf32, #tpu.memory_space<vmem>>, vector<16xf32>,
          %get3A_2503 = arith.index_cast %scan3A_2470 : i32 to index
          %get3A_2504 = arith.constant 48 : index
          %get3A_2505 = tpu.vector_load %arg9[%get3A_2503, %get3A_2504] {strides = array<i32>} : memref<128x128xf32, #tpu.memory_space<vmem>>, vector<16xf32>,
          %get3A_2506 = arith.index_cast %scan3A_2470 : i32 to index
          %get3A_2507 = arith.constant 64 : index
          %get3A_2508 = tpu.vector_load %arg9[%get3A_2506, %get3A_2507] {strides = array<i32>} : memref<128x128xf32, #tpu.memory_space<vmem>>, vector<16xf32>,
          %get3A_2509 = arith.index_cast %scan3A_2470 : i32 to index
          %get3A_2510 = arith.constant 80 : index
          %get3A_2511 = tpu.vector_load %arg9[%get3A_2509, %get3A_2510] {strides = array<i32>} : memref<128x128xf32, #tpu.memory_space<vmem>>, vector<16xf32>,
          %get3A_2512 = arith.index_cast %scan3A_2470 : i32 to index
          %get3A_2513 = arith.constant 96 : index
          %get3A_2514 = tpu.vector_load %arg9[%get3A_2512, %get3A_2513] {strides = array<i32>} : memref<128x128xf32, #tpu.memory_space<vmem>>, vector<16xf32>,
          %get3A_2515 = arith.index_cast %scan3A_2470 : i32 to index
          %get3A_2516 = arith.constant 112 : index
          %get3A_2517 = tpu.vector_load %arg9[%get3A_2515, %get3A_2516] {strides = array<i32>} : memref<128x128xf32, #tpu.memory_space<vmem>>, vector<16xf32>,
          %get3A_2518 = arith.index_cast %scan3A_2470 : i32 to index
          %get3A_2519 = arith.constant 0 : index
          %get3A_2520 = tpu.vector_load %arg11[%get3A_2518, %get3A_2519] {strides = array<i32>} : memref<128x32xf32, #tpu.memory_space<vmem>>, vector<16xf32>,
          %get3A_2521 = arith.index_cast %scan3A_2470 : i32 to index
          %get3A_2522 = arith.constant 16 : index
          %get3A_2523 = tpu.vector_load %arg11[%get3A_2521, %get3A_2522] {strides = array<i32>} : memref<128x32xf32, #tpu.memory_space<vmem>>, vector<16xf32>,
          %jit3A_2524 = arith.constant 0.000000e+00 : f32
          %broadcast_in_dim3A_2525 = vector.broadcast %jit3A_2524 : f32 to vector<16xf32>
          %select_n3A_2526 = arith.select %eq3A_2494, %get3A_2496, %broadcast_in_dim3A_2525 : vector<16xi1>, vector<16xf32>
          %add3A_2527 = arith.addf %scan3A_2471, %select_n3A_2526 : vector<16xf32>
          %jit3A_2528 = arith.constant 0.000000e+00 : f32
          %broadcast_in_dim3A_2529 = vector.broadcast %jit3A_2528 : f32 to vector<16xf32>
          %select_n3A_2530 = arith.select %eq3A_2494, %get3A_2499, %broadcast_in_dim3A_2529 : vector<16xi1>, vector<16xf32>
          %add3A_2531 = arith.addf %scan3A_2472, %select_n3A_2530 : vector<16xf32>
          %jit3A_2532 = arith.constant 0.000000e+00 : f32
          %broadcast_in_dim3A_2533 = vector.broadcast %jit3A_2532 : f32 to vector<16xf32>
          %select_n3A_2534 = arith.select %eq3A_2494, %get3A_2502, %broadcast_in_dim3A_2533 : vector<16xi1>, vector<16xf32>
          %add3A_2535 = arith.addf %scan3A_2473, %select_n3A_2534 : vector<16xf32>
          %jit3A_2536 = arith.constant 0.000000e+00 : f32
          %broadcast_in_dim3A_2537 = vector.broadcast %jit3A_2536 : f32 to vector<16xf32>
          %select_n3A_2538 = arith.select %eq3A_2494, %get3A_2505, %broadcast_in_dim3A_2537 : vector<16xi1>, vector<16xf32>
          %add3A_2539 = arith.addf %scan3A_2474, %select_n3A_2538 : vector<16xf32>
          %jit3A_2540 = arith.constant 0.000000e+00 : f32
          %broadcast_in_dim3A_2541 = vector.broadcast %jit3A_2540 : f32 to vector<16xf32>
          %select_n3A_2542 = arith.select %eq3A_2494, %get3A_2508, %broadcast_in_dim3A_2541 : vector<16xi1>, vector<16xf32>
          %add3A_2543 = arith.addf %scan3A_2475, %select_n3A_2542 : vector<16xf32>
          %jit3A_2544 = arith.constant 0.000000e+00 : f32
          %broadcast_in_dim3A_2545 = vector.broadcast %jit3A_2544 : f32 to vector<16xf32>
          %select_n3A_2546 = arith.select %eq3A_2494, %get3A_2511, %broadcast_in_dim3A_2545 : vector<16xi1>, vector<16xf32>
          %add3A_2547 = arith.addf %scan3A_2476, %select_n3A_2546 : vector<16xf32>
          %jit3A_2548 = arith.constant 0.000000e+00 : f32
          %broadcast_in_dim3A_2549 = vector.broadcast %jit3A_2548 : f32 to vector<16xf32>
          %select_n3A_2550 = arith.select %eq3A_2494, %get3A_2514, %broadcast_in_dim3A_2549 : vector<16xi1>, vector<16xf32>
          %add3A_2551 = arith.addf %scan3A_2477, %select_n3A_2550 : vector<16xf32>
          %jit3A_2552 = arith.constant 0.000000e+00 : f32
          %broadcast_in_dim3A_2553 = vector.broadcast %jit3A_2552 : f32 to vector<16xf32>
          %select_n3A_2554 = arith.select %eq3A_2494, %get3A_2517, %broadcast_in_dim3A_2553 : vector<16xi1>, vector<16xf32>
          %add3A_2555 = arith.addf %scan3A_2478, %select_n3A_2554 : vector<16xf32>
          %add3A_2556 = arith.addf %scan3A_2479, %get3A_2496 : vector<16xf32>
          %add3A_2557 = arith.addf %scan3A_2480, %get3A_2499 : vector<16xf32>
          %add3A_2558 = arith.addf %scan3A_2481, %get3A_2502 : vector<16xf32>
          %add3A_2559 = arith.addf %scan3A_2482, %get3A_2505 : vector<16xf32>
          %add3A_2560 = arith.addf %scan3A_2483, %get3A_2508 : vector<16xf32>
          %add3A_2561 = arith.addf %scan3A_2484, %get3A_2511 : vector<16xf32>
          %add3A_2562 = arith.addf %scan3A_2485, %get3A_2514 : vector<16xf32>
          %add3A_2563 = arith.addf %scan3A_2486, %get3A_2517 : vector<16xf32>
          %jit3A_2564 = arith.constant 0.000000e+00 : f32
          %broadcast_in_dim3A_2565 = vector.broadcast %jit3A_2564 : f32 to vector<16xf32>
          %select_n3A_2566 = arith.select %eq3A_2494, %get3A_2520, %broadcast_in_dim3A_2565 : vector<16xi1>, vector<16xf32>
          %add3A_2567 = arith.addf %scan3A_2487, %select_n3A_2566 : vector<16xf32>
          %jit3A_2568 = arith.constant 0.000000e+00 : f32
          %broadcast_in_dim3A_2569 = vector.broadcast %jit3A_2568 : f32 to vector<16xf32>
          %select_n3A_2570 = arith.select %eq3A_2494, %get3A_2523, %broadcast_in_dim3A_2569 : vector<16xi1>, vector<16xf32>
          %add3A_2571 = arith.addf %scan3A_2488, %select_n3A_2570 : vector<16xf32>
          %add3A_2572 = arith.addf %scan3A_2489, %get3A_2520 : vector<16xf32>
          %add3A_2573 = arith.addf %scan3A_2490, %get3A_2523 : vector<16xf32>
          scf.yield %add3A_2527, %add3A_2531, %add3A_2535, %add3A_2539, %add3A_2543, %add3A_2547, %add3A_2551, %add3A_2555, %add3A_2556, %add3A_2557, %add3A_2558, %add3A_2559, %add3A_2560, %add3A_2561, %add3A_2562, %add3A_2563, %add3A_2567, %add3A_2571, %add3A_2572, %add3A_2573 : vector<16xf32>, vector<16xf32>, vector<16xf32>, vector<16xf32>, vector<16xf32>, vector<16xf32>, vector<16xf32>, vector<16xf32>, vector<16xf32>, vector<16xf32>, vector<16xf32>, vector<16xf32>, vector<16xf32>, vector<16xf32>, vector<16xf32>, vector<16xf32>, vector<16xf32>, vector<16xf32>, vector<16xf32>, vector<16xf32>
        }
        %scan3A_2351 = arith.constant 128 : i32
        %swap3A_2352 = arith.constant 0 : i32
        %swap3A_2353 = arith.index_cast %swap3A_2352 : i32 to index
        %swap3A_2354 = arith.constant 0 : index
        %swap3A_2355 = tpu.vector_load %arg17[%swap3A_2353, %swap3A_2354] {strides = array<i32>} : memref<16x128xf32, #tpu.memory_space<vmem>>, vector<16xf32>,
        tpu.vector_store %arg17[%swap3A_2353, %swap3A_2354], %scan3A_2350#0 {strides = array<i32>} : memref<16x128xf32, #tpu.memory_space<vmem>>, vector<16xf32>,
        %sub3A_2356 = arith.subf %scan3A_2350#8, %scan3A_2350#0 : vector<16xf32>
        %swap3A_2357 = arith.constant 1 : i32
        %swap3A_2358 = arith.index_cast %swap3A_2357 : i32 to index
        %swap3A_2359 = arith.constant 0 : index
        %swap3A_2360 = tpu.vector_load %arg17[%swap3A_2358, %swap3A_2359] {strides = array<i32>} : memref<16x128xf32, #tpu.memory_space<vmem>>, vector<16xf32>,
        tpu.vector_store %arg17[%swap3A_2358, %swap3A_2359], %sub3A_2356 {strides = array<i32>} : memref<16x128xf32, #tpu.memory_space<vmem>>, vector<16xf32>,
        %swap3A_2361 = arith.constant 0 : i32
        %swap3A_2362 = arith.index_cast %swap3A_2361 : i32 to index
        %swap3A_2363 = arith.constant 16 : index
        %swap3A_2364 = tpu.vector_load %arg17[%swap3A_2362, %swap3A_2363] {strides = array<i32>} : memref<16x128xf32, #tpu.memory_space<vmem>>, vector<16xf32>,
        tpu.vector_store %arg17[%swap3A_2362, %swap3A_2363], %scan3A_2350#1 {strides = array<i32>} : memref<16x128xf32, #tpu.memory_space<vmem>>, vector<16xf32>,
        %sub3A_2365 = arith.subf %scan3A_2350#9, %scan3A_2350#1 : vector<16xf32>
        %swap3A_2366 = arith.constant 1 : i32
        %swap3A_2367 = arith.index_cast %swap3A_2366 : i32 to index
        %swap3A_2368 = arith.constant 16 : index
        %swap3A_2369 = tpu.vector_load %arg17[%swap3A_2367, %swap3A_2368] {strides = array<i32>} : memref<16x128xf32, #tpu.memory_space<vmem>>, vector<16xf32>,
        tpu.vector_store %arg17[%swap3A_2367, %swap3A_2368], %sub3A_2365 {strides = array<i32>} : memref<16x128xf32, #tpu.memory_space<vmem>>, vector<16xf32>,
        %swap3A_2370 = arith.constant 0 : i32
        %swap3A_2371 = arith.index_cast %swap3A_2370 : i32 to index
        %swap3A_2372 = arith.constant 32 : index
        %swap3A_2373 = tpu.vector_load %arg17[%swap3A_2371, %swap3A_2372] {strides = array<i32>} : memref<16x128xf32, #tpu.memory_space<vmem>>, vector<16xf32>,
        tpu.vector_store %arg17[%swap3A_2371, %swap3A_2372], %scan3A_2350#2 {strides = array<i32>} : memref<16x128xf32, #tpu.memory_space<vmem>>, vector<16xf32>,
        %sub3A_2374 = arith.subf %scan3A_2350#10, %scan3A_2350#2 : vector<16xf32>
        %swap3A_2375 = arith.constant 1 : i32
        %swap3A_2376 = arith.index_cast %swap3A_2375 : i32 to index
        %swap3A_2377 = arith.constant 32 : index
        %swap3A_2378 = tpu.vector_load %arg17[%swap3A_2376, %swap3A_2377] {strides = array<i32>} : memref<16x128xf32, #tpu.memory_space<vmem>>, vector<16xf32>,
        tpu.vector_store %arg17[%swap3A_2376, %swap3A_2377], %sub3A_2374 {strides = array<i32>} : memref<16x128xf32, #tpu.memory_space<vmem>>, vector<16xf32>,
        %swap3A_2379 = arith.constant 0 : i32
        %swap3A_2380 = arith.index_cast %swap3A_2379 : i32 to index
        %swap3A_2381 = arith.constant 48 : index
        %swap3A_2382 = tpu.vector_load %arg17[%swap3A_2380, %swap3A_2381] {strides = array<i32>} : memref<16x128xf32, #tpu.memory_space<vmem>>, vector<16xf32>,
        tpu.vector_store %arg17[%swap3A_2380, %swap3A_2381], %scan3A_2350#3 {strides = array<i32>} : memref<16x128xf32, #tpu.memory_space<vmem>>, vector<16xf32>,
        %sub3A_2383 = arith.subf %scan3A_2350#11, %scan3A_2350#3 : vector<16xf32>
        %swap3A_2384 = arith.constant 1 : i32
        %swap3A_2385 = arith.index_cast %swap3A_2384 : i32 to index
        %swap3A_2386 = arith.constant 48 : index
        %swap3A_2387 = tpu.vector_load %arg17[%swap3A_2385, %swap3A_2386] {strides = array<i32>} : memref<16x128xf32, #tpu.memory_space<vmem>>, vector<16xf32>,
        tpu.vector_store %arg17[%swap3A_2385, %swap3A_2386], %sub3A_2383 {strides = array<i32>} : memref<16x128xf32, #tpu.memory_space<vmem>>, vector<16xf32>,
        %swap3A_2388 = arith.constant 0 : i32
        %swap3A_2389 = arith.index_cast %swap3A_2388 : i32 to index
        %swap3A_2390 = arith.constant 64 : index
        %swap3A_2391 = tpu.vector_load %arg17[%swap3A_2389, %swap3A_2390] {strides = array<i32>} : memref<16x128xf32, #tpu.memory_space<vmem>>, vector<16xf32>,
        tpu.vector_store %arg17[%swap3A_2389, %swap3A_2390], %scan3A_2350#4 {strides = array<i32>} : memref<16x128xf32, #tpu.memory_space<vmem>>, vector<16xf32>,
        %sub3A_2392 = arith.subf %scan3A_2350#12, %scan3A_2350#4 : vector<16xf32>
        %swap3A_2393 = arith.constant 1 : i32
        %swap3A_2394 = arith.index_cast %swap3A_2393 : i32 to index
        %swap3A_2395 = arith.constant 64 : index
        %swap3A_2396 = tpu.vector_load %arg17[%swap3A_2394, %swap3A_2395] {strides = array<i32>} : memref<16x128xf32, #tpu.memory_space<vmem>>, vector<16xf32>,
        tpu.vector_store %arg17[%swap3A_2394, %swap3A_2395], %sub3A_2392 {strides = array<i32>} : memref<16x128xf32, #tpu.memory_space<vmem>>, vector<16xf32>,
        %swap3A_2397 = arith.constant 0 : i32
        %swap3A_2398 = arith.index_cast %swap3A_2397 : i32 to index
        %swap3A_2399 = arith.constant 80 : index
        %swap3A_2400 = tpu.vector_load %arg17[%swap3A_2398, %swap3A_2399] {strides = array<i32>} : memref<16x128xf32, #tpu.memory_space<vmem>>, vector<16xf32>,
        tpu.vector_store %arg17[%swap3A_2398, %swap3A_2399], %scan3A_2350#5 {strides = array<i32>} : memref<16x128xf32, #tpu.memory_space<vmem>>, vector<16xf32>,
        %sub3A_2401 = arith.subf %scan3A_2350#13, %scan3A_2350#5 : vector<16xf32>
        %swap3A_2402 = arith.constant 1 : i32
        %swap3A_2403 = arith.index_cast %swap3A_2402 : i32 to index
        %swap3A_2404 = arith.constant 80 : index
        %swap3A_2405 = tpu.vector_load %arg17[%swap3A_2403, %swap3A_2404] {strides = array<i32>} : memref<16x128xf32, #tpu.memory_space<vmem>>, vector<16xf32>,
        tpu.vector_store %arg17[%swap3A_2403, %swap3A_2404], %sub3A_2401 {strides = array<i32>} : memref<16x128xf32, #tpu.memory_space<vmem>>, vector<16xf32>,
        %swap3A_2406 = arith.constant 0 : i32
        %swap3A_2407 = arith.index_cast %swap3A_2406 : i32 to index
        %swap3A_2408 = arith.constant 96 : index
        %swap3A_2409 = tpu.vector_load %arg17[%swap3A_2407, %swap3A_2408] {strides = array<i32>} : memref<16x128xf32, #tpu.memory_space<vmem>>, vector<16xf32>,
        tpu.vector_store %arg17[%swap3A_2407, %swap3A_2408], %scan3A_2350#6 {strides = array<i32>} : memref<16x128xf32, #tpu.memory_space<vmem>>, vector<16xf32>,
        %sub3A_2410 = arith.subf %scan3A_2350#14, %scan3A_2350#6 : vector<16xf32>
        %swap3A_2411 = arith.constant 1 : i32
        %swap3A_2412 = arith.index_cast %swap3A_2411 : i32 to index
        %swap3A_2413 = arith.constant 96 : index
        %swap3A_2414 = tpu.vector_load %arg17[%swap3A_2412, %swap3A_2413] {strides = array<i32>} : memref<16x128xf32, #tpu.memory_space<vmem>>, vector<16xf32>,
        tpu.vector_store %arg17[%swap3A_2412, %swap3A_2413], %sub3A_2410 {strides = array<i32>} : memref<16x128xf32, #tpu.memory_space<vmem>>, vector<16xf32>,
        %swap3A_2415 = arith.constant 0 : i32
        %swap3A_2416 = arith.index_cast %swap3A_2415 : i32 to index
        %swap3A_2417 = arith.constant 112 : index
        %swap3A_2418 = tpu.vector_load %arg17[%swap3A_2416, %swap3A_2417] {strides = array<i32>} : memref<16x128xf32, #tpu.memory_space<vmem>>, vector<16xf32>,
        tpu.vector_store %arg17[%swap3A_2416, %swap3A_2417], %scan3A_2350#7 {strides = array<i32>} : memref<16x128xf32, #tpu.memory_space<vmem>>, vector<16xf32>,
        %sub3A_2419 = arith.subf %scan3A_2350#15, %scan3A_2350#7 : vector<16xf32>
        %swap3A_2420 = arith.constant 1 : i32
        %swap3A_2421 = arith.index_cast %swap3A_2420 : i32 to index
        %swap3A_2422 = arith.constant 112 : index
        %swap3A_2423 = tpu.vector_load %arg17[%swap3A_2421, %swap3A_2422] {strides = array<i32>} : memref<16x128xf32, #tpu.memory_space<vmem>>, vector<16xf32>,
        tpu.vector_store %arg17[%swap3A_2421, %swap3A_2422], %sub3A_2419 {strides = array<i32>} : memref<16x128xf32, #tpu.memory_space<vmem>>, vector<16xf32>,
        %swap3A_2424 = arith.constant 2 : i32
        %swap3A_2425 = arith.index_cast %swap3A_2424 : i32 to index
        %swap3A_2426 = arith.constant 0 : index
        %swap3A_2427 = tpu.vector_load %arg17[%swap3A_2425, %swap3A_2426] {strides = array<i32>} : memref<16x128xf32, #tpu.memory_space<vmem>>, vector<16xf32>,
        tpu.vector_store %arg17[%swap3A_2425, %swap3A_2426], %scan3A_2350#16 {strides = array<i32>} : memref<16x128xf32, #tpu.memory_space<vmem>>, vector<16xf32>,
        %sub3A_2428 = arith.subf %scan3A_2350#18, %scan3A_2350#16 : vector<16xf32>
        %swap3A_2429 = arith.constant 3 : i32
        %swap3A_2430 = arith.index_cast %swap3A_2429 : i32 to index
        %swap3A_2431 = arith.constant 0 : index
        %swap3A_2432 = tpu.vector_load %arg17[%swap3A_2430, %swap3A_2431] {strides = array<i32>} : memref<16x128xf32, #tpu.memory_space<vmem>>, vector<16xf32>,
        tpu.vector_store %arg17[%swap3A_2430, %swap3A_2431], %sub3A_2428 {strides = array<i32>} : memref<16x128xf32, #tpu.memory_space<vmem>>, vector<16xf32>,
        %swap3A_2433 = arith.constant 2 : i32
        %swap3A_2434 = arith.index_cast %swap3A_2433 : i32 to index
        %swap3A_2435 = arith.constant 16 : index
        %swap3A_2436 = tpu.vector_load %arg17[%swap3A_2434, %swap3A_2435] {strides = array<i32>} : memref<16x128xf32, #tpu.memory_space<vmem>>, vector<16xf32>,
        tpu.vector_store %arg17[%swap3A_2434, %swap3A_2435], %scan3A_2350#17 {strides = array<i32>} : memref<16x128xf32, #tpu.memory_space<vmem>>, vector<16xf32>,
        %sub3A_2437 = arith.subf %scan3A_2350#19, %scan3A_2350#17 : vector<16xf32>
        %swap3A_2438 = arith.constant 3 : i32
        %swap3A_2439 = arith.index_cast %swap3A_2438 : i32 to index
        %swap3A_2440 = arith.constant 16 : index
        %swap3A_2441 = tpu.vector_load %arg17[%swap3A_2439, %swap3A_2440] {strides = array<i32>} : memref<16x128xf32, #tpu.memory_space<vmem>>, vector<16xf32>,
        tpu.vector_store %arg17[%swap3A_2439, %swap3A_2440], %sub3A_2437 {strides = array<i32>} : memref<16x128xf32, #tpu.memory_space<vmem>>, vector<16xf32>,
        %eq3A_2442 = arith.constant 0 : i32
        %eq3A_2443 = vector.broadcast %eq3A_2442 : i32 to vector<16xi32>
        %eq3A_2444 = arith.cmpi eq, %iota3A, %eq3A_2443 : vector<16xi32>
        %eq3A_2445 = arith.constant 1 : i32
        %eq3A_2446 = vector.broadcast %eq3A_2445 : i32 to vector<16xi32>
        %eq3A_2447 = arith.cmpi eq, %iota3A, %eq3A_2446 : vector<16xi32>
        %jit3A_2448 = arith.constant 512 : i32
        %broadcast_in_dim3A_2449 = vector.broadcast %max3A_1051 : i32 to vector<16xi32>
        %broadcast_in_dim3A_2450 = vector.broadcast %jit3A_2448 : i32 to vector<16xi32>
        %select_n3A_2451 = arith.select %eq3A_2447, %broadcast_in_dim3A_2449, %broadcast_in_dim3A_2450 : vector<16xi1>, vector<16xi32>
        %broadcast_in_dim3A_2452 = vector.broadcast %min3A_1060 : i32 to vector<16xi32>
        %select_n3A_2453 = arith.select %eq3A_2444, %broadcast_in_dim3A_2452, %select_n3A_2451 : vector<16xi1>, vector<16xi32>
        %swap3A_2454 = arith.constant 0 : index
        %swap3A_2455 = tpu.vector_load %arg18[%swap3A_2454] {strides = array<i32>} : memref<16xi32, #tpu.memory_space<vmem>>, vector<16xi32>,
        tpu.vector_store %arg18[%swap3A_2454], %select_n3A_2453 {strides = array<i32>} : memref<16xi32, #tpu.memory_space<vmem>>, vector<16xi32>,
        %eq3A_2456 = arith.constant 2 : i32
        %eq3A_2457 = vector.broadcast %eq3A_2456 : i32 to vector<16xi32>
        %eq3A_2458 = arith.cmpi eq, %iota3A, %eq3A_2457 : vector<16xi32>
        %eq3A_2459 = arith.constant 3 : i32
        %eq3A_2460 = vector.broadcast %eq3A_2459 : i32 to vector<16xi32>
        %eq3A_2461 = arith.cmpi eq, %iota3A, %eq3A_2460 : vector<16xi32>
        %jit3A_2462 = arith.constant 512 : i32
        %broadcast_in_dim3A_2463 = vector.broadcast %max3A_1051 : i32 to vector<16xi32>
        %broadcast_in_dim3A_2464 = vector.broadcast %jit3A_2462 : i32 to vector<16xi32>
        %select_n3A_2465 = arith.select %eq3A_2461, %broadcast_in_dim3A_2463, %broadcast_in_dim3A_2464 : vector<16xi1>, vector<16xi32>
        %broadcast_in_dim3A_2466 = vector.broadcast %min3A_1060 : i32 to vector<16xi32>
        %select_n3A_2467 = arith.select %eq3A_2458, %broadcast_in_dim3A_2466, %select_n3A_2465 : vector<16xi1>, vector<16xi32>
        %swap3A_2468 = arith.constant 0 : index
        %swap3A_2469 = tpu.vector_load %arg19[%swap3A_2468] {strides = array<i32>} : memref<16xi32, #tpu.memory_space<vmem>>, vector<16xi32>,
        tpu.vector_store %arg19[%swap3A_2468], %select_n3A_2467 {strides = array<i32>} : memref<16xi32, #tpu.memory_space<vmem>>, vector<16xi32>,
        "tpu.region"() ({
          %run_scoped3A = tpu.sem_alloc : memref<!tpu.dma_semaphore, #tpu.memory_space<semaphore_mem>>
          %dma_start3A_2470 = arith.constant 0 : i32
          %dma_start3A_2471 = arith.constant 0 : i32
          %dma_start3A_2472 = tpu.memref_slice %arg20[%dma_start3A_2470, %dma_start3A_2471] : memref<520x128xf32, #tpu.memory_space<vmem_shared>> -> memref<520x128xf32, #tpu.memory_space<vmem_shared>>
          tpu.enqueue_indirect_dma source(%arg17 : memref<16x128xf32, #tpu.memory_space<vmem>>) target(%dma_start3A_2472 : memref<520x128xf32, #tpu.memory_space<vmem_shared>>) offsets(%arg18 : memref<16xi32, #tpu.memory_space<vmem>>) semaphore(%run_scoped3A : memref<!tpu.dma_semaphore, #tpu.memory_space<semaphore_mem>>) {add = true}
          %dma_wait3A_2473 = arith.constant 0 : i32
          %dma_wait3A_2474 = arith.constant 0 : i32
          %dma_wait3A_2475 = tpu.memref_slice %arg20[%dma_wait3A_2473, %dma_wait3A_2474] : memref<520x128xf32, #tpu.memory_space<vmem_shared>> -> memref<520x128xf32, #tpu.memory_space<vmem_shared>>
          tpu.wait_indirect_dma semaphore(%run_scoped3A : memref<!tpu.dma_semaphore, #tpu.memory_space<semaphore_mem>>) src(%arg17 : memref<16x128xf32, #tpu.memory_space<vmem>>) dst(%dma_wait3A_2475 : memref<520x128xf32, #tpu.memory_space<vmem_shared>>)
          tpu.yield
        }) : () -> ()
        "tpu.region"() ({
          %run_scoped3A = tpu.sem_alloc : memref<!tpu.dma_semaphore, #tpu.memory_space<semaphore_mem>>
          %dma_start3A_2470 = arith.constant 0 : i32
          %dma_start3A_2471 = arith.constant 0 : i32
          %dma_start3A_2472 = tpu.memref_slice %arg21[%dma_start3A_2470, %dma_start3A_2471] : memref<520x128xf32, #tpu.memory_space<vmem_shared>> -> memref<520x128xf32, #tpu.memory_space<vmem_shared>>
          tpu.enqueue_indirect_dma source(%arg17 : memref<16x128xf32, #tpu.memory_space<vmem>>) target(%dma_start3A_2472 : memref<520x128xf32, #tpu.memory_space<vmem_shared>>) offsets(%arg19 : memref<16xi32, #tpu.memory_space<vmem>>) semaphore(%run_scoped3A : memref<!tpu.dma_semaphore, #tpu.memory_space<semaphore_mem>>) {add = true}
          %dma_wait3A_2473 = arith.constant 0 : i32
          %dma_wait3A_2474 = arith.constant 0 : i32
          %dma_wait3A_2475 = tpu.memref_slice %arg21[%dma_wait3A_2473, %dma_wait3A_2474] : memref<520x128xf32, #tpu.memory_space<vmem_shared>> -> memref<520x128xf32, #tpu.memory_space<vmem_shared>>
          tpu.wait_indirect_dma semaphore(%run_scoped3A : memref<!tpu.dma_semaphore, #tpu.memory_space<semaphore_mem>>) src(%arg17 : memref<16x128xf32, #tpu.memory_space<vmem>>) dst(%dma_wait3A_2475 : memref<520x128xf32, #tpu.memory_space<vmem_shared>>)
          tpu.yield
        }) : () -> ()
      } else {
      }
      %eq3A_1183 = arith.constant 0 : i32
      %eq3A_1184 = arith.cmpi eq, %min3A_1178, %eq3A_1183 : i32
      %convert_element_type3A_1185 = arith.extui %eq3A_1184 : i1 to i32
      %cond3A_1186 = arith.constant 0 : i32
      %cond3A_1187 = arith.cmpi ne, %convert_element_type3A_1185, %cond3A_1186 : i32
      scf.if %cond3A_1187 {
        %scan3A_2306 = arith.constant 0 : i32
        %scan3A_2307 = arith.constant 0 : i32
        %scan3A_2308 = arith.constant 32 : i32
        %scan3A_2309 = arith.addi %scan3A_2307, %scan3A_2308 : i32
        %scan3A_2310 = arith.constant 1 : i32
        scf.for %scan3A_2312 = %scan3A_2307 to %scan3A_2309 step %scan3A_2310  : i32 {
          %mul3A_2313 = arith.constant 4 : i32
          %mul3A_2314 = arith.muli %scan3A_2312, %mul3A_2313 : i32
          %add3A_2315 = arith.constant 0 : i32
          %add3A_2316 = arith.addi %mul3A_2314, %add3A_2315 : i32
          %get3A = arith.index_cast %add3A_2316 : i32 to index
          %get3A_2317 = arith.constant 0 : index
          %get3A_2318 = tpu.vector_load %arg11[%get3A, %get3A_2317] {strides = array<i32>} : memref<128x32xf32, #tpu.memory_space<vmem>>, vector<16xf32>,
          %swap3A_2319 = arith.index_cast %add3A_2316 : i32 to index
          %swap3A_2320 = arith.constant 0 : index
          %swap3A_2321 = tpu.vector_load %arg13[%swap3A_2319, %swap3A_2320] {strides = array<i32>} : memref<128x128xf32, #tpu.memory_space<vmem>>, vector<16xf32>,
          tpu.vector_store %arg13[%swap3A_2319, %swap3A_2320], %get3A_2318 {strides = array<i32>} : memref<128x128xf32, #tpu.memory_space<vmem>>, vector<16xf32>,
          %get3A_2322 = arith.index_cast %add3A_2316 : i32 to index
          %get3A_2323 = arith.constant 16 : index
          %get3A_2324 = tpu.vector_load %arg11[%get3A_2322, %get3A_2323] {strides = array<i32>} : memref<128x32xf32, #tpu.memory_space<vmem>>, vector<16xf32>,
          %swap3A_2325 = arith.index_cast %add3A_2316 : i32 to index
          %swap3A_2326 = arith.constant 16 : index
          %swap3A_2327 = tpu.vector_load %arg13[%swap3A_2325, %swap3A_2326] {strides = array<i32>} : memref<128x128xf32, #tpu.memory_space<vmem>>, vector<16xf32>,
          tpu.vector_store %arg13[%swap3A_2325, %swap3A_2326], %get3A_2324 {strides = array<i32>} : memref<128x128xf32, #tpu.memory_space<vmem>>, vector<16xf32>,
          %mul3A_2328 = arith.constant 4 : i32
          %mul3A_2329 = arith.muli %scan3A_2312, %mul3A_2328 : i32
          %add3A_2330 = arith.constant 1 : i32
          %add3A_2331 = arith.addi %mul3A_2329, %add3A_2330 : i32
          %get3A_2332 = arith.index_cast %add3A_2331 : i32 to index
          %get3A_2333 = arith.constant 0 : index
          %get3A_2334 = tpu.vector_load %arg11[%get3A_2332, %get3A_2333] {strides = array<i32>} : memref<128x32xf32, #tpu.memory_space<vmem>>, vector<16xf32>,
          %swap3A_2335 = arith.index_cast %add3A_2331 : i32 to index
          %swap3A_2336 = arith.constant 0 : index
          %swap3A_2337 = tpu.vector_load %arg13[%swap3A_2335, %swap3A_2336] {strides = array<i32>} : memref<128x128xf32, #tpu.memory_space<vmem>>, vector<16xf32>,
          tpu.vector_store %arg13[%swap3A_2335, %swap3A_2336], %get3A_2334 {strides = array<i32>} : memref<128x128xf32, #tpu.memory_space<vmem>>, vector<16xf32>,
          %get3A_2338 = arith.index_cast %add3A_2331 : i32 to index
          %get3A_2339 = arith.constant 16 : index
          %get3A_2340 = tpu.vector_load %arg11[%get3A_2338, %get3A_2339] {strides = array<i32>} : memref<128x32xf32, #tpu.memory_space<vmem>>, vector<16xf32>,
          %swap3A_2341 = arith.index_cast %add3A_2331 : i32 to index
          %swap3A_2342 = arith.constant 16 : index
          %swap3A_2343 = tpu.vector_load %arg13[%swap3A_2341, %swap3A_2342] {strides = array<i32>} : memref<128x128xf32, #tpu.memory_space<vmem>>, vector<16xf32>,
          tpu.vector_store %arg13[%swap3A_2341, %swap3A_2342], %get3A_2340 {strides = array<i32>} : memref<128x128xf32, #tpu.memory_space<vmem>>, vector<16xf32>,
          %mul3A_2344 = arith.constant 4 : i32
          %mul3A_2345 = arith.muli %scan3A_2312, %mul3A_2344 : i32
          %add3A_2346 = arith.constant 2 : i32
          %add3A_2347 = arith.addi %mul3A_2345, %add3A_2346 : i32
          %get3A_2348 = arith.index_cast %add3A_2347 : i32 to index
          %get3A_2349 = arith.constant 0 : index
          %get3A_2350 = tpu.vector_load %arg11[%get3A_2348, %get3A_2349] {strides = array<i32>} : memref<128x32xf32, #tpu.memory_space<vmem>>, vector<16xf32>,
          %swap3A_2351 = arith.index_cast %add3A_2347 : i32 to index
          %swap3A_2352 = arith.constant 0 : index
          %swap3A_2353 = tpu.vector_load %arg13[%swap3A_2351, %swap3A_2352] {strides = array<i32>} : memref<128x128xf32, #tpu.memory_space<vmem>>, vector<16xf32>,
          tpu.vector_store %arg13[%swap3A_2351, %swap3A_2352], %get3A_2350 {strides = array<i32>} : memref<128x128xf32, #tpu.memory_space<vmem>>, vector<16xf32>,
          %get3A_2354 = arith.index_cast %add3A_2347 : i32 to index
          %get3A_2355 = arith.constant 16 : index
          %get3A_2356 = tpu.vector_load %arg11[%get3A_2354, %get3A_2355] {strides = array<i32>} : memref<128x32xf32, #tpu.memory_space<vmem>>, vector<16xf32>,
          %swap3A_2357 = arith.index_cast %add3A_2347 : i32 to index
          %swap3A_2358 = arith.constant 16 : index
          %swap3A_2359 = tpu.vector_load %arg13[%swap3A_2357, %swap3A_2358] {strides = array<i32>} : memref<128x128xf32, #tpu.memory_space<vmem>>, vector<16xf32>,
          tpu.vector_store %arg13[%swap3A_2357, %swap3A_2358], %get3A_2356 {strides = array<i32>} : memref<128x128xf32, #tpu.memory_space<vmem>>, vector<16xf32>,
          %mul3A_2360 = arith.constant 4 : i32
          %mul3A_2361 = arith.muli %scan3A_2312, %mul3A_2360 : i32
          %add3A_2362 = arith.constant 3 : i32
          %add3A_2363 = arith.addi %mul3A_2361, %add3A_2362 : i32
          %get3A_2364 = arith.index_cast %add3A_2363 : i32 to index
          %get3A_2365 = arith.constant 0 : index
          %get3A_2366 = tpu.vector_load %arg11[%get3A_2364, %get3A_2365] {strides = array<i32>} : memref<128x32xf32, #tpu.memory_space<vmem>>, vector<16xf32>,
          %swap3A_2367 = arith.index_cast %add3A_2363 : i32 to index
          %swap3A_2368 = arith.constant 0 : index
          %swap3A_2369 = tpu.vector_load %arg13[%swap3A_2367, %swap3A_2368] {strides = array<i32>} : memref<128x128xf32, #tpu.memory_space<vmem>>, vector<16xf32>,
          tpu.vector_store %arg13[%swap3A_2367, %swap3A_2368], %get3A_2366 {strides = array<i32>} : memref<128x128xf32, #tpu.memory_space<vmem>>, vector<16xf32>,
          %get3A_2370 = arith.index_cast %add3A_2363 : i32 to index
          %get3A_2371 = arith.constant 16 : index
          %get3A_2372 = tpu.vector_load %arg11[%get3A_2370, %get3A_2371] {strides = array<i32>} : memref<128x32xf32, #tpu.memory_space<vmem>>, vector<16xf32>,
          %swap3A_2373 = arith.index_cast %add3A_2363 : i32 to index
          %swap3A_2374 = arith.constant 16 : index
          %swap3A_2375 = tpu.vector_load %arg13[%swap3A_2373, %swap3A_2374] {strides = array<i32>} : memref<128x128xf32, #tpu.memory_space<vmem>>, vector<16xf32>,
          tpu.vector_store %arg13[%swap3A_2373, %swap3A_2374], %get3A_2372 {strides = array<i32>} : memref<128x128xf32, #tpu.memory_space<vmem>>, vector<16xf32>,
        }
        %scan3A_2311 = arith.constant 32 : i32
        "tpu.region"() ({
          %run_scoped3A = tpu.sem_alloc : memref<!tpu.dma_semaphore, #tpu.memory_space<semaphore_mem>>
          %dma_start3A_2312 = arith.constant 0 : i32
          %dma_start3A_2313 = arith.constant 0 : i32
          %dma_start3A_2314 = tpu.memref_slice %arg20[%dma_start3A_2312, %dma_start3A_2313] : memref<520x128xf32, #tpu.memory_space<vmem_shared>> -> memref<520x128xf32, #tpu.memory_space<vmem_shared>>
          tpu.enqueue_indirect_dma source(%arg9 : memref<128x128xf32, #tpu.memory_space<vmem>>) target(%dma_start3A_2314 : memref<520x128xf32, #tpu.memory_space<vmem_shared>>) offsets(%arg15 : memref<128xi32, #tpu.memory_space<vmem>>) semaphore(%run_scoped3A : memref<!tpu.dma_semaphore, #tpu.memory_space<semaphore_mem>>) {add = true}
          %dma_wait3A_2315 = arith.constant 0 : i32
          %dma_wait3A_2316 = arith.constant 0 : i32
          %dma_wait3A_2317 = tpu.memref_slice %arg20[%dma_wait3A_2315, %dma_wait3A_2316] : memref<520x128xf32, #tpu.memory_space<vmem_shared>> -> memref<520x128xf32, #tpu.memory_space<vmem_shared>>
          tpu.wait_indirect_dma semaphore(%run_scoped3A : memref<!tpu.dma_semaphore, #tpu.memory_space<semaphore_mem>>) src(%arg9 : memref<128x128xf32, #tpu.memory_space<vmem>>) dst(%dma_wait3A_2317 : memref<520x128xf32, #tpu.memory_space<vmem_shared>>)
          tpu.yield
        }) : () -> ()
        "tpu.region"() ({
          %run_scoped3A = tpu.sem_alloc : memref<!tpu.dma_semaphore, #tpu.memory_space<semaphore_mem>>
          %dma_start3A_2312 = arith.constant 0 : i32
          %dma_start3A_2313 = arith.constant 0 : i32
          %dma_start3A_2314 = tpu.memref_slice %arg21[%dma_start3A_2312, %dma_start3A_2313] : memref<520x128xf32, #tpu.memory_space<vmem_shared>> -> memref<520x128xf32, #tpu.memory_space<vmem_shared>>
          tpu.enqueue_indirect_dma source(%arg13 : memref<128x128xf32, #tpu.memory_space<vmem>>) target(%dma_start3A_2314 : memref<520x128xf32, #tpu.memory_space<vmem_shared>>) offsets(%arg15 : memref<128xi32, #tpu.memory_space<vmem>>) semaphore(%run_scoped3A : memref<!tpu.dma_semaphore, #tpu.memory_space<semaphore_mem>>) {add = true}
          %dma_wait3A_2315 = arith.constant 0 : i32
          %dma_wait3A_2316 = arith.constant 0 : i32
          %dma_wait3A_2317 = tpu.memref_slice %arg21[%dma_wait3A_2315, %dma_wait3A_2316] : memref<520x128xf32, #tpu.memory_space<vmem_shared>> -> memref<520x128xf32, #tpu.memory_space<vmem_shared>>
          tpu.wait_indirect_dma semaphore(%run_scoped3A : memref<!tpu.dma_semaphore, #tpu.memory_space<semaphore_mem>>) src(%arg13 : memref<128x128xf32, #tpu.memory_space<vmem>>) dst(%dma_wait3A_2317 : memref<520x128xf32, #tpu.memory_space<vmem_shared>>)
          tpu.yield
        }) : () -> ()
      } else {
      }
      %add3A_1188 = arith.constant 2 : i32
      %add3A_1189 = arith.addi %add3A_119, %add3A_1188 : i32
      %mul3A_1190 = arith.constant 128 : i32
      %mul3A_1191 = arith.muli %add3A_1189, %mul3A_1190 : i32
      %add3A_1192 = arith.addi %mul3A_20, %mul3A_1191 : i32
      %min3A_1193 = arith.constant 99872 : i32
      %min3A_1194 = arith.minsi %add3A_1192, %min3A_1193 : i32
      %multiple_of3A_1195 = tpu.assume_multiple %min3A_1194, 8 : i32
      %dma_start3A_1196 = arith.constant 0 : i32
      %dma_start3A_1197 = tpu.memref_slice %arg2[%multiple_of3A_1195, %dma_start3A_1196] : memref<100000x128xf32, #tpu.memory_space<hbm>> -> memref<128x128xf32, #tpu.memory_space<hbm>>
      %dma_start3A_1198 = arith.constant 0 : i32
      %dma_start3A_1199 = tpu.memref_slice %arg2[%multiple_of3A_1195, %dma_start3A_1198] : memref<100000x128xf32, #tpu.memory_space<hbm>> -> memref<128x128xf32, #tpu.memory_space<hbm>>
      tpu.enqueue_dma source(%dma_start3A_1199 : memref<128x128xf32, #tpu.memory_space<hbm>>) target(%arg9 : memref<128x128xf32, #tpu.memory_space<vmem>>) target_semaphore(%arg22 : memref<!tpu.dma_semaphore, #tpu.memory_space<semaphore_mem>>)
      %dma_start3A_1200 = arith.constant 0 : i32
      %dma_start3A_1201 = tpu.memref_slice %arg3[%multiple_of3A_1195, %dma_start3A_1200] : memref<100000x32xf32, #tpu.memory_space<hbm>> -> memref<128x32xf32, #tpu.memory_space<hbm>>
      %dma_start3A_1202 = arith.constant 0 : i32
      %dma_start3A_1203 = tpu.memref_slice %arg3[%multiple_of3A_1195, %dma_start3A_1202] : memref<100000x32xf32, #tpu.memory_space<hbm>> -> memref<128x32xf32, #tpu.memory_space<hbm>>
      tpu.enqueue_dma source(%dma_start3A_1203 : memref<128x32xf32, #tpu.memory_space<hbm>>) target(%arg11 : memref<128x32xf32, #tpu.memory_space<vmem>>) target_semaphore(%arg22 : memref<!tpu.dma_semaphore, #tpu.memory_space<semaphore_mem>>)
      %mul3A_1204 = arith.constant 2 : i32
      %mul3A_1205 = arith.muli %mul3A_1204, %scan3A_115 : i32
      %add3A_1206 = arith.constant 1 : i32
      %add3A_1207 = arith.addi %mul3A_1205, %add3A_1206 : i32
      %dma_wait3A_1208 = arith.constant 0 : i32
      %dma_wait3A_1209 = arith.constant 0 : i32
      %dma_wait3A_1210 = tpu.memref_slice %arg2[%dma_wait3A_1208, %dma_wait3A_1209] : memref<100000x128xf32, #tpu.memory_space<hbm>> -> memref<128x128xf32, #tpu.memory_space<hbm>>
      %dma_wait3A_1211 = arith.constant 0 : i32
      %dma_wait3A_1212 = arith.constant 0 : i32
      %dma_wait3A_1213 = tpu.memref_slice %arg2[%dma_wait3A_1211, %dma_wait3A_1212] : memref<100000x128xf32, #tpu.memory_space<hbm>> -> memref<128x128xf32, #tpu.memory_space<hbm>>
      tpu.wait_dma2 semaphore(%arg23 : memref<!tpu.dma_semaphore, #tpu.memory_space<semaphore_mem>>) src(%dma_wait3A_1213 : memref<128x128xf32, #tpu.memory_space<hbm>>) dst(%arg10 : memref<128x128xf32, #tpu.memory_space<vmem>>)
      %dma_wait3A_1214 = arith.constant 0 : i32
      %dma_wait3A_1215 = arith.constant 0 : i32
      %dma_wait3A_1216 = tpu.memref_slice %arg3[%dma_wait3A_1214, %dma_wait3A_1215] : memref<100000x32xf32, #tpu.memory_space<hbm>> -> memref<128x32xf32, #tpu.memory_space<hbm>>
      %dma_wait3A_1217 = arith.constant 0 : i32
      %dma_wait3A_1218 = arith.constant 0 : i32
      %dma_wait3A_1219 = tpu.memref_slice %arg3[%dma_wait3A_1217, %dma_wait3A_1218] : memref<100000x32xf32, #tpu.memory_space<hbm>> -> memref<128x32xf32, #tpu.memory_space<hbm>>
      tpu.wait_dma2 semaphore(%arg23 : memref<!tpu.dma_semaphore, #tpu.memory_space<semaphore_mem>>) src(%dma_wait3A_1219 : memref<128x32xf32, #tpu.memory_space<hbm>>) dst(%arg12 : memref<128x32xf32, #tpu.memory_space<vmem>>)
      %mul3A_1220 = arith.constant 128 : i32
      %mul3A_1221 = arith.muli %add3A_1207, %mul3A_1220 : i32
      %add3A_1222 = arith.addi %mul3A_20, %mul3A_1221 : i32
      %mul3A_1223 = arith.constant 128 : i32
      %mul3A_1224 = arith.muli %add3A_1207, %mul3A_1223 : i32
      %add3A_1225 = arith.addi %mul3A_20, %mul3A_1224 : i32
      %min3A_1226 = arith.constant 99872 : i32
      %min3A_1227 = arith.minsi %add3A_1225, %min3A_1226 : i32
      %multiple_of3A_1228 = tpu.assume_multiple %min3A_1227, 8 : i32
      %add3A_1229 = arith.constant 0 : i32
      %add3A_1230 = arith.addi %multiple_of3A_1228, %add3A_1229 : i32
      %add3A_1231 = vector.broadcast %add3A_1230 : i32 to vector<16xi32>
      %add3A_1232 = arith.addi %add3A_1231, %iota3A : vector<16xi32>
      %broadcast_in_dim3A_1233 = arith.constant 0 : i32
      %broadcast_in_dim3A_1234 = vector.broadcast %broadcast_in_dim3A_1233 : i32 to vector<16xi32>
      %broadcast_in_dim3A_1235 = arith.constant 513 : i32
      %broadcast_in_dim3A_1236 = vector.broadcast %broadcast_in_dim3A_1235 : i32 to vector<16xi32>
      %add3A_1237 = arith.addi %broadcast_in_dim3A_1234, %broadcast_in_dim3A_1236 : vector<16xi32>
      %shift_right_arithmetic3A_1238 = arith.constant 1 : i32
      %shift_right_arithmetic3A_1239 = vector.broadcast %shift_right_arithmetic3A_1238 : i32 to vector<16xi32>
      %shift_right_arithmetic3A_1240 = arith.shrsi %add3A_1237, %shift_right_arithmetic3A_1239 : vector<16xi32>
      %gather3A_1241 = tpu.vector_load_idx %arg8[%shift_right_arithmetic3A_1240] : memref<528xi32, #tpu.memory_space<vmem>>[vector<16xi32>], vector<16xi32>,
      %le3A_1242 = arith.cmpi sle, %gather3A_1241, %add3A_1232 : vector<16xi32>
      %select_n3A_1243 = arith.select %le3A_1242, %shift_right_arithmetic3A_1240, %broadcast_in_dim3A_1234 : vector<16xi1>, vector<16xi32>
      %select_n3A_1244 = arith.select %le3A_1242, %broadcast_in_dim3A_1236, %shift_right_arithmetic3A_1240 : vector<16xi1>, vector<16xi32>
      %add3A_1245 = arith.addi %select_n3A_1243, %select_n3A_1244 : vector<16xi32>
      %shift_right_arithmetic3A_1246 = arith.constant 1 : i32
      %shift_right_arithmetic3A_1247 = vector.broadcast %shift_right_arithmetic3A_1246 : i32 to vector<16xi32>
      %shift_right_arithmetic3A_1248 = arith.shrsi %add3A_1245, %shift_right_arithmetic3A_1247 : vector<16xi32>
      %gather3A_1249 = tpu.vector_load_idx %arg8[%shift_right_arithmetic3A_1248] : memref<528xi32, #tpu.memory_space<vmem>>[vector<16xi32>], vector<16xi32>,
      %le3A_1250 = arith.cmpi sle, %gather3A_1249, %add3A_1232 : vector<16xi32>
      %select_n3A_1251 = arith.select %le3A_1250, %shift_right_arithmetic3A_1248, %select_n3A_1243 : vector<16xi1>, vector<16xi32>
      %select_n3A_1252 = arith.select %le3A_1250, %select_n3A_1244, %shift_right_arithmetic3A_1248 : vector<16xi1>, vector<16xi32>
      %add3A_1253 = arith.addi %select_n3A_1251, %select_n3A_1252 : vector<16xi32>
      %shift_right_arithmetic3A_1254 = arith.constant 1 : i32
      %shift_right_arithmetic3A_1255 = vector.broadcast %shift_right_arithmetic3A_1254 : i32 to vector<16xi32>
      %shift_right_arithmetic3A_1256 = arith.shrsi %add3A_1253, %shift_right_arithmetic3A_1255 : vector<16xi32>
      %gather3A_1257 = tpu.vector_load_idx %arg8[%shift_right_arithmetic3A_1256] : memref<528xi32, #tpu.memory_space<vmem>>[vector<16xi32>], vector<16xi32>,
      %le3A_1258 = arith.cmpi sle, %gather3A_1257, %add3A_1232 : vector<16xi32>
      %select_n3A_1259 = arith.select %le3A_1258, %shift_right_arithmetic3A_1256, %select_n3A_1251 : vector<16xi1>, vector<16xi32>
      %select_n3A_1260 = arith.select %le3A_1258, %select_n3A_1252, %shift_right_arithmetic3A_1256 : vector<16xi1>, vector<16xi32>
      %add3A_1261 = arith.addi %select_n3A_1259, %select_n3A_1260 : vector<16xi32>
      %shift_right_arithmetic3A_1262 = arith.constant 1 : i32
      %shift_right_arithmetic3A_1263 = vector.broadcast %shift_right_arithmetic3A_1262 : i32 to vector<16xi32>
      %shift_right_arithmetic3A_1264 = arith.shrsi %add3A_1261, %shift_right_arithmetic3A_1263 : vector<16xi32>
      %gather3A_1265 = tpu.vector_load_idx %arg8[%shift_right_arithmetic3A_1264] : memref<528xi32, #tpu.memory_space<vmem>>[vector<16xi32>], vector<16xi32>,
      %le3A_1266 = arith.cmpi sle, %gather3A_1265, %add3A_1232 : vector<16xi32>
      %select_n3A_1267 = arith.select %le3A_1266, %shift_right_arithmetic3A_1264, %select_n3A_1259 : vector<16xi1>, vector<16xi32>
      %select_n3A_1268 = arith.select %le3A_1266, %select_n3A_1260, %shift_right_arithmetic3A_1264 : vector<16xi1>, vector<16xi32>
      %add3A_1269 = arith.addi %select_n3A_1267, %select_n3A_1268 : vector<16xi32>
      %shift_right_arithmetic3A_1270 = arith.constant 1 : i32
      %shift_right_arithmetic3A_1271 = vector.broadcast %shift_right_arithmetic3A_1270 : i32 to vector<16xi32>
      %shift_right_arithmetic3A_1272 = arith.shrsi %add3A_1269, %shift_right_arithmetic3A_1271 : vector<16xi32>
      %gather3A_1273 = tpu.vector_load_idx %arg8[%shift_right_arithmetic3A_1272] : memref<528xi32, #tpu.memory_space<vmem>>[vector<16xi32>], vector<16xi32>,
      %le3A_1274 = arith.cmpi sle, %gather3A_1273, %add3A_1232 : vector<16xi32>
      %select_n3A_1275 = arith.select %le3A_1274, %shift_right_arithmetic3A_1272, %select_n3A_1267 : vector<16xi1>, vector<16xi32>
      %select_n3A_1276 = arith.select %le3A_1274, %select_n3A_1268, %shift_right_arithmetic3A_1272 : vector<16xi1>, vector<16xi32>
      %add3A_1277 = arith.addi %select_n3A_1275, %select_n3A_1276 : vector<16xi32>
      %shift_right_arithmetic3A_1278 = arith.constant 1 : i32
      %shift_right_arithmetic3A_1279 = vector.broadcast %shift_right_arithmetic3A_1278 : i32 to vector<16xi32>
      %shift_right_arithmetic3A_1280 = arith.shrsi %add3A_1277, %shift_right_arithmetic3A_1279 : vector<16xi32>
      %gather3A_1281 = tpu.vector_load_idx %arg8[%shift_right_arithmetic3A_1280] : memref<528xi32, #tpu.memory_space<vmem>>[vector<16xi32>], vector<16xi32>,
      %le3A_1282 = arith.cmpi sle, %gather3A_1281, %add3A_1232 : vector<16xi32>
      %select_n3A_1283 = arith.select %le3A_1282, %shift_right_arithmetic3A_1280, %select_n3A_1275 : vector<16xi1>, vector<16xi32>
      %select_n3A_1284 = arith.select %le3A_1282, %select_n3A_1276, %shift_right_arithmetic3A_1280 : vector<16xi1>, vector<16xi32>
      %add3A_1285 = arith.addi %select_n3A_1283, %select_n3A_1284 : vector<16xi32>
      %shift_right_arithmetic3A_1286 = arith.constant 1 : i32
      %shift_right_arithmetic3A_1287 = vector.broadcast %shift_right_arithmetic3A_1286 : i32 to vector<16xi32>
      %shift_right_arithmetic3A_1288 = arith.shrsi %add3A_1285, %shift_right_arithmetic3A_1287 : vector<16xi32>
      %gather3A_1289 = tpu.vector_load_idx %arg8[%shift_right_arithmetic3A_1288] : memref<528xi32, #tpu.memory_space<vmem>>[vector<16xi32>], vector<16xi32>,
      %le3A_1290 = arith.cmpi sle, %gather3A_1289, %add3A_1232 : vector<16xi32>
      %select_n3A_1291 = arith.select %le3A_1290, %shift_right_arithmetic3A_1288, %select_n3A_1283 : vector<16xi1>, vector<16xi32>
      %select_n3A_1292 = arith.select %le3A_1290, %select_n3A_1284, %shift_right_arithmetic3A_1288 : vector<16xi1>, vector<16xi32>
      %add3A_1293 = arith.addi %select_n3A_1291, %select_n3A_1292 : vector<16xi32>
      %shift_right_arithmetic3A_1294 = arith.constant 1 : i32
      %shift_right_arithmetic3A_1295 = vector.broadcast %shift_right_arithmetic3A_1294 : i32 to vector<16xi32>
      %shift_right_arithmetic3A_1296 = arith.shrsi %add3A_1293, %shift_right_arithmetic3A_1295 : vector<16xi32>
      %gather3A_1297 = tpu.vector_load_idx %arg8[%shift_right_arithmetic3A_1296] : memref<528xi32, #tpu.memory_space<vmem>>[vector<16xi32>], vector<16xi32>,
      %le3A_1298 = arith.cmpi sle, %gather3A_1297, %add3A_1232 : vector<16xi32>
      %select_n3A_1299 = arith.select %le3A_1298, %shift_right_arithmetic3A_1296, %select_n3A_1291 : vector<16xi1>, vector<16xi32>
      %select_n3A_1300 = arith.select %le3A_1298, %select_n3A_1292, %shift_right_arithmetic3A_1296 : vector<16xi1>, vector<16xi32>
      %add3A_1301 = arith.addi %select_n3A_1299, %select_n3A_1300 : vector<16xi32>
      %shift_right_arithmetic3A_1302 = arith.constant 1 : i32
      %shift_right_arithmetic3A_1303 = vector.broadcast %shift_right_arithmetic3A_1302 : i32 to vector<16xi32>
      %shift_right_arithmetic3A_1304 = arith.shrsi %add3A_1301, %shift_right_arithmetic3A_1303 : vector<16xi32>
      %gather3A_1305 = tpu.vector_load_idx %arg8[%shift_right_arithmetic3A_1304] : memref<528xi32, #tpu.memory_space<vmem>>[vector<16xi32>], vector<16xi32>,
      %le3A_1306 = arith.cmpi sle, %gather3A_1305, %add3A_1232 : vector<16xi32>
      %select_n3A_1307 = arith.select %le3A_1306, %shift_right_arithmetic3A_1304, %select_n3A_1299 : vector<16xi1>, vector<16xi32>
      %select_n3A_1308 = arith.select %le3A_1306, %select_n3A_1300, %shift_right_arithmetic3A_1304 : vector<16xi1>, vector<16xi32>
      %add3A_1309 = arith.addi %select_n3A_1307, %select_n3A_1308 : vector<16xi32>
      %shift_right_arithmetic3A_1310 = arith.constant 1 : i32
      %shift_right_arithmetic3A_1311 = vector.broadcast %shift_right_arithmetic3A_1310 : i32 to vector<16xi32>
      %shift_right_arithmetic3A_1312 = arith.shrsi %add3A_1309, %shift_right_arithmetic3A_1311 : vector<16xi32>
      %gather3A_1313 = tpu.vector_load_idx %arg8[%shift_right_arithmetic3A_1312] : memref<528xi32, #tpu.memory_space<vmem>>[vector<16xi32>], vector<16xi32>,
      %le3A_1314 = arith.cmpi sle, %gather3A_1313, %add3A_1232 : vector<16xi32>
      %select_n3A_1315 = arith.select %le3A_1314, %shift_right_arithmetic3A_1312, %select_n3A_1307 : vector<16xi1>, vector<16xi32>
      %select_n3A_1316 = arith.select %le3A_1314, %select_n3A_1308, %shift_right_arithmetic3A_1312 : vector<16xi1>, vector<16xi32>
      %ge3A_1317 = vector.broadcast %add3A_1222 : i32 to vector<16xi32>
      %ge3A_1318 = arith.cmpi sge, %add3A_1232, %ge3A_1317 : vector<16xi32>
      %lt3A_1319 = vector.broadcast %mul3A_50 : i32 to vector<16xi32>
      %lt3A_1320 = arith.cmpi slt, %add3A_1232, %lt3A_1319 : vector<16xi32>
      %and3A_1321 = arith.andi %ge3A_1318, %lt3A_1320 : vector<16xi1>
      %jit3A_1322 = arith.constant 512 : i32
      %broadcast_in_dim3A_1323 = vector.broadcast %jit3A_1322 : i32 to vector<16xi32>
      %select_n3A_1324 = arith.select %and3A_1321, %select_n3A_1315, %broadcast_in_dim3A_1323 : vector<16xi1>, vector<16xi32>
      %swap3A_1325 = arith.constant 0 : index
      %swap3A_1326 = tpu.vector_load %arg16[%swap3A_1325] {strides = array<i32>} : memref<128xi32, #tpu.memory_space<vmem>>, vector<16xi32>,
      tpu.vector_store %arg16[%swap3A_1325], %select_n3A_1324 {strides = array<i32>} : memref<128xi32, #tpu.memory_space<vmem>>, vector<16xi32>,
      %reduce_max3A_1327 = arith.constant true
      %reduce_max3A_1328 = vector.broadcast %reduce_max3A_1327 : i1 to vector<16xi1>
      %reduce_max3A_1329 = arith.constant -2147483648 : i32
      %reduce_max3A_1330 = vector.broadcast %reduce_max3A_1329 : i32 to vector<16xi32>
      %reduce_max3A_1331 = arith.xori %select_n3A_1324, %reduce_max3A_1330 : vector<16xi32>
      %reduce_max3A_1332 = tpu.scan <max>, %reduce_max3A_1331 masked %reduce_max3A_1328 : vector<16xi32>, vector<16xi1> -> vector<16xi32>
      %reduce_max3A_1333 = arith.xori %reduce_max3A_1332, %reduce_max3A_1330 : vector<16xi32>
      %reduce_max3A_1334 = vector.extract %reduce_max3A_1333[15] : i32 from vector<16xi32>
      %max3A_1335 = arith.constant 0 : i32
      %max3A_1336 = arith.maxsi %max3A_1335, %reduce_max3A_1334 : i32
      %reduce_min3A_1337 = arith.constant true
      %reduce_min3A_1338 = vector.broadcast %reduce_min3A_1337 : i1 to vector<16xi1>
      %reduce_min3A_1339 = arith.constant -2147483648 : i32
      %reduce_min3A_1340 = vector.broadcast %reduce_min3A_1339 : i32 to vector<16xi32>
      %reduce_min3A_1341 = arith.xori %select_n3A_1324, %reduce_min3A_1340 : vector<16xi32>
      %reduce_min3A_1342 = tpu.scan <min>, %reduce_min3A_1341 masked %reduce_min3A_1338 : vector<16xi32>, vector<16xi1> -> vector<16xi32>
      %reduce_min3A_1343 = arith.xori %reduce_min3A_1342, %reduce_min3A_1340 : vector<16xi32>
      %reduce_min3A_1344 = vector.extract %reduce_min3A_1343[15] : i32 from vector<16xi32>
      %min3A_1345 = arith.constant 512 : i32
      %min3A_1346 = arith.minsi %min3A_1345, %reduce_min3A_1344 : i32
      %add3A_1347 = arith.constant 16 : i32
      %add3A_1348 = arith.addi %multiple_of3A_1228, %add3A_1347 : i32
      %add3A_1349 = vector.broadcast %add3A_1348 : i32 to vector<16xi32>
      %add3A_1350 = arith.addi %add3A_1349, %iota3A : vector<16xi32>
      %broadcast_in_dim3A_1351 = arith.constant 0 : i32
      %broadcast_in_dim3A_1352 = vector.broadcast %broadcast_in_dim3A_1351 : i32 to vector<16xi32>
      %broadcast_in_dim3A_1353 = arith.constant 513 : i32
      %broadcast_in_dim3A_1354 = vector.broadcast %broadcast_in_dim3A_1353 : i32 to vector<16xi32>
      %add3A_1355 = arith.addi %broadcast_in_dim3A_1352, %broadcast_in_dim3A_1354 : vector<16xi32>
      %shift_right_arithmetic3A_1356 = arith.constant 1 : i32
      %shift_right_arithmetic3A_1357 = vector.broadcast %shift_right_arithmetic3A_1356 : i32 to vector<16xi32>
      %shift_right_arithmetic3A_1358 = arith.shrsi %add3A_1355, %shift_right_arithmetic3A_1357 : vector<16xi32>
      %gather3A_1359 = tpu.vector_load_idx %arg8[%shift_right_arithmetic3A_1358] : memref<528xi32, #tpu.memory_space<vmem>>[vector<16xi32>], vector<16xi32>,
      %le3A_1360 = arith.cmpi sle, %gather3A_1359, %add3A_1350 : vector<16xi32>
      %select_n3A_1361 = arith.select %le3A_1360, %shift_right_arithmetic3A_1358, %broadcast_in_dim3A_1352 : vector<16xi1>, vector<16xi32>
      %select_n3A_1362 = arith.select %le3A_1360, %broadcast_in_dim3A_1354, %shift_right_arithmetic3A_1358 : vector<16xi1>, vector<16xi32>
      %add3A_1363 = arith.addi %select_n3A_1361, %select_n3A_1362 : vector<16xi32>
      %shift_right_arithmetic3A_1364 = arith.constant 1 : i32
      %shift_right_arithmetic3A_1365 = vector.broadcast %shift_right_arithmetic3A_1364 : i32 to vector<16xi32>
      %shift_right_arithmetic3A_1366 = arith.shrsi %add3A_1363, %shift_right_arithmetic3A_1365 : vector<16xi32>
      %gather3A_1367 = tpu.vector_load_idx %arg8[%shift_right_arithmetic3A_1366] : memref<528xi32, #tpu.memory_space<vmem>>[vector<16xi32>], vector<16xi32>,
      %le3A_1368 = arith.cmpi sle, %gather3A_1367, %add3A_1350 : vector<16xi32>
      %select_n3A_1369 = arith.select %le3A_1368, %shift_right_arithmetic3A_1366, %select_n3A_1361 : vector<16xi1>, vector<16xi32>
      %select_n3A_1370 = arith.select %le3A_1368, %select_n3A_1362, %shift_right_arithmetic3A_1366 : vector<16xi1>, vector<16xi32>
      %add3A_1371 = arith.addi %select_n3A_1369, %select_n3A_1370 : vector<16xi32>
      %shift_right_arithmetic3A_1372 = arith.constant 1 : i32
      %shift_right_arithmetic3A_1373 = vector.broadcast %shift_right_arithmetic3A_1372 : i32 to vector<16xi32>
      %shift_right_arithmetic3A_1374 = arith.shrsi %add3A_1371, %shift_right_arithmetic3A_1373 : vector<16xi32>
      %gather3A_1375 = tpu.vector_load_idx %arg8[%shift_right_arithmetic3A_1374] : memref<528xi32, #tpu.memory_space<vmem>>[vector<16xi32>], vector<16xi32>,
      %le3A_1376 = arith.cmpi sle, %gather3A_1375, %add3A_1350 : vector<16xi32>
      %select_n3A_1377 = arith.select %le3A_1376, %shift_right_arithmetic3A_1374, %select_n3A_1369 : vector<16xi1>, vector<16xi32>
      %select_n3A_1378 = arith.select %le3A_1376, %select_n3A_1370, %shift_right_arithmetic3A_1374 : vector<16xi1>, vector<16xi32>
      %add3A_1379 = arith.addi %select_n3A_1377, %select_n3A_1378 : vector<16xi32>
      %shift_right_arithmetic3A_1380 = arith.constant 1 : i32
      %shift_right_arithmetic3A_1381 = vector.broadcast %shift_right_arithmetic3A_1380 : i32 to vector<16xi32>
      %shift_right_arithmetic3A_1382 = arith.shrsi %add3A_1379, %shift_right_arithmetic3A_1381 : vector<16xi32>
      %gather3A_1383 = tpu.vector_load_idx %arg8[%shift_right_arithmetic3A_1382] : memref<528xi32, #tpu.memory_space<vmem>>[vector<16xi32>], vector<16xi32>,
      %le3A_1384 = arith.cmpi sle, %gather3A_1383, %add3A_1350 : vector<16xi32>
      %select_n3A_1385 = arith.select %le3A_1384, %shift_right_arithmetic3A_1382, %select_n3A_1377 : vector<16xi1>, vector<16xi32>
      %select_n3A_1386 = arith.select %le3A_1384, %select_n3A_1378, %shift_right_arithmetic3A_1382 : vector<16xi1>, vector<16xi32>
      %add3A_1387 = arith.addi %select_n3A_1385, %select_n3A_1386 : vector<16xi32>
      %shift_right_arithmetic3A_1388 = arith.constant 1 : i32
      %shift_right_arithmetic3A_1389 = vector.broadcast %shift_right_arithmetic3A_1388 : i32 to vector<16xi32>
      %shift_right_arithmetic3A_1390 = arith.shrsi %add3A_1387, %shift_right_arithmetic3A_1389 : vector<16xi32>
      %gather3A_1391 = tpu.vector_load_idx %arg8[%shift_right_arithmetic3A_1390] : memref<528xi32, #tpu.memory_space<vmem>>[vector<16xi32>], vector<16xi32>,
      %le3A_1392 = arith.cmpi sle, %gather3A_1391, %add3A_1350 : vector<16xi32>
      %select_n3A_1393 = arith.select %le3A_1392, %shift_right_arithmetic3A_1390, %select_n3A_1385 : vector<16xi1>, vector<16xi32>
      %select_n3A_1394 = arith.select %le3A_1392, %select_n3A_1386, %shift_right_arithmetic3A_1390 : vector<16xi1>, vector<16xi32>
      %add3A_1395 = arith.addi %select_n3A_1393, %select_n3A_1394 : vector<16xi32>
      %shift_right_arithmetic3A_1396 = arith.constant 1 : i32
      %shift_right_arithmetic3A_1397 = vector.broadcast %shift_right_arithmetic3A_1396 : i32 to vector<16xi32>
      %shift_right_arithmetic3A_1398 = arith.shrsi %add3A_1395, %shift_right_arithmetic3A_1397 : vector<16xi32>
      %gather3A_1399 = tpu.vector_load_idx %arg8[%shift_right_arithmetic3A_1398] : memref<528xi32, #tpu.memory_space<vmem>>[vector<16xi32>], vector<16xi32>,
      %le3A_1400 = arith.cmpi sle, %gather3A_1399, %add3A_1350 : vector<16xi32>
      %select_n3A_1401 = arith.select %le3A_1400, %shift_right_arithmetic3A_1398, %select_n3A_1393 : vector<16xi1>, vector<16xi32>
      %select_n3A_1402 = arith.select %le3A_1400, %select_n3A_1394, %shift_right_arithmetic3A_1398 : vector<16xi1>, vector<16xi32>
      %add3A_1403 = arith.addi %select_n3A_1401, %select_n3A_1402 : vector<16xi32>
      %shift_right_arithmetic3A_1404 = arith.constant 1 : i32
      %shift_right_arithmetic3A_1405 = vector.broadcast %shift_right_arithmetic3A_1404 : i32 to vector<16xi32>
      %shift_right_arithmetic3A_1406 = arith.shrsi %add3A_1403, %shift_right_arithmetic3A_1405 : vector<16xi32>
      %gather3A_1407 = tpu.vector_load_idx %arg8[%shift_right_arithmetic3A_1406] : memref<528xi32, #tpu.memory_space<vmem>>[vector<16xi32>], vector<16xi32>,
      %le3A_1408 = arith.cmpi sle, %gather3A_1407, %add3A_1350 : vector<16xi32>
      %select_n3A_1409 = arith.select %le3A_1408, %shift_right_arithmetic3A_1406, %select_n3A_1401 : vector<16xi1>, vector<16xi32>
      %select_n3A_1410 = arith.select %le3A_1408, %select_n3A_1402, %shift_right_arithmetic3A_1406 : vector<16xi1>, vector<16xi32>
      %add3A_1411 = arith.addi %select_n3A_1409, %select_n3A_1410 : vector<16xi32>
      %shift_right_arithmetic3A_1412 = arith.constant 1 : i32
      %shift_right_arithmetic3A_1413 = vector.broadcast %shift_right_arithmetic3A_1412 : i32 to vector<16xi32>
      %shift_right_arithmetic3A_1414 = arith.shrsi %add3A_1411, %shift_right_arithmetic3A_1413 : vector<16xi32>
      %gather3A_1415 = tpu.vector_load_idx %arg8[%shift_right_arithmetic3A_1414] : memref<528xi32, #tpu.memory_space<vmem>>[vector<16xi32>], vector<16xi32>,
      %le3A_1416 = arith.cmpi sle, %gather3A_1415, %add3A_1350 : vector<16xi32>
      %select_n3A_1417 = arith.select %le3A_1416, %shift_right_arithmetic3A_1414, %select_n3A_1409 : vector<16xi1>, vector<16xi32>
      %select_n3A_1418 = arith.select %le3A_1416, %select_n3A_1410, %shift_right_arithmetic3A_1414 : vector<16xi1>, vector<16xi32>
      %add3A_1419 = arith.addi %select_n3A_1417, %select_n3A_1418 : vector<16xi32>
      %shift_right_arithmetic3A_1420 = arith.constant 1 : i32
      %shift_right_arithmetic3A_1421 = vector.broadcast %shift_right_arithmetic3A_1420 : i32 to vector<16xi32>
      %shift_right_arithmetic3A_1422 = arith.shrsi %add3A_1419, %shift_right_arithmetic3A_1421 : vector<16xi32>
      %gather3A_1423 = tpu.vector_load_idx %arg8[%shift_right_arithmetic3A_1422] : memref<528xi32, #tpu.memory_space<vmem>>[vector<16xi32>], vector<16xi32>,
      %le3A_1424 = arith.cmpi sle, %gather3A_1423, %add3A_1350 : vector<16xi32>
      %select_n3A_1425 = arith.select %le3A_1424, %shift_right_arithmetic3A_1422, %select_n3A_1417 : vector<16xi1>, vector<16xi32>
      %select_n3A_1426 = arith.select %le3A_1424, %select_n3A_1418, %shift_right_arithmetic3A_1422 : vector<16xi1>, vector<16xi32>
      %add3A_1427 = arith.addi %select_n3A_1425, %select_n3A_1426 : vector<16xi32>
      %shift_right_arithmetic3A_1428 = arith.constant 1 : i32
      %shift_right_arithmetic3A_1429 = vector.broadcast %shift_right_arithmetic3A_1428 : i32 to vector<16xi32>
      %shift_right_arithmetic3A_1430 = arith.shrsi %add3A_1427, %shift_right_arithmetic3A_1429 : vector<16xi32>
      %gather3A_1431 = tpu.vector_load_idx %arg8[%shift_right_arithmetic3A_1430] : memref<528xi32, #tpu.memory_space<vmem>>[vector<16xi32>], vector<16xi32>,
      %le3A_1432 = arith.cmpi sle, %gather3A_1431, %add3A_1350 : vector<16xi32>
      %select_n3A_1433 = arith.select %le3A_1432, %shift_right_arithmetic3A_1430, %select_n3A_1425 : vector<16xi1>, vector<16xi32>
      %select_n3A_1434 = arith.select %le3A_1432, %select_n3A_1426, %shift_right_arithmetic3A_1430 : vector<16xi1>, vector<16xi32>
      %ge3A_1435 = vector.broadcast %add3A_1222 : i32 to vector<16xi32>
      %ge3A_1436 = arith.cmpi sge, %add3A_1350, %ge3A_1435 : vector<16xi32>
      %lt3A_1437 = vector.broadcast %mul3A_50 : i32 to vector<16xi32>
      %lt3A_1438 = arith.cmpi slt, %add3A_1350, %lt3A_1437 : vector<16xi32>
      %and3A_1439 = arith.andi %ge3A_1436, %lt3A_1438 : vector<16xi1>
      %jit3A_1440 = arith.constant 512 : i32
      %broadcast_in_dim3A_1441 = vector.broadcast %jit3A_1440 : i32 to vector<16xi32>
      %select_n3A_1442 = arith.select %and3A_1439, %select_n3A_1433, %broadcast_in_dim3A_1441 : vector<16xi1>, vector<16xi32>
      %swap3A_1443 = arith.constant 16 : index
      %swap3A_1444 = tpu.vector_load %arg16[%swap3A_1443] {strides = array<i32>} : memref<128xi32, #tpu.memory_space<vmem>>, vector<16xi32>,
      tpu.vector_store %arg16[%swap3A_1443], %select_n3A_1442 {strides = array<i32>} : memref<128xi32, #tpu.memory_space<vmem>>, vector<16xi32>,
      %reduce_max3A_1445 = arith.constant true
      %reduce_max3A_1446 = vector.broadcast %reduce_max3A_1445 : i1 to vector<16xi1>
      %reduce_max3A_1447 = arith.constant -2147483648 : i32
      %reduce_max3A_1448 = vector.broadcast %reduce_max3A_1447 : i32 to vector<16xi32>
      %reduce_max3A_1449 = arith.xori %select_n3A_1442, %reduce_max3A_1448 : vector<16xi32>
      %reduce_max3A_1450 = tpu.scan <max>, %reduce_max3A_1449 masked %reduce_max3A_1446 : vector<16xi32>, vector<16xi1> -> vector<16xi32>
      %reduce_max3A_1451 = arith.xori %reduce_max3A_1450, %reduce_max3A_1448 : vector<16xi32>
      %reduce_max3A_1452 = vector.extract %reduce_max3A_1451[15] : i32 from vector<16xi32>
      %max3A_1453 = arith.maxsi %max3A_1336, %reduce_max3A_1452 : i32
      %reduce_min3A_1454 = arith.constant true
      %reduce_min3A_1455 = vector.broadcast %reduce_min3A_1454 : i1 to vector<16xi1>
      %reduce_min3A_1456 = arith.constant -2147483648 : i32
      %reduce_min3A_1457 = vector.broadcast %reduce_min3A_1456 : i32 to vector<16xi32>
      %reduce_min3A_1458 = arith.xori %select_n3A_1442, %reduce_min3A_1457 : vector<16xi32>
      %reduce_min3A_1459 = tpu.scan <min>, %reduce_min3A_1458 masked %reduce_min3A_1455 : vector<16xi32>, vector<16xi1> -> vector<16xi32>
      %reduce_min3A_1460 = arith.xori %reduce_min3A_1459, %reduce_min3A_1457 : vector<16xi32>
      %reduce_min3A_1461 = vector.extract %reduce_min3A_1460[15] : i32 from vector<16xi32>
      %min3A_1462 = arith.minsi %min3A_1346, %reduce_min3A_1461 : i32
      %add3A_1463 = arith.constant 32 : i32
      %add3A_1464 = arith.addi %multiple_of3A_1228, %add3A_1463 : i32
      %add3A_1465 = vector.broadcast %add3A_1464 : i32 to vector<16xi32>
      %add3A_1466 = arith.addi %add3A_1465, %iota3A : vector<16xi32>
      %broadcast_in_dim3A_1467 = arith.constant 0 : i32
      %broadcast_in_dim3A_1468 = vector.broadcast %broadcast_in_dim3A_1467 : i32 to vector<16xi32>
      %broadcast_in_dim3A_1469 = arith.constant 513 : i32
      %broadcast_in_dim3A_1470 = vector.broadcast %broadcast_in_dim3A_1469 : i32 to vector<16xi32>
      %add3A_1471 = arith.addi %broadcast_in_dim3A_1468, %broadcast_in_dim3A_1470 : vector<16xi32>
      %shift_right_arithmetic3A_1472 = arith.constant 1 : i32
      %shift_right_arithmetic3A_1473 = vector.broadcast %shift_right_arithmetic3A_1472 : i32 to vector<16xi32>
      %shift_right_arithmetic3A_1474 = arith.shrsi %add3A_1471, %shift_right_arithmetic3A_1473 : vector<16xi32>
      %gather3A_1475 = tpu.vector_load_idx %arg8[%shift_right_arithmetic3A_1474] : memref<528xi32, #tpu.memory_space<vmem>>[vector<16xi32>], vector<16xi32>,
      %le3A_1476 = arith.cmpi sle, %gather3A_1475, %add3A_1466 : vector<16xi32>
      %select_n3A_1477 = arith.select %le3A_1476, %shift_right_arithmetic3A_1474, %broadcast_in_dim3A_1468 : vector<16xi1>, vector<16xi32>
      %select_n3A_1478 = arith.select %le3A_1476, %broadcast_in_dim3A_1470, %shift_right_arithmetic3A_1474 : vector<16xi1>, vector<16xi32>
      %add3A_1479 = arith.addi %select_n3A_1477, %select_n3A_1478 : vector<16xi32>
      %shift_right_arithmetic3A_1480 = arith.constant 1 : i32
      %shift_right_arithmetic3A_1481 = vector.broadcast %shift_right_arithmetic3A_1480 : i32 to vector<16xi32>
      %shift_right_arithmetic3A_1482 = arith.shrsi %add3A_1479, %shift_right_arithmetic3A_1481 : vector<16xi32>
      %gather3A_1483 = tpu.vector_load_idx %arg8[%shift_right_arithmetic3A_1482] : memref<528xi32, #tpu.memory_space<vmem>>[vector<16xi32>], vector<16xi32>,
      %le3A_1484 = arith.cmpi sle, %gather3A_1483, %add3A_1466 : vector<16xi32>
      %select_n3A_1485 = arith.select %le3A_1484, %shift_right_arithmetic3A_1482, %select_n3A_1477 : vector<16xi1>, vector<16xi32>
      %select_n3A_1486 = arith.select %le3A_1484, %select_n3A_1478, %shift_right_arithmetic3A_1482 : vector<16xi1>, vector<16xi32>
      %add3A_1487 = arith.addi %select_n3A_1485, %select_n3A_1486 : vector<16xi32>
      %shift_right_arithmetic3A_1488 = arith.constant 1 : i32
      %shift_right_arithmetic3A_1489 = vector.broadcast %shift_right_arithmetic3A_1488 : i32 to vector<16xi32>
      %shift_right_arithmetic3A_1490 = arith.shrsi %add3A_1487, %shift_right_arithmetic3A_1489 : vector<16xi32>
      %gather3A_1491 = tpu.vector_load_idx %arg8[%shift_right_arithmetic3A_1490] : memref<528xi32, #tpu.memory_space<vmem>>[vector<16xi32>], vector<16xi32>,
      %le3A_1492 = arith.cmpi sle, %gather3A_1491, %add3A_1466 : vector<16xi32>
      %select_n3A_1493 = arith.select %le3A_1492, %shift_right_arithmetic3A_1490, %select_n3A_1485 : vector<16xi1>, vector<16xi32>
      %select_n3A_1494 = arith.select %le3A_1492, %select_n3A_1486, %shift_right_arithmetic3A_1490 : vector<16xi1>, vector<16xi32>
      %add3A_1495 = arith.addi %select_n3A_1493, %select_n3A_1494 : vector<16xi32>
      %shift_right_arithmetic3A_1496 = arith.constant 1 : i32
      %shift_right_arithmetic3A_1497 = vector.broadcast %shift_right_arithmetic3A_1496 : i32 to vector<16xi32>
      %shift_right_arithmetic3A_1498 = arith.shrsi %add3A_1495, %shift_right_arithmetic3A_1497 : vector<16xi32>
      %gather3A_1499 = tpu.vector_load_idx %arg8[%shift_right_arithmetic3A_1498] : memref<528xi32, #tpu.memory_space<vmem>>[vector<16xi32>], vector<16xi32>,
      %le3A_1500 = arith.cmpi sle, %gather3A_1499, %add3A_1466 : vector<16xi32>
      %select_n3A_1501 = arith.select %le3A_1500, %shift_right_arithmetic3A_1498, %select_n3A_1493 : vector<16xi1>, vector<16xi32>
      %select_n3A_1502 = arith.select %le3A_1500, %select_n3A_1494, %shift_right_arithmetic3A_1498 : vector<16xi1>, vector<16xi32>
      %add3A_1503 = arith.addi %select_n3A_1501, %select_n3A_1502 : vector<16xi32>
      %shift_right_arithmetic3A_1504 = arith.constant 1 : i32
      %shift_right_arithmetic3A_1505 = vector.broadcast %shift_right_arithmetic3A_1504 : i32 to vector<16xi32>
      %shift_right_arithmetic3A_1506 = arith.shrsi %add3A_1503, %shift_right_arithmetic3A_1505 : vector<16xi32>
      %gather3A_1507 = tpu.vector_load_idx %arg8[%shift_right_arithmetic3A_1506] : memref<528xi32, #tpu.memory_space<vmem>>[vector<16xi32>], vector<16xi32>,
      %le3A_1508 = arith.cmpi sle, %gather3A_1507, %add3A_1466 : vector<16xi32>
      %select_n3A_1509 = arith.select %le3A_1508, %shift_right_arithmetic3A_1506, %select_n3A_1501 : vector<16xi1>, vector<16xi32>
      %select_n3A_1510 = arith.select %le3A_1508, %select_n3A_1502, %shift_right_arithmetic3A_1506 : vector<16xi1>, vector<16xi32>
      %add3A_1511 = arith.addi %select_n3A_1509, %select_n3A_1510 : vector<16xi32>
      %shift_right_arithmetic3A_1512 = arith.constant 1 : i32
      %shift_right_arithmetic3A_1513 = vector.broadcast %shift_right_arithmetic3A_1512 : i32 to vector<16xi32>
      %shift_right_arithmetic3A_1514 = arith.shrsi %add3A_1511, %shift_right_arithmetic3A_1513 : vector<16xi32>
      %gather3A_1515 = tpu.vector_load_idx %arg8[%shift_right_arithmetic3A_1514] : memref<528xi32, #tpu.memory_space<vmem>>[vector<16xi32>], vector<16xi32>,
      %le3A_1516 = arith.cmpi sle, %gather3A_1515, %add3A_1466 : vector<16xi32>
      %select_n3A_1517 = arith.select %le3A_1516, %shift_right_arithmetic3A_1514, %select_n3A_1509 : vector<16xi1>, vector<16xi32>
      %select_n3A_1518 = arith.select %le3A_1516, %select_n3A_1510, %shift_right_arithmetic3A_1514 : vector<16xi1>, vector<16xi32>
      %add3A_1519 = arith.addi %select_n3A_1517, %select_n3A_1518 : vector<16xi32>
      %shift_right_arithmetic3A_1520 = arith.constant 1 : i32
      %shift_right_arithmetic3A_1521 = vector.broadcast %shift_right_arithmetic3A_1520 : i32 to vector<16xi32>
      %shift_right_arithmetic3A_1522 = arith.shrsi %add3A_1519, %shift_right_arithmetic3A_1521 : vector<16xi32>
      %gather3A_1523 = tpu.vector_load_idx %arg8[%shift_right_arithmetic3A_1522] : memref<528xi32, #tpu.memory_space<vmem>>[vector<16xi32>], vector<16xi32>,
      %le3A_1524 = arith.cmpi sle, %gather3A_1523, %add3A_1466 : vector<16xi32>
      %select_n3A_1525 = arith.select %le3A_1524, %shift_right_arithmetic3A_1522, %select_n3A_1517 : vector<16xi1>, vector<16xi32>
      %select_n3A_1526 = arith.select %le3A_1524, %select_n3A_1518, %shift_right_arithmetic3A_1522 : vector<16xi1>, vector<16xi32>
      %add3A_1527 = arith.addi %select_n3A_1525, %select_n3A_1526 : vector<16xi32>
      %shift_right_arithmetic3A_1528 = arith.constant 1 : i32
      %shift_right_arithmetic3A_1529 = vector.broadcast %shift_right_arithmetic3A_1528 : i32 to vector<16xi32>
      %shift_right_arithmetic3A_1530 = arith.shrsi %add3A_1527, %shift_right_arithmetic3A_1529 : vector<16xi32>
      %gather3A_1531 = tpu.vector_load_idx %arg8[%shift_right_arithmetic3A_1530] : memref<528xi32, #tpu.memory_space<vmem>>[vector<16xi32>], vector<16xi32>,
      %le3A_1532 = arith.cmpi sle, %gather3A_1531, %add3A_1466 : vector<16xi32>
      %select_n3A_1533 = arith.select %le3A_1532, %shift_right_arithmetic3A_1530, %select_n3A_1525 : vector<16xi1>, vector<16xi32>
      %select_n3A_1534 = arith.select %le3A_1532, %select_n3A_1526, %shift_right_arithmetic3A_1530 : vector<16xi1>, vector<16xi32>
      %add3A_1535 = arith.addi %select_n3A_1533, %select_n3A_1534 : vector<16xi32>
      %shift_right_arithmetic3A_1536 = arith.constant 1 : i32
      %shift_right_arithmetic3A_1537 = vector.broadcast %shift_right_arithmetic3A_1536 : i32 to vector<16xi32>
      %shift_right_arithmetic3A_1538 = arith.shrsi %add3A_1535, %shift_right_arithmetic3A_1537 : vector<16xi32>
      %gather3A_1539 = tpu.vector_load_idx %arg8[%shift_right_arithmetic3A_1538] : memref<528xi32, #tpu.memory_space<vmem>>[vector<16xi32>], vector<16xi32>,
      %le3A_1540 = arith.cmpi sle, %gather3A_1539, %add3A_1466 : vector<16xi32>
      %select_n3A_1541 = arith.select %le3A_1540, %shift_right_arithmetic3A_1538, %select_n3A_1533 : vector<16xi1>, vector<16xi32>
      %select_n3A_1542 = arith.select %le3A_1540, %select_n3A_1534, %shift_right_arithmetic3A_1538 : vector<16xi1>, vector<16xi32>
      %add3A_1543 = arith.addi %select_n3A_1541, %select_n3A_1542 : vector<16xi32>
      %shift_right_arithmetic3A_1544 = arith.constant 1 : i32
      %shift_right_arithmetic3A_1545 = vector.broadcast %shift_right_arithmetic3A_1544 : i32 to vector<16xi32>
      %shift_right_arithmetic3A_1546 = arith.shrsi %add3A_1543, %shift_right_arithmetic3A_1545 : vector<16xi32>
      %gather3A_1547 = tpu.vector_load_idx %arg8[%shift_right_arithmetic3A_1546] : memref<528xi32, #tpu.memory_space<vmem>>[vector<16xi32>], vector<16xi32>,
      %le3A_1548 = arith.cmpi sle, %gather3A_1547, %add3A_1466 : vector<16xi32>
      %select_n3A_1549 = arith.select %le3A_1548, %shift_right_arithmetic3A_1546, %select_n3A_1541 : vector<16xi1>, vector<16xi32>
      %select_n3A_1550 = arith.select %le3A_1548, %select_n3A_1542, %shift_right_arithmetic3A_1546 : vector<16xi1>, vector<16xi32>
      %ge3A_1551 = vector.broadcast %add3A_1222 : i32 to vector<16xi32>
      %ge3A_1552 = arith.cmpi sge, %add3A_1466, %ge3A_1551 : vector<16xi32>
      %lt3A_1553 = vector.broadcast %mul3A_50 : i32 to vector<16xi32>
      %lt3A_1554 = arith.cmpi slt, %add3A_1466, %lt3A_1553 : vector<16xi32>
      %and3A_1555 = arith.andi %ge3A_1552, %lt3A_1554 : vector<16xi1>
      %jit3A_1556 = arith.constant 512 : i32
      %broadcast_in_dim3A_1557 = vector.broadcast %jit3A_1556 : i32 to vector<16xi32>
      %select_n3A_1558 = arith.select %and3A_1555, %select_n3A_1549, %broadcast_in_dim3A_1557 : vector<16xi1>, vector<16xi32>
      %swap3A_1559 = arith.constant 32 : index
      %swap3A_1560 = tpu.vector_load %arg16[%swap3A_1559] {strides = array<i32>} : memref<128xi32, #tpu.memory_space<vmem>>, vector<16xi32>,
      tpu.vector_store %arg16[%swap3A_1559], %select_n3A_1558 {strides = array<i32>} : memref<128xi32, #tpu.memory_space<vmem>>, vector<16xi32>,
      %reduce_max3A_1561 = arith.constant true
      %reduce_max3A_1562 = vector.broadcast %reduce_max3A_1561 : i1 to vector<16xi1>
      %reduce_max3A_1563 = arith.constant -2147483648 : i32
      %reduce_max3A_1564 = vector.broadcast %reduce_max3A_1563 : i32 to vector<16xi32>
      %reduce_max3A_1565 = arith.xori %select_n3A_1558, %reduce_max3A_1564 : vector<16xi32>
      %reduce_max3A_1566 = tpu.scan <max>, %reduce_max3A_1565 masked %reduce_max3A_1562 : vector<16xi32>, vector<16xi1> -> vector<16xi32>
      %reduce_max3A_1567 = arith.xori %reduce_max3A_1566, %reduce_max3A_1564 : vector<16xi32>
      %reduce_max3A_1568 = vector.extract %reduce_max3A_1567[15] : i32 from vector<16xi32>
      %max3A_1569 = arith.maxsi %max3A_1453, %reduce_max3A_1568 : i32
      %reduce_min3A_1570 = arith.constant true
      %reduce_min3A_1571 = vector.broadcast %reduce_min3A_1570 : i1 to vector<16xi1>
      %reduce_min3A_1572 = arith.constant -2147483648 : i32
      %reduce_min3A_1573 = vector.broadcast %reduce_min3A_1572 : i32 to vector<16xi32>
      %reduce_min3A_1574 = arith.xori %select_n3A_1558, %reduce_min3A_1573 : vector<16xi32>
      %reduce_min3A_1575 = tpu.scan <min>, %reduce_min3A_1574 masked %reduce_min3A_1571 : vector<16xi32>, vector<16xi1> -> vector<16xi32>
      %reduce_min3A_1576 = arith.xori %reduce_min3A_1575, %reduce_min3A_1573 : vector<16xi32>
      %reduce_min3A_1577 = vector.extract %reduce_min3A_1576[15] : i32 from vector<16xi32>
      %min3A_1578 = arith.minsi %min3A_1462, %reduce_min3A_1577 : i32
      %add3A_1579 = arith.constant 48 : i32
      %add3A_1580 = arith.addi %multiple_of3A_1228, %add3A_1579 : i32
      %add3A_1581 = vector.broadcast %add3A_1580 : i32 to vector<16xi32>
      %add3A_1582 = arith.addi %add3A_1581, %iota3A : vector<16xi32>
      %broadcast_in_dim3A_1583 = arith.constant 0 : i32
      %broadcast_in_dim3A_1584 = vector.broadcast %broadcast_in_dim3A_1583 : i32 to vector<16xi32>
      %broadcast_in_dim3A_1585 = arith.constant 513 : i32
      %broadcast_in_dim3A_1586 = vector.broadcast %broadcast_in_dim3A_1585 : i32 to vector<16xi32>
      %add3A_1587 = arith.addi %broadcast_in_dim3A_1584, %broadcast_in_dim3A_1586 : vector<16xi32>
      %shift_right_arithmetic3A_1588 = arith.constant 1 : i32
      %shift_right_arithmetic3A_1589 = vector.broadcast %shift_right_arithmetic3A_1588 : i32 to vector<16xi32>
      %shift_right_arithmetic3A_1590 = arith.shrsi %add3A_1587, %shift_right_arithmetic3A_1589 : vector<16xi32>
      %gather3A_1591 = tpu.vector_load_idx %arg8[%shift_right_arithmetic3A_1590] : memref<528xi32, #tpu.memory_space<vmem>>[vector<16xi32>], vector<16xi32>,
      %le3A_1592 = arith.cmpi sle, %gather3A_1591, %add3A_1582 : vector<16xi32>
      %select_n3A_1593 = arith.select %le3A_1592, %shift_right_arithmetic3A_1590, %broadcast_in_dim3A_1584 : vector<16xi1>, vector<16xi32>
      %select_n3A_1594 = arith.select %le3A_1592, %broadcast_in_dim3A_1586, %shift_right_arithmetic3A_1590 : vector<16xi1>, vector<16xi32>
      %add3A_1595 = arith.addi %select_n3A_1593, %select_n3A_1594 : vector<16xi32>
      %shift_right_arithmetic3A_1596 = arith.constant 1 : i32
      %shift_right_arithmetic3A_1597 = vector.broadcast %shift_right_arithmetic3A_1596 : i32 to vector<16xi32>
      %shift_right_arithmetic3A_1598 = arith.shrsi %add3A_1595, %shift_right_arithmetic3A_1597 : vector<16xi32>
      %gather3A_1599 = tpu.vector_load_idx %arg8[%shift_right_arithmetic3A_1598] : memref<528xi32, #tpu.memory_space<vmem>>[vector<16xi32>], vector<16xi32>,
      %le3A_1600 = arith.cmpi sle, %gather3A_1599, %add3A_1582 : vector<16xi32>
      %select_n3A_1601 = arith.select %le3A_1600, %shift_right_arithmetic3A_1598, %select_n3A_1593 : vector<16xi1>, vector<16xi32>
      %select_n3A_1602 = arith.select %le3A_1600, %select_n3A_1594, %shift_right_arithmetic3A_1598 : vector<16xi1>, vector<16xi32>
      %add3A_1603 = arith.addi %select_n3A_1601, %select_n3A_1602 : vector<16xi32>
      %shift_right_arithmetic3A_1604 = arith.constant 1 : i32
      %shift_right_arithmetic3A_1605 = vector.broadcast %shift_right_arithmetic3A_1604 : i32 to vector<16xi32>
      %shift_right_arithmetic3A_1606 = arith.shrsi %add3A_1603, %shift_right_arithmetic3A_1605 : vector<16xi32>
      %gather3A_1607 = tpu.vector_load_idx %arg8[%shift_right_arithmetic3A_1606] : memref<528xi32, #tpu.memory_space<vmem>>[vector<16xi32>], vector<16xi32>,
      %le3A_1608 = arith.cmpi sle, %gather3A_1607, %add3A_1582 : vector<16xi32>
      %select_n3A_1609 = arith.select %le3A_1608, %shift_right_arithmetic3A_1606, %select_n3A_1601 : vector<16xi1>, vector<16xi32>
      %select_n3A_1610 = arith.select %le3A_1608, %select_n3A_1602, %shift_right_arithmetic3A_1606 : vector<16xi1>, vector<16xi32>
      %add3A_1611 = arith.addi %select_n3A_1609, %select_n3A_1610 : vector<16xi32>
      %shift_right_arithmetic3A_1612 = arith.constant 1 : i32
      %shift_right_arithmetic3A_1613 = vector.broadcast %shift_right_arithmetic3A_1612 : i32 to vector<16xi32>
      %shift_right_arithmetic3A_1614 = arith.shrsi %add3A_1611, %shift_right_arithmetic3A_1613 : vector<16xi32>
      %gather3A_1615 = tpu.vector_load_idx %arg8[%shift_right_arithmetic3A_1614] : memref<528xi32, #tpu.memory_space<vmem>>[vector<16xi32>], vector<16xi32>,
      %le3A_1616 = arith.cmpi sle, %gather3A_1615, %add3A_1582 : vector<16xi32>
      %select_n3A_1617 = arith.select %le3A_1616, %shift_right_arithmetic3A_1614, %select_n3A_1609 : vector<16xi1>, vector<16xi32>
      %select_n3A_1618 = arith.select %le3A_1616, %select_n3A_1610, %shift_right_arithmetic3A_1614 : vector<16xi1>, vector<16xi32>
      %add3A_1619 = arith.addi %select_n3A_1617, %select_n3A_1618 : vector<16xi32>
      %shift_right_arithmetic3A_1620 = arith.constant 1 : i32
      %shift_right_arithmetic3A_1621 = vector.broadcast %shift_right_arithmetic3A_1620 : i32 to vector<16xi32>
      %shift_right_arithmetic3A_1622 = arith.shrsi %add3A_1619, %shift_right_arithmetic3A_1621 : vector<16xi32>
      %gather3A_1623 = tpu.vector_load_idx %arg8[%shift_right_arithmetic3A_1622] : memref<528xi32, #tpu.memory_space<vmem>>[vector<16xi32>], vector<16xi32>,
      %le3A_1624 = arith.cmpi sle, %gather3A_1623, %add3A_1582 : vector<16xi32>
      %select_n3A_1625 = arith.select %le3A_1624, %shift_right_arithmetic3A_1622, %select_n3A_1617 : vector<16xi1>, vector<16xi32>
      %select_n3A_1626 = arith.select %le3A_1624, %select_n3A_1618, %shift_right_arithmetic3A_1622 : vector<16xi1>, vector<16xi32>
      %add3A_1627 = arith.addi %select_n3A_1625, %select_n3A_1626 : vector<16xi32>
      %shift_right_arithmetic3A_1628 = arith.constant 1 : i32
      %shift_right_arithmetic3A_1629 = vector.broadcast %shift_right_arithmetic3A_1628 : i32 to vector<16xi32>
      %shift_right_arithmetic3A_1630 = arith.shrsi %add3A_1627, %shift_right_arithmetic3A_1629 : vector<16xi32>
      %gather3A_1631 = tpu.vector_load_idx %arg8[%shift_right_arithmetic3A_1630] : memref<528xi32, #tpu.memory_space<vmem>>[vector<16xi32>], vector<16xi32>,
      %le3A_1632 = arith.cmpi sle, %gather3A_1631, %add3A_1582 : vector<16xi32>
      %select_n3A_1633 = arith.select %le3A_1632, %shift_right_arithmetic3A_1630, %select_n3A_1625 : vector<16xi1>, vector<16xi32>
      %select_n3A_1634 = arith.select %le3A_1632, %select_n3A_1626, %shift_right_arithmetic3A_1630 : vector<16xi1>, vector<16xi32>
      %add3A_1635 = arith.addi %select_n3A_1633, %select_n3A_1634 : vector<16xi32>
      %shift_right_arithmetic3A_1636 = arith.constant 1 : i32
      %shift_right_arithmetic3A_1637 = vector.broadcast %shift_right_arithmetic3A_1636 : i32 to vector<16xi32>
      %shift_right_arithmetic3A_1638 = arith.shrsi %add3A_1635, %shift_right_arithmetic3A_1637 : vector<16xi32>
      %gather3A_1639 = tpu.vector_load_idx %arg8[%shift_right_arithmetic3A_1638] : memref<528xi32, #tpu.memory_space<vmem>>[vector<16xi32>], vector<16xi32>,
      %le3A_1640 = arith.cmpi sle, %gather3A_1639, %add3A_1582 : vector<16xi32>
      %select_n3A_1641 = arith.select %le3A_1640, %shift_right_arithmetic3A_1638, %select_n3A_1633 : vector<16xi1>, vector<16xi32>
      %select_n3A_1642 = arith.select %le3A_1640, %select_n3A_1634, %shift_right_arithmetic3A_1638 : vector<16xi1>, vector<16xi32>
      %add3A_1643 = arith.addi %select_n3A_1641, %select_n3A_1642 : vector<16xi32>
      %shift_right_arithmetic3A_1644 = arith.constant 1 : i32
      %shift_right_arithmetic3A_1645 = vector.broadcast %shift_right_arithmetic3A_1644 : i32 to vector<16xi32>
      %shift_right_arithmetic3A_1646 = arith.shrsi %add3A_1643, %shift_right_arithmetic3A_1645 : vector<16xi32>
      %gather3A_1647 = tpu.vector_load_idx %arg8[%shift_right_arithmetic3A_1646] : memref<528xi32, #tpu.memory_space<vmem>>[vector<16xi32>], vector<16xi32>,
      %le3A_1648 = arith.cmpi sle, %gather3A_1647, %add3A_1582 : vector<16xi32>
      %select_n3A_1649 = arith.select %le3A_1648, %shift_right_arithmetic3A_1646, %select_n3A_1641 : vector<16xi1>, vector<16xi32>
      %select_n3A_1650 = arith.select %le3A_1648, %select_n3A_1642, %shift_right_arithmetic3A_1646 : vector<16xi1>, vector<16xi32>
      %add3A_1651 = arith.addi %select_n3A_1649, %select_n3A_1650 : vector<16xi32>
      %shift_right_arithmetic3A_1652 = arith.constant 1 : i32
      %shift_right_arithmetic3A_1653 = vector.broadcast %shift_right_arithmetic3A_1652 : i32 to vector<16xi32>
      %shift_right_arithmetic3A_1654 = arith.shrsi %add3A_1651, %shift_right_arithmetic3A_1653 : vector<16xi32>
      %gather3A_1655 = tpu.vector_load_idx %arg8[%shift_right_arithmetic3A_1654] : memref<528xi32, #tpu.memory_space<vmem>>[vector<16xi32>], vector<16xi32>,
      %le3A_1656 = arith.cmpi sle, %gather3A_1655, %add3A_1582 : vector<16xi32>
      %select_n3A_1657 = arith.select %le3A_1656, %shift_right_arithmetic3A_1654, %select_n3A_1649 : vector<16xi1>, vector<16xi32>
      %select_n3A_1658 = arith.select %le3A_1656, %select_n3A_1650, %shift_right_arithmetic3A_1654 : vector<16xi1>, vector<16xi32>
      %add3A_1659 = arith.addi %select_n3A_1657, %select_n3A_1658 : vector<16xi32>
      %shift_right_arithmetic3A_1660 = arith.constant 1 : i32
      %shift_right_arithmetic3A_1661 = vector.broadcast %shift_right_arithmetic3A_1660 : i32 to vector<16xi32>
      %shift_right_arithmetic3A_1662 = arith.shrsi %add3A_1659, %shift_right_arithmetic3A_1661 : vector<16xi32>
      %gather3A_1663 = tpu.vector_load_idx %arg8[%shift_right_arithmetic3A_1662] : memref<528xi32, #tpu.memory_space<vmem>>[vector<16xi32>], vector<16xi32>,
      %le3A_1664 = arith.cmpi sle, %gather3A_1663, %add3A_1582 : vector<16xi32>
      %select_n3A_1665 = arith.select %le3A_1664, %shift_right_arithmetic3A_1662, %select_n3A_1657 : vector<16xi1>, vector<16xi32>
      %select_n3A_1666 = arith.select %le3A_1664, %select_n3A_1658, %shift_right_arithmetic3A_1662 : vector<16xi1>, vector<16xi32>
      %ge3A_1667 = vector.broadcast %add3A_1222 : i32 to vector<16xi32>
      %ge3A_1668 = arith.cmpi sge, %add3A_1582, %ge3A_1667 : vector<16xi32>
      %lt3A_1669 = vector.broadcast %mul3A_50 : i32 to vector<16xi32>
      %lt3A_1670 = arith.cmpi slt, %add3A_1582, %lt3A_1669 : vector<16xi32>
      %and3A_1671 = arith.andi %ge3A_1668, %lt3A_1670 : vector<16xi1>
      %jit3A_1672 = arith.constant 512 : i32
      %broadcast_in_dim3A_1673 = vector.broadcast %jit3A_1672 : i32 to vector<16xi32>
      %select_n3A_1674 = arith.select %and3A_1671, %select_n3A_1665, %broadcast_in_dim3A_1673 : vector<16xi1>, vector<16xi32>
      %swap3A_1675 = arith.constant 48 : index
      %swap3A_1676 = tpu.vector_load %arg16[%swap3A_1675] {strides = array<i32>} : memref<128xi32, #tpu.memory_space<vmem>>, vector<16xi32>,
      tpu.vector_store %arg16[%swap3A_1675], %select_n3A_1674 {strides = array<i32>} : memref<128xi32, #tpu.memory_space<vmem>>, vector<16xi32>,
      %reduce_max3A_1677 = arith.constant true
      %reduce_max3A_1678 = vector.broadcast %reduce_max3A_1677 : i1 to vector<16xi1>
      %reduce_max3A_1679 = arith.constant -2147483648 : i32
      %reduce_max3A_1680 = vector.broadcast %reduce_max3A_1679 : i32 to vector<16xi32>
      %reduce_max3A_1681 = arith.xori %select_n3A_1674, %reduce_max3A_1680 : vector<16xi32>
      %reduce_max3A_1682 = tpu.scan <max>, %reduce_max3A_1681 masked %reduce_max3A_1678 : vector<16xi32>, vector<16xi1> -> vector<16xi32>
      %reduce_max3A_1683 = arith.xori %reduce_max3A_1682, %reduce_max3A_1680 : vector<16xi32>
      %reduce_max3A_1684 = vector.extract %reduce_max3A_1683[15] : i32 from vector<16xi32>
      %max3A_1685 = arith.maxsi %max3A_1569, %reduce_max3A_1684 : i32
      %reduce_min3A_1686 = arith.constant true
      %reduce_min3A_1687 = vector.broadcast %reduce_min3A_1686 : i1 to vector<16xi1>
      %reduce_min3A_1688 = arith.constant -2147483648 : i32
      %reduce_min3A_1689 = vector.broadcast %reduce_min3A_1688 : i32 to vector<16xi32>
      %reduce_min3A_1690 = arith.xori %select_n3A_1674, %reduce_min3A_1689 : vector<16xi32>
      %reduce_min3A_1691 = tpu.scan <min>, %reduce_min3A_1690 masked %reduce_min3A_1687 : vector<16xi32>, vector<16xi1> -> vector<16xi32>
      %reduce_min3A_1692 = arith.xori %reduce_min3A_1691, %reduce_min3A_1689 : vector<16xi32>
      %reduce_min3A_1693 = vector.extract %reduce_min3A_1692[15] : i32 from vector<16xi32>
      %min3A_1694 = arith.minsi %min3A_1578, %reduce_min3A_1693 : i32
      %add3A_1695 = arith.constant 64 : i32
      %add3A_1696 = arith.addi %multiple_of3A_1228, %add3A_1695 : i32
      %add3A_1697 = vector.broadcast %add3A_1696 : i32 to vector<16xi32>
      %add3A_1698 = arith.addi %add3A_1697, %iota3A : vector<16xi32>
      %broadcast_in_dim3A_1699 = arith.constant 0 : i32
      %broadcast_in_dim3A_1700 = vector.broadcast %broadcast_in_dim3A_1699 : i32 to vector<16xi32>
      %broadcast_in_dim3A_1701 = arith.constant 513 : i32
      %broadcast_in_dim3A_1702 = vector.broadcast %broadcast_in_dim3A_1701 : i32 to vector<16xi32>
      %add3A_1703 = arith.addi %broadcast_in_dim3A_1700, %broadcast_in_dim3A_1702 : vector<16xi32>
      %shift_right_arithmetic3A_1704 = arith.constant 1 : i32
      %shift_right_arithmetic3A_1705 = vector.broadcast %shift_right_arithmetic3A_1704 : i32 to vector<16xi32>
      %shift_right_arithmetic3A_1706 = arith.shrsi %add3A_1703, %shift_right_arithmetic3A_1705 : vector<16xi32>
      %gather3A_1707 = tpu.vector_load_idx %arg8[%shift_right_arithmetic3A_1706] : memref<528xi32, #tpu.memory_space<vmem>>[vector<16xi32>], vector<16xi32>,
      %le3A_1708 = arith.cmpi sle, %gather3A_1707, %add3A_1698 : vector<16xi32>
      %select_n3A_1709 = arith.select %le3A_1708, %shift_right_arithmetic3A_1706, %broadcast_in_dim3A_1700 : vector<16xi1>, vector<16xi32>
      %select_n3A_1710 = arith.select %le3A_1708, %broadcast_in_dim3A_1702, %shift_right_arithmetic3A_1706 : vector<16xi1>, vector<16xi32>
      %add3A_1711 = arith.addi %select_n3A_1709, %select_n3A_1710 : vector<16xi32>
      %shift_right_arithmetic3A_1712 = arith.constant 1 : i32
      %shift_right_arithmetic3A_1713 = vector.broadcast %shift_right_arithmetic3A_1712 : i32 to vector<16xi32>
      %shift_right_arithmetic3A_1714 = arith.shrsi %add3A_1711, %shift_right_arithmetic3A_1713 : vector<16xi32>
      %gather3A_1715 = tpu.vector_load_idx %arg8[%shift_right_arithmetic3A_1714] : memref<528xi32, #tpu.memory_space<vmem>>[vector<16xi32>], vector<16xi32>,
      %le3A_1716 = arith.cmpi sle, %gather3A_1715, %add3A_1698 : vector<16xi32>
      %select_n3A_1717 = arith.select %le3A_1716, %shift_right_arithmetic3A_1714, %select_n3A_1709 : vector<16xi1>, vector<16xi32>
      %select_n3A_1718 = arith.select %le3A_1716, %select_n3A_1710, %shift_right_arithmetic3A_1714 : vector<16xi1>, vector<16xi32>
      %add3A_1719 = arith.addi %select_n3A_1717, %select_n3A_1718 : vector<16xi32>
      %shift_right_arithmetic3A_1720 = arith.constant 1 : i32
      %shift_right_arithmetic3A_1721 = vector.broadcast %shift_right_arithmetic3A_1720 : i32 to vector<16xi32>
      %shift_right_arithmetic3A_1722 = arith.shrsi %add3A_1719, %shift_right_arithmetic3A_1721 : vector<16xi32>
      %gather3A_1723 = tpu.vector_load_idx %arg8[%shift_right_arithmetic3A_1722] : memref<528xi32, #tpu.memory_space<vmem>>[vector<16xi32>], vector<16xi32>,
      %le3A_1724 = arith.cmpi sle, %gather3A_1723, %add3A_1698 : vector<16xi32>
      %select_n3A_1725 = arith.select %le3A_1724, %shift_right_arithmetic3A_1722, %select_n3A_1717 : vector<16xi1>, vector<16xi32>
      %select_n3A_1726 = arith.select %le3A_1724, %select_n3A_1718, %shift_right_arithmetic3A_1722 : vector<16xi1>, vector<16xi32>
      %add3A_1727 = arith.addi %select_n3A_1725, %select_n3A_1726 : vector<16xi32>
      %shift_right_arithmetic3A_1728 = arith.constant 1 : i32
      %shift_right_arithmetic3A_1729 = vector.broadcast %shift_right_arithmetic3A_1728 : i32 to vector<16xi32>
      %shift_right_arithmetic3A_1730 = arith.shrsi %add3A_1727, %shift_right_arithmetic3A_1729 : vector<16xi32>
      %gather3A_1731 = tpu.vector_load_idx %arg8[%shift_right_arithmetic3A_1730] : memref<528xi32, #tpu.memory_space<vmem>>[vector<16xi32>], vector<16xi32>,
      %le3A_1732 = arith.cmpi sle, %gather3A_1731, %add3A_1698 : vector<16xi32>
      %select_n3A_1733 = arith.select %le3A_1732, %shift_right_arithmetic3A_1730, %select_n3A_1725 : vector<16xi1>, vector<16xi32>
      %select_n3A_1734 = arith.select %le3A_1732, %select_n3A_1726, %shift_right_arithmetic3A_1730 : vector<16xi1>, vector<16xi32>
      %add3A_1735 = arith.addi %select_n3A_1733, %select_n3A_1734 : vector<16xi32>
      %shift_right_arithmetic3A_1736 = arith.constant 1 : i32
      %shift_right_arithmetic3A_1737 = vector.broadcast %shift_right_arithmetic3A_1736 : i32 to vector<16xi32>
      %shift_right_arithmetic3A_1738 = arith.shrsi %add3A_1735, %shift_right_arithmetic3A_1737 : vector<16xi32>
      %gather3A_1739 = tpu.vector_load_idx %arg8[%shift_right_arithmetic3A_1738] : memref<528xi32, #tpu.memory_space<vmem>>[vector<16xi32>], vector<16xi32>,
      %le3A_1740 = arith.cmpi sle, %gather3A_1739, %add3A_1698 : vector<16xi32>
      %select_n3A_1741 = arith.select %le3A_1740, %shift_right_arithmetic3A_1738, %select_n3A_1733 : vector<16xi1>, vector<16xi32>
      %select_n3A_1742 = arith.select %le3A_1740, %select_n3A_1734, %shift_right_arithmetic3A_1738 : vector<16xi1>, vector<16xi32>
      %add3A_1743 = arith.addi %select_n3A_1741, %select_n3A_1742 : vector<16xi32>
      %shift_right_arithmetic3A_1744 = arith.constant 1 : i32
      %shift_right_arithmetic3A_1745 = vector.broadcast %shift_right_arithmetic3A_1744 : i32 to vector<16xi32>
      %shift_right_arithmetic3A_1746 = arith.shrsi %add3A_1743, %shift_right_arithmetic3A_1745 : vector<16xi32>
      %gather3A_1747 = tpu.vector_load_idx %arg8[%shift_right_arithmetic3A_1746] : memref<528xi32, #tpu.memory_space<vmem>>[vector<16xi32>], vector<16xi32>,
      %le3A_1748 = arith.cmpi sle, %gather3A_1747, %add3A_1698 : vector<16xi32>
      %select_n3A_1749 = arith.select %le3A_1748, %shift_right_arithmetic3A_1746, %select_n3A_1741 : vector<16xi1>, vector<16xi32>
      %select_n3A_1750 = arith.select %le3A_1748, %select_n3A_1742, %shift_right_arithmetic3A_1746 : vector<16xi1>, vector<16xi32>
      %add3A_1751 = arith.addi %select_n3A_1749, %select_n3A_1750 : vector<16xi32>
      %shift_right_arithmetic3A_1752 = arith.constant 1 : i32
      %shift_right_arithmetic3A_1753 = vector.broadcast %shift_right_arithmetic3A_1752 : i32 to vector<16xi32>
      %shift_right_arithmetic3A_1754 = arith.shrsi %add3A_1751, %shift_right_arithmetic3A_1753 : vector<16xi32>
      %gather3A_1755 = tpu.vector_load_idx %arg8[%shift_right_arithmetic3A_1754] : memref<528xi32, #tpu.memory_space<vmem>>[vector<16xi32>], vector<16xi32>,
      %le3A_1756 = arith.cmpi sle, %gather3A_1755, %add3A_1698 : vector<16xi32>
      %select_n3A_1757 = arith.select %le3A_1756, %shift_right_arithmetic3A_1754, %select_n3A_1749 : vector<16xi1>, vector<16xi32>
      %select_n3A_1758 = arith.select %le3A_1756, %select_n3A_1750, %shift_right_arithmetic3A_1754 : vector<16xi1>, vector<16xi32>
      %add3A_1759 = arith.addi %select_n3A_1757, %select_n3A_1758 : vector<16xi32>
      %shift_right_arithmetic3A_1760 = arith.constant 1 : i32
      %shift_right_arithmetic3A_1761 = vector.broadcast %shift_right_arithmetic3A_1760 : i32 to vector<16xi32>
      %shift_right_arithmetic3A_1762 = arith.shrsi %add3A_1759, %shift_right_arithmetic3A_1761 : vector<16xi32>
      %gather3A_1763 = tpu.vector_load_idx %arg8[%shift_right_arithmetic3A_1762] : memref<528xi32, #tpu.memory_space<vmem>>[vector<16xi32>], vector<16xi32>,
      %le3A_1764 = arith.cmpi sle, %gather3A_1763, %add3A_1698 : vector<16xi32>
      %select_n3A_1765 = arith.select %le3A_1764, %shift_right_arithmetic3A_1762, %select_n3A_1757 : vector<16xi1>, vector<16xi32>
      %select_n3A_1766 = arith.select %le3A_1764, %select_n3A_1758, %shift_right_arithmetic3A_1762 : vector<16xi1>, vector<16xi32>
      %add3A_1767 = arith.addi %select_n3A_1765, %select_n3A_1766 : vector<16xi32>
      %shift_right_arithmetic3A_1768 = arith.constant 1 : i32
      %shift_right_arithmetic3A_1769 = vector.broadcast %shift_right_arithmetic3A_1768 : i32 to vector<16xi32>
      %shift_right_arithmetic3A_1770 = arith.shrsi %add3A_1767, %shift_right_arithmetic3A_1769 : vector<16xi32>
      %gather3A_1771 = tpu.vector_load_idx %arg8[%shift_right_arithmetic3A_1770] : memref<528xi32, #tpu.memory_space<vmem>>[vector<16xi32>], vector<16xi32>,
      %le3A_1772 = arith.cmpi sle, %gather3A_1771, %add3A_1698 : vector<16xi32>
      %select_n3A_1773 = arith.select %le3A_1772, %shift_right_arithmetic3A_1770, %select_n3A_1765 : vector<16xi1>, vector<16xi32>
      %select_n3A_1774 = arith.select %le3A_1772, %select_n3A_1766, %shift_right_arithmetic3A_1770 : vector<16xi1>, vector<16xi32>
      %add3A_1775 = arith.addi %select_n3A_1773, %select_n3A_1774 : vector<16xi32>
      %shift_right_arithmetic3A_1776 = arith.constant 1 : i32
      %shift_right_arithmetic3A_1777 = vector.broadcast %shift_right_arithmetic3A_1776 : i32 to vector<16xi32>
      %shift_right_arithmetic3A_1778 = arith.shrsi %add3A_1775, %shift_right_arithmetic3A_1777 : vector<16xi32>
      %gather3A_1779 = tpu.vector_load_idx %arg8[%shift_right_arithmetic3A_1778] : memref<528xi32, #tpu.memory_space<vmem>>[vector<16xi32>], vector<16xi32>,
      %le3A_1780 = arith.cmpi sle, %gather3A_1779, %add3A_1698 : vector<16xi32>
      %select_n3A_1781 = arith.select %le3A_1780, %shift_right_arithmetic3A_1778, %select_n3A_1773 : vector<16xi1>, vector<16xi32>
      %select_n3A_1782 = arith.select %le3A_1780, %select_n3A_1774, %shift_right_arithmetic3A_1778 : vector<16xi1>, vector<16xi32>
      %ge3A_1783 = vector.broadcast %add3A_1222 : i32 to vector<16xi32>
      %ge3A_1784 = arith.cmpi sge, %add3A_1698, %ge3A_1783 : vector<16xi32>
      %lt3A_1785 = vector.broadcast %mul3A_50 : i32 to vector<16xi32>
      %lt3A_1786 = arith.cmpi slt, %add3A_1698, %lt3A_1785 : vector<16xi32>
      %and3A_1787 = arith.andi %ge3A_1784, %lt3A_1786 : vector<16xi1>
      %jit3A_1788 = arith.constant 512 : i32
      %broadcast_in_dim3A_1789 = vector.broadcast %jit3A_1788 : i32 to vector<16xi32>
      %select_n3A_1790 = arith.select %and3A_1787, %select_n3A_1781, %broadcast_in_dim3A_1789 : vector<16xi1>, vector<16xi32>
      %swap3A_1791 = arith.constant 64 : index
      %swap3A_1792 = tpu.vector_load %arg16[%swap3A_1791] {strides = array<i32>} : memref<128xi32, #tpu.memory_space<vmem>>, vector<16xi32>,
      tpu.vector_store %arg16[%swap3A_1791], %select_n3A_1790 {strides = array<i32>} : memref<128xi32, #tpu.memory_space<vmem>>, vector<16xi32>,
      %reduce_max3A_1793 = arith.constant true
      %reduce_max3A_1794 = vector.broadcast %reduce_max3A_1793 : i1 to vector<16xi1>
      %reduce_max3A_1795 = arith.constant -2147483648 : i32
      %reduce_max3A_1796 = vector.broadcast %reduce_max3A_1795 : i32 to vector<16xi32>
      %reduce_max3A_1797 = arith.xori %select_n3A_1790, %reduce_max3A_1796 : vector<16xi32>
      %reduce_max3A_1798 = tpu.scan <max>, %reduce_max3A_1797 masked %reduce_max3A_1794 : vector<16xi32>, vector<16xi1> -> vector<16xi32>
      %reduce_max3A_1799 = arith.xori %reduce_max3A_1798, %reduce_max3A_1796 : vector<16xi32>
      %reduce_max3A_1800 = vector.extract %reduce_max3A_1799[15] : i32 from vector<16xi32>
      %max3A_1801 = arith.maxsi %max3A_1685, %reduce_max3A_1800 : i32
      %reduce_min3A_1802 = arith.constant true
      %reduce_min3A_1803 = vector.broadcast %reduce_min3A_1802 : i1 to vector<16xi1>
      %reduce_min3A_1804 = arith.constant -2147483648 : i32
      %reduce_min3A_1805 = vector.broadcast %reduce_min3A_1804 : i32 to vector<16xi32>
      %reduce_min3A_1806 = arith.xori %select_n3A_1790, %reduce_min3A_1805 : vector<16xi32>
      %reduce_min3A_1807 = tpu.scan <min>, %reduce_min3A_1806 masked %reduce_min3A_1803 : vector<16xi32>, vector<16xi1> -> vector<16xi32>
      %reduce_min3A_1808 = arith.xori %reduce_min3A_1807, %reduce_min3A_1805 : vector<16xi32>
      %reduce_min3A_1809 = vector.extract %reduce_min3A_1808[15] : i32 from vector<16xi32>
      %min3A_1810 = arith.minsi %min3A_1694, %reduce_min3A_1809 : i32
      %add3A_1811 = arith.constant 80 : i32
      %add3A_1812 = arith.addi %multiple_of3A_1228, %add3A_1811 : i32
      %add3A_1813 = vector.broadcast %add3A_1812 : i32 to vector<16xi32>
      %add3A_1814 = arith.addi %add3A_1813, %iota3A : vector<16xi32>
      %broadcast_in_dim3A_1815 = arith.constant 0 : i32
      %broadcast_in_dim3A_1816 = vector.broadcast %broadcast_in_dim3A_1815 : i32 to vector<16xi32>
      %broadcast_in_dim3A_1817 = arith.constant 513 : i32
      %broadcast_in_dim3A_1818 = vector.broadcast %broadcast_in_dim3A_1817 : i32 to vector<16xi32>
      %add3A_1819 = arith.addi %broadcast_in_dim3A_1816, %broadcast_in_dim3A_1818 : vector<16xi32>
      %shift_right_arithmetic3A_1820 = arith.constant 1 : i32
      %shift_right_arithmetic3A_1821 = vector.broadcast %shift_right_arithmetic3A_1820 : i32 to vector<16xi32>
      %shift_right_arithmetic3A_1822 = arith.shrsi %add3A_1819, %shift_right_arithmetic3A_1821 : vector<16xi32>
      %gather3A_1823 = tpu.vector_load_idx %arg8[%shift_right_arithmetic3A_1822] : memref<528xi32, #tpu.memory_space<vmem>>[vector<16xi32>], vector<16xi32>,
      %le3A_1824 = arith.cmpi sle, %gather3A_1823, %add3A_1814 : vector<16xi32>
      %select_n3A_1825 = arith.select %le3A_1824, %shift_right_arithmetic3A_1822, %broadcast_in_dim3A_1816 : vector<16xi1>, vector<16xi32>
      %select_n3A_1826 = arith.select %le3A_1824, %broadcast_in_dim3A_1818, %shift_right_arithmetic3A_1822 : vector<16xi1>, vector<16xi32>
      %add3A_1827 = arith.addi %select_n3A_1825, %select_n3A_1826 : vector<16xi32>
      %shift_right_arithmetic3A_1828 = arith.constant 1 : i32
      %shift_right_arithmetic3A_1829 = vector.broadcast %shift_right_arithmetic3A_1828 : i32 to vector<16xi32>
      %shift_right_arithmetic3A_1830 = arith.shrsi %add3A_1827, %shift_right_arithmetic3A_1829 : vector<16xi32>
      %gather3A_1831 = tpu.vector_load_idx %arg8[%shift_right_arithmetic3A_1830] : memref<528xi32, #tpu.memory_space<vmem>>[vector<16xi32>], vector<16xi32>,
      %le3A_1832 = arith.cmpi sle, %gather3A_1831, %add3A_1814 : vector<16xi32>
      %select_n3A_1833 = arith.select %le3A_1832, %shift_right_arithmetic3A_1830, %select_n3A_1825 : vector<16xi1>, vector<16xi32>
      %select_n3A_1834 = arith.select %le3A_1832, %select_n3A_1826, %shift_right_arithmetic3A_1830 : vector<16xi1>, vector<16xi32>
      %add3A_1835 = arith.addi %select_n3A_1833, %select_n3A_1834 : vector<16xi32>
      %shift_right_arithmetic3A_1836 = arith.constant 1 : i32
      %shift_right_arithmetic3A_1837 = vector.broadcast %shift_right_arithmetic3A_1836 : i32 to vector<16xi32>
      %shift_right_arithmetic3A_1838 = arith.shrsi %add3A_1835, %shift_right_arithmetic3A_1837 : vector<16xi32>
      %gather3A_1839 = tpu.vector_load_idx %arg8[%shift_right_arithmetic3A_1838] : memref<528xi32, #tpu.memory_space<vmem>>[vector<16xi32>], vector<16xi32>,
      %le3A_1840 = arith.cmpi sle, %gather3A_1839, %add3A_1814 : vector<16xi32>
      %select_n3A_1841 = arith.select %le3A_1840, %shift_right_arithmetic3A_1838, %select_n3A_1833 : vector<16xi1>, vector<16xi32>
      %select_n3A_1842 = arith.select %le3A_1840, %select_n3A_1834, %shift_right_arithmetic3A_1838 : vector<16xi1>, vector<16xi32>
      %add3A_1843 = arith.addi %select_n3A_1841, %select_n3A_1842 : vector<16xi32>
      %shift_right_arithmetic3A_1844 = arith.constant 1 : i32
      %shift_right_arithmetic3A_1845 = vector.broadcast %shift_right_arithmetic3A_1844 : i32 to vector<16xi32>
      %shift_right_arithmetic3A_1846 = arith.shrsi %add3A_1843, %shift_right_arithmetic3A_1845 : vector<16xi32>
      %gather3A_1847 = tpu.vector_load_idx %arg8[%shift_right_arithmetic3A_1846] : memref<528xi32, #tpu.memory_space<vmem>>[vector<16xi32>], vector<16xi32>,
      %le3A_1848 = arith.cmpi sle, %gather3A_1847, %add3A_1814 : vector<16xi32>
      %select_n3A_1849 = arith.select %le3A_1848, %shift_right_arithmetic3A_1846, %select_n3A_1841 : vector<16xi1>, vector<16xi32>
      %select_n3A_1850 = arith.select %le3A_1848, %select_n3A_1842, %shift_right_arithmetic3A_1846 : vector<16xi1>, vector<16xi32>
      %add3A_1851 = arith.addi %select_n3A_1849, %select_n3A_1850 : vector<16xi32>
      %shift_right_arithmetic3A_1852 = arith.constant 1 : i32
      %shift_right_arithmetic3A_1853 = vector.broadcast %shift_right_arithmetic3A_1852 : i32 to vector<16xi32>
      %shift_right_arithmetic3A_1854 = arith.shrsi %add3A_1851, %shift_right_arithmetic3A_1853 : vector<16xi32>
      %gather3A_1855 = tpu.vector_load_idx %arg8[%shift_right_arithmetic3A_1854] : memref<528xi32, #tpu.memory_space<vmem>>[vector<16xi32>], vector<16xi32>,
      %le3A_1856 = arith.cmpi sle, %gather3A_1855, %add3A_1814 : vector<16xi32>
      %select_n3A_1857 = arith.select %le3A_1856, %shift_right_arithmetic3A_1854, %select_n3A_1849 : vector<16xi1>, vector<16xi32>
      %select_n3A_1858 = arith.select %le3A_1856, %select_n3A_1850, %shift_right_arithmetic3A_1854 : vector<16xi1>, vector<16xi32>
      %add3A_1859 = arith.addi %select_n3A_1857, %select_n3A_1858 : vector<16xi32>
      %shift_right_arithmetic3A_1860 = arith.constant 1 : i32
      %shift_right_arithmetic3A_1861 = vector.broadcast %shift_right_arithmetic3A_1860 : i32 to vector<16xi32>
      %shift_right_arithmetic3A_1862 = arith.shrsi %add3A_1859, %shift_right_arithmetic3A_1861 : vector<16xi32>
      %gather3A_1863 = tpu.vector_load_idx %arg8[%shift_right_arithmetic3A_1862] : memref<528xi32, #tpu.memory_space<vmem>>[vector<16xi32>], vector<16xi32>,
      %le3A_1864 = arith.cmpi sle, %gather3A_1863, %add3A_1814 : vector<16xi32>
      %select_n3A_1865 = arith.select %le3A_1864, %shift_right_arithmetic3A_1862, %select_n3A_1857 : vector<16xi1>, vector<16xi32>
      %select_n3A_1866 = arith.select %le3A_1864, %select_n3A_1858, %shift_right_arithmetic3A_1862 : vector<16xi1>, vector<16xi32>
      %add3A_1867 = arith.addi %select_n3A_1865, %select_n3A_1866 : vector<16xi32>
      %shift_right_arithmetic3A_1868 = arith.constant 1 : i32
      %shift_right_arithmetic3A_1869 = vector.broadcast %shift_right_arithmetic3A_1868 : i32 to vector<16xi32>
      %shift_right_arithmetic3A_1870 = arith.shrsi %add3A_1867, %shift_right_arithmetic3A_1869 : vector<16xi32>
      %gather3A_1871 = tpu.vector_load_idx %arg8[%shift_right_arithmetic3A_1870] : memref<528xi32, #tpu.memory_space<vmem>>[vector<16xi32>], vector<16xi32>,
      %le3A_1872 = arith.cmpi sle, %gather3A_1871, %add3A_1814 : vector<16xi32>
      %select_n3A_1873 = arith.select %le3A_1872, %shift_right_arithmetic3A_1870, %select_n3A_1865 : vector<16xi1>, vector<16xi32>
      %select_n3A_1874 = arith.select %le3A_1872, %select_n3A_1866, %shift_right_arithmetic3A_1870 : vector<16xi1>, vector<16xi32>
      %add3A_1875 = arith.addi %select_n3A_1873, %select_n3A_1874 : vector<16xi32>
      %shift_right_arithmetic3A_1876 = arith.constant 1 : i32
      %shift_right_arithmetic3A_1877 = vector.broadcast %shift_right_arithmetic3A_1876 : i32 to vector<16xi32>
      %shift_right_arithmetic3A_1878 = arith.shrsi %add3A_1875, %shift_right_arithmetic3A_1877 : vector<16xi32>
      %gather3A_1879 = tpu.vector_load_idx %arg8[%shift_right_arithmetic3A_1878] : memref<528xi32, #tpu.memory_space<vmem>>[vector<16xi32>], vector<16xi32>,
      %le3A_1880 = arith.cmpi sle, %gather3A_1879, %add3A_1814 : vector<16xi32>
      %select_n3A_1881 = arith.select %le3A_1880, %shift_right_arithmetic3A_1878, %select_n3A_1873 : vector<16xi1>, vector<16xi32>
      %select_n3A_1882 = arith.select %le3A_1880, %select_n3A_1874, %shift_right_arithmetic3A_1878 : vector<16xi1>, vector<16xi32>
      %add3A_1883 = arith.addi %select_n3A_1881, %select_n3A_1882 : vector<16xi32>
      %shift_right_arithmetic3A_1884 = arith.constant 1 : i32
      %shift_right_arithmetic3A_1885 = vector.broadcast %shift_right_arithmetic3A_1884 : i32 to vector<16xi32>
      %shift_right_arithmetic3A_1886 = arith.shrsi %add3A_1883, %shift_right_arithmetic3A_1885 : vector<16xi32>
      %gather3A_1887 = tpu.vector_load_idx %arg8[%shift_right_arithmetic3A_1886] : memref<528xi32, #tpu.memory_space<vmem>>[vector<16xi32>], vector<16xi32>,
      %le3A_1888 = arith.cmpi sle, %gather3A_1887, %add3A_1814 : vector<16xi32>
      %select_n3A_1889 = arith.select %le3A_1888, %shift_right_arithmetic3A_1886, %select_n3A_1881 : vector<16xi1>, vector<16xi32>
      %select_n3A_1890 = arith.select %le3A_1888, %select_n3A_1882, %shift_right_arithmetic3A_1886 : vector<16xi1>, vector<16xi32>
      %add3A_1891 = arith.addi %select_n3A_1889, %select_n3A_1890 : vector<16xi32>
      %shift_right_arithmetic3A_1892 = arith.constant 1 : i32
      %shift_right_arithmetic3A_1893 = vector.broadcast %shift_right_arithmetic3A_1892 : i32 to vector<16xi32>
      %shift_right_arithmetic3A_1894 = arith.shrsi %add3A_1891, %shift_right_arithmetic3A_1893 : vector<16xi32>
      %gather3A_1895 = tpu.vector_load_idx %arg8[%shift_right_arithmetic3A_1894] : memref<528xi32, #tpu.memory_space<vmem>>[vector<16xi32>], vector<16xi32>,
      %le3A_1896 = arith.cmpi sle, %gather3A_1895, %add3A_1814 : vector<16xi32>
      %select_n3A_1897 = arith.select %le3A_1896, %shift_right_arithmetic3A_1894, %select_n3A_1889 : vector<16xi1>, vector<16xi32>
      %select_n3A_1898 = arith.select %le3A_1896, %select_n3A_1890, %shift_right_arithmetic3A_1894 : vector<16xi1>, vector<16xi32>
      %ge3A_1899 = vector.broadcast %add3A_1222 : i32 to vector<16xi32>
      %ge3A_1900 = arith.cmpi sge, %add3A_1814, %ge3A_1899 : vector<16xi32>
      %lt3A_1901 = vector.broadcast %mul3A_50 : i32 to vector<16xi32>
      %lt3A_1902 = arith.cmpi slt, %add3A_1814, %lt3A_1901 : vector<16xi32>
      %and3A_1903 = arith.andi %ge3A_1900, %lt3A_1902 : vector<16xi1>
      %jit3A_1904 = arith.constant 512 : i32
      %broadcast_in_dim3A_1905 = vector.broadcast %jit3A_1904 : i32 to vector<16xi32>
      %select_n3A_1906 = arith.select %and3A_1903, %select_n3A_1897, %broadcast_in_dim3A_1905 : vector<16xi1>, vector<16xi32>
      %swap3A_1907 = arith.constant 80 : index
      %swap3A_1908 = tpu.vector_load %arg16[%swap3A_1907] {strides = array<i32>} : memref<128xi32, #tpu.memory_space<vmem>>, vector<16xi32>,
      tpu.vector_store %arg16[%swap3A_1907], %select_n3A_1906 {strides = array<i32>} : memref<128xi32, #tpu.memory_space<vmem>>, vector<16xi32>,
      %reduce_max3A_1909 = arith.constant true
      %reduce_max3A_1910 = vector.broadcast %reduce_max3A_1909 : i1 to vector<16xi1>
      %reduce_max3A_1911 = arith.constant -2147483648 : i32
      %reduce_max3A_1912 = vector.broadcast %reduce_max3A_1911 : i32 to vector<16xi32>
      %reduce_max3A_1913 = arith.xori %select_n3A_1906, %reduce_max3A_1912 : vector<16xi32>
      %reduce_max3A_1914 = tpu.scan <max>, %reduce_max3A_1913 masked %reduce_max3A_1910 : vector<16xi32>, vector<16xi1> -> vector<16xi32>
      %reduce_max3A_1915 = arith.xori %reduce_max3A_1914, %reduce_max3A_1912 : vector<16xi32>
      %reduce_max3A_1916 = vector.extract %reduce_max3A_1915[15] : i32 from vector<16xi32>
      %max3A_1917 = arith.maxsi %max3A_1801, %reduce_max3A_1916 : i32
      %reduce_min3A_1918 = arith.constant true
      %reduce_min3A_1919 = vector.broadcast %reduce_min3A_1918 : i1 to vector<16xi1>
      %reduce_min3A_1920 = arith.constant -2147483648 : i32
      %reduce_min3A_1921 = vector.broadcast %reduce_min3A_1920 : i32 to vector<16xi32>
      %reduce_min3A_1922 = arith.xori %select_n3A_1906, %reduce_min3A_1921 : vector<16xi32>
      %reduce_min3A_1923 = tpu.scan <min>, %reduce_min3A_1922 masked %reduce_min3A_1919 : vector<16xi32>, vector<16xi1> -> vector<16xi32>
      %reduce_min3A_1924 = arith.xori %reduce_min3A_1923, %reduce_min3A_1921 : vector<16xi32>
      %reduce_min3A_1925 = vector.extract %reduce_min3A_1924[15] : i32 from vector<16xi32>
      %min3A_1926 = arith.minsi %min3A_1810, %reduce_min3A_1925 : i32
      %add3A_1927 = arith.constant 96 : i32
      %add3A_1928 = arith.addi %multiple_of3A_1228, %add3A_1927 : i32
      %add3A_1929 = vector.broadcast %add3A_1928 : i32 to vector<16xi32>
      %add3A_1930 = arith.addi %add3A_1929, %iota3A : vector<16xi32>
      %broadcast_in_dim3A_1931 = arith.constant 0 : i32
      %broadcast_in_dim3A_1932 = vector.broadcast %broadcast_in_dim3A_1931 : i32 to vector<16xi32>
      %broadcast_in_dim3A_1933 = arith.constant 513 : i32
      %broadcast_in_dim3A_1934 = vector.broadcast %broadcast_in_dim3A_1933 : i32 to vector<16xi32>
      %add3A_1935 = arith.addi %broadcast_in_dim3A_1932, %broadcast_in_dim3A_1934 : vector<16xi32>
      %shift_right_arithmetic3A_1936 = arith.constant 1 : i32
      %shift_right_arithmetic3A_1937 = vector.broadcast %shift_right_arithmetic3A_1936 : i32 to vector<16xi32>
      %shift_right_arithmetic3A_1938 = arith.shrsi %add3A_1935, %shift_right_arithmetic3A_1937 : vector<16xi32>
      %gather3A_1939 = tpu.vector_load_idx %arg8[%shift_right_arithmetic3A_1938] : memref<528xi32, #tpu.memory_space<vmem>>[vector<16xi32>], vector<16xi32>,
      %le3A_1940 = arith.cmpi sle, %gather3A_1939, %add3A_1930 : vector<16xi32>
      %select_n3A_1941 = arith.select %le3A_1940, %shift_right_arithmetic3A_1938, %broadcast_in_dim3A_1932 : vector<16xi1>, vector<16xi32>
      %select_n3A_1942 = arith.select %le3A_1940, %broadcast_in_dim3A_1934, %shift_right_arithmetic3A_1938 : vector<16xi1>, vector<16xi32>
      %add3A_1943 = arith.addi %select_n3A_1941, %select_n3A_1942 : vector<16xi32>
      %shift_right_arithmetic3A_1944 = arith.constant 1 : i32
      %shift_right_arithmetic3A_1945 = vector.broadcast %shift_right_arithmetic3A_1944 : i32 to vector<16xi32>
      %shift_right_arithmetic3A_1946 = arith.shrsi %add3A_1943, %shift_right_arithmetic3A_1945 : vector<16xi32>
      %gather3A_1947 = tpu.vector_load_idx %arg8[%shift_right_arithmetic3A_1946] : memref<528xi32, #tpu.memory_space<vmem>>[vector<16xi32>], vector<16xi32>,
      %le3A_1948 = arith.cmpi sle, %gather3A_1947, %add3A_1930 : vector<16xi32>
      %select_n3A_1949 = arith.select %le3A_1948, %shift_right_arithmetic3A_1946, %select_n3A_1941 : vector<16xi1>, vector<16xi32>
      %select_n3A_1950 = arith.select %le3A_1948, %select_n3A_1942, %shift_right_arithmetic3A_1946 : vector<16xi1>, vector<16xi32>
      %add3A_1951 = arith.addi %select_n3A_1949, %select_n3A_1950 : vector<16xi32>
      %shift_right_arithmetic3A_1952 = arith.constant 1 : i32
      %shift_right_arithmetic3A_1953 = vector.broadcast %shift_right_arithmetic3A_1952 : i32 to vector<16xi32>
      %shift_right_arithmetic3A_1954 = arith.shrsi %add3A_1951, %shift_right_arithmetic3A_1953 : vector<16xi32>
      %gather3A_1955 = tpu.vector_load_idx %arg8[%shift_right_arithmetic3A_1954] : memref<528xi32, #tpu.memory_space<vmem>>[vector<16xi32>], vector<16xi32>,
      %le3A_1956 = arith.cmpi sle, %gather3A_1955, %add3A_1930 : vector<16xi32>
      %select_n3A_1957 = arith.select %le3A_1956, %shift_right_arithmetic3A_1954, %select_n3A_1949 : vector<16xi1>, vector<16xi32>
      %select_n3A_1958 = arith.select %le3A_1956, %select_n3A_1950, %shift_right_arithmetic3A_1954 : vector<16xi1>, vector<16xi32>
      %add3A_1959 = arith.addi %select_n3A_1957, %select_n3A_1958 : vector<16xi32>
      %shift_right_arithmetic3A_1960 = arith.constant 1 : i32
      %shift_right_arithmetic3A_1961 = vector.broadcast %shift_right_arithmetic3A_1960 : i32 to vector<16xi32>
      %shift_right_arithmetic3A_1962 = arith.shrsi %add3A_1959, %shift_right_arithmetic3A_1961 : vector<16xi32>
      %gather3A_1963 = tpu.vector_load_idx %arg8[%shift_right_arithmetic3A_1962] : memref<528xi32, #tpu.memory_space<vmem>>[vector<16xi32>], vector<16xi32>,
      %le3A_1964 = arith.cmpi sle, %gather3A_1963, %add3A_1930 : vector<16xi32>
      %select_n3A_1965 = arith.select %le3A_1964, %shift_right_arithmetic3A_1962, %select_n3A_1957 : vector<16xi1>, vector<16xi32>
      %select_n3A_1966 = arith.select %le3A_1964, %select_n3A_1958, %shift_right_arithmetic3A_1962 : vector<16xi1>, vector<16xi32>
      %add3A_1967 = arith.addi %select_n3A_1965, %select_n3A_1966 : vector<16xi32>
      %shift_right_arithmetic3A_1968 = arith.constant 1 : i32
      %shift_right_arithmetic3A_1969 = vector.broadcast %shift_right_arithmetic3A_1968 : i32 to vector<16xi32>
      %shift_right_arithmetic3A_1970 = arith.shrsi %add3A_1967, %shift_right_arithmetic3A_1969 : vector<16xi32>
      %gather3A_1971 = tpu.vector_load_idx %arg8[%shift_right_arithmetic3A_1970] : memref<528xi32, #tpu.memory_space<vmem>>[vector<16xi32>], vector<16xi32>,
      %le3A_1972 = arith.cmpi sle, %gather3A_1971, %add3A_1930 : vector<16xi32>
      %select_n3A_1973 = arith.select %le3A_1972, %shift_right_arithmetic3A_1970, %select_n3A_1965 : vector<16xi1>, vector<16xi32>
      %select_n3A_1974 = arith.select %le3A_1972, %select_n3A_1966, %shift_right_arithmetic3A_1970 : vector<16xi1>, vector<16xi32>
      %add3A_1975 = arith.addi %select_n3A_1973, %select_n3A_1974 : vector<16xi32>
      %shift_right_arithmetic3A_1976 = arith.constant 1 : i32
      %shift_right_arithmetic3A_1977 = vector.broadcast %shift_right_arithmetic3A_1976 : i32 to vector<16xi32>
      %shift_right_arithmetic3A_1978 = arith.shrsi %add3A_1975, %shift_right_arithmetic3A_1977 : vector<16xi32>
      %gather3A_1979 = tpu.vector_load_idx %arg8[%shift_right_arithmetic3A_1978] : memref<528xi32, #tpu.memory_space<vmem>>[vector<16xi32>], vector<16xi32>,
      %le3A_1980 = arith.cmpi sle, %gather3A_1979, %add3A_1930 : vector<16xi32>
      %select_n3A_1981 = arith.select %le3A_1980, %shift_right_arithmetic3A_1978, %select_n3A_1973 : vector<16xi1>, vector<16xi32>
      %select_n3A_1982 = arith.select %le3A_1980, %select_n3A_1974, %shift_right_arithmetic3A_1978 : vector<16xi1>, vector<16xi32>
      %add3A_1983 = arith.addi %select_n3A_1981, %select_n3A_1982 : vector<16xi32>
      %shift_right_arithmetic3A_1984 = arith.constant 1 : i32
      %shift_right_arithmetic3A_1985 = vector.broadcast %shift_right_arithmetic3A_1984 : i32 to vector<16xi32>
      %shift_right_arithmetic3A_1986 = arith.shrsi %add3A_1983, %shift_right_arithmetic3A_1985 : vector<16xi32>
      %gather3A_1987 = tpu.vector_load_idx %arg8[%shift_right_arithmetic3A_1986] : memref<528xi32, #tpu.memory_space<vmem>>[vector<16xi32>], vector<16xi32>,
      %le3A_1988 = arith.cmpi sle, %gather3A_1987, %add3A_1930 : vector<16xi32>
      %select_n3A_1989 = arith.select %le3A_1988, %shift_right_arithmetic3A_1986, %select_n3A_1981 : vector<16xi1>, vector<16xi32>
      %select_n3A_1990 = arith.select %le3A_1988, %select_n3A_1982, %shift_right_arithmetic3A_1986 : vector<16xi1>, vector<16xi32>
      %add3A_1991 = arith.addi %select_n3A_1989, %select_n3A_1990 : vector<16xi32>
      %shift_right_arithmetic3A_1992 = arith.constant 1 : i32
      %shift_right_arithmetic3A_1993 = vector.broadcast %shift_right_arithmetic3A_1992 : i32 to vector<16xi32>
      %shift_right_arithmetic3A_1994 = arith.shrsi %add3A_1991, %shift_right_arithmetic3A_1993 : vector<16xi32>
      %gather3A_1995 = tpu.vector_load_idx %arg8[%shift_right_arithmetic3A_1994] : memref<528xi32, #tpu.memory_space<vmem>>[vector<16xi32>], vector<16xi32>,
      %le3A_1996 = arith.cmpi sle, %gather3A_1995, %add3A_1930 : vector<16xi32>
      %select_n3A_1997 = arith.select %le3A_1996, %shift_right_arithmetic3A_1994, %select_n3A_1989 : vector<16xi1>, vector<16xi32>
      %select_n3A_1998 = arith.select %le3A_1996, %select_n3A_1990, %shift_right_arithmetic3A_1994 : vector<16xi1>, vector<16xi32>
      %add3A_1999 = arith.addi %select_n3A_1997, %select_n3A_1998 : vector<16xi32>
      %shift_right_arithmetic3A_2000 = arith.constant 1 : i32
      %shift_right_arithmetic3A_2001 = vector.broadcast %shift_right_arithmetic3A_2000 : i32 to vector<16xi32>
      %shift_right_arithmetic3A_2002 = arith.shrsi %add3A_1999, %shift_right_arithmetic3A_2001 : vector<16xi32>
      %gather3A_2003 = tpu.vector_load_idx %arg8[%shift_right_arithmetic3A_2002] : memref<528xi32, #tpu.memory_space<vmem>>[vector<16xi32>], vector<16xi32>,
      %le3A_2004 = arith.cmpi sle, %gather3A_2003, %add3A_1930 : vector<16xi32>
      %select_n3A_2005 = arith.select %le3A_2004, %shift_right_arithmetic3A_2002, %select_n3A_1997 : vector<16xi1>, vector<16xi32>
      %select_n3A_2006 = arith.select %le3A_2004, %select_n3A_1998, %shift_right_arithmetic3A_2002 : vector<16xi1>, vector<16xi32>
      %add3A_2007 = arith.addi %select_n3A_2005, %select_n3A_2006 : vector<16xi32>
      %shift_right_arithmetic3A_2008 = arith.constant 1 : i32
      %shift_right_arithmetic3A_2009 = vector.broadcast %shift_right_arithmetic3A_2008 : i32 to vector<16xi32>
      %shift_right_arithmetic3A_2010 = arith.shrsi %add3A_2007, %shift_right_arithmetic3A_2009 : vector<16xi32>
      %gather3A_2011 = tpu.vector_load_idx %arg8[%shift_right_arithmetic3A_2010] : memref<528xi32, #tpu.memory_space<vmem>>[vector<16xi32>], vector<16xi32>,
      %le3A_2012 = arith.cmpi sle, %gather3A_2011, %add3A_1930 : vector<16xi32>
      %select_n3A_2013 = arith.select %le3A_2012, %shift_right_arithmetic3A_2010, %select_n3A_2005 : vector<16xi1>, vector<16xi32>
      %select_n3A_2014 = arith.select %le3A_2012, %select_n3A_2006, %shift_right_arithmetic3A_2010 : vector<16xi1>, vector<16xi32>
      %ge3A_2015 = vector.broadcast %add3A_1222 : i32 to vector<16xi32>
      %ge3A_2016 = arith.cmpi sge, %add3A_1930, %ge3A_2015 : vector<16xi32>
      %lt3A_2017 = vector.broadcast %mul3A_50 : i32 to vector<16xi32>
      %lt3A_2018 = arith.cmpi slt, %add3A_1930, %lt3A_2017 : vector<16xi32>
      %and3A_2019 = arith.andi %ge3A_2016, %lt3A_2018 : vector<16xi1>
      %jit3A_2020 = arith.constant 512 : i32
      %broadcast_in_dim3A_2021 = vector.broadcast %jit3A_2020 : i32 to vector<16xi32>
      %select_n3A_2022 = arith.select %and3A_2019, %select_n3A_2013, %broadcast_in_dim3A_2021 : vector<16xi1>, vector<16xi32>
      %swap3A_2023 = arith.constant 96 : index
      %swap3A_2024 = tpu.vector_load %arg16[%swap3A_2023] {strides = array<i32>} : memref<128xi32, #tpu.memory_space<vmem>>, vector<16xi32>,
      tpu.vector_store %arg16[%swap3A_2023], %select_n3A_2022 {strides = array<i32>} : memref<128xi32, #tpu.memory_space<vmem>>, vector<16xi32>,
      %reduce_max3A_2025 = arith.constant true
      %reduce_max3A_2026 = vector.broadcast %reduce_max3A_2025 : i1 to vector<16xi1>
      %reduce_max3A_2027 = arith.constant -2147483648 : i32
      %reduce_max3A_2028 = vector.broadcast %reduce_max3A_2027 : i32 to vector<16xi32>
      %reduce_max3A_2029 = arith.xori %select_n3A_2022, %reduce_max3A_2028 : vector<16xi32>
      %reduce_max3A_2030 = tpu.scan <max>, %reduce_max3A_2029 masked %reduce_max3A_2026 : vector<16xi32>, vector<16xi1> -> vector<16xi32>
      %reduce_max3A_2031 = arith.xori %reduce_max3A_2030, %reduce_max3A_2028 : vector<16xi32>
      %reduce_max3A_2032 = vector.extract %reduce_max3A_2031[15] : i32 from vector<16xi32>
      %max3A_2033 = arith.maxsi %max3A_1917, %reduce_max3A_2032 : i32
      %reduce_min3A_2034 = arith.constant true
      %reduce_min3A_2035 = vector.broadcast %reduce_min3A_2034 : i1 to vector<16xi1>
      %reduce_min3A_2036 = arith.constant -2147483648 : i32
      %reduce_min3A_2037 = vector.broadcast %reduce_min3A_2036 : i32 to vector<16xi32>
      %reduce_min3A_2038 = arith.xori %select_n3A_2022, %reduce_min3A_2037 : vector<16xi32>
      %reduce_min3A_2039 = tpu.scan <min>, %reduce_min3A_2038 masked %reduce_min3A_2035 : vector<16xi32>, vector<16xi1> -> vector<16xi32>
      %reduce_min3A_2040 = arith.xori %reduce_min3A_2039, %reduce_min3A_2037 : vector<16xi32>
      %reduce_min3A_2041 = vector.extract %reduce_min3A_2040[15] : i32 from vector<16xi32>
      %min3A_2042 = arith.minsi %min3A_1926, %reduce_min3A_2041 : i32
      %add3A_2043 = arith.constant 112 : i32
      %add3A_2044 = arith.addi %multiple_of3A_1228, %add3A_2043 : i32
      %add3A_2045 = vector.broadcast %add3A_2044 : i32 to vector<16xi32>
      %add3A_2046 = arith.addi %add3A_2045, %iota3A : vector<16xi32>
      %broadcast_in_dim3A_2047 = arith.constant 0 : i32
      %broadcast_in_dim3A_2048 = vector.broadcast %broadcast_in_dim3A_2047 : i32 to vector<16xi32>
      %broadcast_in_dim3A_2049 = arith.constant 513 : i32
      %broadcast_in_dim3A_2050 = vector.broadcast %broadcast_in_dim3A_2049 : i32 to vector<16xi32>
      %add3A_2051 = arith.addi %broadcast_in_dim3A_2048, %broadcast_in_dim3A_2050 : vector<16xi32>
      %shift_right_arithmetic3A_2052 = arith.constant 1 : i32
      %shift_right_arithmetic3A_2053 = vector.broadcast %shift_right_arithmetic3A_2052 : i32 to vector<16xi32>
      %shift_right_arithmetic3A_2054 = arith.shrsi %add3A_2051, %shift_right_arithmetic3A_2053 : vector<16xi32>
      %gather3A_2055 = tpu.vector_load_idx %arg8[%shift_right_arithmetic3A_2054] : memref<528xi32, #tpu.memory_space<vmem>>[vector<16xi32>], vector<16xi32>,
      %le3A_2056 = arith.cmpi sle, %gather3A_2055, %add3A_2046 : vector<16xi32>
      %select_n3A_2057 = arith.select %le3A_2056, %shift_right_arithmetic3A_2054, %broadcast_in_dim3A_2048 : vector<16xi1>, vector<16xi32>
      %select_n3A_2058 = arith.select %le3A_2056, %broadcast_in_dim3A_2050, %shift_right_arithmetic3A_2054 : vector<16xi1>, vector<16xi32>
      %add3A_2059 = arith.addi %select_n3A_2057, %select_n3A_2058 : vector<16xi32>
      %shift_right_arithmetic3A_2060 = arith.constant 1 : i32
      %shift_right_arithmetic3A_2061 = vector.broadcast %shift_right_arithmetic3A_2060 : i32 to vector<16xi32>
      %shift_right_arithmetic3A_2062 = arith.shrsi %add3A_2059, %shift_right_arithmetic3A_2061 : vector<16xi32>
      %gather3A_2063 = tpu.vector_load_idx %arg8[%shift_right_arithmetic3A_2062] : memref<528xi32, #tpu.memory_space<vmem>>[vector<16xi32>], vector<16xi32>,
      %le3A_2064 = arith.cmpi sle, %gather3A_2063, %add3A_2046 : vector<16xi32>
      %select_n3A_2065 = arith.select %le3A_2064, %shift_right_arithmetic3A_2062, %select_n3A_2057 : vector<16xi1>, vector<16xi32>
      %select_n3A_2066 = arith.select %le3A_2064, %select_n3A_2058, %shift_right_arithmetic3A_2062 : vector<16xi1>, vector<16xi32>
      %add3A_2067 = arith.addi %select_n3A_2065, %select_n3A_2066 : vector<16xi32>
      %shift_right_arithmetic3A_2068 = arith.constant 1 : i32
      %shift_right_arithmetic3A_2069 = vector.broadcast %shift_right_arithmetic3A_2068 : i32 to vector<16xi32>
      %shift_right_arithmetic3A_2070 = arith.shrsi %add3A_2067, %shift_right_arithmetic3A_2069 : vector<16xi32>
      %gather3A_2071 = tpu.vector_load_idx %arg8[%shift_right_arithmetic3A_2070] : memref<528xi32, #tpu.memory_space<vmem>>[vector<16xi32>], vector<16xi32>,
      %le3A_2072 = arith.cmpi sle, %gather3A_2071, %add3A_2046 : vector<16xi32>
      %select_n3A_2073 = arith.select %le3A_2072, %shift_right_arithmetic3A_2070, %select_n3A_2065 : vector<16xi1>, vector<16xi32>
      %select_n3A_2074 = arith.select %le3A_2072, %select_n3A_2066, %shift_right_arithmetic3A_2070 : vector<16xi1>, vector<16xi32>
      %add3A_2075 = arith.addi %select_n3A_2073, %select_n3A_2074 : vector<16xi32>
      %shift_right_arithmetic3A_2076 = arith.constant 1 : i32
      %shift_right_arithmetic3A_2077 = vector.broadcast %shift_right_arithmetic3A_2076 : i32 to vector<16xi32>
      %shift_right_arithmetic3A_2078 = arith.shrsi %add3A_2075, %shift_right_arithmetic3A_2077 : vector<16xi32>
      %gather3A_2079 = tpu.vector_load_idx %arg8[%shift_right_arithmetic3A_2078] : memref<528xi32, #tpu.memory_space<vmem>>[vector<16xi32>], vector<16xi32>,
      %le3A_2080 = arith.cmpi sle, %gather3A_2079, %add3A_2046 : vector<16xi32>
      %select_n3A_2081 = arith.select %le3A_2080, %shift_right_arithmetic3A_2078, %select_n3A_2073 : vector<16xi1>, vector<16xi32>
      %select_n3A_2082 = arith.select %le3A_2080, %select_n3A_2074, %shift_right_arithmetic3A_2078 : vector<16xi1>, vector<16xi32>
      %add3A_2083 = arith.addi %select_n3A_2081, %select_n3A_2082 : vector<16xi32>
      %shift_right_arithmetic3A_2084 = arith.constant 1 : i32
      %shift_right_arithmetic3A_2085 = vector.broadcast %shift_right_arithmetic3A_2084 : i32 to vector<16xi32>
      %shift_right_arithmetic3A_2086 = arith.shrsi %add3A_2083, %shift_right_arithmetic3A_2085 : vector<16xi32>
      %gather3A_2087 = tpu.vector_load_idx %arg8[%shift_right_arithmetic3A_2086] : memref<528xi32, #tpu.memory_space<vmem>>[vector<16xi32>], vector<16xi32>,
      %le3A_2088 = arith.cmpi sle, %gather3A_2087, %add3A_2046 : vector<16xi32>
      %select_n3A_2089 = arith.select %le3A_2088, %shift_right_arithmetic3A_2086, %select_n3A_2081 : vector<16xi1>, vector<16xi32>
      %select_n3A_2090 = arith.select %le3A_2088, %select_n3A_2082, %shift_right_arithmetic3A_2086 : vector<16xi1>, vector<16xi32>
      %add3A_2091 = arith.addi %select_n3A_2089, %select_n3A_2090 : vector<16xi32>
      %shift_right_arithmetic3A_2092 = arith.constant 1 : i32
      %shift_right_arithmetic3A_2093 = vector.broadcast %shift_right_arithmetic3A_2092 : i32 to vector<16xi32>
      %shift_right_arithmetic3A_2094 = arith.shrsi %add3A_2091, %shift_right_arithmetic3A_2093 : vector<16xi32>
      %gather3A_2095 = tpu.vector_load_idx %arg8[%shift_right_arithmetic3A_2094] : memref<528xi32, #tpu.memory_space<vmem>>[vector<16xi32>], vector<16xi32>,
      %le3A_2096 = arith.cmpi sle, %gather3A_2095, %add3A_2046 : vector<16xi32>
      %select_n3A_2097 = arith.select %le3A_2096, %shift_right_arithmetic3A_2094, %select_n3A_2089 : vector<16xi1>, vector<16xi32>
      %select_n3A_2098 = arith.select %le3A_2096, %select_n3A_2090, %shift_right_arithmetic3A_2094 : vector<16xi1>, vector<16xi32>
      %add3A_2099 = arith.addi %select_n3A_2097, %select_n3A_2098 : vector<16xi32>
      %shift_right_arithmetic3A_2100 = arith.constant 1 : i32
      %shift_right_arithmetic3A_2101 = vector.broadcast %shift_right_arithmetic3A_2100 : i32 to vector<16xi32>
      %shift_right_arithmetic3A_2102 = arith.shrsi %add3A_2099, %shift_right_arithmetic3A_2101 : vector<16xi32>
      %gather3A_2103 = tpu.vector_load_idx %arg8[%shift_right_arithmetic3A_2102] : memref<528xi32, #tpu.memory_space<vmem>>[vector<16xi32>], vector<16xi32>,
      %le3A_2104 = arith.cmpi sle, %gather3A_2103, %add3A_2046 : vector<16xi32>
      %select_n3A_2105 = arith.select %le3A_2104, %shift_right_arithmetic3A_2102, %select_n3A_2097 : vector<16xi1>, vector<16xi32>
      %select_n3A_2106 = arith.select %le3A_2104, %select_n3A_2098, %shift_right_arithmetic3A_2102 : vector<16xi1>, vector<16xi32>
      %add3A_2107 = arith.addi %select_n3A_2105, %select_n3A_2106 : vector<16xi32>
      %shift_right_arithmetic3A_2108 = arith.constant 1 : i32
      %shift_right_arithmetic3A_2109 = vector.broadcast %shift_right_arithmetic3A_2108 : i32 to vector<16xi32>
      %shift_right_arithmetic3A_2110 = arith.shrsi %add3A_2107, %shift_right_arithmetic3A_2109 : vector<16xi32>
      %gather3A_2111 = tpu.vector_load_idx %arg8[%shift_right_arithmetic3A_2110] : memref<528xi32, #tpu.memory_space<vmem>>[vector<16xi32>], vector<16xi32>,
      %le3A_2112 = arith.cmpi sle, %gather3A_2111, %add3A_2046 : vector<16xi32>
      %select_n3A_2113 = arith.select %le3A_2112, %shift_right_arithmetic3A_2110, %select_n3A_2105 : vector<16xi1>, vector<16xi32>
      %select_n3A_2114 = arith.select %le3A_2112, %select_n3A_2106, %shift_right_arithmetic3A_2110 : vector<16xi1>, vector<16xi32>
      %add3A_2115 = arith.addi %select_n3A_2113, %select_n3A_2114 : vector<16xi32>
      %shift_right_arithmetic3A_2116 = arith.constant 1 : i32
      %shift_right_arithmetic3A_2117 = vector.broadcast %shift_right_arithmetic3A_2116 : i32 to vector<16xi32>
      %shift_right_arithmetic3A_2118 = arith.shrsi %add3A_2115, %shift_right_arithmetic3A_2117 : vector<16xi32>
      %gather3A_2119 = tpu.vector_load_idx %arg8[%shift_right_arithmetic3A_2118] : memref<528xi32, #tpu.memory_space<vmem>>[vector<16xi32>], vector<16xi32>,
      %le3A_2120 = arith.cmpi sle, %gather3A_2119, %add3A_2046 : vector<16xi32>
      %select_n3A_2121 = arith.select %le3A_2120, %shift_right_arithmetic3A_2118, %select_n3A_2113 : vector<16xi1>, vector<16xi32>
      %select_n3A_2122 = arith.select %le3A_2120, %select_n3A_2114, %shift_right_arithmetic3A_2118 : vector<16xi1>, vector<16xi32>
      %add3A_2123 = arith.addi %select_n3A_2121, %select_n3A_2122 : vector<16xi32>
      %shift_right_arithmetic3A_2124 = arith.constant 1 : i32
      %shift_right_arithmetic3A_2125 = vector.broadcast %shift_right_arithmetic3A_2124 : i32 to vector<16xi32>
      %shift_right_arithmetic3A_2126 = arith.shrsi %add3A_2123, %shift_right_arithmetic3A_2125 : vector<16xi32>
      %gather3A_2127 = tpu.vector_load_idx %arg8[%shift_right_arithmetic3A_2126] : memref<528xi32, #tpu.memory_space<vmem>>[vector<16xi32>], vector<16xi32>,
      %le3A_2128 = arith.cmpi sle, %gather3A_2127, %add3A_2046 : vector<16xi32>
      %select_n3A_2129 = arith.select %le3A_2128, %shift_right_arithmetic3A_2126, %select_n3A_2121 : vector<16xi1>, vector<16xi32>
      %select_n3A_2130 = arith.select %le3A_2128, %select_n3A_2122, %shift_right_arithmetic3A_2126 : vector<16xi1>, vector<16xi32>
      %ge3A_2131 = vector.broadcast %add3A_1222 : i32 to vector<16xi32>
      %ge3A_2132 = arith.cmpi sge, %add3A_2046, %ge3A_2131 : vector<16xi32>
      %lt3A_2133 = vector.broadcast %mul3A_50 : i32 to vector<16xi32>
      %lt3A_2134 = arith.cmpi slt, %add3A_2046, %lt3A_2133 : vector<16xi32>
      %and3A_2135 = arith.andi %ge3A_2132, %lt3A_2134 : vector<16xi1>
      %jit3A_2136 = arith.constant 512 : i32
      %broadcast_in_dim3A_2137 = vector.broadcast %jit3A_2136 : i32 to vector<16xi32>
      %select_n3A_2138 = arith.select %and3A_2135, %select_n3A_2129, %broadcast_in_dim3A_2137 : vector<16xi1>, vector<16xi32>
      %swap3A_2139 = arith.constant 112 : index
      %swap3A_2140 = tpu.vector_load %arg16[%swap3A_2139] {strides = array<i32>} : memref<128xi32, #tpu.memory_space<vmem>>, vector<16xi32>,
      tpu.vector_store %arg16[%swap3A_2139], %select_n3A_2138 {strides = array<i32>} : memref<128xi32, #tpu.memory_space<vmem>>, vector<16xi32>,
      %reduce_max3A_2141 = arith.constant true
      %reduce_max3A_2142 = vector.broadcast %reduce_max3A_2141 : i1 to vector<16xi1>
      %reduce_max3A_2143 = arith.constant -2147483648 : i32
      %reduce_max3A_2144 = vector.broadcast %reduce_max3A_2143 : i32 to vector<16xi32>
      %reduce_max3A_2145 = arith.xori %select_n3A_2138, %reduce_max3A_2144 : vector<16xi32>
      %reduce_max3A_2146 = tpu.scan <max>, %reduce_max3A_2145 masked %reduce_max3A_2142 : vector<16xi32>, vector<16xi1> -> vector<16xi32>
      %reduce_max3A_2147 = arith.xori %reduce_max3A_2146, %reduce_max3A_2144 : vector<16xi32>
      %reduce_max3A_2148 = vector.extract %reduce_max3A_2147[15] : i32 from vector<16xi32>
      %max3A_2149 = arith.maxsi %max3A_2033, %reduce_max3A_2148 : i32
      %reduce_min3A_2150 = arith.constant true
      %reduce_min3A_2151 = vector.broadcast %reduce_min3A_2150 : i1 to vector<16xi1>
      %reduce_min3A_2152 = arith.constant -2147483648 : i32
      %reduce_min3A_2153 = vector.broadcast %reduce_min3A_2152 : i32 to vector<16xi32>
      %reduce_min3A_2154 = arith.xori %select_n3A_2138, %reduce_min3A_2153 : vector<16xi32>
      %reduce_min3A_2155 = tpu.scan <min>, %reduce_min3A_2154 masked %reduce_min3A_2151 : vector<16xi32>, vector<16xi1> -> vector<16xi32>
      %reduce_min3A_2156 = arith.xori %reduce_min3A_2155, %reduce_min3A_2153 : vector<16xi32>
      %reduce_min3A_2157 = vector.extract %reduce_min3A_2156[15] : i32 from vector<16xi32>
      %min3A_2158 = arith.minsi %min3A_2042, %reduce_min3A_2157 : i32
      %eq3A_2159 = vector.broadcast %min3A_2158 : i32 to vector<16xi32>
      %eq3A_2160 = arith.cmpi eq, %select_n3A_1324, %eq3A_2159 : vector<16xi32>
      %eq3A_2161 = vector.broadcast %max3A_2149 : i32 to vector<16xi32>
      %eq3A_2162 = arith.cmpi eq, %select_n3A_1324, %eq3A_2161 : vector<16xi32>
      %or3A_2163 = arith.ori %eq3A_2160, %eq3A_2162 : vector<16xi1>
      %convert_element_type3A_2164 = arith.extui %or3A_2163 : vector<16xi1> to vector<16xi32>
      %reduce_min3A_2165 = arith.constant true
      %reduce_min3A_2166 = vector.broadcast %reduce_min3A_2165 : i1 to vector<16xi1>
      %reduce_min3A_2167 = arith.constant -2147483648 : i32
      %reduce_min3A_2168 = vector.broadcast %reduce_min3A_2167 : i32 to vector<16xi32>
      %reduce_min3A_2169 = arith.xori %convert_element_type3A_2164, %reduce_min3A_2168 : vector<16xi32>
      %reduce_min3A_2170 = tpu.scan <min>, %reduce_min3A_2169 masked %reduce_min3A_2166 : vector<16xi32>, vector<16xi1> -> vector<16xi32>
      %reduce_min3A_2171 = arith.xori %reduce_min3A_2170, %reduce_min3A_2168 : vector<16xi32>
      %reduce_min3A_2172 = vector.extract %reduce_min3A_2171[15] : i32 from vector<16xi32>
      %min3A_2173 = arith.constant 1 : i32
      %min3A_2174 = arith.minsi %min3A_2173, %reduce_min3A_2172 : i32
      %eq3A_2175 = vector.broadcast %min3A_2158 : i32 to vector<16xi32>
      %eq3A_2176 = arith.cmpi eq, %select_n3A_1442, %eq3A_2175 : vector<16xi32>
      %eq3A_2177 = vector.broadcast %max3A_2149 : i32 to vector<16xi32>
      %eq3A_2178 = arith.cmpi eq, %select_n3A_1442, %eq3A_2177 : vector<16xi32>
      %or3A_2179 = arith.ori %eq3A_2176, %eq3A_2178 : vector<16xi1>
      %convert_element_type3A_2180 = arith.extui %or3A_2179 : vector<16xi1> to vector<16xi32>
      %reduce_min3A_2181 = arith.constant true
      %reduce_min3A_2182 = vector.broadcast %reduce_min3A_2181 : i1 to vector<16xi1>
      %reduce_min3A_2183 = arith.constant -2147483648 : i32
      %reduce_min3A_2184 = vector.broadcast %reduce_min3A_2183 : i32 to vector<16xi32>
      %reduce_min3A_2185 = arith.xori %convert_element_type3A_2180, %reduce_min3A_2184 : vector<16xi32>
      %reduce_min3A_2186 = tpu.scan <min>, %reduce_min3A_2185 masked %reduce_min3A_2182 : vector<16xi32>, vector<16xi1> -> vector<16xi32>
      %reduce_min3A_2187 = arith.xori %reduce_min3A_2186, %reduce_min3A_2184 : vector<16xi32>
      %reduce_min3A_2188 = vector.extract %reduce_min3A_2187[15] : i32 from vector<16xi32>
      %min3A_2189 = arith.minsi %min3A_2174, %reduce_min3A_2188 : i32
      %eq3A_2190 = vector.broadcast %min3A_2158 : i32 to vector<16xi32>
      %eq3A_2191 = arith.cmpi eq, %select_n3A_1558, %eq3A_2190 : vector<16xi32>
      %eq3A_2192 = vector.broadcast %max3A_2149 : i32 to vector<16xi32>
      %eq3A_2193 = arith.cmpi eq, %select_n3A_1558, %eq3A_2192 : vector<16xi32>
      %or3A_2194 = arith.ori %eq3A_2191, %eq3A_2193 : vector<16xi1>
      %convert_element_type3A_2195 = arith.extui %or3A_2194 : vector<16xi1> to vector<16xi32>
      %reduce_min3A_2196 = arith.constant true
      %reduce_min3A_2197 = vector.broadcast %reduce_min3A_2196 : i1 to vector<16xi1>
      %reduce_min3A_2198 = arith.constant -2147483648 : i32
      %reduce_min3A_2199 = vector.broadcast %reduce_min3A_2198 : i32 to vector<16xi32>
      %reduce_min3A_2200 = arith.xori %convert_element_type3A_2195, %reduce_min3A_2199 : vector<16xi32>
      %reduce_min3A_2201 = tpu.scan <min>, %reduce_min3A_2200 masked %reduce_min3A_2197 : vector<16xi32>, vector<16xi1> -> vector<16xi32>
      %reduce_min3A_2202 = arith.xori %reduce_min3A_2201, %reduce_min3A_2199 : vector<16xi32>
      %reduce_min3A_2203 = vector.extract %reduce_min3A_2202[15] : i32 from vector<16xi32>
      %min3A_2204 = arith.minsi %min3A_2189, %reduce_min3A_2203 : i32
      %eq3A_2205 = vector.broadcast %min3A_2158 : i32 to vector<16xi32>
      %eq3A_2206 = arith.cmpi eq, %select_n3A_1674, %eq3A_2205 : vector<16xi32>
      %eq3A_2207 = vector.broadcast %max3A_2149 : i32 to vector<16xi32>
      %eq3A_2208 = arith.cmpi eq, %select_n3A_1674, %eq3A_2207 : vector<16xi32>
      %or3A_2209 = arith.ori %eq3A_2206, %eq3A_2208 : vector<16xi1>
      %convert_element_type3A_2210 = arith.extui %or3A_2209 : vector<16xi1> to vector<16xi32>
      %reduce_min3A_2211 = arith.constant true
      %reduce_min3A_2212 = vector.broadcast %reduce_min3A_2211 : i1 to vector<16xi1>
      %reduce_min3A_2213 = arith.constant -2147483648 : i32
      %reduce_min3A_2214 = vector.broadcast %reduce_min3A_2213 : i32 to vector<16xi32>
      %reduce_min3A_2215 = arith.xori %convert_element_type3A_2210, %reduce_min3A_2214 : vector<16xi32>
      %reduce_min3A_2216 = tpu.scan <min>, %reduce_min3A_2215 masked %reduce_min3A_2212 : vector<16xi32>, vector<16xi1> -> vector<16xi32>
      %reduce_min3A_2217 = arith.xori %reduce_min3A_2216, %reduce_min3A_2214 : vector<16xi32>
      %reduce_min3A_2218 = vector.extract %reduce_min3A_2217[15] : i32 from vector<16xi32>
      %min3A_2219 = arith.minsi %min3A_2204, %reduce_min3A_2218 : i32
      %eq3A_2220 = vector.broadcast %min3A_2158 : i32 to vector<16xi32>
      %eq3A_2221 = arith.cmpi eq, %select_n3A_1790, %eq3A_2220 : vector<16xi32>
      %eq3A_2222 = vector.broadcast %max3A_2149 : i32 to vector<16xi32>
      %eq3A_2223 = arith.cmpi eq, %select_n3A_1790, %eq3A_2222 : vector<16xi32>
      %or3A_2224 = arith.ori %eq3A_2221, %eq3A_2223 : vector<16xi1>
      %convert_element_type3A_2225 = arith.extui %or3A_2224 : vector<16xi1> to vector<16xi32>
      %reduce_min3A_2226 = arith.constant true
      %reduce_min3A_2227 = vector.broadcast %reduce_min3A_2226 : i1 to vector<16xi1>
      %reduce_min3A_2228 = arith.constant -2147483648 : i32
      %reduce_min3A_2229 = vector.broadcast %reduce_min3A_2228 : i32 to vector<16xi32>
      %reduce_min3A_2230 = arith.xori %convert_element_type3A_2225, %reduce_min3A_2229 : vector<16xi32>
      %reduce_min3A_2231 = tpu.scan <min>, %reduce_min3A_2230 masked %reduce_min3A_2227 : vector<16xi32>, vector<16xi1> -> vector<16xi32>
      %reduce_min3A_2232 = arith.xori %reduce_min3A_2231, %reduce_min3A_2229 : vector<16xi32>
      %reduce_min3A_2233 = vector.extract %reduce_min3A_2232[15] : i32 from vector<16xi32>
      %min3A_2234 = arith.minsi %min3A_2219, %reduce_min3A_2233 : i32
      %eq3A_2235 = vector.broadcast %min3A_2158 : i32 to vector<16xi32>
      %eq3A_2236 = arith.cmpi eq, %select_n3A_1906, %eq3A_2235 : vector<16xi32>
      %eq3A_2237 = vector.broadcast %max3A_2149 : i32 to vector<16xi32>
      %eq3A_2238 = arith.cmpi eq, %select_n3A_1906, %eq3A_2237 : vector<16xi32>
      %or3A_2239 = arith.ori %eq3A_2236, %eq3A_2238 : vector<16xi1>
      %convert_element_type3A_2240 = arith.extui %or3A_2239 : vector<16xi1> to vector<16xi32>
      %reduce_min3A_2241 = arith.constant true
      %reduce_min3A_2242 = vector.broadcast %reduce_min3A_2241 : i1 to vector<16xi1>
      %reduce_min3A_2243 = arith.constant -2147483648 : i32
      %reduce_min3A_2244 = vector.broadcast %reduce_min3A_2243 : i32 to vector<16xi32>
      %reduce_min3A_2245 = arith.xori %convert_element_type3A_2240, %reduce_min3A_2244 : vector<16xi32>
      %reduce_min3A_2246 = tpu.scan <min>, %reduce_min3A_2245 masked %reduce_min3A_2242 : vector<16xi32>, vector<16xi1> -> vector<16xi32>
      %reduce_min3A_2247 = arith.xori %reduce_min3A_2246, %reduce_min3A_2244 : vector<16xi32>
      %reduce_min3A_2248 = vector.extract %reduce_min3A_2247[15] : i32 from vector<16xi32>
      %min3A_2249 = arith.minsi %min3A_2234, %reduce_min3A_2248 : i32
      %eq3A_2250 = vector.broadcast %min3A_2158 : i32 to vector<16xi32>
      %eq3A_2251 = arith.cmpi eq, %select_n3A_2022, %eq3A_2250 : vector<16xi32>
      %eq3A_2252 = vector.broadcast %max3A_2149 : i32 to vector<16xi32>
      %eq3A_2253 = arith.cmpi eq, %select_n3A_2022, %eq3A_2252 : vector<16xi32>
      %or3A_2254 = arith.ori %eq3A_2251, %eq3A_2253 : vector<16xi1>
      %convert_element_type3A_2255 = arith.extui %or3A_2254 : vector<16xi1> to vector<16xi32>
      %reduce_min3A_2256 = arith.constant true
      %reduce_min3A_2257 = vector.broadcast %reduce_min3A_2256 : i1 to vector<16xi1>
      %reduce_min3A_2258 = arith.constant -2147483648 : i32
      %reduce_min3A_2259 = vector.broadcast %reduce_min3A_2258 : i32 to vector<16xi32>
      %reduce_min3A_2260 = arith.xori %convert_element_type3A_2255, %reduce_min3A_2259 : vector<16xi32>
      %reduce_min3A_2261 = tpu.scan <min>, %reduce_min3A_2260 masked %reduce_min3A_2257 : vector<16xi32>, vector<16xi1> -> vector<16xi32>
      %reduce_min3A_2262 = arith.xori %reduce_min3A_2261, %reduce_min3A_2259 : vector<16xi32>
      %reduce_min3A_2263 = vector.extract %reduce_min3A_2262[15] : i32 from vector<16xi32>
      %min3A_2264 = arith.minsi %min3A_2249, %reduce_min3A_2263 : i32
      %eq3A_2265 = vector.broadcast %min3A_2158 : i32 to vector<16xi32>
      %eq3A_2266 = arith.cmpi eq, %select_n3A_2138, %eq3A_2265 : vector<16xi32>
      %eq3A_2267 = vector.broadcast %max3A_2149 : i32 to vector<16xi32>
      %eq3A_2268 = arith.cmpi eq, %select_n3A_2138, %eq3A_2267 : vector<16xi32>
      %or3A_2269 = arith.ori %eq3A_2266, %eq3A_2268 : vector<16xi1>
      %convert_element_type3A_2270 = arith.extui %or3A_2269 : vector<16xi1> to vector<16xi32>
      %reduce_min3A_2271 = arith.constant true
      %reduce_min3A_2272 = vector.broadcast %reduce_min3A_2271 : i1 to vector<16xi1>
      %reduce_min3A_2273 = arith.constant -2147483648 : i32
      %reduce_min3A_2274 = vector.broadcast %reduce_min3A_2273 : i32 to vector<16xi32>
      %reduce_min3A_2275 = arith.xori %convert_element_type3A_2270, %reduce_min3A_2274 : vector<16xi32>
      %reduce_min3A_2276 = tpu.scan <min>, %reduce_min3A_2275 masked %reduce_min3A_2272 : vector<16xi32>, vector<16xi1> -> vector<16xi32>
      %reduce_min3A_2277 = arith.xori %reduce_min3A_2276, %reduce_min3A_2274 : vector<16xi32>
      %reduce_min3A_2278 = vector.extract %reduce_min3A_2277[15] : i32 from vector<16xi32>
      %min3A_2279 = arith.minsi %min3A_2264, %reduce_min3A_2278 : i32
      %eq3A_2280 = arith.constant 1 : i32
      %eq3A_2281 = arith.cmpi eq, %min3A_2279, %eq3A_2280 : i32
      %convert_element_type3A_2282 = arith.extui %eq3A_2281 : i1 to i32
      %cond3A_2283 = arith.constant 0 : i32
      %cond3A_2284 = arith.cmpi ne, %convert_element_type3A_2282, %cond3A_2283 : i32
      scf.if %cond3A_2284 {
        %broadcast_in_dim3A_2306 = arith.constant 0.000000e+00 : f32
        %broadcast_in_dim3A_2307 = vector.broadcast %broadcast_in_dim3A_2306 : f32 to vector<16xf32>
        %broadcast_in_dim3A_2308 = arith.constant 0.000000e+00 : f32
        %broadcast_in_dim3A_2309 = vector.broadcast %broadcast_in_dim3A_2308 : f32 to vector<16xf32>
        %broadcast_in_dim3A_2310 = arith.constant 0.000000e+00 : f32
        %broadcast_in_dim3A_2311 = vector.broadcast %broadcast_in_dim3A_2310 : f32 to vector<16xf32>
        %broadcast_in_dim3A_2312 = arith.constant 0.000000e+00 : f32
        %broadcast_in_dim3A_2313 = vector.broadcast %broadcast_in_dim3A_2312 : f32 to vector<16xf32>
        %broadcast_in_dim3A_2314 = arith.constant 0.000000e+00 : f32
        %broadcast_in_dim3A_2315 = vector.broadcast %broadcast_in_dim3A_2314 : f32 to vector<16xf32>
        %broadcast_in_dim3A_2316 = arith.constant 0.000000e+00 : f32
        %broadcast_in_dim3A_2317 = vector.broadcast %broadcast_in_dim3A_2316 : f32 to vector<16xf32>
        %broadcast_in_dim3A_2318 = arith.constant 0.000000e+00 : f32
        %broadcast_in_dim3A_2319 = vector.broadcast %broadcast_in_dim3A_2318 : f32 to vector<16xf32>
        %broadcast_in_dim3A_2320 = arith.constant 0.000000e+00 : f32
        %broadcast_in_dim3A_2321 = vector.broadcast %broadcast_in_dim3A_2320 : f32 to vector<16xf32>
        %broadcast_in_dim3A_2322 = arith.constant 0.000000e+00 : f32
        %broadcast_in_dim3A_2323 = vector.broadcast %broadcast_in_dim3A_2322 : f32 to vector<16xf32>
        %broadcast_in_dim3A_2324 = arith.constant 0.000000e+00 : f32
        %broadcast_in_dim3A_2325 = vector.broadcast %broadcast_in_dim3A_2324 : f32 to vector<16xf32>
        %broadcast_in_dim3A_2326 = arith.constant 0.000000e+00 : f32
        %broadcast_in_dim3A_2327 = vector.broadcast %broadcast_in_dim3A_2326 : f32 to vector<16xf32>
        %broadcast_in_dim3A_2328 = arith.constant 0.000000e+00 : f32
        %broadcast_in_dim3A_2329 = vector.broadcast %broadcast_in_dim3A_2328 : f32 to vector<16xf32>
        %broadcast_in_dim3A_2330 = arith.constant 0.000000e+00 : f32
        %broadcast_in_dim3A_2331 = vector.broadcast %broadcast_in_dim3A_2330 : f32 to vector<16xf32>
        %broadcast_in_dim3A_2332 = arith.constant 0.000000e+00 : f32
        %broadcast_in_dim3A_2333 = vector.broadcast %broadcast_in_dim3A_2332 : f32 to vector<16xf32>
        %broadcast_in_dim3A_2334 = arith.constant 0.000000e+00 : f32
        %broadcast_in_dim3A_2335 = vector.broadcast %broadcast_in_dim3A_2334 : f32 to vector<16xf32>
        %broadcast_in_dim3A_2336 = arith.constant 0.000000e+00 : f32
        %broadcast_in_dim3A_2337 = vector.broadcast %broadcast_in_dim3A_2336 : f32 to vector<16xf32>
        %broadcast_in_dim3A_2338 = arith.constant 0.000000e+00 : f32
        %broadcast_in_dim3A_2339 = vector.broadcast %broadcast_in_dim3A_2338 : f32 to vector<16xf32>
        %broadcast_in_dim3A_2340 = arith.constant 0.000000e+00 : f32
        %broadcast_in_dim3A_2341 = vector.broadcast %broadcast_in_dim3A_2340 : f32 to vector<16xf32>
        %broadcast_in_dim3A_2342 = arith.constant 0.000000e+00 : f32
        %broadcast_in_dim3A_2343 = vector.broadcast %broadcast_in_dim3A_2342 : f32 to vector<16xf32>
        %broadcast_in_dim3A_2344 = arith.constant 0.000000e+00 : f32
        %broadcast_in_dim3A_2345 = vector.broadcast %broadcast_in_dim3A_2344 : f32 to vector<16xf32>
        %scan3A_2346 = arith.constant 0 : i32
        %scan3A_2347 = arith.constant 128 : i32
        %scan3A_2348 = arith.addi %scan3A_2346, %scan3A_2347 : i32
        %scan3A_2349 = arith.constant 1 : i32
        %scan3A_2350:20 = scf.for %scan3A_2470 = %scan3A_2346 to %scan3A_2348 step %scan3A_2349 iter_args(%scan3A_2471 = %broadcast_in_dim3A_2307, %scan3A_2472 = %broadcast_in_dim3A_2309, %scan3A_2473 = %broadcast_in_dim3A_2311, %scan3A_2474 = %broadcast_in_dim3A_2313, %scan3A_2475 = %broadcast_in_dim3A_2315, %scan3A_2476 = %broadcast_in_dim3A_2317, %scan3A_2477 = %broadcast_in_dim3A_2319, %scan3A_2478 = %broadcast_in_dim3A_2321, %scan3A_2479 = %broadcast_in_dim3A_2323, %scan3A_2480 = %broadcast_in_dim3A_2325, %scan3A_2481 = %broadcast_in_dim3A_2327, %scan3A_2482 = %broadcast_in_dim3A_2329, %scan3A_2483 = %broadcast_in_dim3A_2331, %scan3A_2484 = %broadcast_in_dim3A_2333, %scan3A_2485 = %broadcast_in_dim3A_2335, %scan3A_2486 = %broadcast_in_dim3A_2337, %scan3A_2487 = %broadcast_in_dim3A_2339, %scan3A_2488 = %broadcast_in_dim3A_2341, %scan3A_2489 = %broadcast_in_dim3A_2343, %scan3A_2490 = %broadcast_in_dim3A_2345) -> (vector<16xf32>, vector<16xf32>, vector<16xf32>, vector<16xf32>, vector<16xf32>, vector<16xf32>, vector<16xf32>, vector<16xf32>, vector<16xf32>, vector<16xf32>, vector<16xf32>, vector<16xf32>, vector<16xf32>, vector<16xf32>, vector<16xf32>, vector<16xf32>, vector<16xf32>, vector<16xf32>, vector<16xf32>, vector<16xf32>)  : i32 {
          %broadcast_in_dim3A_2491 = vector.broadcast %scan3A_2470 : i32 to vector<16xi32>
          %gather3A_2492 = tpu.vector_load_idx %arg16[%broadcast_in_dim3A_2491] : memref<128xi32, #tpu.memory_space<vmem>>[vector<16xi32>], vector<16xi32>,
          %eq3A_2493 = vector.broadcast %min3A_2158 : i32 to vector<16xi32>
          %eq3A_2494 = arith.cmpi eq, %gather3A_2492, %eq3A_2493 : vector<16xi32>
          %get3A = arith.index_cast %scan3A_2470 : i32 to index
          %get3A_2495 = arith.constant 0 : index
          %get3A_2496 = tpu.vector_load %arg10[%get3A, %get3A_2495] {strides = array<i32>} : memref<128x128xf32, #tpu.memory_space<vmem>>, vector<16xf32>,
          %get3A_2497 = arith.index_cast %scan3A_2470 : i32 to index
          %get3A_2498 = arith.constant 16 : index
          %get3A_2499 = tpu.vector_load %arg10[%get3A_2497, %get3A_2498] {strides = array<i32>} : memref<128x128xf32, #tpu.memory_space<vmem>>, vector<16xf32>,
          %get3A_2500 = arith.index_cast %scan3A_2470 : i32 to index
          %get3A_2501 = arith.constant 32 : index
          %get3A_2502 = tpu.vector_load %arg10[%get3A_2500, %get3A_2501] {strides = array<i32>} : memref<128x128xf32, #tpu.memory_space<vmem>>, vector<16xf32>,
          %get3A_2503 = arith.index_cast %scan3A_2470 : i32 to index
          %get3A_2504 = arith.constant 48 : index
          %get3A_2505 = tpu.vector_load %arg10[%get3A_2503, %get3A_2504] {strides = array<i32>} : memref<128x128xf32, #tpu.memory_space<vmem>>, vector<16xf32>,
          %get3A_2506 = arith.index_cast %scan3A_2470 : i32 to index
          %get3A_2507 = arith.constant 64 : index
          %get3A_2508 = tpu.vector_load %arg10[%get3A_2506, %get3A_2507] {strides = array<i32>} : memref<128x128xf32, #tpu.memory_space<vmem>>, vector<16xf32>,
          %get3A_2509 = arith.index_cast %scan3A_2470 : i32 to index
          %get3A_2510 = arith.constant 80 : index
          %get3A_2511 = tpu.vector_load %arg10[%get3A_2509, %get3A_2510] {strides = array<i32>} : memref<128x128xf32, #tpu.memory_space<vmem>>, vector<16xf32>,
          %get3A_2512 = arith.index_cast %scan3A_2470 : i32 to index
          %get3A_2513 = arith.constant 96 : index
          %get3A_2514 = tpu.vector_load %arg10[%get3A_2512, %get3A_2513] {strides = array<i32>} : memref<128x128xf32, #tpu.memory_space<vmem>>, vector<16xf32>,
          %get3A_2515 = arith.index_cast %scan3A_2470 : i32 to index
          %get3A_2516 = arith.constant 112 : index
          %get3A_2517 = tpu.vector_load %arg10[%get3A_2515, %get3A_2516] {strides = array<i32>} : memref<128x128xf32, #tpu.memory_space<vmem>>, vector<16xf32>,
          %get3A_2518 = arith.index_cast %scan3A_2470 : i32 to index
          %get3A_2519 = arith.constant 0 : index
          %get3A_2520 = tpu.vector_load %arg12[%get3A_2518, %get3A_2519] {strides = array<i32>} : memref<128x32xf32, #tpu.memory_space<vmem>>, vector<16xf32>,
          %get3A_2521 = arith.index_cast %scan3A_2470 : i32 to index
          %get3A_2522 = arith.constant 16 : index
          %get3A_2523 = tpu.vector_load %arg12[%get3A_2521, %get3A_2522] {strides = array<i32>} : memref<128x32xf32, #tpu.memory_space<vmem>>, vector<16xf32>,
          %jit3A_2524 = arith.constant 0.000000e+00 : f32
          %broadcast_in_dim3A_2525 = vector.broadcast %jit3A_2524 : f32 to vector<16xf32>
          %select_n3A_2526 = arith.select %eq3A_2494, %get3A_2496, %broadcast_in_dim3A_2525 : vector<16xi1>, vector<16xf32>
          %add3A_2527 = arith.addf %scan3A_2471, %select_n3A_2526 : vector<16xf32>
          %jit3A_2528 = arith.constant 0.000000e+00 : f32
          %broadcast_in_dim3A_2529 = vector.broadcast %jit3A_2528 : f32 to vector<16xf32>
          %select_n3A_2530 = arith.select %eq3A_2494, %get3A_2499, %broadcast_in_dim3A_2529 : vector<16xi1>, vector<16xf32>
          %add3A_2531 = arith.addf %scan3A_2472, %select_n3A_2530 : vector<16xf32>
          %jit3A_2532 = arith.constant 0.000000e+00 : f32
          %broadcast_in_dim3A_2533 = vector.broadcast %jit3A_2532 : f32 to vector<16xf32>
          %select_n3A_2534 = arith.select %eq3A_2494, %get3A_2502, %broadcast_in_dim3A_2533 : vector<16xi1>, vector<16xf32>
          %add3A_2535 = arith.addf %scan3A_2473, %select_n3A_2534 : vector<16xf32>
          %jit3A_2536 = arith.constant 0.000000e+00 : f32
          %broadcast_in_dim3A_2537 = vector.broadcast %jit3A_2536 : f32 to vector<16xf32>
          %select_n3A_2538 = arith.select %eq3A_2494, %get3A_2505, %broadcast_in_dim3A_2537 : vector<16xi1>, vector<16xf32>
          %add3A_2539 = arith.addf %scan3A_2474, %select_n3A_2538 : vector<16xf32>
          %jit3A_2540 = arith.constant 0.000000e+00 : f32
          %broadcast_in_dim3A_2541 = vector.broadcast %jit3A_2540 : f32 to vector<16xf32>
          %select_n3A_2542 = arith.select %eq3A_2494, %get3A_2508, %broadcast_in_dim3A_2541 : vector<16xi1>, vector<16xf32>
          %add3A_2543 = arith.addf %scan3A_2475, %select_n3A_2542 : vector<16xf32>
          %jit3A_2544 = arith.constant 0.000000e+00 : f32
          %broadcast_in_dim3A_2545 = vector.broadcast %jit3A_2544 : f32 to vector<16xf32>
          %select_n3A_2546 = arith.select %eq3A_2494, %get3A_2511, %broadcast_in_dim3A_2545 : vector<16xi1>, vector<16xf32>
          %add3A_2547 = arith.addf %scan3A_2476, %select_n3A_2546 : vector<16xf32>
          %jit3A_2548 = arith.constant 0.000000e+00 : f32
          %broadcast_in_dim3A_2549 = vector.broadcast %jit3A_2548 : f32 to vector<16xf32>
          %select_n3A_2550 = arith.select %eq3A_2494, %get3A_2514, %broadcast_in_dim3A_2549 : vector<16xi1>, vector<16xf32>
          %add3A_2551 = arith.addf %scan3A_2477, %select_n3A_2550 : vector<16xf32>
          %jit3A_2552 = arith.constant 0.000000e+00 : f32
          %broadcast_in_dim3A_2553 = vector.broadcast %jit3A_2552 : f32 to vector<16xf32>
          %select_n3A_2554 = arith.select %eq3A_2494, %get3A_2517, %broadcast_in_dim3A_2553 : vector<16xi1>, vector<16xf32>
          %add3A_2555 = arith.addf %scan3A_2478, %select_n3A_2554 : vector<16xf32>
          %add3A_2556 = arith.addf %scan3A_2479, %get3A_2496 : vector<16xf32>
          %add3A_2557 = arith.addf %scan3A_2480, %get3A_2499 : vector<16xf32>
          %add3A_2558 = arith.addf %scan3A_2481, %get3A_2502 : vector<16xf32>
          %add3A_2559 = arith.addf %scan3A_2482, %get3A_2505 : vector<16xf32>
          %add3A_2560 = arith.addf %scan3A_2483, %get3A_2508 : vector<16xf32>
          %add3A_2561 = arith.addf %scan3A_2484, %get3A_2511 : vector<16xf32>
          %add3A_2562 = arith.addf %scan3A_2485, %get3A_2514 : vector<16xf32>
          %add3A_2563 = arith.addf %scan3A_2486, %get3A_2517 : vector<16xf32>
          %jit3A_2564 = arith.constant 0.000000e+00 : f32
          %broadcast_in_dim3A_2565 = vector.broadcast %jit3A_2564 : f32 to vector<16xf32>
          %select_n3A_2566 = arith.select %eq3A_2494, %get3A_2520, %broadcast_in_dim3A_2565 : vector<16xi1>, vector<16xf32>
          %add3A_2567 = arith.addf %scan3A_2487, %select_n3A_2566 : vector<16xf32>
          %jit3A_2568 = arith.constant 0.000000e+00 : f32
          %broadcast_in_dim3A_2569 = vector.broadcast %jit3A_2568 : f32 to vector<16xf32>
          %select_n3A_2570 = arith.select %eq3A_2494, %get3A_2523, %broadcast_in_dim3A_2569 : vector<16xi1>, vector<16xf32>
          %add3A_2571 = arith.addf %scan3A_2488, %select_n3A_2570 : vector<16xf32>
          %add3A_2572 = arith.addf %scan3A_2489, %get3A_2520 : vector<16xf32>
          %add3A_2573 = arith.addf %scan3A_2490, %get3A_2523 : vector<16xf32>
          scf.yield %add3A_2527, %add3A_2531, %add3A_2535, %add3A_2539, %add3A_2543, %add3A_2547, %add3A_2551, %add3A_2555, %add3A_2556, %add3A_2557, %add3A_2558, %add3A_2559, %add3A_2560, %add3A_2561, %add3A_2562, %add3A_2563, %add3A_2567, %add3A_2571, %add3A_2572, %add3A_2573 : vector<16xf32>, vector<16xf32>, vector<16xf32>, vector<16xf32>, vector<16xf32>, vector<16xf32>, vector<16xf32>, vector<16xf32>, vector<16xf32>, vector<16xf32>, vector<16xf32>, vector<16xf32>, vector<16xf32>, vector<16xf32>, vector<16xf32>, vector<16xf32>, vector<16xf32>, vector<16xf32>, vector<16xf32>, vector<16xf32>
        }
        %scan3A_2351 = arith.constant 128 : i32
        %swap3A_2352 = arith.constant 0 : i32
        %swap3A_2353 = arith.index_cast %swap3A_2352 : i32 to index
        %swap3A_2354 = arith.constant 0 : index
        %swap3A_2355 = tpu.vector_load %arg17[%swap3A_2353, %swap3A_2354] {strides = array<i32>} : memref<16x128xf32, #tpu.memory_space<vmem>>, vector<16xf32>,
        tpu.vector_store %arg17[%swap3A_2353, %swap3A_2354], %scan3A_2350#0 {strides = array<i32>} : memref<16x128xf32, #tpu.memory_space<vmem>>, vector<16xf32>,
        %sub3A_2356 = arith.subf %scan3A_2350#8, %scan3A_2350#0 : vector<16xf32>
        %swap3A_2357 = arith.constant 1 : i32
        %swap3A_2358 = arith.index_cast %swap3A_2357 : i32 to index
        %swap3A_2359 = arith.constant 0 : index
        %swap3A_2360 = tpu.vector_load %arg17[%swap3A_2358, %swap3A_2359] {strides = array<i32>} : memref<16x128xf32, #tpu.memory_space<vmem>>, vector<16xf32>,
        tpu.vector_store %arg17[%swap3A_2358, %swap3A_2359], %sub3A_2356 {strides = array<i32>} : memref<16x128xf32, #tpu.memory_space<vmem>>, vector<16xf32>,
        %swap3A_2361 = arith.constant 0 : i32
        %swap3A_2362 = arith.index_cast %swap3A_2361 : i32 to index
        %swap3A_2363 = arith.constant 16 : index
        %swap3A_2364 = tpu.vector_load %arg17[%swap3A_2362, %swap3A_2363] {strides = array<i32>} : memref<16x128xf32, #tpu.memory_space<vmem>>, vector<16xf32>,
        tpu.vector_store %arg17[%swap3A_2362, %swap3A_2363], %scan3A_2350#1 {strides = array<i32>} : memref<16x128xf32, #tpu.memory_space<vmem>>, vector<16xf32>,
        %sub3A_2365 = arith.subf %scan3A_2350#9, %scan3A_2350#1 : vector<16xf32>
        %swap3A_2366 = arith.constant 1 : i32
        %swap3A_2367 = arith.index_cast %swap3A_2366 : i32 to index
        %swap3A_2368 = arith.constant 16 : index
        %swap3A_2369 = tpu.vector_load %arg17[%swap3A_2367, %swap3A_2368] {strides = array<i32>} : memref<16x128xf32, #tpu.memory_space<vmem>>, vector<16xf32>,
        tpu.vector_store %arg17[%swap3A_2367, %swap3A_2368], %sub3A_2365 {strides = array<i32>} : memref<16x128xf32, #tpu.memory_space<vmem>>, vector<16xf32>,
        %swap3A_2370 = arith.constant 0 : i32
        %swap3A_2371 = arith.index_cast %swap3A_2370 : i32 to index
        %swap3A_2372 = arith.constant 32 : index
        %swap3A_2373 = tpu.vector_load %arg17[%swap3A_2371, %swap3A_2372] {strides = array<i32>} : memref<16x128xf32, #tpu.memory_space<vmem>>, vector<16xf32>,
        tpu.vector_store %arg17[%swap3A_2371, %swap3A_2372], %scan3A_2350#2 {strides = array<i32>} : memref<16x128xf32, #tpu.memory_space<vmem>>, vector<16xf32>,
        %sub3A_2374 = arith.subf %scan3A_2350#10, %scan3A_2350#2 : vector<16xf32>
        %swap3A_2375 = arith.constant 1 : i32
        %swap3A_2376 = arith.index_cast %swap3A_2375 : i32 to index
        %swap3A_2377 = arith.constant 32 : index
        %swap3A_2378 = tpu.vector_load %arg17[%swap3A_2376, %swap3A_2377] {strides = array<i32>} : memref<16x128xf32, #tpu.memory_space<vmem>>, vector<16xf32>,
        tpu.vector_store %arg17[%swap3A_2376, %swap3A_2377], %sub3A_2374 {strides = array<i32>} : memref<16x128xf32, #tpu.memory_space<vmem>>, vector<16xf32>,
        %swap3A_2379 = arith.constant 0 : i32
        %swap3A_2380 = arith.index_cast %swap3A_2379 : i32 to index
        %swap3A_2381 = arith.constant 48 : index
        %swap3A_2382 = tpu.vector_load %arg17[%swap3A_2380, %swap3A_2381] {strides = array<i32>} : memref<16x128xf32, #tpu.memory_space<vmem>>, vector<16xf32>,
        tpu.vector_store %arg17[%swap3A_2380, %swap3A_2381], %scan3A_2350#3 {strides = array<i32>} : memref<16x128xf32, #tpu.memory_space<vmem>>, vector<16xf32>,
        %sub3A_2383 = arith.subf %scan3A_2350#11, %scan3A_2350#3 : vector<16xf32>
        %swap3A_2384 = arith.constant 1 : i32
        %swap3A_2385 = arith.index_cast %swap3A_2384 : i32 to index
        %swap3A_2386 = arith.constant 48 : index
        %swap3A_2387 = tpu.vector_load %arg17[%swap3A_2385, %swap3A_2386] {strides = array<i32>} : memref<16x128xf32, #tpu.memory_space<vmem>>, vector<16xf32>,
        tpu.vector_store %arg17[%swap3A_2385, %swap3A_2386], %sub3A_2383 {strides = array<i32>} : memref<16x128xf32, #tpu.memory_space<vmem>>, vector<16xf32>,
        %swap3A_2388 = arith.constant 0 : i32
        %swap3A_2389 = arith.index_cast %swap3A_2388 : i32 to index
        %swap3A_2390 = arith.constant 64 : index
        %swap3A_2391 = tpu.vector_load %arg17[%swap3A_2389, %swap3A_2390] {strides = array<i32>} : memref<16x128xf32, #tpu.memory_space<vmem>>, vector<16xf32>,
        tpu.vector_store %arg17[%swap3A_2389, %swap3A_2390], %scan3A_2350#4 {strides = array<i32>} : memref<16x128xf32, #tpu.memory_space<vmem>>, vector<16xf32>,
        %sub3A_2392 = arith.subf %scan3A_2350#12, %scan3A_2350#4 : vector<16xf32>
        %swap3A_2393 = arith.constant 1 : i32
        %swap3A_2394 = arith.index_cast %swap3A_2393 : i32 to index
        %swap3A_2395 = arith.constant 64 : index
        %swap3A_2396 = tpu.vector_load %arg17[%swap3A_2394, %swap3A_2395] {strides = array<i32>} : memref<16x128xf32, #tpu.memory_space<vmem>>, vector<16xf32>,
        tpu.vector_store %arg17[%swap3A_2394, %swap3A_2395], %sub3A_2392 {strides = array<i32>} : memref<16x128xf32, #tpu.memory_space<vmem>>, vector<16xf32>,
        %swap3A_2397 = arith.constant 0 : i32
        %swap3A_2398 = arith.index_cast %swap3A_2397 : i32 to index
        %swap3A_2399 = arith.constant 80 : index
        %swap3A_2400 = tpu.vector_load %arg17[%swap3A_2398, %swap3A_2399] {strides = array<i32>} : memref<16x128xf32, #tpu.memory_space<vmem>>, vector<16xf32>,
        tpu.vector_store %arg17[%swap3A_2398, %swap3A_2399], %scan3A_2350#5 {strides = array<i32>} : memref<16x128xf32, #tpu.memory_space<vmem>>, vector<16xf32>,
        %sub3A_2401 = arith.subf %scan3A_2350#13, %scan3A_2350#5 : vector<16xf32>
        %swap3A_2402 = arith.constant 1 : i32
        %swap3A_2403 = arith.index_cast %swap3A_2402 : i32 to index
        %swap3A_2404 = arith.constant 80 : index
        %swap3A_2405 = tpu.vector_load %arg17[%swap3A_2403, %swap3A_2404] {strides = array<i32>} : memref<16x128xf32, #tpu.memory_space<vmem>>, vector<16xf32>,
        tpu.vector_store %arg17[%swap3A_2403, %swap3A_2404], %sub3A_2401 {strides = array<i32>} : memref<16x128xf32, #tpu.memory_space<vmem>>, vector<16xf32>,
        %swap3A_2406 = arith.constant 0 : i32
        %swap3A_2407 = arith.index_cast %swap3A_2406 : i32 to index
        %swap3A_2408 = arith.constant 96 : index
        %swap3A_2409 = tpu.vector_load %arg17[%swap3A_2407, %swap3A_2408] {strides = array<i32>} : memref<16x128xf32, #tpu.memory_space<vmem>>, vector<16xf32>,
        tpu.vector_store %arg17[%swap3A_2407, %swap3A_2408], %scan3A_2350#6 {strides = array<i32>} : memref<16x128xf32, #tpu.memory_space<vmem>>, vector<16xf32>,
        %sub3A_2410 = arith.subf %scan3A_2350#14, %scan3A_2350#6 : vector<16xf32>
        %swap3A_2411 = arith.constant 1 : i32
        %swap3A_2412 = arith.index_cast %swap3A_2411 : i32 to index
        %swap3A_2413 = arith.constant 96 : index
        %swap3A_2414 = tpu.vector_load %arg17[%swap3A_2412, %swap3A_2413] {strides = array<i32>} : memref<16x128xf32, #tpu.memory_space<vmem>>, vector<16xf32>,
        tpu.vector_store %arg17[%swap3A_2412, %swap3A_2413], %sub3A_2410 {strides = array<i32>} : memref<16x128xf32, #tpu.memory_space<vmem>>, vector<16xf32>,
        %swap3A_2415 = arith.constant 0 : i32
        %swap3A_2416 = arith.index_cast %swap3A_2415 : i32 to index
        %swap3A_2417 = arith.constant 112 : index
        %swap3A_2418 = tpu.vector_load %arg17[%swap3A_2416, %swap3A_2417] {strides = array<i32>} : memref<16x128xf32, #tpu.memory_space<vmem>>, vector<16xf32>,
        tpu.vector_store %arg17[%swap3A_2416, %swap3A_2417], %scan3A_2350#7 {strides = array<i32>} : memref<16x128xf32, #tpu.memory_space<vmem>>, vector<16xf32>,
        %sub3A_2419 = arith.subf %scan3A_2350#15, %scan3A_2350#7 : vector<16xf32>
        %swap3A_2420 = arith.constant 1 : i32
        %swap3A_2421 = arith.index_cast %swap3A_2420 : i32 to index
        %swap3A_2422 = arith.constant 112 : index
        %swap3A_2423 = tpu.vector_load %arg17[%swap3A_2421, %swap3A_2422] {strides = array<i32>} : memref<16x128xf32, #tpu.memory_space<vmem>>, vector<16xf32>,
        tpu.vector_store %arg17[%swap3A_2421, %swap3A_2422], %sub3A_2419 {strides = array<i32>} : memref<16x128xf32, #tpu.memory_space<vmem>>, vector<16xf32>,
        %swap3A_2424 = arith.constant 2 : i32
        %swap3A_2425 = arith.index_cast %swap3A_2424 : i32 to index
        %swap3A_2426 = arith.constant 0 : index
        %swap3A_2427 = tpu.vector_load %arg17[%swap3A_2425, %swap3A_2426] {strides = array<i32>} : memref<16x128xf32, #tpu.memory_space<vmem>>, vector<16xf32>,
        tpu.vector_store %arg17[%swap3A_2425, %swap3A_2426], %scan3A_2350#16 {strides = array<i32>} : memref<16x128xf32, #tpu.memory_space<vmem>>, vector<16xf32>,
        %sub3A_2428 = arith.subf %scan3A_2350#18, %scan3A_2350#16 : vector<16xf32>
        %swap3A_2429 = arith.constant 3 : i32
        %swap3A_2430 = arith.index_cast %swap3A_2429 : i32 to index
        %swap3A_2431 = arith.constant 0 : index
        %swap3A_2432 = tpu.vector_load %arg17[%swap3A_2430, %swap3A_2431] {strides = array<i32>} : memref<16x128xf32, #tpu.memory_space<vmem>>, vector<16xf32>,
        tpu.vector_store %arg17[%swap3A_2430, %swap3A_2431], %sub3A_2428 {strides = array<i32>} : memref<16x128xf32, #tpu.memory_space<vmem>>, vector<16xf32>,
        %swap3A_2433 = arith.constant 2 : i32
        %swap3A_2434 = arith.index_cast %swap3A_2433 : i32 to index
        %swap3A_2435 = arith.constant 16 : index
        %swap3A_2436 = tpu.vector_load %arg17[%swap3A_2434, %swap3A_2435] {strides = array<i32>} : memref<16x128xf32, #tpu.memory_space<vmem>>, vector<16xf32>,
        tpu.vector_store %arg17[%swap3A_2434, %swap3A_2435], %scan3A_2350#17 {strides = array<i32>} : memref<16x128xf32, #tpu.memory_space<vmem>>, vector<16xf32>,
        %sub3A_2437 = arith.subf %scan3A_2350#19, %scan3A_2350#17 : vector<16xf32>
        %swap3A_2438 = arith.constant 3 : i32
        %swap3A_2439 = arith.index_cast %swap3A_2438 : i32 to index
        %swap3A_2440 = arith.constant 16 : index
        %swap3A_2441 = tpu.vector_load %arg17[%swap3A_2439, %swap3A_2440] {strides = array<i32>} : memref<16x128xf32, #tpu.memory_space<vmem>>, vector<16xf32>,
        tpu.vector_store %arg17[%swap3A_2439, %swap3A_2440], %sub3A_2437 {strides = array<i32>} : memref<16x128xf32, #tpu.memory_space<vmem>>, vector<16xf32>,
        %eq3A_2442 = arith.constant 0 : i32
        %eq3A_2443 = vector.broadcast %eq3A_2442 : i32 to vector<16xi32>
        %eq3A_2444 = arith.cmpi eq, %iota3A, %eq3A_2443 : vector<16xi32>
        %eq3A_2445 = arith.constant 1 : i32
        %eq3A_2446 = vector.broadcast %eq3A_2445 : i32 to vector<16xi32>
        %eq3A_2447 = arith.cmpi eq, %iota3A, %eq3A_2446 : vector<16xi32>
        %jit3A_2448 = arith.constant 512 : i32
        %broadcast_in_dim3A_2449 = vector.broadcast %max3A_2149 : i32 to vector<16xi32>
        %broadcast_in_dim3A_2450 = vector.broadcast %jit3A_2448 : i32 to vector<16xi32>
        %select_n3A_2451 = arith.select %eq3A_2447, %broadcast_in_dim3A_2449, %broadcast_in_dim3A_2450 : vector<16xi1>, vector<16xi32>
        %broadcast_in_dim3A_2452 = vector.broadcast %min3A_2158 : i32 to vector<16xi32>
        %select_n3A_2453 = arith.select %eq3A_2444, %broadcast_in_dim3A_2452, %select_n3A_2451 : vector<16xi1>, vector<16xi32>
        %swap3A_2454 = arith.constant 0 : index
        %swap3A_2455 = tpu.vector_load %arg18[%swap3A_2454] {strides = array<i32>} : memref<16xi32, #tpu.memory_space<vmem>>, vector<16xi32>,
        tpu.vector_store %arg18[%swap3A_2454], %select_n3A_2453 {strides = array<i32>} : memref<16xi32, #tpu.memory_space<vmem>>, vector<16xi32>,
        %eq3A_2456 = arith.constant 2 : i32
        %eq3A_2457 = vector.broadcast %eq3A_2456 : i32 to vector<16xi32>
        %eq3A_2458 = arith.cmpi eq, %iota3A, %eq3A_2457 : vector<16xi32>
        %eq3A_2459 = arith.constant 3 : i32
        %eq3A_2460 = vector.broadcast %eq3A_2459 : i32 to vector<16xi32>
        %eq3A_2461 = arith.cmpi eq, %iota3A, %eq3A_2460 : vector<16xi32>
        %jit3A_2462 = arith.constant 512 : i32
        %broadcast_in_dim3A_2463 = vector.broadcast %max3A_2149 : i32 to vector<16xi32>
        %broadcast_in_dim3A_2464 = vector.broadcast %jit3A_2462 : i32 to vector<16xi32>
        %select_n3A_2465 = arith.select %eq3A_2461, %broadcast_in_dim3A_2463, %broadcast_in_dim3A_2464 : vector<16xi1>, vector<16xi32>
        %broadcast_in_dim3A_2466 = vector.broadcast %min3A_2158 : i32 to vector<16xi32>
        %select_n3A_2467 = arith.select %eq3A_2458, %broadcast_in_dim3A_2466, %select_n3A_2465 : vector<16xi1>, vector<16xi32>
        %swap3A_2468 = arith.constant 0 : index
        %swap3A_2469 = tpu.vector_load %arg19[%swap3A_2468] {strides = array<i32>} : memref<16xi32, #tpu.memory_space<vmem>>, vector<16xi32>,
        tpu.vector_store %arg19[%swap3A_2468], %select_n3A_2467 {strides = array<i32>} : memref<16xi32, #tpu.memory_space<vmem>>, vector<16xi32>,
        "tpu.region"() ({
          %run_scoped3A = tpu.sem_alloc : memref<!tpu.dma_semaphore, #tpu.memory_space<semaphore_mem>>
          %dma_start3A_2470 = arith.constant 0 : i32
          %dma_start3A_2471 = arith.constant 0 : i32
          %dma_start3A_2472 = tpu.memref_slice %arg20[%dma_start3A_2470, %dma_start3A_2471] : memref<520x128xf32, #tpu.memory_space<vmem_shared>> -> memref<520x128xf32, #tpu.memory_space<vmem_shared>>
          tpu.enqueue_indirect_dma source(%arg17 : memref<16x128xf32, #tpu.memory_space<vmem>>) target(%dma_start3A_2472 : memref<520x128xf32, #tpu.memory_space<vmem_shared>>) offsets(%arg18 : memref<16xi32, #tpu.memory_space<vmem>>) semaphore(%run_scoped3A : memref<!tpu.dma_semaphore, #tpu.memory_space<semaphore_mem>>) {add = true}
          %dma_wait3A_2473 = arith.constant 0 : i32
          %dma_wait3A_2474 = arith.constant 0 : i32
          %dma_wait3A_2475 = tpu.memref_slice %arg20[%dma_wait3A_2473, %dma_wait3A_2474] : memref<520x128xf32, #tpu.memory_space<vmem_shared>> -> memref<520x128xf32, #tpu.memory_space<vmem_shared>>
          tpu.wait_indirect_dma semaphore(%run_scoped3A : memref<!tpu.dma_semaphore, #tpu.memory_space<semaphore_mem>>) src(%arg17 : memref<16x128xf32, #tpu.memory_space<vmem>>) dst(%dma_wait3A_2475 : memref<520x128xf32, #tpu.memory_space<vmem_shared>>)
          tpu.yield
        }) : () -> ()
        "tpu.region"() ({
          %run_scoped3A = tpu.sem_alloc : memref<!tpu.dma_semaphore, #tpu.memory_space<semaphore_mem>>
          %dma_start3A_2470 = arith.constant 0 : i32
          %dma_start3A_2471 = arith.constant 0 : i32
          %dma_start3A_2472 = tpu.memref_slice %arg21[%dma_start3A_2470, %dma_start3A_2471] : memref<520x128xf32, #tpu.memory_space<vmem_shared>> -> memref<520x128xf32, #tpu.memory_space<vmem_shared>>
          tpu.enqueue_indirect_dma source(%arg17 : memref<16x128xf32, #tpu.memory_space<vmem>>) target(%dma_start3A_2472 : memref<520x128xf32, #tpu.memory_space<vmem_shared>>) offsets(%arg19 : memref<16xi32, #tpu.memory_space<vmem>>) semaphore(%run_scoped3A : memref<!tpu.dma_semaphore, #tpu.memory_space<semaphore_mem>>) {add = true}
          %dma_wait3A_2473 = arith.constant 0 : i32
          %dma_wait3A_2474 = arith.constant 0 : i32
          %dma_wait3A_2475 = tpu.memref_slice %arg21[%dma_wait3A_2473, %dma_wait3A_2474] : memref<520x128xf32, #tpu.memory_space<vmem_shared>> -> memref<520x128xf32, #tpu.memory_space<vmem_shared>>
          tpu.wait_indirect_dma semaphore(%run_scoped3A : memref<!tpu.dma_semaphore, #tpu.memory_space<semaphore_mem>>) src(%arg17 : memref<16x128xf32, #tpu.memory_space<vmem>>) dst(%dma_wait3A_2475 : memref<520x128xf32, #tpu.memory_space<vmem_shared>>)
          tpu.yield
        }) : () -> ()
      } else {
      }
      %eq3A_2285 = arith.constant 0 : i32
      %eq3A_2286 = arith.cmpi eq, %min3A_2279, %eq3A_2285 : i32
      %convert_element_type3A_2287 = arith.extui %eq3A_2286 : i1 to i32
      %cond3A_2288 = arith.constant 0 : i32
      %cond3A_2289 = arith.cmpi ne, %convert_element_type3A_2287, %cond3A_2288 : i32
      scf.if %cond3A_2289 {
        %scan3A_2306 = arith.constant 0 : i32
        %scan3A_2307 = arith.constant 0 : i32
        %scan3A_2308 = arith.constant 32 : i32
        %scan3A_2309 = arith.addi %scan3A_2307, %scan3A_2308 : i32
        %scan3A_2310 = arith.constant 1 : i32
        scf.for %scan3A_2312 = %scan3A_2307 to %scan3A_2309 step %scan3A_2310  : i32 {
          %mul3A_2313 = arith.constant 4 : i32
          %mul3A_2314 = arith.muli %scan3A_2312, %mul3A_2313 : i32
          %add3A_2315 = arith.constant 0 : i32
          %add3A_2316 = arith.addi %mul3A_2314, %add3A_2315 : i32
          %get3A = arith.index_cast %add3A_2316 : i32 to index
          %get3A_2317 = arith.constant 0 : index
          %get3A_2318 = tpu.vector_load %arg12[%get3A, %get3A_2317] {strides = array<i32>} : memref<128x32xf32, #tpu.memory_space<vmem>>, vector<16xf32>,
          %swap3A_2319 = arith.index_cast %add3A_2316 : i32 to index
          %swap3A_2320 = arith.constant 0 : index
          %swap3A_2321 = tpu.vector_load %arg14[%swap3A_2319, %swap3A_2320] {strides = array<i32>} : memref<128x128xf32, #tpu.memory_space<vmem>>, vector<16xf32>,
          tpu.vector_store %arg14[%swap3A_2319, %swap3A_2320], %get3A_2318 {strides = array<i32>} : memref<128x128xf32, #tpu.memory_space<vmem>>, vector<16xf32>,
          %get3A_2322 = arith.index_cast %add3A_2316 : i32 to index
          %get3A_2323 = arith.constant 16 : index
          %get3A_2324 = tpu.vector_load %arg12[%get3A_2322, %get3A_2323] {strides = array<i32>} : memref<128x32xf32, #tpu.memory_space<vmem>>, vector<16xf32>,
          %swap3A_2325 = arith.index_cast %add3A_2316 : i32 to index
          %swap3A_2326 = arith.constant 16 : index
          %swap3A_2327 = tpu.vector_load %arg14[%swap3A_2325, %swap3A_2326] {strides = array<i32>} : memref<128x128xf32, #tpu.memory_space<vmem>>, vector<16xf32>,
          tpu.vector_store %arg14[%swap3A_2325, %swap3A_2326], %get3A_2324 {strides = array<i32>} : memref<128x128xf32, #tpu.memory_space<vmem>>, vector<16xf32>,
          %mul3A_2328 = arith.constant 4 : i32
          %mul3A_2329 = arith.muli %scan3A_2312, %mul3A_2328 : i32
          %add3A_2330 = arith.constant 1 : i32
          %add3A_2331 = arith.addi %mul3A_2329, %add3A_2330 : i32
          %get3A_2332 = arith.index_cast %add3A_2331 : i32 to index
          %get3A_2333 = arith.constant 0 : index
          %get3A_2334 = tpu.vector_load %arg12[%get3A_2332, %get3A_2333] {strides = array<i32>} : memref<128x32xf32, #tpu.memory_space<vmem>>, vector<16xf32>,
          %swap3A_2335 = arith.index_cast %add3A_2331 : i32 to index
          %swap3A_2336 = arith.constant 0 : index
          %swap3A_2337 = tpu.vector_load %arg14[%swap3A_2335, %swap3A_2336] {strides = array<i32>} : memref<128x128xf32, #tpu.memory_space<vmem>>, vector<16xf32>,
          tpu.vector_store %arg14[%swap3A_2335, %swap3A_2336], %get3A_2334 {strides = array<i32>} : memref<128x128xf32, #tpu.memory_space<vmem>>, vector<16xf32>,
          %get3A_2338 = arith.index_cast %add3A_2331 : i32 to index
          %get3A_2339 = arith.constant 16 : index
          %get3A_2340 = tpu.vector_load %arg12[%get3A_2338, %get3A_2339] {strides = array<i32>} : memref<128x32xf32, #tpu.memory_space<vmem>>, vector<16xf32>,
          %swap3A_2341 = arith.index_cast %add3A_2331 : i32 to index
          %swap3A_2342 = arith.constant 16 : index
          %swap3A_2343 = tpu.vector_load %arg14[%swap3A_2341, %swap3A_2342] {strides = array<i32>} : memref<128x128xf32, #tpu.memory_space<vmem>>, vector<16xf32>,
          tpu.vector_store %arg14[%swap3A_2341, %swap3A_2342], %get3A_2340 {strides = array<i32>} : memref<128x128xf32, #tpu.memory_space<vmem>>, vector<16xf32>,
          %mul3A_2344 = arith.constant 4 : i32
          %mul3A_2345 = arith.muli %scan3A_2312, %mul3A_2344 : i32
          %add3A_2346 = arith.constant 2 : i32
          %add3A_2347 = arith.addi %mul3A_2345, %add3A_2346 : i32
          %get3A_2348 = arith.index_cast %add3A_2347 : i32 to index
          %get3A_2349 = arith.constant 0 : index
          %get3A_2350 = tpu.vector_load %arg12[%get3A_2348, %get3A_2349] {strides = array<i32>} : memref<128x32xf32, #tpu.memory_space<vmem>>, vector<16xf32>,
          %swap3A_2351 = arith.index_cast %add3A_2347 : i32 to index
          %swap3A_2352 = arith.constant 0 : index
          %swap3A_2353 = tpu.vector_load %arg14[%swap3A_2351, %swap3A_2352] {strides = array<i32>} : memref<128x128xf32, #tpu.memory_space<vmem>>, vector<16xf32>,
          tpu.vector_store %arg14[%swap3A_2351, %swap3A_2352], %get3A_2350 {strides = array<i32>} : memref<128x128xf32, #tpu.memory_space<vmem>>, vector<16xf32>,
          %get3A_2354 = arith.index_cast %add3A_2347 : i32 to index
          %get3A_2355 = arith.constant 16 : index
          %get3A_2356 = tpu.vector_load %arg12[%get3A_2354, %get3A_2355] {strides = array<i32>} : memref<128x32xf32, #tpu.memory_space<vmem>>, vector<16xf32>,
          %swap3A_2357 = arith.index_cast %add3A_2347 : i32 to index
          %swap3A_2358 = arith.constant 16 : index
          %swap3A_2359 = tpu.vector_load %arg14[%swap3A_2357, %swap3A_2358] {strides = array<i32>} : memref<128x128xf32, #tpu.memory_space<vmem>>, vector<16xf32>,
          tpu.vector_store %arg14[%swap3A_2357, %swap3A_2358], %get3A_2356 {strides = array<i32>} : memref<128x128xf32, #tpu.memory_space<vmem>>, vector<16xf32>,
          %mul3A_2360 = arith.constant 4 : i32
          %mul3A_2361 = arith.muli %scan3A_2312, %mul3A_2360 : i32
          %add3A_2362 = arith.constant 3 : i32
          %add3A_2363 = arith.addi %mul3A_2361, %add3A_2362 : i32
          %get3A_2364 = arith.index_cast %add3A_2363 : i32 to index
          %get3A_2365 = arith.constant 0 : index
          %get3A_2366 = tpu.vector_load %arg12[%get3A_2364, %get3A_2365] {strides = array<i32>} : memref<128x32xf32, #tpu.memory_space<vmem>>, vector<16xf32>,
          %swap3A_2367 = arith.index_cast %add3A_2363 : i32 to index
          %swap3A_2368 = arith.constant 0 : index
          %swap3A_2369 = tpu.vector_load %arg14[%swap3A_2367, %swap3A_2368] {strides = array<i32>} : memref<128x128xf32, #tpu.memory_space<vmem>>, vector<16xf32>,
          tpu.vector_store %arg14[%swap3A_2367, %swap3A_2368], %get3A_2366 {strides = array<i32>} : memref<128x128xf32, #tpu.memory_space<vmem>>, vector<16xf32>,
          %get3A_2370 = arith.index_cast %add3A_2363 : i32 to index
          %get3A_2371 = arith.constant 16 : index
          %get3A_2372 = tpu.vector_load %arg12[%get3A_2370, %get3A_2371] {strides = array<i32>} : memref<128x32xf32, #tpu.memory_space<vmem>>, vector<16xf32>,
          %swap3A_2373 = arith.index_cast %add3A_2363 : i32 to index
          %swap3A_2374 = arith.constant 16 : index
          %swap3A_2375 = tpu.vector_load %arg14[%swap3A_2373, %swap3A_2374] {strides = array<i32>} : memref<128x128xf32, #tpu.memory_space<vmem>>, vector<16xf32>,
          tpu.vector_store %arg14[%swap3A_2373, %swap3A_2374], %get3A_2372 {strides = array<i32>} : memref<128x128xf32, #tpu.memory_space<vmem>>, vector<16xf32>,
        }
        %scan3A_2311 = arith.constant 32 : i32
        "tpu.region"() ({
          %run_scoped3A = tpu.sem_alloc : memref<!tpu.dma_semaphore, #tpu.memory_space<semaphore_mem>>
          %dma_start3A_2312 = arith.constant 0 : i32
          %dma_start3A_2313 = arith.constant 0 : i32
          %dma_start3A_2314 = tpu.memref_slice %arg20[%dma_start3A_2312, %dma_start3A_2313] : memref<520x128xf32, #tpu.memory_space<vmem_shared>> -> memref<520x128xf32, #tpu.memory_space<vmem_shared>>
          tpu.enqueue_indirect_dma source(%arg10 : memref<128x128xf32, #tpu.memory_space<vmem>>) target(%dma_start3A_2314 : memref<520x128xf32, #tpu.memory_space<vmem_shared>>) offsets(%arg16 : memref<128xi32, #tpu.memory_space<vmem>>) semaphore(%run_scoped3A : memref<!tpu.dma_semaphore, #tpu.memory_space<semaphore_mem>>) {add = true}
          %dma_wait3A_2315 = arith.constant 0 : i32
          %dma_wait3A_2316 = arith.constant 0 : i32
          %dma_wait3A_2317 = tpu.memref_slice %arg20[%dma_wait3A_2315, %dma_wait3A_2316] : memref<520x128xf32, #tpu.memory_space<vmem_shared>> -> memref<520x128xf32, #tpu.memory_space<vmem_shared>>
          tpu.wait_indirect_dma semaphore(%run_scoped3A : memref<!tpu.dma_semaphore, #tpu.memory_space<semaphore_mem>>) src(%arg10 : memref<128x128xf32, #tpu.memory_space<vmem>>) dst(%dma_wait3A_2317 : memref<520x128xf32, #tpu.memory_space<vmem_shared>>)
          tpu.yield
        }) : () -> ()
        "tpu.region"() ({
          %run_scoped3A = tpu.sem_alloc : memref<!tpu.dma_semaphore, #tpu.memory_space<semaphore_mem>>
          %dma_start3A_2312 = arith.constant 0 : i32
          %dma_start3A_2313 = arith.constant 0 : i32
          %dma_start3A_2314 = tpu.memref_slice %arg21[%dma_start3A_2312, %dma_start3A_2313] : memref<520x128xf32, #tpu.memory_space<vmem_shared>> -> memref<520x128xf32, #tpu.memory_space<vmem_shared>>
          tpu.enqueue_indirect_dma source(%arg14 : memref<128x128xf32, #tpu.memory_space<vmem>>) target(%dma_start3A_2314 : memref<520x128xf32, #tpu.memory_space<vmem_shared>>) offsets(%arg16 : memref<128xi32, #tpu.memory_space<vmem>>) semaphore(%run_scoped3A : memref<!tpu.dma_semaphore, #tpu.memory_space<semaphore_mem>>) {add = true}
          %dma_wait3A_2315 = arith.constant 0 : i32
          %dma_wait3A_2316 = arith.constant 0 : i32
          %dma_wait3A_2317 = tpu.memref_slice %arg21[%dma_wait3A_2315, %dma_wait3A_2316] : memref<520x128xf32, #tpu.memory_space<vmem_shared>> -> memref<520x128xf32, #tpu.memory_space<vmem_shared>>
          tpu.wait_indirect_dma semaphore(%run_scoped3A : memref<!tpu.dma_semaphore, #tpu.memory_space<semaphore_mem>>) src(%arg14 : memref<128x128xf32, #tpu.memory_space<vmem>>) dst(%dma_wait3A_2317 : memref<520x128xf32, #tpu.memory_space<vmem_shared>>)
          tpu.yield
        }) : () -> ()
      } else {
      }
      %add3A_2290 = arith.constant 2 : i32
      %add3A_2291 = arith.addi %add3A_1207, %add3A_2290 : i32
      %mul3A_2292 = arith.constant 128 : i32
      %mul3A_2293 = arith.muli %add3A_2291, %mul3A_2292 : i32
      %add3A_2294 = arith.addi %mul3A_20, %mul3A_2293 : i32
      %min3A_2295 = arith.constant 99872 : i32
      %min3A_2296 = arith.minsi %add3A_2294, %min3A_2295 : i32
      %multiple_of3A_2297 = tpu.assume_multiple %min3A_2296, 8 : i32
      %dma_start3A_2298 = arith.constant 0 : i32
      %dma_start3A_2299 = tpu.memref_slice %arg2[%multiple_of3A_2297, %dma_start3A_2298] : memref<100000x128xf32, #tpu.memory_space<hbm>> -> memref<128x128xf32, #tpu.memory_space<hbm>>
      %dma_start3A_2300 = arith.constant 0 : i32
      %dma_start3A_2301 = tpu.memref_slice %arg2[%multiple_of3A_2297, %dma_start3A_2300] : memref<100000x128xf32, #tpu.memory_space<hbm>> -> memref<128x128xf32, #tpu.memory_space<hbm>>
      tpu.enqueue_dma source(%dma_start3A_2301 : memref<128x128xf32, #tpu.memory_space<hbm>>) target(%arg10 : memref<128x128xf32, #tpu.memory_space<vmem>>) target_semaphore(%arg23 : memref<!tpu.dma_semaphore, #tpu.memory_space<semaphore_mem>>)
      %dma_start3A_2302 = arith.constant 0 : i32
      %dma_start3A_2303 = tpu.memref_slice %arg3[%multiple_of3A_2297, %dma_start3A_2302] : memref<100000x32xf32, #tpu.memory_space<hbm>> -> memref<128x32xf32, #tpu.memory_space<hbm>>
      %dma_start3A_2304 = arith.constant 0 : i32
      %dma_start3A_2305 = tpu.memref_slice %arg3[%multiple_of3A_2297, %dma_start3A_2304] : memref<100000x32xf32, #tpu.memory_space<hbm>> -> memref<128x32xf32, #tpu.memory_space<hbm>>
      tpu.enqueue_dma source(%dma_start3A_2305 : memref<128x32xf32, #tpu.memory_space<hbm>>) target(%arg12 : memref<128x32xf32, #tpu.memory_space<vmem>>) target_semaphore(%arg23 : memref<!tpu.dma_semaphore, #tpu.memory_space<semaphore_mem>>)
    }
    %scan3A_82 = arith.constant 13 : i32
    %dma_wait3A = arith.constant 0 : i32
    %dma_wait3A_83 = arith.constant 0 : i32
    %dma_wait3A_84 = tpu.memref_slice %arg2[%dma_wait3A, %dma_wait3A_83] : memref<100000x128xf32, #tpu.memory_space<hbm>> -> memref<128x128xf32, #tpu.memory_space<hbm>>
    %dma_wait3A_85 = arith.constant 0 : i32
    %dma_wait3A_86 = arith.constant 0 : i32
    %dma_wait3A_87 = tpu.memref_slice %arg2[%dma_wait3A_85, %dma_wait3A_86] : memref<100000x128xf32, #tpu.memory_space<hbm>> -> memref<128x128xf32, #tpu.memory_space<hbm>>
    tpu.wait_dma2 semaphore(%arg22 : memref<!tpu.dma_semaphore, #tpu.memory_space<semaphore_mem>>) src(%dma_wait3A_87 : memref<128x128xf32, #tpu.memory_space<hbm>>) dst(%arg9 : memref<128x128xf32, #tpu.memory_space<vmem>>)
    %dma_wait3A_88 = arith.constant 0 : i32
    %dma_wait3A_89 = arith.constant 0 : i32
    %dma_wait3A_90 = tpu.memref_slice %arg3[%dma_wait3A_88, %dma_wait3A_89] : memref<100000x32xf32, #tpu.memory_space<hbm>> -> memref<128x32xf32, #tpu.memory_space<hbm>>
    %dma_wait3A_91 = arith.constant 0 : i32
    %dma_wait3A_92 = arith.constant 0 : i32
    %dma_wait3A_93 = tpu.memref_slice %arg3[%dma_wait3A_91, %dma_wait3A_92] : memref<100000x32xf32, #tpu.memory_space<hbm>> -> memref<128x32xf32, #tpu.memory_space<hbm>>
    tpu.wait_dma2 semaphore(%arg22 : memref<!tpu.dma_semaphore, #tpu.memory_space<semaphore_mem>>) src(%dma_wait3A_93 : memref<128x32xf32, #tpu.memory_space<hbm>>) dst(%arg11 : memref<128x32xf32, #tpu.memory_space<vmem>>)
    %dma_wait3A_94 = arith.constant 0 : i32
    %dma_wait3A_95 = arith.constant 0 : i32
    %dma_wait3A_96 = tpu.memref_slice %arg2[%dma_wait3A_94, %dma_wait3A_95] : memref<100000x128xf32, #tpu.memory_space<hbm>> -> memref<128x128xf32, #tpu.memory_space<hbm>>
    %dma_wait3A_97 = arith.constant 0 : i32
    %dma_wait3A_98 = arith.constant 0 : i32
    %dma_wait3A_99 = tpu.memref_slice %arg2[%dma_wait3A_97, %dma_wait3A_98] : memref<100000x128xf32, #tpu.memory_space<hbm>> -> memref<128x128xf32, #tpu.memory_space<hbm>>
    tpu.wait_dma2 semaphore(%arg23 : memref<!tpu.dma_semaphore, #tpu.memory_space<semaphore_mem>>) src(%dma_wait3A_99 : memref<128x128xf32, #tpu.memory_space<hbm>>) dst(%arg10 : memref<128x128xf32, #tpu.memory_space<vmem>>)
    %dma_wait3A_100 = arith.constant 0 : i32
    %dma_wait3A_101 = arith.constant 0 : i32
    %dma_wait3A_102 = tpu.memref_slice %arg3[%dma_wait3A_100, %dma_wait3A_101] : memref<100000x32xf32, #tpu.memory_space<hbm>> -> memref<128x32xf32, #tpu.memory_space<hbm>>
    %dma_wait3A_103 = arith.constant 0 : i32
    %dma_wait3A_104 = arith.constant 0 : i32
    %dma_wait3A_105 = tpu.memref_slice %arg3[%dma_wait3A_103, %dma_wait3A_104] : memref<100000x32xf32, #tpu.memory_space<hbm>> -> memref<128x32xf32, #tpu.memory_space<hbm>>
    tpu.wait_dma2 semaphore(%arg23 : memref<!tpu.dma_semaphore, #tpu.memory_space<semaphore_mem>>) src(%dma_wait3A_105 : memref<128x32xf32, #tpu.memory_space<hbm>>) dst(%arg12 : memref<128x32xf32, #tpu.memory_space<vmem>>)
    %barrier3A_106 = arith.constant 0 : index
    tpu.barrier barrier_id(%barrier3A_106)
    %mul3A_107 = arith.constant 32 : i32
    %mul3A_108 = arith.muli %arg1, %mul3A_107 : i32
    %mul3A_109 = arith.constant 32 : i32
    %mul3A_110 = arith.muli %arg1, %mul3A_109 : i32
    "tpu.region"() ({
      %run_scoped3A = tpu.sem_alloc : memref<!tpu.dma_semaphore, #tpu.memory_space<semaphore_mem>>
      %dma_start3A_115 = arith.constant 0 : i32
      %dma_start3A_116 = tpu.memref_slice %arg6[%arg0, %mul3A_110, %dma_start3A_115] : memref<2x512x128xf32, #tpu.memory_space<hbm>> -> memref<1x32x128xf32, #tpu.memory_space<hbm>>
      %dma_start3A_117 = tpu.memref_squeeze %dma_start3A_116 : memref<1x32x128xf32, #tpu.memory_space<hbm>> -> memref<32x128xf32, #tpu.memory_space<hbm>>
      %dma_start3A_118 = arith.constant 0 : i32
      %dma_start3A_119 = tpu.memref_slice %arg20[%mul3A_108, %dma_start3A_118] : memref<520x128xf32, #tpu.memory_space<vmem_shared>> -> memref<32x128xf32, #tpu.memory_space<vmem_shared>>
      tpu.enqueue_dma source(%dma_start3A_119 : memref<32x128xf32, #tpu.memory_space<vmem_shared>>) target(%dma_start3A_117 : memref<32x128xf32, #tpu.memory_space<hbm>>) target_semaphore(%run_scoped3A : memref<!tpu.dma_semaphore, #tpu.memory_space<semaphore_mem>>)
      %dma_wait3A_120 = arith.constant 0 : i32
      %dma_wait3A_121 = tpu.memref_slice %arg6[%arg0, %mul3A_110, %dma_wait3A_120] : memref<2x512x128xf32, #tpu.memory_space<hbm>> -> memref<1x32x128xf32, #tpu.memory_space<hbm>>
      %dma_wait3A_122 = tpu.memref_squeeze %dma_wait3A_121 : memref<1x32x128xf32, #tpu.memory_space<hbm>> -> memref<32x128xf32, #tpu.memory_space<hbm>>
      %dma_wait3A_123 = arith.constant 0 : i32
      %dma_wait3A_124 = tpu.memref_slice %arg20[%mul3A_108, %dma_wait3A_123] : memref<520x128xf32, #tpu.memory_space<vmem_shared>> -> memref<32x128xf32, #tpu.memory_space<vmem_shared>>
      tpu.wait_dma2 semaphore(%run_scoped3A : memref<!tpu.dma_semaphore, #tpu.memory_space<semaphore_mem>>) src(%dma_wait3A_124 : memref<32x128xf32, #tpu.memory_space<vmem_shared>>) dst(%dma_wait3A_122 : memref<32x128xf32, #tpu.memory_space<hbm>>)
      tpu.yield
    }) : () -> ()
    %mul3A_111 = arith.constant 32 : i32
    %mul3A_112 = arith.muli %arg1, %mul3A_111 : i32
    %mul3A_113 = arith.constant 32 : i32
    %mul3A_114 = arith.muli %arg1, %mul3A_113 : i32
    "tpu.region"() ({
      %run_scoped3A = tpu.sem_alloc : memref<!tpu.dma_semaphore, #tpu.memory_space<semaphore_mem>>
      %dma_start3A_115 = arith.constant 0 : i32
      %dma_start3A_116 = tpu.memref_slice %arg7[%arg0, %mul3A_114, %dma_start3A_115] : memref<2x512x128xf32, #tpu.memory_space<hbm>> -> memref<1x32x128xf32, #tpu.memory_space<hbm>>
      %dma_start3A_117 = tpu.memref_squeeze %dma_start3A_116 : memref<1x32x128xf32, #tpu.memory_space<hbm>> -> memref<32x128xf32, #tpu.memory_space<hbm>>
      %dma_start3A_118 = arith.constant 0 : i32
      %dma_start3A_119 = tpu.memref_slice %arg21[%mul3A_112, %dma_start3A_118] : memref<520x128xf32, #tpu.memory_space<vmem_shared>> -> memref<32x128xf32, #tpu.memory_space<vmem_shared>>
      tpu.enqueue_dma source(%dma_start3A_119 : memref<32x128xf32, #tpu.memory_space<vmem_shared>>) target(%dma_start3A_117 : memref<32x128xf32, #tpu.memory_space<hbm>>) target_semaphore(%run_scoped3A : memref<!tpu.dma_semaphore, #tpu.memory_space<semaphore_mem>>)
      %dma_wait3A_120 = arith.constant 0 : i32
      %dma_wait3A_121 = tpu.memref_slice %arg7[%arg0, %mul3A_114, %dma_wait3A_120] : memref<2x512x128xf32, #tpu.memory_space<hbm>> -> memref<1x32x128xf32, #tpu.memory_space<hbm>>
      %dma_wait3A_122 = tpu.memref_squeeze %dma_wait3A_121 : memref<1x32x128xf32, #tpu.memory_space<hbm>> -> memref<32x128xf32, #tpu.memory_space<hbm>>
      %dma_wait3A_123 = arith.constant 0 : i32
      %dma_wait3A_124 = tpu.memref_slice %arg21[%mul3A_112, %dma_wait3A_123] : memref<520x128xf32, #tpu.memory_space<vmem_shared>> -> memref<32x128xf32, #tpu.memory_space<vmem_shared>>
      tpu.wait_dma2 semaphore(%run_scoped3A : memref<!tpu.dma_semaphore, #tpu.memory_space<semaphore_mem>>) src(%dma_wait3A_124 : memref<32x128xf32, #tpu.memory_space<vmem_shared>>) dst(%dma_wait3A_122 : memref<32x128xf32, #tpu.memory_space<hbm>>)
      tpu.yield
    }) : () -> ()
    return
  }
}

module attributes {stable_mosaic.version = 14 : i64} {
  func.func @_proj_body(%arg0: memref<2x512x128xf32, #tpu.memory_space<vmem>>, %arg1: memref<2x512x128xf32, #tpu.memory_space<vmem>>, %arg2: memref<32x160xf32, #tpu.memory_space<vmem>>, %arg3: memref<1x32xf32, #tpu.memory_space<vmem>>, %arg4: memref<512x1xf32, #tpu.memory_space<vmem>>, %arg5: memref<512x32xf32, #tpu.memory_space<vmem>>) attributes {dimension_semantics = [], scalar_prefetch = 0 : i64, scratch_operands = 0 : i64, tpu.core_type = #tpu.core_type<tc>} {
    %get3A = arith.constant 0 : index
    %get3A_0 = arith.constant 0 : index
    %get3A_1 = arith.constant 0 : index
    %get3A_2 = vector.load %arg0[%get3A, %get3A_0, %get3A_1] : memref<2x512x128xf32, #tpu.memory_space<vmem>>, vector<1x512x128xf32>
    %get3A_3 = vector.shape_cast %get3A_2 : vector<1x512x128xf32> to vector<512x128xf32>
    %get3A_4 = arith.constant 1 : index
    %get3A_5 = arith.constant 0 : index
    %get3A_6 = arith.constant 0 : index
    %get3A_7 = vector.load %arg0[%get3A_4, %get3A_5, %get3A_6] : memref<2x512x128xf32, #tpu.memory_space<vmem>>, vector<1x512x128xf32>
    %get3A_8 = vector.shape_cast %get3A_7 : vector<1x512x128xf32> to vector<512x128xf32>
    %add3A = arith.addf %get3A_3, %get3A_8 : vector<512x128xf32>
    %get3A_9 = arith.constant 0 : index
    %get3A_10 = arith.constant 0 : index
    %get3A_11 = arith.constant 0 : index
    %get3A_12 = vector.load %arg1[%get3A_9, %get3A_10, %get3A_11] : memref<2x512x128xf32, #tpu.memory_space<vmem>>, vector<1x512x128xf32>
    %get3A_13 = vector.shape_cast %get3A_12 : vector<1x512x128xf32> to vector<512x128xf32>
    %get3A_14 = arith.constant 1 : index
    %get3A_15 = arith.constant 0 : index
    %get3A_16 = arith.constant 0 : index
    %get3A_17 = vector.load %arg1[%get3A_14, %get3A_15, %get3A_16] : memref<2x512x128xf32, #tpu.memory_space<vmem>>, vector<1x512x128xf32>
    %get3A_18 = vector.shape_cast %get3A_17 : vector<1x512x128xf32> to vector<512x128xf32>
    %add3A_19 = arith.addf %get3A_13, %get3A_18 : vector<512x128xf32>
    %slice3A = vector.extract_strided_slice %add3A_19 {offsets = [0, 0], sizes = [512, 32], strides = [1, 1]} : vector<512x128xf32> to vector<512x32xf32>
    %get3A_20 = arith.constant 0 : index
    %get3A_21 = arith.constant 0 : index
    %get3A_22 = vector.load %arg2[%get3A_20, %get3A_21] : memref<32x160xf32, #tpu.memory_space<vmem>>, vector<32x128xf32>
    %get3A_23 = arith.constant 0 : index
    %get3A_24 = arith.constant 128 : index
    %get3A_25 = vector.load %arg2[%get3A_23, %get3A_24] : memref<32x160xf32, #tpu.memory_space<vmem>>, vector<32x32xf32>
    %dot_general3A = arith.constant dense<0.000000e+00> : vector<512x32xf32>
    %dot_general3A_26 = tpu.matmul %add3A, %get3A_22, %dot_general3A {dimension_numbers = #tpu.dot_dimension_numbers<[1], [1], [0], [0], [0, 0, 1, 0], [], []>, transpose_lhs_hint = false} : vector<512x128xf32>, vector<32x128xf32>, vector<512x32xf32> -> vector<512x32xf32>
    %dot_general3A_27 = arith.constant dense<0.000000e+00> : vector<512x32xf32>
    %dot_general3A_28 = tpu.matmul %slice3A, %get3A_25, %dot_general3A_27 {dimension_numbers = #tpu.dot_dimension_numbers<[1], [1], [0], [0], [0, 0, 1, 0], [], []>, transpose_lhs_hint = false} : vector<512x32xf32>, vector<32x32xf32>, vector<512x32xf32> -> vector<512x32xf32>
    %add3A_29 = arith.addf %dot_general3A_26, %dot_general3A_28 : vector<512x32xf32>
    %get3A_30 = arith.constant 0 : index
    %get3A_31 = arith.constant 0 : index
    %get3A_32 = vector.load %arg4[%get3A_30, %get3A_31] : memref<512x1xf32, #tpu.memory_space<vmem>>, vector<512x1xf32>
    %get3A_33 = arith.constant 0 : index
    %get3A_34 = arith.constant 0 : index
    %get3A_35 = vector.load %arg3[%get3A_33, %get3A_34] : memref<1x32xf32, #tpu.memory_space<vmem>>, vector<1x32xf32>
    %mul3A = vector.broadcast %get3A_32 : vector<512x1xf32> to vector<512x32xf32>
    %mul3A_36 = vector.broadcast %get3A_35 : vector<1x32xf32> to vector<512x32xf32>
    %mul3A_37 = arith.mulf %mul3A, %mul3A_36 : vector<512x32xf32>
    %add3A_38 = arith.addf %add3A_29, %mul3A_37 : vector<512x32xf32>
    %swap3A = arith.constant 0 : index
    %swap3A_39 = arith.constant 0 : index
    %swap3A_40 = vector.load %arg5[%swap3A, %swap3A_39] : memref<512x32xf32, #tpu.memory_space<vmem>>, vector<512x32xf32>
    tpu.vector_store %arg5[%swap3A, %swap3A_39], %add3A_38 {strides = array<i32>} : memref<512x32xf32, #tpu.memory_space<vmem>>, vector<512x32xf32>,
    return
  }
}

</mosaic_0001>

<sc_bundles>
// kernel: kernel.4.cloned.1.call-start
scs
__scs_entry_jumppad:
0x0: {  	(pc) =	sbr.rel $0x88, $3  }
0x1: {  	(tag) =	ssettag $0x0;
	lr =	simm.s32 $0x1  }
0x2: {  	[smem:$0x3F9C] =	sst lr;
	_ =	strace $0xD0000000  }
0x3: {  	_ = 	snop  }
0x4: {  	_ = 	snop  }
0x5: {  	_ = 	snop  }
0x6: {  	_ = 	snop  }
0x7: {  	_ = 	snop  }
__scs_overlays_trampoline_lowered:
0x8: {  	[smem:$0x3FAB] =	sst s0  }
0x9: {  	[smem:$0x3FAC] =	sst s1  }
0xa: {  	[smem:$0x3FAD] =	sst s2  }
0xb: {  	[smem:$0x3FAE] =	sst s3  }
0xc: {  	[smem:$0x3FAF] =	sst s4  }
0xd: {  	[smem:$0x3FB0] =	sst s5  }
0xe: {  	[smem:$0x3FB1] =	sst s6  }
0xf: {  	[smem:$0x3FB2] =	sst s7  }
0x10: {  	[smem:$0x3FB3] =	sst s8  }
0x11: {  	[smem:$0x3FB4] =	sst s9;
	s0 =	simm.s32 @!p0 $0x0  }
0x12: {  	s1 =	sld [smem:$0x3F9A];
	s0 =	simm.s32 @p0 $0x1  }
0x13: {  	[smem:$0x3FB5] =	sst s0;
	s0 =	simm.s32 @!p1 $0x0  }
0x14: {  	s2 =	sld [smem:$0x3F99];
	s0 =	simm.s32 @p1 $0x1  }
0x15: {  	[smem:$0x3FB6] =	sst s0;
	s0 =	simm.s32 @!p2 $0x0  }
0x16: {  	s3 =	sld [smem:$0x3FDB];
	s0 =	simm.s32 @p2 $0x1  }
0x17: {  	s4 =	simm.s32 $0x1BF5;
	[smem:$0x3FB8] =	sst s0  }
0x18: {  	s0 =	sld [smem:$0x3F9B];
	_ =	swait.ge [sflag:s4], $0x0  }
0x19: {  	s7 =	sld [smem:$0x3F9C]  }
0x1a: {  	s8 =	sadd.s32 $0xFFFFE003, lr  }
0x1b: {  	s9 =	sadd.s32 $0xFFFFFEF7, lr;
	s5 =	simm.s32 $0xFFFFFFFF;
	p2 =	slt.u32 s8, $0xFFFFF086  }
0x1c: {  	p1 =	slt.u32 s9, $0xF7A;
	s5 =	simm.s32 @!p2 $0x0  }
0x1d: {  	s5 =	simm.s32 @p1 $0x1;
	p0 =	seq.s32 s7, s2  }
0x1e: {  	s7 =	smul.u32 @!p0 $0xF7A, s2;
	p2 =	seq.s32 @!p0 s5, $0x0  }
0x1f: {  	s9 =	smul.u32 $0xF7A, s1;
	s8 =	simm.s32 @!p0 $0x1BF5;
	p2 =	por !p2, p0  }
0x20: {  	[sflag:s8] =	ssyncset.s32 @!p0 $0xFFFFF086;
	s6 =	sadd.s32 @!p0 s3, s7;
	s7 =	simm.s32 @!p0 $0x108  }
0x21: {  	s3 =	sadd.s32 s3, s9;
	s6 =	sadd.s32 @!p0 $0x88, s6;
	s7 =	simm.s32 @p2 $0x1082  }
0x22: {  	[simem:s7], [sflag:s8] =	dma.local @!p0 [hbm:s6], $0xF7A  }
0x23: {  	s9 =	sor.u32 $0xD0000000, s2;
	s6 =	simm.s32 $0x108;
	_ =	swait.ge @!p0 [sflag:s8], $0x0  }
0x24: {  	s3 =	sadd.s32 $0x88, s3;
	s6 =	simm.s32 @!p1 $0x1082;
	[sflag:s4] =	ssyncset.s32 $0xFFFFF086  }
0x25: {  	[simem:s6], [sflag:s4] =	dma.local [hbm:s3], $0xF7A  }
0x26: {  	[smem:$0x3F9C] =	sst s1;
	(tag) =	ssettag s2;
	_ =	strace s9  }
0x27: {  	s1 =	sld [smem:$0x3FAC]  }
0x28: {  	s2 =	sld [smem:$0x3FAD]  }
0x29: {  	s4 =	sld [smem:$0x3FAF]  }
0x2a: {  	p0 =	seq.s32 s5, $0x0;
	s5 =	sld [smem:$0x3FB0]  }
0x2b: {  	s6 =	sld [smem:$0x3FB1]  }
0x2c: {  	s7 =	sld [smem:$0x3FB2]  }
0x2d: {  	s3 =	simm.s32 $0x108;
	s8 =	sld [smem:$0x3FB3]  }
0x2e: {  	s3 =	simm.s32 @!p0 $0x1082;
	s9 =	sld [smem:$0x3FB4]  }
0x2f: {  	lr =	sadd.s32 s0, s3;
	s0 =	sld [smem:$0x3FAB]  }
0x30: {  	s3 =	sld [smem:$0x3FAE]  }
0x31: {  	[smem:$0x3FB7] =	sst s10  }
0x32: {  	s10 =	sld [smem:$0x3FB5];
	_ =	sdelay $0x3  }
0x33: {  	p0 =	seq.s32 s10, $0x1;
	s10 =	sld [smem:$0x3FB7];
	_ =	sdelay $0x3  }
0x34: {  	[smem:$0x3FB7] =	sst s10  }
0x35: {  	s10 =	sld [smem:$0x3FB6];
	_ =	sdelay $0x3  }
0x36: {  	p1 =	seq.s32 s10, $0x1;
	s10 =	sld [smem:$0x3FB7];
	_ =	sdelay $0x3  }
0x37: {  	[smem:$0x3FB7] =	sst s10  }
0x38: {  	s10 =	sld [smem:$0x3FB8]  }
0x39: {  	_ = 	snop;
	(pc) =	sbr.ind lr, $3  }
0x3a: {  	_ = 	snop  }
0x3b: {  	_ = 	snop  }
0x3c: {  	p2 =	seq.s32 s10, $0x1;
	s10 =	sld [smem:$0x3FB7]  }
0x3d: {  	_ =	shalt  }
0x3e: {  	_ =	shalt  }
0x3f: {  	_ =	shalt  }
0x40: {  	_ =	shalt  }
0x41: {  	_ =	shalt  }
0x42: {  	_ =	shalt  }
0x43: {  	_ =	shalt  }
0x44: {  	_ =	shalt  }
0x45: {  	_ =	shalt  }
0x46: {  	_ =	shalt  }
0x47: {  	_ =	shalt  }
0x48: {  	_ =	shalt  }
0x49: {  	_ =	shalt  }
0x4a: {  	_ =	shalt  }
0x4b: {  	_ =	shalt  }
0x4c: {  	_ =	shalt  }
0x4d: {  	_ =	shalt  }
0x4e: {  	_ =	shalt  }
0x4f: {  	_ =	shalt  }
0x50: {  	_ =	shalt  }
0x51: {  	_ =	shalt  }
0x52: {  	_ =	shalt  }
0x53: {  	_ =	shalt  }
0x54: {  	_ =	shalt  }
0x55: {  	_ =	shalt  }
0x56: {  	_ =	shalt  }
0x57: {  	_ =	shalt  }
0x58: {  	_ =	shalt  }
0x59: {  	_ =	shalt  }
0x5a: {  	_ =	shalt  }
0x5b: {  	_ =	shalt  }
0x5c: {  	_ =	shalt  }
0x5d: {  	_ =	shalt  }
0x5e: {  	_ =	shalt  }
0x5f: {  	_ =	shalt  }
0x60: {  	_ =	shalt  }
0x61: {  	_ =	shalt  }
0x62: {  	_ =	shalt  }
0x63: {  	_ =	shalt  }
0x64: {  	_ =	shalt  }
0x65: {  	_ =	shalt  }
0x66: {  	_ =	shalt  }
0x67: {  	_ =	shalt  }
0x68: {  	_ =	shalt  }
0x69: {  	_ =	shalt  }
0x6a: {  	_ =	shalt  }
0x6b: {  	_ =	shalt  }
0x6c: {  	_ =	shalt  }
0x6d: {  	_ =	shalt  }
0x6e: {  	_ =	shalt  }
0x6f: {  	_ =	shalt  }
0x70: {  	_ =	shalt  }
0x71: {  	_ =	shalt  }
0x72: {  	_ =	shalt  }
0x73: {  	_ =	shalt  }
0x74: {  	_ =	shalt  }
0x75: {  	_ =	shalt  }
0x76: {  	_ =	shalt  }
0x77: {  	_ =	shalt  }
0x78: {  	_ =	shalt  }
0x79: {  	_ =	shalt  }
0x7a: {  	_ =	shalt  }
0x7b: {  	_ =	shalt  }
0x7c: {  	_ =	shalt  }
0x7d: {  	_ =	shalt  }
0x7e: {  	_ =	shalt  }
0x7f: {  	_ =	shalt  }
0x80: {  	_ =	shalt  }
0x81: {  	_ =	shalt  }
0x82: {  	_ =	shalt  }
0x83: {  	_ =	shalt  }
0x84: {  	_ =	shalt  }
0x85: {  	_ =	shalt  }
0x86: {  	_ =	shalt  }
0x87: {  	_ =	shalt  }
.Lfunc_end0:
.L_simem_size_0:
called_computation_lowered:
.L_overlay_start_0:
0x88: {  	s2 =	sld [smem:$0x3FD9]  }
0x89: {  	s3 =	sld [smem:$0x3FFE];
	_ =	sdelay $0x1  }
0x8a: {  	s1 =	srdreg.scid  }
0x8b: {  	s0 =	sand.u32 $0x1, s1  }
0x8c: {  	s17 =	sshll.u32 s0, $0xA;
	s2 =	sadd.s32 s3, s2  }
0x8d: {  	s2 =	sadd.s32 s2, s17  }
0x8e: {  	[smem:$0x3FC3] =	sst s2  }
0x8f: {  	_ = 	snop  }
0x90: {  	s2 =	sld [smem:$0x3FC8]  }
0x91: {  	s18 =	sld [smem:$0x3FD0];
	(tm) =	ssettm $0x1  }
0x92: {  	s4 =	sld [smem:$0x3FFB];
	_ =	sdelay $0x3  }
0x93: {  	_ =	strace s4  }
0x94: {  	s4 =	sld [smem:$0x3FFC];
	_ =	sdelay $0x3  }
0x95: {  	_ =	strace s4  }
0x96: {  	s4 =	sld [smem:$0x3FFD];
	_ =	sdelay $0x3  }
0x97: {  	_ =	strace s4  }
0x98: {  	_ =	strace $0x8FFFFFFF  }
0x99: {  	s19 =	sld [smem:$0x3FDB];
	_ =	sdelay $0x1  }
0x9a: {  	s5 =	simm.s32 $_scs_section_size  }
0x9b: {  	s6 =	simm.s32 $_size__tile_overlayer_lowered;
	s7 =	simm.s32 $_tile_overlayer_lowered  }
0x9c: {  	s22 =	simm.s32 $0x1BFF;
	s21 =	sshll.u32 s7, $0x1;
	s4 =	sadd.s32 s5, s19  }
0x9d: {  	s8 =	simm.s32 $0x0;
	s20 =	sshll.u32 s6, $0x1;
	s6 =	sadd.s32 s21, s4  }
0x9e: {  	[timem:s8], [sflag:s22] =	dma.local [hbm:s6], s20  }
0x9f: {  	_ =	swait.ge [sflag:s22], s20  }
0xa0: {  	s5 =	ssub.s32 $0x0, s20;
	[sflag:s22] =	ssyncset.done $0x0  }
0xa1: {  	[sflag:s22] =	ssyncadd.s32 s5;
	_ =	sdelay $0x1  }
0xa2: {  	s23 =	simm.s32 $0x1B8B  }
0xa3: {  	_ =	swait.ge [sflag:s23], $0x1  }
0xa4: {  	[sflag:s23] =	ssyncset.done $0x0  }
0xa5: {  	s25 =	simm.s32 $0x1B8E;
	s24 =	sld [smem:$0x3FFE];
	[sflag:s23] =	ssyncadd.s32 $0xFFFFFFFF  }
0xa6: {  	s26 =	simm.s32 $execute0_lowered;
	[smem:$0x3FD2] =	sst s25  }
0xa7: {  	s6 =	sshll.u32 s26, $0x1;
	_ =	strace $0x80000046;
	[dreg:$0x1] =	wrdreg $0xFFFFFFFF  }
0xa8: {  	s28 =	simm.s32 $_size_execute0_lowered;
	s4 =	sadd.s32 s4, s6;
	[dreg:$0x0] =	wrdreg $0x0  }
0xa9: {  	s6 =	sshll.u32 s28, $0x1;
	[dreg:$0x2] =	wrdreg s4  }
0xaa: {  	[dreg:$0x3] =	wrdreg s6  }
0xab: {  	[dreg:$0x4] =	wrdreg $0xC0  }
0xac: {  	_ =	task [dreg:s8], $0x5FFFF  }
0xad: {  	[dreg:$0x1] =	wrdreg $0xFFFFFFFF  }
0xae: {  	[dreg:$0x0] =	wrdreg $0x60  }
0xaf: {  	[dreg:$0x2] =	wrdreg s2  }
0xb0: {  	[dreg:$0x3] =	wrdreg s24  }
0xb1: {  	[dreg:$0x4] =	wrdreg s18  }
0xb2: {  	[dreg:$0x5] =	wrdreg $0x18C800  }
0xb3: {  	[dreg:$0x6] =	wrdreg $0x19CC00  }
0xb4: {  	[dreg:$0x7] =	wrdreg $0x9  }
0xb5: {  	_ =	task.clear_ibuf [dreg:s8], $0x8FFFF;
	_ =	strace $0x90000046  }
0xb6: {  	s29 =	simm.s32 $0x9;
	_ =	strace $0x80000048  }
0xb7: {  	_ =	swait.ge [sflag:s29], $0x1  }
0xb8: {  	[sflag:s29] =	ssyncadd.s32 $0xFFFFFFFF  }
0xb9: {  	_ =	strace $0x90000048  }
0xba: {  	_ =	sfence  }
0xbb: {  	s30 =	sld [smem:$0x0];
	_ =	sdelay $0x2  }
0xbc: {  	s31 =	sshll.u32 s1, $0xD;
	s1 =	sshrl.u32 s1, $0x2  }
0xbd: {  	s3 =	sand.u32 $0x4000, s31;
	s1 =	sadd.s32 s1, s30  }
0xbe: {  	s0 =	sor.u32 s3, s0;
	s1 =	sshll.u32 s1, $0x11  }
0xbf: {  	s0 =	sor.u32 s1, s0  }
0xc0: {  	s0 =	sadd.s32 $0x8F2B, s0  }
0xc1: {  	[sflag:s0] =	ssyncadd.remote.s32 $0x1  }
0xc2: {  	_ =	sfence.sel $0xFFFF  }
0xc3: {  	[dreg:$0x0] =	wrdreg $0xFFFFFFFF;
	(pc) =	sbr.abs _section_cstart, $3  }
0xc4: {  	[dreg:$0x1] =	wrdreg $0xFFFFFFFF  }
0xc5: {  	_ =	task.clear_ibuf [dreg:s8], $0x2FFFF;
	_ =	strace $0x9FFFFFFF  }
0xc6: {  	(tm) =	ssettm $0x7FFFFFFF  }
0xc7: {  	_ =	shalt  }
tec
execute0_lowered:
.L_overlay_start_1:
0x0: {  	(tag) =	ssettag $0x1  }
0x1: {  	s1 =	rddreg [dreg:$0x0]  }
0x2: {  	s0 =	rddreg [dreg:$0x1]  }
0x3: {  	s3 =	rddreg [dreg:$0x3]  }
0x4: {  	s4 =	rddreg [dreg:$0x4];
	s5 =	simm.s32 $0x0;
	s2 =	srdreg.scid  }
0x5: {  	s11 =	stileid.u32;
	s29 =	simm.s32 $0x1;
	s30 =	simm.s32 $0x80  }
0x6: {  	s31 =	simm.s32 $0x18280;
	s13 =	simm.s32 $0x18C00;
	s12 =	simm.s32 $0x0  }
0x7: {  	[smem:$0x7FF] =	sst s5;
	s2 =	sand.u32 $0x1, s2;
	s7 =	sadd.s32 $0x1200, s0  }
0x8: {  	s8 =	sshll.u32 s11, $0xC;
	s10 =	sadd.s32 $0x187C00, s0;
	s28 =	sshll.u32 s11, $0x6  }
0x9: {  	_ =	strace $0x80000047;
	s6 =	sshll.u32 s2, $0x4;
	s9 =	sshll.u32 s2, $0x10  }
0xa: {  	[dreg:$0x6] =	wrdreg s10;
	s2 =	ssub.s32 $0x2, s2;
	s19 =	sadd.s32 s8, s3  }
0xb: {  	s14 =	sor.u32 $0x1C03, s28;
	s6 =	sor.u32 s11, s6;
	s9 =	sor.u32 s8, s9  }
0xc: {  	s17 =	sshrl.u32 s2, $0x1;
	[dreg:$0x7] =	wrdreg s19;
	s8 =	sadd.s32 s8, s4  }
0xd: {  	s11 =	simm.s32 $0x10;
	[dreg:$0x10] =	wrdreg s14;
	s16 =	smul.u32 $0x30D4, s6  }
0xe: {  	s9 =	sshrl.u32 s9, $0x3;
	s6 =	smul.u32 $0xC35, s6;
	s2 =	ssub.s32 s2, s17  }
0xf: {  	[dreg:$0x8] =	wrdreg s8;
	s8 =	simm.s32 $0x2;
	s0 =	sadd.s32 s9, s0  }
0x10: {  	s26 =	smax.u32 s2, $0x1;
	s10 =	sadd.s32 $0x30D4, s16;
	s9 =	sand.u32 $0x1FFF8, s6  }
0x11: {  	s25 =	sadd.s32 $0x187E00, s0;
	s0 =	sadd.s32 $0x18BE00, s0;
	[dreg:$0xf] =	wrdreg s26  }
0x12: {  	s26 =	simm.s32 $0xC280;
	s18 =	sshrl.u32 s10, $0x2;
	s20 =	sshll.u32 s9, $0x4  }
0x13: {  	s16 =	sadd.s32 $0x100, s9;
	s17 =	sadd.s32 $0x180, s9;
	[dreg:$0xd] =	wrdreg s25  }
0x14: {  	[dreg:$0xe] =	wrdreg s0;
	s0 =	simm.s32 $0x18380;
	s25 =	simm.s32 $0x4280  }
.Ltmp0:
0x15: {  	s10 =	sand.u32 $0x3FFF8, s18;
	s21 =	sadd.s32 s1, s20;
	(pc) =	sbr.rel .LBB2_1-.Ltmp0, $4  }
0x16: {  	v1 =	vlaneseq.u32;
	s22 =	sadd.s32 $0x800, s20;
	s6 =	sadd.s32 s7, s20;
	[dreg:$0x9] =	wrdreg s21  }
0x17: {  	v2 =	vimm.s32 $0x100;
	v3 =	vimm.s32 $0x201;
	v4 =	vimm.s32 $0x180;
	[dreg:$0xa] =	wrdreg s6;
	s23 =	sadd.s32 s1, s22;
	s24 =	sadd.s32 s7, s22  }
0x18: {  	v5 =	vimm.s32 $0xFFFFFFFF;
	v6 =	vimm.s32 $0x0;
	vm0 =	vcmask $0x3F08;
	s21 =	simm.s32 $0x3;
	s6 =	simm.s32 $0x280;
	[dreg:$0xb] =	wrdreg s23  }
0x19: {  	vm1 =	vcmask $0x710;
	vm2 =	vcmask $0x70C;
	v0 =	vmov s10;
	s10 =	simm.s32 $0x18300;
	[dreg:$0xc] =	wrdreg s24;
	s24 =	simm.s32 $0x8280  }
.LBB2_27:
0x1a: {  	_ =	swait.ge [sflag:s29], $0x4000  }
0x1b: {  	[sflag:s29] =	ssyncset.done $0x0  }
0x1c: {  	[sflag:s29] =	ssyncadd.s32 $0xFFFFC000  }
0x1d: {  	_ =	swait.ge [sflag:s29], $0x4000  }
0x1e: {  	[sflag:s29] =	ssyncset.done $0x0  }
0x1f: {  	[sflag:s29] =	ssyncadd.s32 $0xFFFFC000  }
0x20: {  	_ =	swait.ge [sflag:s8], $0x4000  }
0x21: {  	[sflag:s8] =	ssyncset.done $0x0  }
0x22: {  	[sflag:s8] =	ssyncadd.s32 $0xFFFFC000  }
0x23: {  	_ =	swait.ge [sflag:s8], $0x4000  }
0x24: {  	[sflag:s8] =	ssyncset.done $0x0  }
0x25: {  	[sflag:s8] =	ssyncadd.s32 $0xFFFFC000  }
0x26: {  	[bflag:$0x0] =	sbarrier.arrive $0xFFFF  }
0x27: {  	s2 =	rddreg [dreg:$0xd]  }
0x28: {  	s14 =	rddreg [dreg:$0x10]  }
0x29: {  	s12 =	rddreg [dreg:$0x12]  }
0x2a: {  	[hbm:s2], [sflag:s14] =	dma.local [spmem:s12], $0x200  }
0x2b: {  	_ =	swait.ge [sflag:s21], $0x200  }
0x2c: {  	[sflag:s21] =	ssyncset.done $0x0;
	s20 =	rddreg [dreg:$0xe]  }
0x2d: {  	s22 =	rddreg [dreg:$0x13];
	[sflag:s21] =	ssyncadd.s32 $0xFFFFFE00  }
0x2e: {  	[hbm:s20], [sflag:s14] =	dma.local [spmem:s22], $0x200  }
0x2f: {  	_ =	swait.ge [sflag:s21], $0x200  }
0x30: {  	s23 =	rddreg [dreg:$0x11]  }
0x31: {  	s28 =	rddreg [dreg:$0xf];
	s12 =	sadd.s32 $0x1, s23  }
0x32: {  	p0 =	sne.s32 s12, s28  }
.Ltmp1:
0x33: {  	_ = 	snop;
	(pc) =	sbr.rel @!p0 .LBB2_28-.Ltmp1, $3  }
0x34: {  	_ =	sdelay $0x1  }
0x35: {  	[sflag:s21] =	ssyncset.done $0x0  }
0x36: {  	[sflag:s21] =	ssyncadd.s32 $0xFFFFFE00  }
.LBB2_1:
0x37: {  	[dreg:$0x11] =	wrdreg s12  }
0x38: {  	s2 =	rddreg [dreg:$0x6]  }
0x39: {  	[tilespmem:s5], [sflag:$0x3] =	stream.linear.gather [hbm4b:s2+s5], $0x280, $0x38;
	[tilespmem:$0x1AD00] =	vst v63  }
0x3a: {  	_ =	swait.ge [sflag:s21], $0x280  }
0x3b: {  	[sflag:s21] =	ssyncset.done $0x0  }
0x3c: {  	s15 =	rddreg [dreg:$0x7];
	[sflag:s21] =	ssyncadd.s32 $0xFFFFFD80  }
0x3d: {  	s18 =	sshrl.u32 s15, $0x3;
	s2 =	rddreg [dreg:$0x2]  }
0x3e: {  	[dreg:$0x12] =	wrdreg s18  }
0x3f: {  	[spmem:s18], [sflag:s14] =	dma.local [hbm:s2], $0x200  }
0x40: {  	_ =	swait.ge [sflag:s21], $0x200  }
0x41: {  	s19 =	rddreg [dreg:$0x8]  }
0x42: {  	[sflag:s21] =	ssyncset.done $0x0;
	s12 =	sshrl.u32 s19, $0x3  }
0x43: {  	[sflag:s21] =	ssyncadd.s32 $0xFFFFFE00;
	[dreg:$0x13] =	wrdreg s12  }
0x44: {  	[spmem:s12], [sflag:s14] =	dma.local [hbm:s2], $0x200  }
0x45: {  	_ =	swait.ge [sflag:s21], $0x200  }
0x46: {  	[sflag:s21] =	ssyncset.done $0x0  }
0x47: {  	s20 =	simm.s32 $0x10280;
	[sflag:s21] =	ssyncadd.s32 $0xFFFFFE00  }
0x48: {  	[tilespmem:s20], [sflag:$0x3] =	stream.linear.gather [hbm4b:s2+s5], $0x1000, $0x38;
	[tilespmem:$0x1AD00] =	vst v63  }
0x49: {  	_ =	swait.ge [sflag:s21], $0x1000  }
0x4a: {  	[sflag:s21] =	ssyncset.done $0x0  }
0x4b: {  	s22 =	simm.s32 $0x11280;
	[sflag:s21] =	ssyncadd.s32 $0xFFFFF000  }
0x4c: {  	[tilespmem:s22], [sflag:$0x3] =	stream.linear.gather [hbm4b:s2+s5], $0x1000, $0x38;
	[tilespmem:$0x1AD00] =	vst v63  }
0x4d: {  	_ =	swait.ge [sflag:s21], $0x1000  }
0x4e: {  	[sflag:s21] =	ssyncset.done $0x0  }
0x4f: {  	s23 =	simm.s32 $0x12280;
	[sflag:s21] =	ssyncadd.s32 $0xFFFFF000  }
0x50: {  	[tilespmem:s23], [sflag:$0x3] =	stream.linear.gather [hbm4b:s2+s5], $0x1000, $0x38;
	[tilespmem:$0x1AD00] =	vst v63  }
0x51: {  	_ =	swait.ge [sflag:s21], $0x1000  }
0x52: {  	[sflag:s21] =	ssyncset.done $0x0  }
0x53: {  	s28 =	simm.s32 $0x13280;
	[sflag:s21] =	ssyncadd.s32 $0xFFFFF000  }
0x54: {  	[tilespmem:s28], [sflag:$0x3] =	stream.linear.gather [hbm4b:s2+s5], $0x1000, $0x38;
	[tilespmem:$0x1AD00] =	vst v63  }
0x55: {  	_ =	swait.ge [sflag:s21], $0x1000  }
0x56: {  	[sflag:s21] =	ssyncset.done $0x0  }
0x57: {  	s14 =	simm.s32 $0x14280;
	[sflag:s21] =	ssyncadd.s32 $0xFFFFF000  }
0x58: {  	[tilespmem:s14], [sflag:$0x3] =	stream.linear.gather [hbm4b:s2+s5], $0x1000, $0x38;
	[tilespmem:$0x1AD00] =	vst v63  }
0x59: {  	_ =	swait.ge [sflag:s21], $0x1000  }
0x5a: {  	[sflag:s21] =	ssyncset.done $0x0  }
0x5b: {  	s15 =	simm.s32 $0x15280;
	[sflag:s21] =	ssyncadd.s32 $0xFFFFF000  }
0x5c: {  	[tilespmem:s15], [sflag:$0x3] =	stream.linear.gather [hbm4b:s2+s5], $0x1000, $0x38;
	[tilespmem:$0x1AD00] =	vst v63  }
0x5d: {  	_ =	swait.ge [sflag:s21], $0x1000  }
0x5e: {  	[sflag:s21] =	ssyncset.done $0x0  }
0x5f: {  	s18 =	simm.s32 $0x16280;
	[sflag:s21] =	ssyncadd.s32 $0xFFFFF000  }
0x60: {  	[tilespmem:s18], [sflag:$0x3] =	stream.linear.gather [hbm4b:s2+s5], $0x1000, $0x38;
	[tilespmem:$0x1AD00] =	vst v63  }
0x61: {  	_ =	swait.ge [sflag:s21], $0x1000  }
0x62: {  	[sflag:s21] =	ssyncset.done $0x0  }
0x63: {  	s19 =	simm.s32 $0x17280;
	[sflag:s21] =	ssyncadd.s32 $0xFFFFF000  }
0x64: {  	[tilespmem:s19], [sflag:$0x3] =	stream.linear.gather [hbm4b:s2+s5], $0x1000, $0x38;
	[tilespmem:$0x1AD00] =	vst v63  }
0x65: {  	_ =	swait.ge [sflag:s21], $0x1000  }
0x66: {  	[sflag:s21] =	ssyncset.done $0x0  }
0x67: {  	[sflag:s21] =	ssyncadd.s32 $0xFFFFF000  }
0x68: {  	[tilespmem:s0], [sflag:$0x3] =	stream.linear.gather [hbm4b:s2+s5], $0x800, $0x38;
	[tilespmem:$0x1AD00] =	vst v63  }
0x69: {  	_ =	swait.ge [sflag:s21], $0x800  }
0x6a: {  	[sflag:s21] =	ssyncset.done $0x0  }
0x6b: {  	[sflag:s21] =	ssyncadd.s32 $0xFFFFF800  }
0x6c: {  	[bflag:$0x0] =	sbarrier.arrive $0xFFFF  }
0x6d: {  	s20 =	rddreg [dreg:$0x9]  }
0x6e: {  	[tilespmem:s6], [sflag:$0x1] =	stream.linear.gather [hbm4b:s20+s5], $0x4000, $0x38;
	[tilespmem:$0x1AD00] =	vst v63  }
0x6f: {  	s22 =	rddreg [dreg:$0xa]  }
0x70: {  	[tilespmem:s24], [sflag:$0x1] =	stream.linear.gather [hbm4b:s22+s5], $0x4000, $0x38;
	[tilespmem:$0x1AD00] =	vst v63  }
.Ltmp2:
0x71: {  	_ = 	snop;
	(pc) =	sbr.rel .LBB2_2-.Ltmp2, $4  }
0x72: {  	s23 =	rddreg [dreg:$0xb]  }
0x73: {  	[tilespmem:s25], [sflag:$0x2] =	stream.linear.gather [hbm4b:s23+s5], $0x4000, $0x38;
	[tilespmem:$0x1AD00] =	vst v63  }
0x74: {  	s19 =	simm.s32 $0x0;
	s28 =	rddreg [dreg:$0xc]  }
0x75: {  	[tilespmem:s26], [sflag:$0x2] =	stream.linear.gather [hbm4b:s28+s5], $0x4000, $0x38;
	[tilespmem:$0x1AD00] =	vst v63  }
.LBB2_21:
0x76: {  	s14 =	smov.u32 s15  }
.LBB2_25:
0x77: {  	s12 =	sadd.s32 @p0 $0x200, s14  }
0x78: {  	s15 =	smov.u32 @p0 s12  }
0x79: {  	[tilespmem:s15+$0xFFFFFF00] =	vst v7  }
0x7a: {  	v7 =	vld [tilespmem:s2+$0xFFFFFF10];
	_ =	sdelay $0x4  }
0x7b: {  	[tilespmem:s15+$0xFFFFFF10] =	vst v7  }
0x7c: {  	v7 =	vld [tilespmem:s2+$0xFFFFFF80];
	_ =	sdelay $0x4  }
0x7d: {  	[tilespmem:s15+$0xFFFFFF80] =	vst v7  }
0x7e: {  	v7 =	vld [tilespmem:s2+$0xFFFFFF90];
	_ =	sdelay $0x4  }
0x7f: {  	[tilespmem:s15+$0xFFFFFF90] =	vst v7  }
0x80: {  	v7 =	vld [tilespmem:s2+$0x0];
	_ =	sdelay $0x4  }
0x81: {  	[tilespmem:s15+$0x0] =	vst v7  }
0x82: {  	v7 =	vld [tilespmem:s2+$0x10];
	_ =	sdelay $0x4  }
0x83: {  	[tilespmem:s15+$0x10] =	vst v7  }
0x84: {  	v7 =	vld [tilespmem:s2+$0x80];
	_ =	sdelay $0x4  }
0x85: {  	[tilespmem:s15+$0x80] =	vst v7  }
0x86: {  	v7 =	vld [tilespmem:s2+$0x90];
	_ =	sdelay $0x4  }
0x87: {  	[tilespmem:s15+$0x90] =	vst v7  }
0x88: {  	[spmem:s3] =	stream.indirect.scatter.add.f32 [tilespmem:s25], [sflag:$0x3], $0x80, s10, s30, $0xb8;
	[tilespmem:$0x1AD00] =	vst v63  }
0x89: {  	_ =	swait.ge [sflag:s21], $0x4000  }
0x8a: {  	[sflag:s21] =	ssyncset.done $0x0  }
0x8b: {  	s28 =	simm.s32 $0x14280;
	[sflag:s21] =	ssyncadd.s32 $0xFFFFC000  }
0x8c: {  	[spmem:s4] =	stream.indirect.scatter.add.f32 [tilespmem:s28], [sflag:$0x3], $0x80, s10, s30, $0xb8;
	[tilespmem:$0x1AD00] =	vst v63  }
0x8d: {  	_ =	swait.ge [sflag:s21], $0x4000  }
0x8e: {  	[sflag:s21] =	ssyncset.done $0x0  }
0x8f: {  	[sflag:s21] =	ssyncadd.s32 $0xFFFFC000  }
.LBB2_26:
0x90: {  	s2 =	sadd.s32 s20, s17;
	s19 =	sadd.s32 $0x1, s19  }
0x91: {  	s2 =	smin.u32 s2, $0x18620;
	p0 =	sne.s32 s19, $0xD  }
.Ltmp3:
0x92: {  	s2 =	sshll.u32 s2, $0x4;
	(pc) =	sbr.rel @!p0 .LBB2_27-.Ltmp3, $4  }
0x93: {  	s12 =	sadd.s32 s1, s2  }
0x94: {  	[tilespmem:s25], [sflag:$0x2] =	stream.linear.gather [hbm4b:s12+s5], $0x4000, $0x38;
	[tilespmem:$0x1AD00] =	vst v63  }
0x95: {  	s2 =	sadd.s32 s7, s2  }
0x96: {  	[tilespmem:s26], [sflag:$0x2] =	stream.linear.gather [hbm4b:s2+s5], $0x4000, $0x38;
	[tilespmem:$0x1AD00] =	vst v63  }
.LBB2_2:
0x97: {  	_ =	swait.ge [sflag:s29], $0x4000  }
0x98: {  	[sflag:s29] =	ssyncset.done $0x0  }
0x99: {  	[sflag:s29] =	ssyncadd.s32 $0xFFFFC000  }
0x9a: {  	_ =	swait.ge [sflag:s29], $0x4000  }
0x9b: {  	[sflag:s29] =	ssyncset.done $0x0  }
0x9c: {  	s15 =	simm.s32 $0x0;
	[sflag:s29] =	ssyncadd.s32 $0xFFFFC000  }
0x9d: {  	v7 =	vld.idx.msk [tilespmem:v2+s15+$0x0], $0xffff  }
0x9e: {  	s20 =	sshll.u32 s19, $0x8  }
0x9f: {  	s18 =	sadd.s32 s9, s20  }
0xa0: {  	s22 =	smin.u32 s18, $0x18620  }
0xa1: {  	v8 =	vadd.s32 s22, v1  }
0xa2: {  	vm3 =	vgt.s32 v7, v8  }
0xa3: {  	v7 =	vsel vm3, $0x80, v4;
	_ =	sdelay $0x4  }
0xa4: {  	v9 =	vld.idx.msk [tilespmem:v7+s15+$0x0], $0xffff;
	_ =	sdelay $0x4  }
0xa5: {  	v10 =	vsel vm3, $0x100, v3;
	vm4 =	vgt.s32 v9, v8  }
0xa6: {  	v34 =	vsel vm3, $0x0, v2;
	v10 =	vsel vm4, v7, v10  }
0xa7: {  	v7 =	vsel vm4, v34, v7;
	v35 =	vadd.s32 v5, v10  }
0xa8: {  	v11 =	vxor.u32 v35, v7  }
0xa9: {  	v9 =	vor.u32 v35, v7;
	v11 =	vshrl.u32 v11, $0x1  }
0xaa: {  	v9 =	vsub.s32 v9, v11;
	_ =	sdelay $0x4  }
0xab: {  	v11 =	vld.idx.msk [tilespmem:v9+s15+$0x0], $0xffff;
	_ =	sdelay $0x4  }
0xac: {  	vm3 =	vgt.s32 v11, v8  }
0xad: {  	v7 =	vsel vm3, v7, v9;
	v9 =	vsel vm3, v9, v10  }
0xae: {  	v10 =	vxor.u32 v9, v7  }
0xaf: {  	v36 =	vand.u32 v9, v7;
	v10 =	vshrl.u32 v10, $0x1  }
0xb0: {  	v10 =	vadd.s32 v10, v36;
	_ =	sdelay $0x4  }
0xb1: {  	v11 =	vld.idx.msk [tilespmem:v10+s15+$0x0], $0xffff;
	_ =	sdelay $0x4  }
0xb2: {  	vm3 =	vgt.s32 v11, v8  }
0xb3: {  	v7 =	vsel vm3, v7, v10;
	v9 =	vsel vm3, v10, v9  }
0xb4: {  	v10 =	vxor.u32 v9, v7  }
0xb5: {  	v37 =	vand.u32 v9, v7;
	v10 =	vshrl.u32 v10, $0x1  }
0xb6: {  	v10 =	vadd.s32 v10, v37;
	_ =	sdelay $0x4  }
0xb7: {  	v11 =	vld.idx.msk [tilespmem:v10+s15+$0x0], $0xffff;
	_ =	sdelay $0x4  }
0xb8: {  	vm3 =	vgt.s32 v11, v8  }
0xb9: {  	v7 =	vsel vm3, v7, v10;
	v9 =	vsel vm3, v10, v9  }
0xba: {  	v10 =	vadd.s32 v9, v7  }
0xbb: {  	v10 =	vshrl.u32 v10, $0x1;
	_ =	sdelay $0x4  }
0xbc: {  	v38 =	vld.idx.msk [tilespmem:v10+s15+$0x0], $0xffff;
	_ =	sdelay $0x4  }
0xbd: {  	vm3 =	vgt.s32 v38, v8  }
0xbe: {  	v7 =	vsel vm3, v7, v10;
	v9 =	vsel vm3, v10, v9  }
0xbf: {  	v10 =	vadd.s32 v9, v7  }
0xc0: {  	v10 =	vshrl.u32 v10, $0x1;
	_ =	sdelay $0x4  }
0xc1: {  	v39 =	vld.idx.msk [tilespmem:v10+s15+$0x0], $0xffff;
	_ =	sdelay $0x4  }
0xc2: {  	vm3 =	vgt.s32 v39, v8  }
0xc3: {  	v7 =	vsel vm3, v7, v10;
	v9 =	vsel vm3, v10, v9  }
0xc4: {  	v10 =	vadd.s32 v9, v7  }
0xc5: {  	v10 =	vshrl.u32 v10, $0x1;
	_ =	sdelay $0x4  }
0xc6: {  	v40 =	vld.idx.msk [tilespmem:v10+s15+$0x0], $0xffff;
	_ =	sdelay $0x4  }
0xc7: {  	vm3 =	vgt.s32 v40, v8  }
0xc8: {  	v7 =	vsel vm3, v7, v10;
	v9 =	vsel vm3, v10, v9  }
0xc9: {  	v10 =	vadd.s32 v9, v7  }
0xca: {  	v10 =	vshrl.u32 v10, $0x1;
	_ =	sdelay $0x4  }
0xcb: {  	v41 =	vld.idx.msk [tilespmem:v10+s15+$0x0], $0xffff;
	_ =	sdelay $0x4  }
0xcc: {  	vm3 =	vgt.s32 v41, v8  }
0xcd: {  	v7 =	vsel vm3, v7, v10;
	v9 =	vsel vm3, v10, v9  }
0xce: {  	v9 =	vadd.s32 v9, v7  }
0xcf: {  	v9 =	vshrl.u32 v9, $0x1;
	_ =	sdelay $0x4  }
0xd0: {  	v42 =	vld.idx.msk [tilespmem:v9+s15+$0x0], $0xffff;
	_ =	sdelay $0x4  }
0xd1: {  	vm11 =	vge.u32 v8, s18;
	vm5 =	vlt.u32 v8, v0;
	vm3 =	vgt.s32 v42, v8  }
0xd2: {  	v7 =	vsel vm3, v7, v9;
	vm3 =	vmand vm11, vm5  }
0xd3: {  	v7 =	vnsel vm3, $0x200, v7  }
0xd4: {  	[tilespmem:$0x18280] =	vst v7  }
0xd5: {  	v8 =	vld.idx.msk [tilespmem:v2+s15+$0x0], $0xffff;
	_ =	sdelay $0x2  }
0xd6: {  	s2 =	sadd.s32 $0x10, s22  }
0xd7: {  	v43 =	vadd.s32 s2, v1  }
0xd8: {  	vm3 =	vgt.s32 v8, v43  }
0xd9: {  	v8 =	vsel vm3, $0x80, v4;
	_ =	sdelay $0x4  }
0xda: {  	v44 =	vld.idx.msk [tilespmem:v8+s15+$0x0], $0xffff;
	_ =	sdelay $0x4  }
0xdb: {  	v45 =	vsel vm3, $0x100, v3;
	vm12 =	vgt.s32 v44, v43  }
0xdc: {  	v46 =	vsel vm3, $0x0, v2;
	v11 =	vsel vm12, v8, v45  }
0xdd: {  	v8 =	vsel vm12, v46, v8;
	v47 =	vadd.s32 v5, v11  }
0xde: {  	v12 =	vxor.u32 v47, v8  }
0xdf: {  	v10 =	vor.u32 v47, v8;
	v12 =	vshrl.u32 v12, $0x1  }
0xe0: {  	v10 =	vsub.s32 v10, v12;
	_ =	sdelay $0x4  }
0xe1: {  	v12 =	vld.idx.msk [tilespmem:v10+s15+$0x0], $0xffff;
	_ =	sdelay $0x4  }
0xe2: {  	vm3 =	vgt.s32 v12, v43  }
0xe3: {  	v8 =	vsel vm3, v8, v10;
	v10 =	vsel vm3, v10, v11  }
0xe4: {  	v11 =	vxor.u32 v10, v8  }
0xe5: {  	v48 =	vand.u32 v10, v8;
	v11 =	vshrl.u32 v11, $0x1  }
0xe6: {  	v11 =	vadd.s32 v11, v48;
	_ =	sdelay $0x4  }
0xe7: {  	v12 =	vld.idx.msk [tilespmem:v11+s15+$0x0], $0xffff;
	_ =	sdelay $0x4  }
0xe8: {  	vm3 =	vgt.s32 v12, v43  }
0xe9: {  	v8 =	vsel vm3, v8, v11;
	v10 =	vsel vm3, v11, v10  }
0xea: {  	v11 =	vxor.u32 v10, v8  }
0xeb: {  	v49 =	vand.u32 v10, v8;
	v11 =	vshrl.u32 v11, $0x1  }
0xec: {  	v11 =	vadd.s32 v11, v49;
	_ =	sdelay $0x4  }
0xed: {  	v12 =	vld.idx.msk [tilespmem:v11+s15+$0x0], $0xffff;
	_ =	sdelay $0x4  }
0xee: {  	vm3 =	vgt.s32 v12, v43  }
0xef: {  	v8 =	vsel vm3, v8, v11;
	v10 =	vsel vm3, v11, v10  }
0xf0: {  	v11 =	vadd.s32 v10, v8  }
0xf1: {  	v11 =	vshrl.u32 v11, $0x1;
	_ =	sdelay $0x4  }
0xf2: {  	v50 =	vld.idx.msk [tilespmem:v11+s15+$0x0], $0xffff;
	_ =	sdelay $0x4  }
0xf3: {  	vm3 =	vgt.s32 v50, v43  }
0xf4: {  	v8 =	vsel vm3, v8, v11;
	v10 =	vsel vm3, v11, v10  }
0xf5: {  	v11 =	vadd.s32 v10, v8  }
0xf6: {  	v11 =	vshrl.u32 v11, $0x1;
	_ =	sdelay $0x4  }
0xf7: {  	v51 =	vld.idx.msk [tilespmem:v11+s15+$0x0], $0xffff;
	_ =	sdelay $0x4  }
0xf8: {  	vm3 =	vgt.s32 v51, v43  }
0xf9: {  	v8 =	vsel vm3, v8, v11;
	v10 =	vsel vm3, v11, v10  }
0xfa: {  	v11 =	vadd.s32 v10, v8  }
0xfb: {  	v11 =	vshrl.u32 v11, $0x1;
	_ =	sdelay $0x4  }
0xfc: {  	v52 =	vld.idx.msk [tilespmem:v11+s15+$0x0], $0xffff;
	_ =	sdelay $0x4  }
0xfd: {  	vm3 =	vgt.s32 v52, v43  }
0xfe: {  	v8 =	vsel vm3, v8, v11;
	v10 =	vsel vm3, v11, v10  }
0xff: {  	v11 =	vadd.s32 v10, v8  }
0x100: {  	v11 =	vshrl.u32 v11, $0x1;
	_ =	sdelay $0x4  }
0x101: {  	v53 =	vld.idx.msk [tilespmem:v11+s15+$0x0], $0xffff;
	_ =	sdelay $0x4  }
0x102: {  	vm3 =	vgt.s32 v53, v43  }
0x103: {  	v8 =	vsel vm3, v8, v11;
	v10 =	vsel vm3, v11, v10  }
0x104: {  	v10 =	vadd.s32 v10, v8  }
0x105: {  	v10 =	vshrl.u32 v10, $0x1;
	_ =	sdelay $0x4  }
0x106: {  	v54 =	vld.idx.msk [tilespmem:v10+s15+$0x0], $0xffff;
	_ =	sdelay $0x4  }
0x107: {  	vm13 =	vge.u32 v43, s18;
	vm14 =	vlt.u32 v43, v0;
	vm3 =	vgt.s32 v54, v43  }
0x108: {  	v8 =	vsel vm3, v8, v10;
	vm3 =	vmand vm13, vm14  }
0x109: {  	v8 =	vnsel vm3, $0x200, v8  }
0x10a: {  	[tilespmem:$0x18290] =	vst v8  }
0x10b: {  	v55 =	vld.idx.msk [tilespmem:v2+s15+$0x0], $0xffff;
	_ =	sdelay $0x2  }
0x10c: {  	s12 =	sadd.s32 $0x20, s22  }
0x10d: {  	v56 =	vadd.s32 s12, v1  }
0x10e: {  	vm3 =	vgt.s32 v55, v56  }
0x10f: {  	v9 =	vsel vm3, $0x80, v4;
	_ =	sdelay $0x4  }
0x110: {  	v57 =	vld.idx.msk [tilespmem:v9+s15+$0x0], $0xffff;
	_ =	sdelay $0x4  }
0x111: {  	v58 =	vsel vm3, $0x100, v3;
	vm15 =	vgt.s32 v57, v56  }
0x112: {  	v59 =	vsel vm3, $0x0, v2;
	v12 =	vsel vm15, v9, v58  }
0x113: {  	v9 =	vsel vm15, v59, v9;
	v60 =	vadd.s32 v5, v12  }
0x114: {  	v13 =	vxor.u32 v60, v9  }
0x115: {  	v11 =	vor.u32 v60, v9;
	v13 =	vshrl.u32 v13, $0x1  }
0x116: {  	v11 =	vsub.s32 v11, v13;
	_ =	sdelay $0x4  }
0x117: {  	v13 =	vld.idx.msk [tilespmem:v11+s15+$0x0], $0xffff;
	_ =	sdelay $0x4  }
0x118: {  	vm3 =	vgt.s32 v13, v56  }
0x119: {  	v9 =	vsel vm3, v9, v11;
	v11 =	vsel vm3, v11, v12  }
0x11a: {  	v12 =	vxor.u32 v11, v9  }
0x11b: {  	v61 =	vand.u32 v11, v9;
	v12 =	vshrl.u32 v12, $0x1  }
0x11c: {  	v12 =	vadd.s32 v12, v61;
	_ =	sdelay $0x4  }
0x11d: {  	v13 =	vld.idx.msk [tilespmem:v12+s15+$0x0], $0xffff;
	_ =	sdelay $0x4  }
0x11e: {  	vm3 =	vgt.s32 v13, v56  }
0x11f: {  	v9 =	vsel vm3, v9, v12;
	v11 =	vsel vm3, v12, v11  }
0x120: {  	v12 =	vxor.u32 v11, v9  }
0x121: {  	v62 =	vand.u32 v11, v9;
	v12 =	vshrl.u32 v12, $0x1  }
0x122: {  	v12 =	vadd.s32 v12, v62;
	_ =	sdelay $0x4  }
0x123: {  	v13 =	vld.idx.msk [tilespmem:v12+s15+$0x0], $0xffff;
	_ =	sdelay $0x4  }
0x124: {  	vm3 =	vgt.s32 v13, v56  }
0x125: {  	v9 =	vsel vm3, v9, v12;
	v11 =	vsel vm3, v12, v11  }
0x126: {  	v12 =	vadd.s32 v11, v9  }
0x127: {  	v12 =	vshrl.u32 v12, $0x1;
	_ =	sdelay $0x4  }
0x128: {  	v63 =	vld.idx.msk [tilespmem:v12+s15+$0x0], $0xffff;
	_ =	sdelay $0x4  }
0x129: {  	vm3 =	vgt.s32 v63, v56  }
0x12a: {  	v9 =	vsel vm3, v9, v12;
	v11 =	vsel vm3, v12, v11  }
0x12b: {  	v12 =	vadd.s32 v11, v9  }
0x12c: {  	v12 =	vshrl.u32 v12, $0x1;
	_ =	sdelay $0x4  }
0x12d: {  	v16 =	vld.idx.msk [tilespmem:v12+s15+$0x0], $0xffff;
	_ =	sdelay $0x4  }
0x12e: {  	vm3 =	vgt.s32 v16, v56  }
0x12f: {  	v9 =	vsel vm3, v9, v12;
	v11 =	vsel vm3, v12, v11  }
0x130: {  	v12 =	vadd.s32 v11, v9  }
0x131: {  	v12 =	vshrl.u32 v12, $0x1;
	_ =	sdelay $0x4  }
0x132: {  	v17 =	vld.idx.msk [tilespmem:v12+s15+$0x0], $0xffff;
	_ =	sdelay $0x4  }
0x133: {  	vm3 =	vgt.s32 v17, v56  }
0x134: {  	v9 =	vsel vm3, v9, v12;
	v11 =	vsel vm3, v12, v11  }
0x135: {  	v12 =	vadd.s32 v11, v9  }
0x136: {  	v12 =	vshrl.u32 v12, $0x1;
	_ =	sdelay $0x4  }
0x137: {  	v18 =	vld.idx.msk [tilespmem:v12+s15+$0x0], $0xffff;
	_ =	sdelay $0x4  }
0x138: {  	vm3 =	vgt.s32 v18, v56  }
0x139: {  	v9 =	vsel vm3, v9, v12;
	v11 =	vsel vm3, v12, v11  }
0x13a: {  	v11 =	vadd.s32 v11, v9  }
0x13b: {  	v11 =	vshrl.u32 v11, $0x1;
	_ =	sdelay $0x4  }
0x13c: {  	v19 =	vld.idx.msk [tilespmem:v11+s15+$0x0], $0xffff;
	_ =	sdelay $0x4  }
0x13d: {  	vm8 =	vge.u32 v56, s18;
	vm9 =	vlt.u32 v56, v0;
	vm3 =	vgt.s32 v19, v56  }
0x13e: {  	v9 =	vsel vm3, v9, v11;
	vm3 =	vmand vm8, vm9  }
0x13f: {  	v9 =	vnsel vm3, $0x200, v9  }
0x140: {  	[tilespmem:$0x182A0] =	vst v9  }
0x141: {  	v20 =	vld.idx.msk [tilespmem:v2+s15+$0x0], $0xffff;
	_ =	sdelay $0x2  }
0x142: {  	s14 =	sadd.s32 $0x30, s22  }
0x143: {  	v21 =	vadd.s32 s14, v1  }
0x144: {  	vm3 =	vgt.s32 v20, v21  }
0x145: {  	v10 =	vsel vm3, $0x80, v4;
	_ =	sdelay $0x4  }
0x146: {  	v22 =	vld.idx.msk [tilespmem:v10+s15+$0x0], $0xffff;
	_ =	sdelay $0x4  }
0x147: {  	v23 =	vsel vm3, $0x100, v3;
	vm10 =	vgt.s32 v22, v21  }
0x148: {  	v24 =	vsel vm3, $0x0, v2;
	v13 =	vsel vm10, v10, v23  }
0x149: {  	v10 =	vsel vm10, v24, v10;
	v25 =	vadd.s32 v5, v13  }
0x14a: {  	v14 =	vxor.u32 v25, v10  }
0x14b: {  	v12 =	vor.u32 v25, v10;
	v14 =	vshrl.u32 v14, $0x1  }
0x14c: {  	v12 =	vsub.s32 v12, v14;
	_ =	sdelay $0x4  }
0x14d: {  	v14 =	vld.idx.msk [tilespmem:v12+s15+$0x0], $0xffff;
	_ =	sdelay $0x4  }
0x14e: {  	vm3 =	vgt.s32 v14, v21  }
0x14f: {  	v10 =	vsel vm3, v10, v12;
	v12 =	vsel vm3, v12, v13  }
0x150: {  	v13 =	vxor.u32 v12, v10  }
0x151: {  	v26 =	vand.u32 v12, v10;
	v13 =	vshrl.u32 v13, $0x1  }
0x152: {  	v13 =	vadd.s32 v13, v26;
	_ =	sdelay $0x4  }
0x153: {  	v14 =	vld.idx.msk [tilespmem:v13+s15+$0x0], $0xffff;
	_ =	sdelay $0x4  }
0x154: {  	vm3 =	vgt.s32 v14, v21  }
0x155: {  	v10 =	vsel vm3, v10, v13;
	v12 =	vsel vm3, v13, v12  }
0x156: {  	v13 =	vxor.u32 v12, v10  }
0x157: {  	v27 =	vand.u32 v12, v10;
	v13 =	vshrl.u32 v13, $0x1  }
0x158: {  	v13 =	vadd.s32 v13, v27;
	_ =	sdelay $0x4  }
0x159: {  	v14 =	vld.idx.msk [tilespmem:v13+s15+$0x0], $0xffff;
	_ =	sdelay $0x4  }
0x15a: {  	vm3 =	vgt.s32 v14, v21  }
0x15b: {  	v10 =	vsel vm3, v10, v13;
	v12 =	vsel vm3, v13, v12  }
0x15c: {  	v13 =	vadd.s32 v12, v10  }
0x15d: {  	v13 =	vshrl.u32 v13, $0x1;
	_ =	sdelay $0x4  }
0x15e: {  	v28 =	vld.idx.msk [tilespmem:v13+s15+$0x0], $0xffff;
	_ =	sdelay $0x4  }
0x15f: {  	vm3 =	vgt.s32 v28, v21  }
0x160: {  	v10 =	vsel vm3, v10, v13;
	v12 =	vsel vm3, v13, v12  }
0x161: {  	v13 =	vadd.s32 v12, v10  }
0x162: {  	v13 =	vshrl.u32 v13, $0x1;
	_ =	sdelay $0x4  }
0x163: {  	v29 =	vld.idx.msk [tilespmem:v13+s15+$0x0], $0xffff;
	_ =	sdelay $0x4  }
0x164: {  	vm3 =	vgt.s32 v29, v21  }
0x165: {  	v10 =	vsel vm3, v10, v13;
	v12 =	vsel vm3, v13, v12  }
0x166: {  	v13 =	vadd.s32 v12, v10  }
0x167: {  	v13 =	vshrl.u32 v13, $0x1;
	_ =	sdelay $0x4  }
0x168: {  	v30 =	vld.idx.msk [tilespmem:v13+s15+$0x0], $0xffff;
	_ =	sdelay $0x4  }
0x169: {  	vm3 =	vgt.s32 v30, v21  }
0x16a: {  	v10 =	vsel vm3, v10, v13;
	v12 =	vsel vm3, v13, v12  }
0x16b: {  	v13 =	vadd.s32 v12, v10  }
0x16c: {  	v13 =	vshrl.u32 v13, $0x1;
	_ =	sdelay $0x4  }
0x16d: {  	v31 =	vld.idx.msk [tilespmem:v13+s15+$0x0], $0xffff;
	_ =	sdelay $0x4  }
0x16e: {  	vm3 =	vgt.s32 v31, v21  }
0x16f: {  	v10 =	vsel vm3, v10, v13;
	v12 =	vsel vm3, v13, v12  }
0x170: {  	v12 =	vadd.s32 v12, v10  }
0x171: {  	v12 =	vshrl.u32 v12, $0x1;
	_ =	sdelay $0x4  }
0x172: {  	v32 =	vld.idx.msk [tilespmem:v12+s15+$0x0], $0xffff;
	_ =	sdelay $0x4  }
0x173: {  	vm11 =	vge.u32 v21, s18;
	vm12 =	vlt.u32 v21, v0;
	vm3 =	vgt.s32 v32, v21  }
0x174: {  	v10 =	vsel vm3, v10, v12;
	vm3 =	vmand vm11, vm12  }
0x175: {  	v10 =	vnsel vm3, $0x200, v10  }
0x176: {  	[tilespmem:$0x182B0] =	vst v10  }
0x177: {  	v33 =	vld.idx.msk [tilespmem:v2+s15+$0x0], $0xffff;
	_ =	sdelay $0x2  }
0x178: {  	s23 =	sadd.s32 $0x40, s22  }
0x179: {  	v34 =	vadd.s32 s23, v1  }
0x17a: {  	vm3 =	vgt.s32 v33, v34  }
0x17b: {  	v11 =	vsel vm3, $0x80, v4;
	_ =	sdelay $0x4  }
0x17c: {  	v35 =	vld.idx.msk [tilespmem:v11+s15+$0x0], $0xffff;
	_ =	sdelay $0x4  }
0x17d: {  	v36 =	vsel vm3, $0x100, v3;
	vm13 =	vgt.s32 v35, v34  }
0x17e: {  	v37 =	vsel vm3, $0x0, v2;
	v14 =	vsel vm13, v11, v36  }
0x17f: {  	v11 =	vsel vm13, v37, v11;
	v38 =	vadd.s32 v5, v14  }
0x180: {  	v15 =	vxor.u32 v38, v11  }
0x181: {  	v13 =	vor.u32 v38, v11;
	v15 =	vshrl.u32 v15, $0x1  }
0x182: {  	v13 =	vsub.s32 v13, v15;
	_ =	sdelay $0x4  }
0x183: {  	v15 =	vld.idx.msk [tilespmem:v13+s15+$0x0], $0xffff;
	_ =	sdelay $0x4  }
0x184: {  	vm3 =	vgt.s32 v15, v34  }
0x185: {  	v11 =	vsel vm3, v11, v13;
	v13 =	vsel vm3, v13, v14  }
0x186: {  	v14 =	vxor.u32 v13, v11  }
0x187: {  	v39 =	vand.u32 v13, v11;
	v14 =	vshrl.u32 v14, $0x1  }
0x188: {  	v14 =	vadd.s32 v14, v39;
	_ =	sdelay $0x4  }
0x189: {  	v15 =	vld.idx.msk [tilespmem:v14+s15+$0x0], $0xffff;
	_ =	sdelay $0x4  }
0x18a: {  	vm3 =	vgt.s32 v15, v34  }
0x18b: {  	v11 =	vsel vm3, v11, v14;
	v13 =	vsel vm3, v14, v13  }
0x18c: {  	v14 =	vxor.u32 v13, v11  }
0x18d: {  	v40 =	vand.u32 v13, v11;
	v14 =	vshrl.u32 v14, $0x1  }
0x18e: {  	v14 =	vadd.s32 v14, v40;
	_ =	sdelay $0x4  }
0x18f: {  	v15 =	vld.idx.msk [tilespmem:v14+s15+$0x0], $0xffff;
	_ =	sdelay $0x4  }
0x190: {  	vm3 =	vgt.s32 v15, v34  }
0x191: {  	v11 =	vsel vm3, v11, v14;
	v13 =	vsel vm3, v14, v13  }
0x192: {  	v14 =	vadd.s32 v13, v11  }
0x193: {  	v14 =	vshrl.u32 v14, $0x1;
	_ =	sdelay $0x4  }
0x194: {  	v41 =	vld.idx.msk [tilespmem:v14+s15+$0x0], $0xffff;
	_ =	sdelay $0x4  }
0x195: {  	vm3 =	vgt.s32 v41, v34  }
0x196: {  	v11 =	vsel vm3, v11, v14;
	v13 =	vsel vm3, v14, v13  }
0x197: {  	v14 =	vadd.s32 v13, v11  }
0x198: {  	v14 =	vshrl.u32 v14, $0x1;
	_ =	sdelay $0x4  }
0x199: {  	v42 =	vld.idx.msk [tilespmem:v14+s15+$0x0], $0xffff;
	_ =	sdelay $0x4  }
0x19a: {  	vm3 =	vgt.s32 v42, v34  }
0x19b: {  	v11 =	vsel vm3, v11, v14;
	v13 =	vsel vm3, v14, v13  }
0x19c: {  	v14 =	vadd.s32 v13, v11  }
0x19d: {  	v14 =	vshrl.u32 v14, $0x1;
	_ =	sdelay $0x4  }
0x19e: {  	v43 =	vld.idx.msk [tilespmem:v14+s15+$0x0], $0xffff;
	_ =	sdelay $0x4  }
0x19f: {  	vm3 =	vgt.s32 v43, v34  }
0x1a0: {  	v11 =	vsel vm3, v11, v14;
	v13 =	vsel vm3, v14, v13  }
0x1a1: {  	v14 =	vadd.s32 v13, v11  }
0x1a2: {  	v14 =	vshrl.u32 v14, $0x1;
	_ =	sdelay $0x4  }
0x1a3: {  	v44 =	vld.idx.msk [tilespmem:v14+s15+$0x0], $0xffff;
	_ =	sdelay $0x4  }
0x1a4: {  	vm3 =	vgt.s32 v44, v34  }
0x1a5: {  	v11 =	vsel vm3, v11, v14;
	v13 =	vsel vm3, v14, v13  }
0x1a6: {  	v13 =	vadd.s32 v13, v11  }
0x1a7: {  	v13 =	vshrl.u32 v13, $0x1;
	_ =	sdelay $0x4  }
0x1a8: {  	v45 =	vld.idx.msk [tilespmem:v13+s15+$0x0], $0xffff;
	_ =	sdelay $0x4  }
0x1a9: {  	vm14 =	vge.u32 v34, s18;
	vm15 =	vlt.u32 v34, v0;
	vm3 =	vgt.s32 v45, v34  }
0x1aa: {  	v11 =	vsel vm3, v11, v13;
	vm3 =	vmand vm14, vm15  }
0x1ab: {  	v11 =	vnsel vm3, $0x200, v11  }
0x1ac: {  	[tilespmem:$0x182C0] =	vst v11  }
0x1ad: {  	v46 =	vld.idx.msk [tilespmem:v2+s15+$0x0], $0xffff;
	_ =	sdelay $0x2  }
0x1ae: {  	s28 =	sadd.s32 $0x50, s22  }
0x1af: {  	v47 =	vadd.s32 s28, v1  }
0x1b0: {  	vm3 =	vgt.s32 v46, v47  }
0x1b1: {  	v12 =	vsel vm3, $0x80, v4;
	_ =	sdelay $0x4  }
0x1b2: {  	v48 =	vld.idx.msk [tilespmem:v12+s15+$0x0], $0xffff;
	_ =	sdelay $0x4  }
0x1b3: {  	v49 =	vsel vm3, $0x100, v3;
	vm8 =	vgt.s32 v48, v47  }
0x1b4: {  	v50 =	vsel vm3, $0x0, v2;
	v15 =	vsel vm8, v12, v49  }
0x1b5: {  	v12 =	vsel vm8, v50, v12;
	v51 =	vadd.s32 v5, v15  }
0x1b6: {  	v16 =	vxor.u32 v51, v12  }
0x1b7: {  	v14 =	vor.u32 v51, v12;
	v16 =	vshrl.u32 v16, $0x1  }
0x1b8: {  	v14 =	vsub.s32 v14, v16;
	_ =	sdelay $0x4  }
0x1b9: {  	v16 =	vld.idx.msk [tilespmem:v14+s15+$0x0], $0xffff;
	_ =	sdelay $0x4  }
0x1ba: {  	vm3 =	vgt.s32 v16, v47  }
0x1bb: {  	v12 =	vsel vm3, v12, v14;
	v14 =	vsel vm3, v14, v15  }
0x1bc: {  	v15 =	vxor.u32 v14, v12  }
0x1bd: {  	v52 =	vand.u32 v14, v12;
	v15 =	vshrl.u32 v15, $0x1  }
0x1be: {  	v15 =	vadd.s32 v15, v52;
	_ =	sdelay $0x4  }
0x1bf: {  	v16 =	vld.idx.msk [tilespmem:v15+s15+$0x0], $0xffff;
	_ =	sdelay $0x4  }
0x1c0: {  	vm3 =	vgt.s32 v16, v47  }
0x1c1: {  	v12 =	vsel vm3, v12, v15;
	v14 =	vsel vm3, v15, v14  }
0x1c2: {  	v15 =	vxor.u32 v14, v12  }
0x1c3: {  	v53 =	vand.u32 v14, v12;
	v15 =	vshrl.u32 v15, $0x1  }
0x1c4: {  	v15 =	vadd.s32 v15, v53;
	_ =	sdelay $0x4  }
0x1c5: {  	v16 =	vld.idx.msk [tilespmem:v15+s15+$0x0], $0xffff;
	_ =	sdelay $0x4  }
0x1c6: {  	vm3 =	vgt.s32 v16, v47  }
0x1c7: {  	v12 =	vsel vm3, v12, v15;
	v14 =	vsel vm3, v15, v14  }
0x1c8: {  	v15 =	vadd.s32 v14, v12  }
0x1c9: {  	v15 =	vshrl.u32 v15, $0x1;
	_ =	sdelay $0x4  }
0x1ca: {  	v54 =	vld.idx.msk [tilespmem:v15+s15+$0x0], $0xffff;
	_ =	sdelay $0x4  }
0x1cb: {  	vm3 =	vgt.s32 v54, v47  }
0x1cc: {  	v12 =	vsel vm3, v12, v15;
	v14 =	vsel vm3, v15, v14  }
0x1cd: {  	v15 =	vadd.s32 v14, v12  }
0x1ce: {  	v15 =	vshrl.u32 v15, $0x1;
	_ =	sdelay $0x4  }
0x1cf: {  	v55 =	vld.idx.msk [tilespmem:v15+s15+$0x0], $0xffff;
	_ =	sdelay $0x4  }
0x1d0: {  	vm3 =	vgt.s32 v55, v47  }
0x1d1: {  	v12 =	vsel vm3, v12, v15;
	v14 =	vsel vm3, v15, v14  }
0x1d2: {  	v15 =	vadd.s32 v14, v12  }
0x1d3: {  	v15 =	vshrl.u32 v15, $0x1;
	_ =	sdelay $0x4  }
0x1d4: {  	v56 =	vld.idx.msk [tilespmem:v15+s15+$0x0], $0xffff;
	_ =	sdelay $0x4  }
0x1d5: {  	vm3 =	vgt.s32 v56, v47  }
0x1d6: {  	v12 =	vsel vm3, v12, v15;
	v14 =	vsel vm3, v15, v14  }
0x1d7: {  	v15 =	vadd.s32 v14, v12  }
0x1d8: {  	v15 =	vshrl.u32 v15, $0x1;
	_ =	sdelay $0x4  }
0x1d9: {  	v57 =	vld.idx.msk [tilespmem:v15+s15+$0x0], $0xffff;
	_ =	sdelay $0x4  }
0x1da: {  	vm3 =	vgt.s32 v57, v47  }
0x1db: {  	v12 =	vsel vm3, v12, v15;
	v14 =	vsel vm3, v15, v14  }
0x1dc: {  	v14 =	vadd.s32 v14, v12  }
0x1dd: {  	v14 =	vshrl.u32 v14, $0x1;
	_ =	sdelay $0x4  }
0x1de: {  	v58 =	vld.idx.msk [tilespmem:v14+s15+$0x0], $0xffff;
	_ =	sdelay $0x4  }
0x1df: {  	vm9 =	vge.u32 v47, s18;
	vm10 =	vlt.u32 v47, v0;
	vm3 =	vgt.s32 v58, v47  }
0x1e0: {  	v12 =	vsel vm3, v12, v14;
	vm3 =	vmand vm9, vm10  }
0x1e1: {  	v12 =	vnsel vm3, $0x200, v12  }
0x1e2: {  	[tilespmem:$0x182D0] =	vst v12  }
0x1e3: {  	v59 =	vld.idx.msk [tilespmem:v2+s15+$0x0], $0xffff;
	_ =	sdelay $0x2  }
0x1e4: {  	s12 =	sadd.s32 $0x60, s22  }
0x1e5: {  	v60 =	vadd.s32 s12, v1  }
0x1e6: {  	vm3 =	vgt.s32 v59, v60  }
0x1e7: {  	v13 =	vsel vm3, $0x80, v4;
	_ =	sdelay $0x4  }
0x1e8: {  	v61 =	vld.idx.msk [tilespmem:v13+s15+$0x0], $0xffff;
	_ =	sdelay $0x4  }
0x1e9: {  	v62 =	vsel vm3, $0x100, v3;
	vm11 =	vgt.s32 v61, v60  }
0x1ea: {  	v63 =	vsel vm3, $0x0, v2;
	v16 =	vsel vm11, v13, v62  }
0x1eb: {  	v13 =	vsel vm11, v63, v13;
	v20 =	vadd.s32 v5, v16  }
0x1ec: {  	v17 =	vxor.u32 v20, v13  }
0x1ed: {  	v15 =	vor.u32 v20, v13;
	v17 =	vshrl.u32 v17, $0x1  }
0x1ee: {  	v15 =	vsub.s32 v15, v17;
	_ =	sdelay $0x4  }
0x1ef: {  	v17 =	vld.idx.msk [tilespmem:v15+s15+$0x0], $0xffff;
	_ =	sdelay $0x4  }
0x1f0: {  	vm3 =	vgt.s32 v17, v60  }
0x1f1: {  	v13 =	vsel vm3, v13, v15;
	v15 =	vsel vm3, v15, v16  }
0x1f2: {  	v16 =	vxor.u32 v15, v13  }
0x1f3: {  	v21 =	vand.u32 v15, v13;
	v16 =	vshrl.u32 v16, $0x1  }
0x1f4: {  	v16 =	vadd.s32 v16, v21;
	_ =	sdelay $0x4  }
0x1f5: {  	v17 =	vld.idx.msk [tilespmem:v16+s15+$0x0], $0xffff;
	_ =	sdelay $0x4  }
0x1f6: {  	vm3 =	vgt.s32 v17, v60  }
0x1f7: {  	v13 =	vsel vm3, v13, v16;
	v15 =	vsel vm3, v16, v15  }
0x1f8: {  	v16 =	vxor.u32 v15, v13  }
0x1f9: {  	v22 =	vand.u32 v15, v13;
	v16 =	vshrl.u32 v16, $0x1  }
0x1fa: {  	v16 =	vadd.s32 v16, v22;
	_ =	sdelay $0x4  }
0x1fb: {  	v17 =	vld.idx.msk [tilespmem:v16+s15+$0x0], $0xffff;
	_ =	sdelay $0x4  }
0x1fc: {  	vm3 =	vgt.s32 v17, v60  }
0x1fd: {  	v13 =	vsel vm3, v13, v16;
	v15 =	vsel vm3, v16, v15  }
0x1fe: {  	v16 =	vadd.s32 v15, v13  }
0x1ff: {  	v16 =	vshrl.u32 v16, $0x1;
	_ =	sdelay $0x4  }
0x200: {  	v23 =	vld.idx.msk [tilespmem:v16+s15+$0x0], $0xffff;
	_ =	sdelay $0x4  }
0x201: {  	vm3 =	vgt.s32 v23, v60  }
0x202: {  	v13 =	vsel vm3, v13, v16;
	v15 =	vsel vm3, v16, v15  }
0x203: {  	v16 =	vadd.s32 v15, v13  }
0x204: {  	v16 =	vshrl.u32 v16, $0x1;
	_ =	sdelay $0x4  }
0x205: {  	v24 =	vld.idx.msk [tilespmem:v16+s15+$0x0], $0xffff;
	_ =	sdelay $0x4  }
0x206: {  	vm3 =	vgt.s32 v24, v60  }
0x207: {  	v13 =	vsel vm3, v13, v16;
	v15 =	vsel vm3, v16, v15  }
0x208: {  	v16 =	vadd.s32 v15, v13  }
0x209: {  	v16 =	vshrl.u32 v16, $0x1;
	_ =	sdelay $0x4  }
0x20a: {  	v25 =	vld.idx.msk [tilespmem:v16+s15+$0x0], $0xffff;
	_ =	sdelay $0x4  }
0x20b: {  	vm3 =	vgt.s32 v25, v60  }
0x20c: {  	v13 =	vsel vm3, v13, v16;
	v15 =	vsel vm3, v16, v15  }
0x20d: {  	v16 =	vadd.s32 v15, v13  }
0x20e: {  	v16 =	vshrl.u32 v16, $0x1;
	_ =	sdelay $0x4  }
0x20f: {  	v26 =	vld.idx.msk [tilespmem:v16+s15+$0x0], $0xffff;
	_ =	sdelay $0x4  }
0x210: {  	vm3 =	vgt.s32 v26, v60  }
0x211: {  	v13 =	vsel vm3, v13, v16;
	v15 =	vsel vm3, v16, v15  }
0x212: {  	v15 =	vadd.s32 v15, v13  }
0x213: {  	v15 =	vshrl.u32 v15, $0x1;
	_ =	sdelay $0x4  }
0x214: {  	v27 =	vld.idx.msk [tilespmem:v15+s15+$0x0], $0xffff;
	_ =	sdelay $0x4  }
0x215: {  	vm12 =	vge.u32 v60, s18;
	vm13 =	vlt.u32 v60, v0;
	vm3 =	vgt.s32 v27, v60  }
0x216: {  	v13 =	vsel vm3, v13, v15;
	vm3 =	vmand vm12, vm13  }
0x217: {  	v13 =	vnsel vm3, $0x200, v13  }
0x218: {  	[tilespmem:$0x182E0] =	vst v13  }
0x219: {  	v28 =	vld.idx.msk [tilespmem:v2+s15+$0x0], $0xffff;
	_ =	sdelay $0x2  }
0x21a: {  	s14 =	sadd.s32 $0x70, s22  }
0x21b: {  	v29 =	vadd.s32 s14, v1  }
0x21c: {  	vm3 =	vgt.s32 v28, v29  }
0x21d: {  	v14 =	vsel vm3, $0x80, v4;
	_ =	sdelay $0x4  }
0x21e: {  	v30 =	vld.idx.msk [tilespmem:v14+s15+$0x0], $0xffff;
	_ =	sdelay $0x4  }
0x21f: {  	v31 =	vsel vm3, $0x100, v3;
	vm14 =	vgt.s32 v30, v29  }
0x220: {  	v32 =	vsel vm3, $0x0, v2;
	v17 =	vsel vm14, v14, v31  }
0x221: {  	v14 =	vsel vm14, v32, v14;
	v33 =	vadd.s32 v5, v17  }
0x222: {  	v18 =	vxor.u32 v33, v14  }
0x223: {  	v16 =	vor.u32 v33, v14;
	v18 =	vshrl.u32 v18, $0x1  }
0x224: {  	v16 =	vsub.s32 v16, v18;
	_ =	sdelay $0x4  }
0x225: {  	v18 =	vld.idx.msk [tilespmem:v16+s15+$0x0], $0xffff;
	_ =	sdelay $0x4  }
0x226: {  	vm3 =	vgt.s32 v18, v29  }
0x227: {  	v14 =	vsel vm3, v14, v16;
	v16 =	vsel vm3, v16, v17  }
0x228: {  	v17 =	vxor.u32 v16, v14  }
0x229: {  	v34 =	vand.u32 v16, v14;
	v17 =	vshrl.u32 v17, $0x1  }
0x22a: {  	v17 =	vadd.s32 v17, v34;
	_ =	sdelay $0x4  }
0x22b: {  	v18 =	vld.idx.msk [tilespmem:v17+s15+$0x0], $0xffff;
	_ =	sdelay $0x4  }
0x22c: {  	vm3 =	vgt.s32 v18, v29  }
0x22d: {  	v14 =	vsel vm3, v14, v17;
	v16 =	vsel vm3, v17, v16  }
0x22e: {  	v17 =	vxor.u32 v16, v14  }
0x22f: {  	v35 =	vand.u32 v16, v14;
	v17 =	vshrl.u32 v17, $0x1  }
0x230: {  	v17 =	vadd.s32 v17, v35;
	_ =	sdelay $0x4  }
0x231: {  	v18 =	vld.idx.msk [tilespmem:v17+s15+$0x0], $0xffff;
	_ =	sdelay $0x4  }
0x232: {  	vm3 =	vgt.s32 v18, v29  }
0x233: {  	v14 =	vsel vm3, v14, v17;
	v16 =	vsel vm3, v17, v16  }
0x234: {  	v17 =	vadd.s32 v16, v14  }
0x235: {  	v17 =	vshrl.u32 v17, $0x1;
	_ =	sdelay $0x4  }
0x236: {  	v36 =	vld.idx.msk [tilespmem:v17+s15+$0x0], $0xffff;
	_ =	sdelay $0x4  }
0x237: {  	vm3 =	vgt.s32 v36, v29  }
0x238: {  	v14 =	vsel vm3, v14, v17;
	v16 =	vsel vm3, v17, v16  }
0x239: {  	v17 =	vadd.s32 v16, v14  }
0x23a: {  	v17 =	vshrl.u32 v17, $0x1;
	_ =	sdelay $0x4  }
0x23b: {  	v37 =	vld.idx.msk [tilespmem:v17+s15+$0x0], $0xffff;
	_ =	sdelay $0x4  }
0x23c: {  	vm3 =	vgt.s32 v37, v29  }
0x23d: {  	v14 =	vsel vm3, v14, v17;
	v16 =	vsel vm3, v17, v16  }
0x23e: {  	v17 =	vadd.s32 v16, v14  }
0x23f: {  	v17 =	vshrl.u32 v17, $0x1;
	_ =	sdelay $0x4  }
0x240: {  	v38 =	vld.idx.msk [tilespmem:v17+s15+$0x0], $0xffff;
	_ =	sdelay $0x4  }
0x241: {  	vm3 =	vgt.s32 v38, v29  }
0x242: {  	v14 =	vsel vm3, v14, v17;
	v16 =	vsel vm3, v17, v16  }
0x243: {  	v17 =	vadd.s32 v16, v14  }
0x244: {  	v17 =	vshrl.u32 v17, $0x1;
	_ =	sdelay $0x4  }
0x245: {  	v39 =	vld.idx.msk [tilespmem:v17+s15+$0x0], $0xffff;
	_ =	sdelay $0x1  }
0x246: {  	v19 =	vxor.u32 $0x80000000, v7  }
0x247: {  	(xrf0) =	vmax.scan.msk.u32 $0xffff, v19  }
0x248: {  	(xrf0) =	vmin.scan.msk.u32 $0xffff, v19;
	v40 =	vxor.u32 $0x80000000, v8  }
0x249: {  	(xrf0) =	vmax.scan.msk.u32 $0xffff, v40;
	vm3 =	vgt.s32 v39, v29  }
0x24a: {  	v14 =	vsel vm3, v14, v17;
	v16 =	vsel vm3, v17, v16  }
0x24b: {  	v16 =	vadd.s32 v16, v14  }
0x24c: {  	(xrf0) =	vmin.scan.msk.u32 $0xffff, v40;
	v41 =	vxor.u32 $0x80000000, v9;
	v16 =	vshrl.u32 v16, $0x1  }
0x24d: {  	(xrf0) =	vmax.scan.msk.u32 $0xffff, v41;
	v42, _, _ =	vpop (xrf0)  }
0x24e: {  	(xrf0) =	vmin.scan.msk.u32 $0xffff, v41;
	(v2sf) =	vpush v42, $0xF;
	v43, _, _ =	vpop (xrf0);
	v44 =	vxor.u32 $0x80000000, v10  }
0x24f: {  	(v2sf) =	vpush v43, $0xF;
	(xrf0) =	vmax.scan.msk.u32 $0xffff, v44;
	v45, _, _ =	vpop (xrf0)  }
0x250: {  	(v2sf) =	vpush v45, $0xF  }
0x251: {  	(xrf0) =	vmin.scan.msk.u32 $0xffff, v44;
	v48 =	vxor.u32 $0x80000000, v11;
	v46 =	vld.idx.msk [tilespmem:v16+s15+$0x0], $0xffff  }
0x252: {  	v47, _, _ =	vpop (xrf0);
	(xrf0) =	vmax.scan.msk.u32 $0xffff, v48  }
0x253: {  	(v2sf) =	vpush v47, $0xF;
	v49, _, _ =	vpop (xrf0)  }
0x254: {  	(v2sf) =	vpush v49, $0xF;
	v50, _, _ =	vpop (xrf0);
	(xrf0) =	vmin.scan.msk.u32 $0xffff, v48;
	v51 =	vxor.u32 $0x80000000, v12  }
0x255: {  	(v2sf) =	vpush v50, $0xF;
	v52, _, _ =	vpop (xrf0);
	(xrf0) =	vmax.scan.msk.u32 $0xffff, v51  }
0x256: {  	(v2sf) =	vpush v52, $0xF;
	(xrf0) =	vmin.scan.msk.u32 $0xffff, v51;
	v54 =	vxor.u32 $0x80000000, v13;
	vm3 =	vgt.s32 v46, v29  }
0x257: {  	vm15 =	vlt.u32 v29, v0;
	v53, _, _ =	vpop (xrf0);
	(xrf0) =	vmax.scan.msk.u32 $0xffff, v54;
	v14 =	vsel vm3, v14, v16;
	vm3 =	vge.u32 v29, s18  }
0x258: {  	(v2sf) =	vpush v53, $0xF;
	v55, _, _ =	vpop (xrf0);
	(xrf0) =	vmin.scan.msk.u32 $0xffff, v54;
	vm3 =	vmand vm3, vm15  }
0x259: {  	(v2sf) =	vpush v55, $0xF;
	v14 =	vnsel vm3, $0x200, v14  }
0x25a: {  	v57, _, _ =	vpop (xrf0);
	v56 =	vxor.u32 $0x80000000, v14  }
0x25b: {  	(v2sf) =	vpush v57, $0xF;
	v58, _, _ =	vpop (xrf0);
	(xrf0) =	vmax.scan.msk.u32 $0xffff, v56  }
0x25c: {  	v59, _, _ =	vpop (xrf0);
	(v2sf) =	vpush v58, $0xF;
	(xrf0) =	vmin.scan.msk.u32 $0xffff, v56  }
0x25d: {  	s22 =	spop (v2sf);
	(v2sf) =	vpush v59, $0xF;
	v60, _, _ =	vpop (xrf0)  }
0x25e: {  	s14 =	spop (v2sf);
	(v2sf) =	vpush v60, $0xF;
	v61, _, _ =	vpop (xrf0)  }
0x25f: {  	s23 =	spop (v2sf);
	(v2sf) =	vpush v61, $0xF;
	_ =	sdelay $0x1  }
0x260: {  	v62, _, _ =	vpop (xrf0)  }
0x261: {  	s2 =	sxor.u32 $0x80000000, s22;
	s28 =	spop (v2sf);
	s18 =	sxor.u32 $0x80000000, s23;
	(v2sf) =	vpush v62, $0xF;
	v63, _, _ =	vpop (xrf0)  }
0x262: {  	s14 =	sxor.u32 $0x80000000, s14;
	s23 =	spop (v2sf);
	p0 =	sgt.s32 s2, s18;
	(v2sf) =	vpush v63, $0xF  }
0x263: {  	s12 =	spop (v2sf);
	s18 =	smov.u32 @p0 s2;
	s2 =	sxor.u32 $0x80000000, s28  }
0x264: {  	s23 =	sxor.u32 $0x80000000, s23;
	s28 =	spop (v2sf);
	p0 =	slt.s32 s14, s2  }
0x265: {  	s2 =	smov.u32 @p0 s14;
	p0 =	sgt.s32 s18, s23;
	s14 =	sxor.u32 $0x80000000, s12  }
0x266: {  	s12 =	spop (v2sf);
	s23 =	smov.u32 @p0 s18;
	p0 =	slt.s32 s2, s14  }
0x267: {  	s14 =	smov.u32 @p0 s2;
	s2 =	sxor.u32 $0x80000000, s28;
	s28 =	spop (v2sf)  }
0x268: {  	s18 =	sxor.u32 $0x80000000, s12;
	p0 =	sgt.s32 s23, s2;
	s22 =	sxor.u32 $0x80000000, s28  }
0x269: {  	s12 =	spop (v2sf);
	s2 =	smov.u32 @p0 s23;
	p0 =	slt.s32 s14, s18  }
0x26a: {  	s23 =	spop (v2sf);
	s18 =	smov.u32 @p0 s14;
	p0 =	sgt.s32 s2, s22  }
0x26b: {  	s28 =	spop (v2sf);
	s22 =	smov.u32 @p0 s2;
	s2 =	sxor.u32 $0x80000000, s12  }
0x26c: {  	s12 =	spop (v2sf);
	p0 =	slt.s32 s18, s2  }
0x26d: {  	s14 =	sxor.u32 $0x80000000, s23;
	s23 =	spop (v2sf);
	s2 =	smov.u32 @p0 s18  }
0x26e: {  	p0 =	sgt.s32 s22, s14;
	s18 =	sxor.u32 $0x80000000, s28;
	s23 =	sxor.u32 $0x80000000, s23  }
0x26f: {  	s14 =	smov.u32 @p0 s22;
	p0 =	slt.s32 s2, s18;
	s22 =	sxor.u32 $0x80000000, s12  }
0x270: {  	s18 =	smov.u32 @p0 s2;
	p0 =	sgt.s32 s14, s22;
	s28 =	spop (v2sf)  }
0x271: {  	s22 =	smov.u32 @p0 s14;
	p0 =	slt.s32 s18, s23;
	s12 =	spop (v2sf)  }
0x272: {  	s23 =	smov.u32 @p0 s18;
	s2 =	sxor.u32 $0x80000000, s28;
	s18 =	sxor.u32 $0x80000000, s12  }
0x273: {  	p0 =	sgt.s32 s22, s2;
	p1 =	slt.s32 s23, s18  }
0x274: {  	s2 =	smov.u32 @p0 s22;
	s18 =	smov.u32 @p1 s23  }
0x275: {  	p0 =	sgt.s32 s2, $0x0;
	p1 =	slt.s32 s18, $0x200  }
0x276: {  	s2 =	simm.s32 @!p0 $0x0;
	s18 =	simm.s32 @!p1 $0x200  }
0x277: {  	vm8 =	veq.s32 v7, s2;
	vm3 =	veq.s32 v7, s18  }
0x278: {  	vm3 =	vmor vm3, vm8  }
0x279: {  	vm9 =	veq.s32 v8, s2;
	v7 =	vsel vm3, $0x1, v6;
	vm3 =	veq.s32 v8, s18  }
0x27a: {  	v7 =	vor.u32 $0x80000000, v7;
	vm3 =	vmor vm3, vm9  }
0x27b: {  	vm10 =	veq.s32 v9, s2;
	(xrf0) =	vmin.scan.msk.u32 $0xffff, v7;
	v7 =	vsel vm3, $0x1, v6;
	vm3 =	veq.s32 v9, s18  }
0x27c: {  	v7 =	vor.u32 $0x80000000, v7;
	vm3 =	vmor vm3, vm10  }
0x27d: {  	vm11 =	veq.s32 v10, s2;
	(xrf0) =	vmin.scan.msk.u32 $0xffff, v7;
	v7 =	vsel vm3, $0x1, v6;
	vm3 =	veq.s32 v10, s18  }
0x27e: {  	v7 =	vor.u32 $0x80000000, v7;
	vm3 =	vmor vm3, vm11  }
0x27f: {  	vm12 =	veq.s32 v11, s2;
	(xrf0) =	vmin.scan.msk.u32 $0xffff, v7;
	v7 =	vsel vm3, $0x1, v6;
	vm3 =	veq.s32 v11, s18  }
0x280: {  	v7 =	vor.u32 $0x80000000, v7;
	vm3 =	vmor vm3, vm12  }
0x281: {  	vm13 =	veq.s32 v12, s2;
	v8, _, _ =	vpop (xrf0);
	(xrf0) =	vmin.scan.msk.u32 $0xffff, v7;
	v7 =	vsel vm3, $0x1, v6;
	vm3 =	veq.s32 v12, s18  }
0x282: {  	vm14 =	veq.s32 v13, s2;
	v7 =	vor.u32 $0x80000000, v7;
	vm3 =	vmor vm3, vm13  }
0x283: {  	(v2sf) =	vpush v8, $0xF;
	v8, _, _ =	vpop (xrf0);
	(xrf0) =	vmin.scan.msk.u32 $0xffff, v7;
	v7 =	vsel vm3, $0x1, v6;
	vm3 =	veq.s32 v13, s18  }
0x284: {  	(v2sf) =	vpush v8, $0xF;
	v7 =	vor.u32 $0x80000000, v7;
	vm3 =	vmor vm3, vm14  }
0x285: {  	vm15 =	veq.s32 v14, s2;
	v8, _, _ =	vpop (xrf0);
	(xrf0) =	vmin.scan.msk.u32 $0xffff, v7;
	v7 =	vsel vm3, $0x1, v6;
	vm3 =	veq.s32 v14, s18  }
0x286: {  	(v2sf) =	vpush v8, $0xF;
	v7 =	vor.u32 $0x80000000, v7;
	vm3 =	vmor vm3, vm15  }
0x287: {  	v8, _, _ =	vpop (xrf0);
	(xrf0) =	vmin.scan.msk.u32 $0xffff, v7;
	v7 =	vsel vm3, $0x1, v6  }
0x288: {  	(v2sf) =	vpush v8, $0xF;
	v7 =	vor.u32 $0x80000000, v7  }
0x289: {  	v8, _, _ =	vpop (xrf0);
	(xrf0) =	vmin.scan.msk.u32 $0xffff, v7  }
0x28a: {  	(v2sf) =	vpush v8, $0xF  }
0x28b: {  	v7, _, _ =	vpop (xrf0)  }
0x28c: {  	(v2sf) =	vpush v7, $0xF  }
0x28d: {  	v7, _, _ =	vpop (xrf0)  }
0x28e: {  	(v2sf) =	vpush v7, $0xF  }
0x28f: {  	v7, _, _ =	vpop (xrf0)  }
0x290: {  	(v2sf) =	vpush v7, $0xF;
	_ =	sdelay $0x1  }
0x291: {  	s23 =	spop (v2sf)  }
0x292: {  	s28 =	spop (v2sf)  }
0x293: {  	s14 =	sxor.u32 $0x80000000, s23;
	s22 =	sxor.u32 $0x80000000, s28  }
0x294: {  	s12 =	spop (v2sf);
	p0 =	slt.s32 s14, s22  }
0x295: {  	s22 =	smov.u32 @p0 s14;
	s14 =	sxor.u32 $0x80000000, s12  }
0x296: {  	s28 =	spop (v2sf);
	p0 =	slt.s32 s22, s14  }
0x297: {  	s14 =	smov.u32 @p0 s22;
	s22 =	sxor.u32 $0x80000000, s28  }
0x298: {  	s12 =	spop (v2sf);
	p0 =	slt.s32 s14, s22  }
0x299: {  	s22 =	smov.u32 @p0 s14;
	s14 =	sxor.u32 $0x80000000, s12  }
0x29a: {  	s28 =	spop (v2sf);
	p0 =	slt.s32 s22, s14  }
0x29b: {  	s14 =	smov.u32 @p0 s22;
	s22 =	sxor.u32 $0x80000000, s28  }
0x29c: {  	s12 =	spop (v2sf);
	p0 =	slt.s32 s14, s22  }
0x29d: {  	s22 =	smov.u32 @p0 s14;
	s14 =	sxor.u32 $0x80000000, s12  }
0x29e: {  	p0 =	slt.s32 s22, s14;
	s28 =	spop (v2sf)  }
0x29f: {  	s14 =	smov.u32 @p0 s22;
	s22 =	sxor.u32 $0x80000000, s28  }
0x2a0: {  	p0 =	slt.s32 s14, s22  }
0x2a1: {  	s22 =	smov.u32 @p0 s14  }
0x2a2: {  	p0 =	slt.s32 s22, $0x1;
	s14 =	smov.u32 s22  }
0x2a3: {  	s14 =	simm.s32 @!p0 $0x1  }
0x2a4: {  	p0 =	seq.s32 s14, $0x0  }
.Ltmp4:
0x2a5: {  	_ = 	snop;
	(pc) =	sbr.rel @p0 .LBB2_8-.Ltmp4, $2  }
0x2a6: {  	_ =	sdelay $0x2  }
0x2a7: {  	[tilespmem:$0x182F0] =	vst v14  }
0x2a8: {  	p0 =	sne.s32 s14, $0x1  }
.Ltmp5:
0x2a9: {  	_ = 	snop;
	(pc) =	sbr.rel @p0 .LBB2_14-.Ltmp5, $1  }
0x2aa: {  	_ =	sdelay $0x3  }
0x2ab: {  	s14 =	simm.s32 $0x2C0  }
0x2ac: {  	s23 =	simm.s32 $0x8290;
	v14 =	vld [tilespmem:s14+$0x20]  }
0x2ad: {  	v22 =	vld [tilespmem:s23+$0xFFFFFFF0]  }
0x2ae: {  	v23 =	vld [tilespmem:s14+$0x10]  }
0x2af: {  	v17 =	vld [tilespmem:s14+$0x0]  }
0x2b0: {  	v28 =	vld [tilespmem:s14+$0xFFFFFFD0]  }
0x2b1: {  	s28 =	simm.s32 $0x340;
	v29 =	vld [tilespmem:s14+$0xFFFFFFF0]  }
0x2b2: {  	s12 =	simm.s32 $0x8310;
	v10 =	vld [tilespmem:s28+$0x20]  }
0x2b3: {  	v9 =	vld [tilespmem:s12+$0xFFFFFFF0]  }
0x2b4: {  	v16 =	vld [tilespmem:s28+$0x10]  }
0x2b5: {  	v7 =	vmov s15;
	v18 =	vld [tilespmem:s28+$0x0]  }
0x2b6: {  	v21 =	vld [tilespmem:s14+$0xFFFFFFC0]  }
0x2b7: {  	v27 =	vld [tilespmem:s14+$0xFFFFFFE0]  }
0x2b8: {  	v24 =	vimm.f32 $0.0e+00;
	s15 =	simm.s32 $0x1;
	v13 =	vld [tilespmem:s23+$0x0]  }
0x2b9: {  	v26 =	vld [tilespmem:s28+$0xFFFFFFD0];
	v36 =	vmov s15;
	v11 =	vadd.f32 v14, v24;
	v12 =	vadd.f32 v22, v24  }
0x2ba: {  	v8 =	vld.idx.msk [tilespmem:v7+s31+$0x0], $0xffff;
	v15 =	vadd.f32 v23, v24;
	v20 =	vadd.f32 v17, v24  }
0x2bb: {  	v19 =	vld [tilespmem:s14+$0x30];
	v25 =	vadd.f32 v28, v24;
	v37 =	vadd.f32 v29, v24  }
0x2bc: {  	s23 =	simm.s32 $0x2;
	v34 =	vadd.f32 v21, v24;
	v35 =	vadd.f32 v27, v24  }
0x2bd: {  	v33 =	vld [tilespmem:s28+$0xFFFFFFF0];
	v47 =	vmov s23;
	v30 =	vadd.f32 v10, v11;
	v32 =	vadd.f32 v9, v12  }
0x2be: {  	s15 =	simm.s32 $0x3C0;
	v7 =	vmov s18;
	v44 =	vld.idx.msk [tilespmem:v36+s31+$0x0], $0xffff;
	v39 =	vadd.f32 v16, v15;
	v43 =	vadd.f32 v18, v20  }
0x2bf: {  	s14 =	simm.s32 $0x8390;
	v15 =	vld [tilespmem:s15+$0x20];
	v31 =	vadd.f32 v26, v25;
	vm3 =	veq.s32 v8, v7;
	v8 =	vmov s2  }
0x2c0: {  	v11 =	vld [tilespmem:s14+$0xFFFFFFF0];
	v12 =	vnsel vm3, $0x0, v13;
	v38 =	vnsel vm3, $0x0, v19;
	v13 =	vadd.f32 v13, v24  }
0x2c1: {  	v20 =	vld [tilespmem:s15+$0x10];
	v42 =	vnsel vm3, $0x0, v17;
	v19 =	vadd.f32 v19, v24;
	v45 =	vnsel vm3, $0x0, v21  }
0x2c2: {  	v25 =	vld [tilespmem:s15+$0x0];
	v48 =	vnsel vm3, $0x0, v27;
	v22 =	vnsel vm3, $0x0, v22;
	v12 =	vadd.f32 v12, v24  }
0x2c3: {  	v40 =	vld [tilespmem:s28+$0xFFFFFFE0];
	v41 =	vnsel vm3, $0x0, v14;
	v21 =	vadd.f32 v38, v24;
	v22 =	vadd.f32 v22, v24  }
0x2c4: {  	v36 =	vld [tilespmem:s28+$0x30];
	v46 =	vnsel vm3, $0x0, v29;
	v29 =	vadd.f32 v41, v24;
	v45 =	vadd.f32 v45, v24  }
0x2c5: {  	v23 =	vnsel vm3, $0x0, v23;
	v38 =	vld [tilespmem:s28+$0xFFFFFFC0];
	v17 =	vadd.f32 v15, v30;
	v14 =	vadd.f32 v11, v32  }
0x2c6: {  	v27 =	vld [tilespmem:s12+$0x0];
	v49 =	vnsel vm3, $0x0, v28;
	v32 =	vadd.f32 v33, v37;
	v30 =	vadd.f32 v23, v24  }
0x2c7: {  	vm3 =	veq.s32 v44, v7;
	v41 =	vld [tilespmem:s15+$0xFFFFFFD0];
	v23 =	vadd.f32 v20, v39;
	v28 =	vadd.f32 v25, v43  }
0x2c8: {  	s23 =	simm.s32 $0x3;
	s2 =	simm.s32 $0x8390;
	v44 =	vimm.f32 $0.0e+00;
	s28 =	simm.s32 $0x440;
	v39 =	vadd.f32 v48, v24;
	v37 =	vld [tilespmem:s15+$0xFFFFFFF0];
	v43 =	vadd.f32 v49, v24  }
.LBB2_5:
0x2c9: {  	p0 =	sne.s32 s23, $0x7F  }
0x2ca: {  	v48 =	vld [tilespmem:s28+$0x20];
	s14 =	sadd.s32 $0x80, s14;
	v34 =	vadd.f32 v38, v34;
	v24 =	vadd.f32 v42, v24;
	s12 =	smov.u32 s23;
	s23 =	sadd.s32 $0x1, s23  }
0x2cb: {  	v35 =	vadd.f32 v40, v35;
	v44 =	vadd.f32 v46, v44;
	v49 =	vld [tilespmem:s14+$0xFFFFFFF0];
	v42 =	vnsel vm3, $0x0, v27  }
0x2cc: {  	v13 =	vadd.f32 v27, v13;
	v50 =	vld [tilespmem:s28+$0x10];
	v46 =	vnsel vm3, $0x0, v36;
	v12 =	vadd.f32 v42, v12  }
0x2cd: {  	v42 =	vnsel vm3, $0x0, v18;
	v19 =	vadd.f32 v36, v19;
	v18 =	vmovc v25;
	v51 =	vld.idx.msk [tilespmem:v47+s31+$0x0], $0xffff;
	v31 =	vadd.f32 v41, v31  }
0x2ce: {  	v52 =	vnsel vm3, $0x0, v38;
	v53 =	vnsel vm3, $0x0, v40;
	v21 =	vadd.f32 v46, v21;
	v25 =	vld [tilespmem:s28+$0x0]  }
0x2cf: {  	v27 =	vnsel vm3, $0x0, v9;
	v47 =	vnsel vm3, $0x0, v10;
	v10 =	vmovc v15;
	v17 =	vadd.f32 v48, v17;
	v38 =	vld [tilespmem:s15+$0xFFFFFFC0];
	v15 =	vmovc v48  }
.Ltmp6:
0x2d0: {  	v9 =	vmovc v11;
	v36 =	vnsel vm3, $0x0, v16;
	v22 =	vadd.f32 v27, v22;
	v14 =	vadd.f32 v49, v14;
	v40 =	vld [tilespmem:s15+$0xFFFFFFE0];
	v11 =	vmovc v49;
	(pc) =	sbr.rel @p0 .LBB2_5-.Ltmp6, $4  }
0x2d1: {  	v16 =	vmovc v20;
	v46 =	vnsel vm3, $0x0, v33;
	v30 =	vadd.f32 v36, v30;
	v32 =	vadd.f32 v37, v32;
	v27 =	vld [tilespmem:s2+$0x0];
	v20 =	vmovc v50;
	s2 =	smov.u32 s14  }
0x2d2: {  	v29 =	vadd.f32 v47, v29;
	v33 =	vmovc v37;
	v48 =	vnsel vm3, $0x0, v26;
	v26 =	vmovc v41;
	v23 =	vadd.f32 v20, v23;
	v36 =	vld [tilespmem:s15+$0x30];
	s15 =	smov.u32 s28  }
0x2d3: {  	v39 =	vadd.f32 v53, v39;
	v47 =	vmov s12;
	v41 =	vld [tilespmem:s28+$0xFFFFFFD0];
	v28 =	vadd.f32 v25, v28  }
0x2d4: {  	v45 =	vadd.f32 v52, v45;
	v43 =	vadd.f32 v48, v43;
	vm3 =	veq.s32 v51, v7;
	s28 =	sadd.s32 $0x80, s28;
	v37 =	vld [tilespmem:s15+$0xFFFFFFF0]  }
0x2d5: {  	_ =	sdelay $0x3  }
0x2d6: {  	v47 =	vld.idx.msk [tilespmem:v47+s31+$0x0], $0xffff;
	v24 =	vadd.f32 v42, v24;
	v34 =	vadd.f32 v38, v34  }
0x2d7: {  	v35 =	vadd.f32 v40, v35;
	v58 =	vnsel vm3, $0x0, v38;
	v59 =	vld [tilespmem:s15+$0xFFFFFFE0];
	v26 =	vnsel vm3, $0x0, v26  }
0x2d8: {  	v48 =	vld [tilespmem:s15+$0xFFFFFFC0];
	v44 =	vadd.f32 v46, v44;
	v61 =	vnsel vm3, $0x0, v40;
	v33 =	vnsel vm3, $0x0, v33  }
0x2d9: {  	v62 =	vld [tilespmem:s2+$0x0];
	v18 =	vnsel vm3, $0x0, v18;
	v16 =	vnsel vm3, $0x0, v16;
	v10 =	vnsel vm3, $0x0, v10  }
0x2da: {  	v9 =	vnsel vm3, $0x0, v9;
	v38 =	vadd.f32 v58, v45;
	v26 =	vadd.f32 v26, v43  }
0x2db: {  	v55 =	vnsel vm3, $0x0, v27;
	v13 =	vadd.f32 v27, v13;
	v51 =	vnsel vm3, $0x0, v36  }
0x2dc: {  	vm3 =	veq.s32 v1, $0x0;
	vm4 =	veq.s32 v47, v7;
	v35 =	vadd.f32 v59, v35  }
0x2dd: {  	v60 =	vnsel vm4, $0x0, v48;
	v63 =	vnsel vm4, $0x0, v41;
	v46 =	vnsel vm4, $0x0, v59  }
0x2de: {  	v57 =	vnsel vm4, $0x0, v62;
	v59 =	vadd.f32 v62, v13;
	v62 =	vsel vm0, $0x200, v8  }
0x2df: {  	v8 =	vsel vm1, $0x200, v8;
	v26 =	vadd.f32 v63, v26;
	v63 =	vsel vm3, s18, v62  }
0x2e0: {  	v39 =	vadd.f32 v61, v39;
	v45 =	vld [tilespmem:s15+$0x30];
	v38 =	vadd.f32 v60, v38;
	v7 =	vsel vm2, v8, v7;
	[tilespmem:$0x18B80] =	vst v63  }
0x2e1: {  	v33 =	vadd.f32 v33, v44;
	v18 =	vadd.f32 v18, v24;
	[tilespmem:$0x18C00] =	vst v7  }
0x2e2: {  	v34 =	vadd.f32 v48, v34;
	v48 =	vnsel vm4, $0x0, v37;
	v47 =	vadd.f32 v46, v39;
	[tilespmem:$0x18380] =	vst v38  }
0x2e3: {  	v16 =	vadd.f32 v16, v30;
	v25 =	vnsel vm4, $0x0, v25;
	v24 =	vadd.f32 v48, v33;
	[tilespmem:$0x18390] =	vst v26  }
0x2e4: {  	v10 =	vadd.f32 v10, v29;
	v20 =	vnsel vm4, $0x0, v20;
	v18 =	vadd.f32 v25, v18;
	[tilespmem:$0x183A0] =	vst v47  }
0x2e5: {  	v9 =	vadd.f32 v9, v22;
	v15 =	vnsel vm4, $0x0, v15;
	v16 =	vadd.f32 v20, v16;
	[tilespmem:$0x183B0] =	vst v24  }
0x2e6: {  	v11 =	vnsel vm4, $0x0, v11;
	v10 =	vadd.f32 v15, v10;
	[tilespmem:$0x183C0] =	vst v18  }
0x2e7: {  	v31 =	vadd.f32 v41, v31;
	v9 =	vadd.f32 v11, v9;
	[tilespmem:$0x183D0] =	vst v16  }
0x2e8: {  	v34 =	vsub.f32 v34, v38;
	[tilespmem:$0x183E0] =	vst v10  }
0x2e9: {  	v32 =	vadd.f32 v37, v32;
	v31 =	vsub.f32 v31, v26;
	[tilespmem:$0x18480] =	vst v9  }
0x2ea: {  	v49 =	vsub.f32 v35, v47;
	[tilespmem:$0x18400] =	vst v34  }
0x2eb: {  	v50 =	vsub.f32 v32, v24;
	[tilespmem:$0x18410] =	vst v31  }
0x2ec: {  	v52 =	vsub.f32 v28, v18;
	[tilespmem:$0x18420] =	vst v49  }
0x2ed: {  	v21 =	vadd.f32 v51, v21;
	v53 =	vsub.f32 v23, v16;
	[tilespmem:$0x18430] =	vst v50  }
0x2ee: {  	v19 =	vadd.f32 v36, v19;
	v54 =	vnsel vm4, $0x0, v45;
	v56 =	vsub.f32 v17, v10;
	[tilespmem:$0x18440] =	vst v52  }
0x2ef: {  	v12 =	vadd.f32 v55, v12;
	v18 =	vadd.f32 v54, v21;
	[tilespmem:$0x18450] =	vst v53  }
0x2f0: {  	v19 =	vadd.f32 v45, v19;
	v60 =	vsub.f32 v14, v9;
	[tilespmem:$0x18460] =	vst v56  }
0x2f1: {  	v10 =	vadd.f32 v57, v12;
	[tilespmem:$0x183F0] =	vst v18  }
0x2f2: {  	v58 =	vsub.f32 v19, v18;
	[tilespmem:$0x18500] =	vst v60  }
0x2f3: {  	v61 =	vsub.f32 v59, v10;
	[tilespmem:$0x18490] =	vst v10  }
0x2f4: {  	[tilespmem:$0x18470] =	vst v58  }
0x2f5: {  	s28 =	simm.s32 $0x18B80;
	[tilespmem:$0x18510] =	vst v61  }
0x2f6: {  	[spmem:s3] =	stream.indirect.scatter.add.f32 [tilespmem:s0], [sflag:$0x3], $0x80, s28, s11, $0xb8;
	[tilespmem:$0x1AD00] =	vst v63  }
0x2f7: {  	_ =	swait.ge [sflag:s21], $0x800  }
0x2f8: {  	p0 =	sne.s32 s22, $0x0;
	[sflag:s21] =	ssyncset.done $0x0  }
.Ltmp7:
0x2f9: {  	[sflag:s21] =	ssyncadd.s32 $0xFFFFF800;
	(pc) =	sbr.rel @p0 .LBB2_14-.Ltmp7, $4  }
0x2fa: {  	[spmem:s4] =	stream.indirect.scatter.add.f32 [tilespmem:s0], [sflag:$0x3], $0x80, s13, s11, $0xb8;
	[tilespmem:$0x1AD00] =	vst v63  }
0x2fb: {  	_ =	swait.ge [sflag:s21], $0x800  }
0x2fc: {  	[sflag:s21] =	ssyncset.done $0x0  }
0x2fd: {  	[sflag:s21] =	ssyncadd.s32 $0xFFFFF800  }
0x2fe: {  	s14 =	simm.s32 $0x0  }
.LBB2_8:
0x2ff: {  	s12 =	ssub.s32 $0x20, s14  }
0x300: {  	p1 =	sne.s32 s12, $0x1  }
.Ltmp8:
0x301: {  	_ = 	snop;
	(pc) =	sbr.rel @!p1 .LBB2_9-.Ltmp8, $4  }
0x302: {  	s2 =	sshll.u32 s14, $0xB  }
0x303: {  	s28 =	sshra.s32 s2, $0x2  }
0x304: {  	s2 =	sadd.s32 $0x8380, s28  }
0x305: {  	p0 =	por $0x0, $0x0;
	s14 =	sadd.s32 $0xFFFFFFFF, s12;
	s15 =	sadd.s32 $0x10380, s28;
	v7 =	vld [tilespmem:s2+$0xFFFFFF00]  }
0x306: {  	_ =	sdelay $0x3  }
0x307: {  	[tilespmem:s15+$0xFFFFFF00] =	vst v7  }
0x308: {  	v7 =	vld [tilespmem:s2+$0xFFFFFF10];
	_ =	sdelay $0x4  }
0x309: {  	[tilespmem:s15+$0xFFFFFF10] =	vst v7  }
0x30a: {  	v7 =	vld [tilespmem:s2+$0xFFFFFF80];
	_ =	sdelay $0x4  }
0x30b: {  	[tilespmem:s15+$0xFFFFFF80] =	vst v7  }
0x30c: {  	v7 =	vld [tilespmem:s2+$0xFFFFFF90];
	_ =	sdelay $0x4  }
0x30d: {  	[tilespmem:s15+$0xFFFFFF90] =	vst v7  }
0x30e: {  	v7 =	vld [tilespmem:s2+$0x0];
	_ =	sdelay $0x4  }
0x30f: {  	[tilespmem:s15+$0x0] =	vst v7  }
0x310: {  	v7 =	vld [tilespmem:s2+$0x10];
	_ =	sdelay $0x4  }
0x311: {  	[tilespmem:s15+$0x10] =	vst v7  }
0x312: {  	v7 =	vld [tilespmem:s2+$0x80];
	_ =	sdelay $0x4  }
0x313: {  	[tilespmem:s15+$0x80] =	vst v7  }
0x314: {  	v7 =	vld [tilespmem:s2+$0x90]  }
0x315: {  	p1 =	sne.s32 s14, $0x1  }
.Ltmp9:
0x316: {  	_ = 	snop;
	(pc) =	sbr.rel @!p1 .LBB2_11-.Ltmp9, $3  }
0x317: {  	_ =	sdelay $0x1  }
0x318: {  	s2 =	sadd.s32 $0x200, s2;
	[tilespmem:s15+$0x90] =	vst v7  }
0x319: {  	s18 =	sadd.s32 $0xFFFFFFFF, s14;
	p0 =	por $0x1, $0x1;
	s14 =	smov.u32 s15;
	v7 =	vld [tilespmem:s2+$0xFFFFFF00]  }
.LBB2_12:
0x31a: {  	p1 =	sne.s32 s18, $0x1;
	_ =	sdelay $0x2  }
0x31b: {  	s14 =	sadd.s32 $0x200, s14  }
0x31c: {  	[tilespmem:s14+$0xFFFFFF00] =	vst v7  }
0x31d: {  	v7 =	vld [tilespmem:s2+$0xFFFFFF10];
	_ =	sdelay $0x4  }
0x31e: {  	[tilespmem:s14+$0xFFFFFF10] =	vst v7  }
0x31f: {  	v7 =	vld [tilespmem:s2+$0xFFFFFF80];
	_ =	sdelay $0x4  }
0x320: {  	[tilespmem:s14+$0xFFFFFF80] =	vst v7  }
0x321: {  	v7 =	vld [tilespmem:s2+$0xFFFFFF90];
	_ =	sdelay $0x4  }
0x322: {  	[tilespmem:s14+$0xFFFFFF90] =	vst v7  }
0x323: {  	v7 =	vld [tilespmem:s2+$0x0];
	_ =	sdelay $0x4  }
0x324: {  	[tilespmem:s14+$0x0] =	vst v7  }
0x325: {  	v7 =	vld [tilespmem:s2+$0x10];
	_ =	sdelay $0x4  }
0x326: {  	[tilespmem:s14+$0x10] =	vst v7  }
0x327: {  	v7 =	vld [tilespmem:s2+$0x80];
	_ =	sdelay $0x4  }
0x328: {  	[tilespmem:s14+$0x80] =	vst v7  }
0x329: {  	v7 =	vld [tilespmem:s2+$0x90];
	_ =	sdelay $0x1  }
.Ltmp10:
0x32a: {  	(pc) =	sbr.rel @p1 .LBB2_12-.Ltmp10, $3  }
0x32b: {  	_ =	sdelay $0x1  }
0x32c: {  	s2 =	sadd.s32 $0x200, s2;
	[tilespmem:s14+$0x90] =	vst v7  }
0x32d: {  	s18 =	sadd.s32 $0xFFFFFFFF, s18;
	v7 =	vld [tilespmem:s2+$0xFFFFFF00]  }
.LBB2_13:
0x32e: {  	_ =	sdelay $0x1  }
0x32f: {  	s12 =	sadd.s32 @p0 $0x200, s14  }
0x330: {  	s15 =	smov.u32 @p0 s12  }
0x331: {  	[tilespmem:s15+$0xFFFFFF00] =	vst v7  }
0x332: {  	v7 =	vld [tilespmem:s2+$0xFFFFFF10];
	_ =	sdelay $0x4  }
0x333: {  	[tilespmem:s15+$0xFFFFFF10] =	vst v7  }
0x334: {  	v7 =	vld [tilespmem:s2+$0xFFFFFF80];
	_ =	sdelay $0x4  }
0x335: {  	[tilespmem:s15+$0xFFFFFF80] =	vst v7  }
0x336: {  	v7 =	vld [tilespmem:s2+$0xFFFFFF90];
	_ =	sdelay $0x4  }
0x337: {  	[tilespmem:s15+$0xFFFFFF90] =	vst v7  }
0x338: {  	v7 =	vld [tilespmem:s2+$0x0];
	_ =	sdelay $0x4  }
0x339: {  	[tilespmem:s15+$0x0] =	vst v7  }
0x33a: {  	v7 =	vld [tilespmem:s2+$0x10];
	_ =	sdelay $0x4  }
0x33b: {  	[tilespmem:s15+$0x10] =	vst v7  }
0x33c: {  	v7 =	vld [tilespmem:s2+$0x80];
	_ =	sdelay $0x4  }
0x33d: {  	[tilespmem:s15+$0x80] =	vst v7  }
0x33e: {  	v7 =	vld [tilespmem:s2+$0x90];
	_ =	sdelay $0x4  }
0x33f: {  	[tilespmem:s15+$0x90] =	vst v7  }
0x340: {  	[spmem:s3] =	stream.indirect.scatter.add.f32 [tilespmem:s6], [sflag:$0x3], $0x80, s31, s30, $0xb8;
	[tilespmem:$0x1AD00] =	vst v63  }
0x341: {  	_ =	swait.ge [sflag:s21], $0x4000  }
0x342: {  	[sflag:s21] =	ssyncset.done $0x0  }
0x343: {  	s28 =	simm.s32 $0x10280;
	[sflag:s21] =	ssyncadd.s32 $0xFFFFC000  }
0x344: {  	[spmem:s4] =	stream.indirect.scatter.add.f32 [tilespmem:s28], [sflag:$0x3], $0x80, s31, s30, $0xb8;
	[tilespmem:$0x1AD00] =	vst v63  }
0x345: {  	_ =	swait.ge [sflag:s21], $0x4000  }
0x346: {  	[sflag:s21] =	ssyncset.done $0x0  }
0x347: {  	[sflag:s21] =	ssyncadd.s32 $0xFFFFC000  }
.LBB2_14:
0x348: {  	s2 =	sadd.s32 s20, s16  }
0x349: {  	s2 =	smin.u32 s2, $0x18620  }
0x34a: {  	s2 =	sshll.u32 s2, $0x4  }
0x34b: {  	s15 =	simm.s32 $0x0;
	s12 =	sadd.s32 s1, s2  }
0x34c: {  	[tilespmem:s6], [sflag:$0x1] =	stream.linear.gather [hbm4b:s12+s15], $0x4000, $0x38;
	[tilespmem:$0x1AD00] =	vst v63  }
0x34d: {  	s2 =	sadd.s32 s7, s2  }
0x34e: {  	[tilespmem:s24], [sflag:$0x1] =	stream.linear.gather [hbm4b:s2+s15], $0x4000, $0x38;
	[tilespmem:$0x1AD00] =	vst v63  }
0x34f: {  	_ =	swait.ge [sflag:s8], $0x4000  }
0x350: {  	[sflag:s8] =	ssyncset.done $0x0  }
0x351: {  	[sflag:s8] =	ssyncadd.s32 $0xFFFFC000  }
0x352: {  	_ =	swait.ge [sflag:s8], $0x4000  }
0x353: {  	[sflag:s8] =	ssyncset.done $0x0  }
0x354: {  	[sflag:s8] =	ssyncadd.s32 $0xFFFFC000  }
0x355: {  	v7 =	vld.idx.msk [tilespmem:v2+s15+$0x0], $0xffff  }
0x356: {  	s23 =	sadd.s32 s20, s9  }
0x357: {  	s18 =	sadd.s32 $0x80, s23  }
0x358: {  	s22 =	smin.u32 s18, $0x18620  }
0x359: {  	v8 =	vadd.s32 s22, v1  }
0x35a: {  	vm3 =	vgt.s32 v7, v8  }
0x35b: {  	v7 =	vsel vm3, $0x80, v4;
	_ =	sdelay $0x4  }
0x35c: {  	v9 =	vld.idx.msk [tilespmem:v7+s15+$0x0], $0xffff;
	_ =	sdelay $0x4  }
0x35d: {  	v10 =	vsel vm3, $0x100, v3;
	vm4 =	vgt.s32 v9, v8  }
0x35e: {  	v34 =	vsel vm3, $0x0, v2;
	v10 =	vsel vm4, v7, v10  }
0x35f: {  	v7 =	vsel vm4, v34, v7;
	v35 =	vadd.s32 v5, v10  }
0x360: {  	v11 =	vxor.u32 v35, v7  }
0x361: {  	v9 =	vor.u32 v35, v7;
	v11 =	vshrl.u32 v11, $0x1  }
0x362: {  	v9 =	vsub.s32 v9, v11;
	_ =	sdelay $0x4  }
0x363: {  	v11 =	vld.idx.msk [tilespmem:v9+s15+$0x0], $0xffff;
	_ =	sdelay $0x4  }
0x364: {  	vm3 =	vgt.s32 v11, v8  }
0x365: {  	v7 =	vsel vm3, v7, v9;
	v9 =	vsel vm3, v9, v10  }
0x366: {  	v10 =	vxor.u32 v9, v7  }
0x367: {  	v36 =	vand.u32 v9, v7;
	v10 =	vshrl.u32 v10, $0x1  }
0x368: {  	v10 =	vadd.s32 v10, v36;
	_ =	sdelay $0x4  }
0x369: {  	v11 =	vld.idx.msk [tilespmem:v10+s15+$0x0], $0xffff;
	_ =	sdelay $0x4  }
0x36a: {  	vm3 =	vgt.s32 v11, v8  }
0x36b: {  	v7 =	vsel vm3, v7, v10;
	v9 =	vsel vm3, v10, v9  }
0x36c: {  	v10 =	vxor.u32 v9, v7  }
0x36d: {  	v37 =	vand.u32 v9, v7;
	v10 =	vshrl.u32 v10, $0x1  }
0x36e: {  	v10 =	vadd.s32 v10, v37;
	_ =	sdelay $0x4  }
0x36f: {  	v11 =	vld.idx.msk [tilespmem:v10+s15+$0x0], $0xffff;
	_ =	sdelay $0x4  }
0x370: {  	vm3 =	vgt.s32 v11, v8  }
0x371: {  	v7 =	vsel vm3, v7, v10;
	v9 =	vsel vm3, v10, v9  }
0x372: {  	v10 =	vadd.s32 v9, v7  }
0x373: {  	v10 =	vshrl.u32 v10, $0x1;
	_ =	sdelay $0x4  }
0x374: {  	v38 =	vld.idx.msk [tilespmem:v10+s15+$0x0], $0xffff;
	_ =	sdelay $0x4  }
0x375: {  	vm3 =	vgt.s32 v38, v8  }
0x376: {  	v7 =	vsel vm3, v7, v10;
	v9 =	vsel vm3, v10, v9  }
0x377: {  	v10 =	vadd.s32 v9, v7  }
0x378: {  	v10 =	vshrl.u32 v10, $0x1;
	_ =	sdelay $0x4  }
0x379: {  	v39 =	vld.idx.msk [tilespmem:v10+s15+$0x0], $0xffff;
	_ =	sdelay $0x4  }
0x37a: {  	vm3 =	vgt.s32 v39, v8  }
0x37b: {  	v7 =	vsel vm3, v7, v10;
	v9 =	vsel vm3, v10, v9  }
0x37c: {  	v10 =	vadd.s32 v9, v7  }
0x37d: {  	v10 =	vshrl.u32 v10, $0x1;
	_ =	sdelay $0x4  }
0x37e: {  	v40 =	vld.idx.msk [tilespmem:v10+s15+$0x0], $0xffff;
	_ =	sdelay $0x4  }
0x37f: {  	vm3 =	vgt.s32 v40, v8  }
0x380: {  	v7 =	vsel vm3, v7, v10;
	v9 =	vsel vm3, v10, v9  }
0x381: {  	v10 =	vadd.s32 v9, v7  }
0x382: {  	v10 =	vshrl.u32 v10, $0x1;
	_ =	sdelay $0x4  }
0x383: {  	v41 =	vld.idx.msk [tilespmem:v10+s15+$0x0], $0xffff;
	_ =	sdelay $0x4  }
0x384: {  	vm3 =	vgt.s32 v41, v8  }
0x385: {  	v7 =	vsel vm3, v7, v10;
	v9 =	vsel vm3, v10, v9  }
0x386: {  	v9 =	vadd.s32 v9, v7  }
0x387: {  	v9 =	vshrl.u32 v9, $0x1;
	_ =	sdelay $0x4  }
0x388: {  	v42 =	vld.idx.msk [tilespmem:v9+s15+$0x0], $0xffff;
	_ =	sdelay $0x4  }
0x389: {  	vm11 =	vge.u32 v8, s18;
	vm5 =	vlt.u32 v8, v0;
	vm3 =	vgt.s32 v42, v8  }
0x38a: {  	v7 =	vsel vm3, v7, v9;
	vm3 =	vmand vm11, vm5  }
0x38b: {  	v7 =	vnsel vm3, $0x200, v7  }
0x38c: {  	[tilespmem:$0x18300] =	vst v7  }
0x38d: {  	v8 =	vld.idx.msk [tilespmem:v2+s15+$0x0], $0xffff;
	_ =	sdelay $0x2  }
0x38e: {  	s28 =	sadd.s32 $0x10, s22  }
0x38f: {  	v43 =	vadd.s32 s28, v1  }
0x390: {  	vm3 =	vgt.s32 v8, v43  }
0x391: {  	v8 =	vsel vm3, $0x80, v4;
	_ =	sdelay $0x4  }
0x392: {  	v44 =	vld.idx.msk [tilespmem:v8+s15+$0x0], $0xffff;
	_ =	sdelay $0x4  }
0x393: {  	v45 =	vsel vm3, $0x100, v3;
	vm12 =	vgt.s32 v44, v43  }
0x394: {  	v46 =	vsel vm3, $0x0, v2;
	v11 =	vsel vm12, v8, v45  }
0x395: {  	v8 =	vsel vm12, v46, v8;
	v47 =	vadd.s32 v5, v11  }
0x396: {  	v12 =	vxor.u32 v47, v8  }
0x397: {  	v10 =	vor.u32 v47, v8;
	v12 =	vshrl.u32 v12, $0x1  }
0x398: {  	v10 =	vsub.s32 v10, v12;
	_ =	sdelay $0x4  }
0x399: {  	v12 =	vld.idx.msk [tilespmem:v10+s15+$0x0], $0xffff;
	_ =	sdelay $0x4  }
0x39a: {  	vm3 =	vgt.s32 v12, v43  }
0x39b: {  	v8 =	vsel vm3, v8, v10;
	v10 =	vsel vm3, v10, v11  }
0x39c: {  	v11 =	vxor.u32 v10, v8  }
0x39d: {  	v48 =	vand.u32 v10, v8;
	v11 =	vshrl.u32 v11, $0x1  }
0x39e: {  	v11 =	vadd.s32 v11, v48;
	_ =	sdelay $0x4  }
0x39f: {  	v12 =	vld.idx.msk [tilespmem:v11+s15+$0x0], $0xffff;
	_ =	sdelay $0x4  }
0x3a0: {  	vm3 =	vgt.s32 v12, v43  }
0x3a1: {  	v8 =	vsel vm3, v8, v11;
	v10 =	vsel vm3, v11, v10  }
0x3a2: {  	v11 =	vxor.u32 v10, v8  }
0x3a3: {  	v49 =	vand.u32 v10, v8;
	v11 =	vshrl.u32 v11, $0x1  }
0x3a4: {  	v11 =	vadd.s32 v11, v49;
	_ =	sdelay $0x4  }
0x3a5: {  	v12 =	vld.idx.msk [tilespmem:v11+s15+$0x0], $0xffff;
	_ =	sdelay $0x4  }
0x3a6: {  	vm3 =	vgt.s32 v12, v43  }
0x3a7: {  	v8 =	vsel vm3, v8, v11;
	v10 =	vsel vm3, v11, v10  }
0x3a8: {  	v11 =	vadd.s32 v10, v8  }
0x3a9: {  	v11 =	vshrl.u32 v11, $0x1;
	_ =	sdelay $0x4  }
0x3aa: {  	v50 =	vld.idx.msk [tilespmem:v11+s15+$0x0], $0xffff;
	_ =	sdelay $0x4  }
0x3ab: {  	vm3 =	vgt.s32 v50, v43  }
0x3ac: {  	v8 =	vsel vm3, v8, v11;
	v10 =	vsel vm3, v11, v10  }
0x3ad: {  	v11 =	vadd.s32 v10, v8  }
0x3ae: {  	v11 =	vshrl.u32 v11, $0x1;
	_ =	sdelay $0x4  }
0x3af: {  	v51 =	vld.idx.msk [tilespmem:v11+s15+$0x0], $0xffff;
	_ =	sdelay $0x4  }
0x3b0: {  	vm3 =	vgt.s32 v51, v43  }
0x3b1: {  	v8 =	vsel vm3, v8, v11;
	v10 =	vsel vm3, v11, v10  }
0x3b2: {  	v11 =	vadd.s32 v10, v8  }
0x3b3: {  	v11 =	vshrl.u32 v11, $0x1;
	_ =	sdelay $0x4  }
0x3b4: {  	v52 =	vld.idx.msk [tilespmem:v11+s15+$0x0], $0xffff;
	_ =	sdelay $0x4  }
0x3b5: {  	vm3 =	vgt.s32 v52, v43  }
0x3b6: {  	v8 =	vsel vm3, v8, v11;
	v10 =	vsel vm3, v11, v10  }
0x3b7: {  	v11 =	vadd.s32 v10, v8  }
0x3b8: {  	v11 =	vshrl.u32 v11, $0x1;
	_ =	sdelay $0x4  }
0x3b9: {  	v53 =	vld.idx.msk [tilespmem:v11+s15+$0x0], $0xffff;
	_ =	sdelay $0x4  }
0x3ba: {  	vm3 =	vgt.s32 v53, v43  }
0x3bb: {  	v8 =	vsel vm3, v8, v11;
	v10 =	vsel vm3, v11, v10  }
0x3bc: {  	v10 =	vadd.s32 v10, v8  }
0x3bd: {  	v10 =	vshrl.u32 v10, $0x1;
	_ =	sdelay $0x4  }
0x3be: {  	v54 =	vld.idx.msk [tilespmem:v10+s15+$0x0], $0xffff;
	_ =	sdelay $0x4  }
0x3bf: {  	vm13 =	vge.s32 v43, s18;
	vm14 =	vlt.s32 v43, v0;
	vm3 =	vgt.s32 v54, v43  }
0x3c0: {  	v8 =	vsel vm3, v8, v10;
	vm3 =	vmand vm13, vm14  }
0x3c1: {  	v8 =	vnsel vm3, $0x200, v8  }
0x3c2: {  	[tilespmem:$0x18310] =	vst v8  }
0x3c3: {  	v55 =	vld.idx.msk [tilespmem:v2+s15+$0x0], $0xffff;
	_ =	sdelay $0x2  }
0x3c4: {  	s12 =	sadd.s32 $0x20, s22  }
0x3c5: {  	v56 =	vadd.s32 s12, v1  }
0x3c6: {  	vm3 =	vgt.s32 v55, v56  }
0x3c7: {  	v9 =	vsel vm3, $0x80, v4;
	_ =	sdelay $0x4  }
0x3c8: {  	v57 =	vld.idx.msk [tilespmem:v9+s15+$0x0], $0xffff;
	_ =	sdelay $0x4  }
0x3c9: {  	v58 =	vsel vm3, $0x100, v3;
	vm15 =	vgt.s32 v57, v56  }
0x3ca: {  	v59 =	vsel vm3, $0x0, v2;
	v12 =	vsel vm15, v9, v58  }
0x3cb: {  	v9 =	vsel vm15, v59, v9;
	v60 =	vadd.s32 v5, v12  }
0x3cc: {  	v13 =	vxor.u32 v60, v9  }
0x3cd: {  	v11 =	vor.u32 v60, v9;
	v13 =	vshrl.u32 v13, $0x1  }
0x3ce: {  	v11 =	vsub.s32 v11, v13;
	_ =	sdelay $0x4  }
0x3cf: {  	v13 =	vld.idx.msk [tilespmem:v11+s15+$0x0], $0xffff;
	_ =	sdelay $0x4  }
0x3d0: {  	vm3 =	vgt.s32 v13, v56  }
0x3d1: {  	v9 =	vsel vm3, v9, v11;
	v11 =	vsel vm3, v11, v12  }
0x3d2: {  	v12 =	vxor.u32 v11, v9  }
0x3d3: {  	v61 =	vand.u32 v11, v9;
	v12 =	vshrl.u32 v12, $0x1  }
0x3d4: {  	v12 =	vadd.s32 v12, v61;
	_ =	sdelay $0x4  }
0x3d5: {  	v13 =	vld.idx.msk [tilespmem:v12+s15+$0x0], $0xffff;
	_ =	sdelay $0x4  }
0x3d6: {  	vm3 =	vgt.s32 v13, v56  }
0x3d7: {  	v9 =	vsel vm3, v9, v12;
	v11 =	vsel vm3, v12, v11  }
0x3d8: {  	v12 =	vxor.u32 v11, v9  }
0x3d9: {  	v62 =	vand.u32 v11, v9;
	v12 =	vshrl.u32 v12, $0x1  }
0x3da: {  	v12 =	vadd.s32 v12, v62;
	_ =	sdelay $0x4  }
0x3db: {  	v13 =	vld.idx.msk [tilespmem:v12+s15+$0x0], $0xffff;
	_ =	sdelay $0x4  }
0x3dc: {  	vm3 =	vgt.s32 v13, v56  }
0x3dd: {  	v9 =	vsel vm3, v9, v12;
	v11 =	vsel vm3, v12, v11  }
0x3de: {  	v12 =	vadd.s32 v11, v9  }
0x3df: {  	v12 =	vshrl.u32 v12, $0x1;
	_ =	sdelay $0x4  }
0x3e0: {  	v63 =	vld.idx.msk [tilespmem:v12+s15+$0x0], $0xffff;
	_ =	sdelay $0x4  }
0x3e1: {  	vm3 =	vgt.s32 v63, v56  }
0x3e2: {  	v9 =	vsel vm3, v9, v12;
	v11 =	vsel vm3, v12, v11  }
0x3e3: {  	v12 =	vadd.s32 v11, v9  }
0x3e4: {  	v12 =	vshrl.u32 v12, $0x1;
	_ =	sdelay $0x4  }
0x3e5: {  	v16 =	vld.idx.msk [tilespmem:v12+s15+$0x0], $0xffff;
	_ =	sdelay $0x4  }
0x3e6: {  	vm3 =	vgt.s32 v16, v56  }
0x3e7: {  	v9 =	vsel vm3, v9, v12;
	v11 =	vsel vm3, v12, v11  }
0x3e8: {  	v12 =	vadd.s32 v11, v9  }
0x3e9: {  	v12 =	vshrl.u32 v12, $0x1;
	_ =	sdelay $0x4  }
0x3ea: {  	v17 =	vld.idx.msk [tilespmem:v12+s15+$0x0], $0xffff;
	_ =	sdelay $0x4  }
0x3eb: {  	vm3 =	vgt.s32 v17, v56  }
0x3ec: {  	v9 =	vsel vm3, v9, v12;
	v11 =	vsel vm3, v12, v11  }
0x3ed: {  	v12 =	vadd.s32 v11, v9  }
0x3ee: {  	v12 =	vshrl.u32 v12, $0x1;
	_ =	sdelay $0x4  }
0x3ef: {  	v18 =	vld.idx.msk [tilespmem:v12+s15+$0x0], $0xffff;
	_ =	sdelay $0x4  }
0x3f0: {  	vm3 =	vgt.s32 v18, v56  }
0x3f1: {  	v9 =	vsel vm3, v9, v12;
	v11 =	vsel vm3, v12, v11  }
0x3f2: {  	v11 =	vadd.s32 v11, v9  }
0x3f3: {  	v11 =	vshrl.u32 v11, $0x1;
	_ =	sdelay $0x4  }
0x3f4: {  	v19 =	vld.idx.msk [tilespmem:v11+s15+$0x0], $0xffff;
	_ =	sdelay $0x4  }
0x3f5: {  	vm8 =	vge.s32 v56, s18;
	vm9 =	vlt.s32 v56, v0;
	vm3 =	vgt.s32 v19, v56  }
0x3f6: {  	v9 =	vsel vm3, v9, v11;
	vm3 =	vmand vm8, vm9  }
0x3f7: {  	v9 =	vnsel vm3, $0x200, v9  }
0x3f8: {  	[tilespmem:$0x18320] =	vst v9  }
0x3f9: {  	v20 =	vld.idx.msk [tilespmem:v2+s15+$0x0], $0xffff;
	_ =	sdelay $0x2  }
0x3fa: {  	s14 =	sadd.s32 $0x30, s22  }
0x3fb: {  	v21 =	vadd.s32 s14, v1  }
0x3fc: {  	vm3 =	vgt.s32 v20, v21  }
0x3fd: {  	v10 =	vsel vm3, $0x80, v4;
	_ =	sdelay $0x4  }
0x3fe: {  	v22 =	vld.idx.msk [tilespmem:v10+s15+$0x0], $0xffff;
	_ =	sdelay $0x4  }
0x3ff: {  	v23 =	vsel vm3, $0x100, v3;
	vm10 =	vgt.s32 v22, v21  }
0x400: {  	v24 =	vsel vm3, $0x0, v2;
	v13 =	vsel vm10, v10, v23  }
0x401: {  	v10 =	vsel vm10, v24, v10;
	v25 =	vadd.s32 v5, v13  }
0x402: {  	v14 =	vxor.u32 v25, v10  }
0x403: {  	v12 =	vor.u32 v25, v10;
	v14 =	vshrl.u32 v14, $0x1  }
0x404: {  	v12 =	vsub.s32 v12, v14;
	_ =	sdelay $0x4  }
0x405: {  	v14 =	vld.idx.msk [tilespmem:v12+s15+$0x0], $0xffff;
	_ =	sdelay $0x4  }
0x406: {  	vm3 =	vgt.s32 v14, v21  }
0x407: {  	v10 =	vsel vm3, v10, v12;
	v12 =	vsel vm3, v12, v13  }
0x408: {  	v13 =	vxor.u32 v12, v10  }
0x409: {  	v26 =	vand.u32 v12, v10;
	v13 =	vshrl.u32 v13, $0x1  }
0x40a: {  	v13 =	vadd.s32 v13, v26;
	_ =	sdelay $0x4  }
0x40b: {  	v14 =	vld.idx.msk [tilespmem:v13+s15+$0x0], $0xffff;
	_ =	sdelay $0x4  }
0x40c: {  	vm3 =	vgt.s32 v14, v21  }
0x40d: {  	v10 =	vsel vm3, v10, v13;
	v12 =	vsel vm3, v13, v12  }
0x40e: {  	v13 =	vxor.u32 v12, v10  }
0x40f: {  	v27 =	vand.u32 v12, v10;
	v13 =	vshrl.u32 v13, $0x1  }
0x410: {  	v13 =	vadd.s32 v13, v27;
	_ =	sdelay $0x4  }
0x411: {  	v14 =	vld.idx.msk [tilespmem:v13+s15+$0x0], $0xffff;
	_ =	sdelay $0x4  }
0x412: {  	vm3 =	vgt.s32 v14, v21  }
0x413: {  	v10 =	vsel vm3, v10, v13;
	v12 =	vsel vm3, v13, v12  }
0x414: {  	v13 =	vadd.s32 v12, v10  }
0x415: {  	v13 =	vshrl.u32 v13, $0x1;
	_ =	sdelay $0x4  }
0x416: {  	v28 =	vld.idx.msk [tilespmem:v13+s15+$0x0], $0xffff;
	_ =	sdelay $0x4  }
0x417: {  	vm3 =	vgt.s32 v28, v21  }
0x418: {  	v10 =	vsel vm3, v10, v13;
	v12 =	vsel vm3, v13, v12  }
0x419: {  	v13 =	vadd.s32 v12, v10  }
0x41a: {  	v13 =	vshrl.u32 v13, $0x1;
	_ =	sdelay $0x4  }
0x41b: {  	v29 =	vld.idx.msk [tilespmem:v13+s15+$0x0], $0xffff;
	_ =	sdelay $0x4  }
0x41c: {  	vm3 =	vgt.s32 v29, v21  }
0x41d: {  	v10 =	vsel vm3, v10, v13;
	v12 =	vsel vm3, v13, v12  }
0x41e: {  	v13 =	vadd.s32 v12, v10  }
0x41f: {  	v13 =	vshrl.u32 v13, $0x1;
	_ =	sdelay $0x4  }
0x420: {  	v30 =	vld.idx.msk [tilespmem:v13+s15+$0x0], $0xffff;
	_ =	sdelay $0x4  }
0x421: {  	vm3 =	vgt.s32 v30, v21  }
0x422: {  	v10 =	vsel vm3, v10, v13;
	v12 =	vsel vm3, v13, v12  }
0x423: {  	v13 =	vadd.s32 v12, v10  }
0x424: {  	v13 =	vshrl.u32 v13, $0x1;
	_ =	sdelay $0x4  }
0x425: {  	v31 =	vld.idx.msk [tilespmem:v13+s15+$0x0], $0xffff;
	_ =	sdelay $0x4  }
0x426: {  	vm3 =	vgt.s32 v31, v21  }
0x427: {  	v10 =	vsel vm3, v10, v13;
	v12 =	vsel vm3, v13, v12  }
0x428: {  	v12 =	vadd.s32 v12, v10  }
0x429: {  	v12 =	vshrl.u32 v12, $0x1;
	_ =	sdelay $0x4  }
0x42a: {  	v32 =	vld.idx.msk [tilespmem:v12+s15+$0x0], $0xffff;
	_ =	sdelay $0x4  }
0x42b: {  	vm11 =	vge.s32 v21, s18;
	vm12 =	vlt.s32 v21, v0;
	vm3 =	vgt.s32 v32, v21  }
0x42c: {  	v10 =	vsel vm3, v10, v12;
	vm3 =	vmand vm11, vm12  }
0x42d: {  	v10 =	vnsel vm3, $0x200, v10  }
0x42e: {  	[tilespmem:$0x18330] =	vst v10  }
0x42f: {  	v33 =	vld.idx.msk [tilespmem:v2+s15+$0x0], $0xffff;
	_ =	sdelay $0x2  }
0x430: {  	s23 =	sadd.s32 $0x40, s22  }
0x431: {  	v34 =	vadd.s32 s23, v1  }
0x432: {  	vm3 =	vgt.s32 v33, v34  }
0x433: {  	v11 =	vsel vm3, $0x80, v4;
	_ =	sdelay $0x4  }
0x434: {  	v35 =	vld.idx.msk [tilespmem:v11+s15+$0x0], $0xffff;
	_ =	sdelay $0x4  }
0x435: {  	v36 =	vsel vm3, $0x100, v3;
	vm13 =	vgt.s32 v35, v34  }
0x436: {  	v37 =	vsel vm3, $0x0, v2;
	v14 =	vsel vm13, v11, v36  }
0x437: {  	v11 =	vsel vm13, v37, v11;
	v38 =	vadd.s32 v5, v14  }
0x438: {  	v15 =	vxor.u32 v38, v11  }
0x439: {  	v13 =	vor.u32 v38, v11;
	v15 =	vshrl.u32 v15, $0x1  }
0x43a: {  	v13 =	vsub.s32 v13, v15;
	_ =	sdelay $0x4  }
0x43b: {  	v15 =	vld.idx.msk [tilespmem:v13+s15+$0x0], $0xffff;
	_ =	sdelay $0x4  }
0x43c: {  	vm3 =	vgt.s32 v15, v34  }
0x43d: {  	v11 =	vsel vm3, v11, v13;
	v13 =	vsel vm3, v13, v14  }
0x43e: {  	v14 =	vxor.u32 v13, v11  }
0x43f: {  	v39 =	vand.u32 v13, v11;
	v14 =	vshrl.u32 v14, $0x1  }
0x440: {  	v14 =	vadd.s32 v14, v39;
	_ =	sdelay $0x4  }
0x441: {  	v15 =	vld.idx.msk [tilespmem:v14+s15+$0x0], $0xffff;
	_ =	sdelay $0x4  }
0x442: {  	vm3 =	vgt.s32 v15, v34  }
0x443: {  	v11 =	vsel vm3, v11, v14;
	v13 =	vsel vm3, v14, v13  }
0x444: {  	v14 =	vxor.u32 v13, v11  }
0x445: {  	v40 =	vand.u32 v13, v11;
	v14 =	vshrl.u32 v14, $0x1  }
0x446: {  	v14 =	vadd.s32 v14, v40;
	_ =	sdelay $0x4  }
0x447: {  	v15 =	vld.idx.msk [tilespmem:v14+s15+$0x0], $0xffff;
	_ =	sdelay $0x4  }
0x448: {  	vm3 =	vgt.s32 v15, v34  }
0x449: {  	v11 =	vsel vm3, v11, v14;
	v13 =	vsel vm3, v14, v13  }
0x44a: {  	v14 =	vadd.s32 v13, v11  }
0x44b: {  	v14 =	vshrl.u32 v14, $0x1;
	_ =	sdelay $0x4  }
0x44c: {  	v41 =	vld.idx.msk [tilespmem:v14+s15+$0x0], $0xffff;
	_ =	sdelay $0x4  }
0x44d: {  	vm3 =	vgt.s32 v41, v34  }
0x44e: {  	v11 =	vsel vm3, v11, v14;
	v13 =	vsel vm3, v14, v13  }
0x44f: {  	v14 =	vadd.s32 v13, v11  }
0x450: {  	v14 =	vshrl.u32 v14, $0x1;
	_ =	sdelay $0x4  }
0x451: {  	v42 =	vld.idx.msk [tilespmem:v14+s15+$0x0], $0xffff;
	_ =	sdelay $0x4  }
0x452: {  	vm3 =	vgt.s32 v42, v34  }
0x453: {  	v11 =	vsel vm3, v11, v14;
	v13 =	vsel vm3, v14, v13  }
0x454: {  	v14 =	vadd.s32 v13, v11  }
0x455: {  	v14 =	vshrl.u32 v14, $0x1;
	_ =	sdelay $0x4  }
0x456: {  	v43 =	vld.idx.msk [tilespmem:v14+s15+$0x0], $0xffff;
	_ =	sdelay $0x4  }
0x457: {  	vm3 =	vgt.s32 v43, v34  }
0x458: {  	v11 =	vsel vm3, v11, v14;
	v13 =	vsel vm3, v14, v13  }
0x459: {  	v14 =	vadd.s32 v13, v11  }
0x45a: {  	v14 =	vshrl.u32 v14, $0x1;
	_ =	sdelay $0x4  }
0x45b: {  	v44 =	vld.idx.msk [tilespmem:v14+s15+$0x0], $0xffff;
	_ =	sdelay $0x4  }
0x45c: {  	vm3 =	vgt.s32 v44, v34  }
0x45d: {  	v11 =	vsel vm3, v11, v14;
	v13 =	vsel vm3, v14, v13  }
0x45e: {  	v13 =	vadd.s32 v13, v11  }
0x45f: {  	v13 =	vshrl.u32 v13, $0x1;
	_ =	sdelay $0x4  }
0x460: {  	v45 =	vld.idx.msk [tilespmem:v13+s15+$0x0], $0xffff;
	_ =	sdelay $0x4  }
0x461: {  	vm14 =	vge.s32 v34, s18;
	vm15 =	vlt.s32 v34, v0;
	vm3 =	vgt.s32 v45, v34  }
0x462: {  	v11 =	vsel vm3, v11, v13;
	vm3 =	vmand vm14, vm15  }
0x463: {  	v11 =	vnsel vm3, $0x200, v11  }
0x464: {  	[tilespmem:$0x18340] =	vst v11  }
0x465: {  	v46 =	vld.idx.msk [tilespmem:v2+s15+$0x0], $0xffff;
	_ =	sdelay $0x2  }
0x466: {  	s28 =	sadd.s32 $0x50, s22  }
0x467: {  	v47 =	vadd.s32 s28, v1  }
0x468: {  	vm3 =	vgt.s32 v46, v47  }
0x469: {  	v12 =	vsel vm3, $0x80, v4;
	_ =	sdelay $0x4  }
0x46a: {  	v48 =	vld.idx.msk [tilespmem:v12+s15+$0x0], $0xffff;
	_ =	sdelay $0x4  }
0x46b: {  	v49 =	vsel vm3, $0x100, v3;
	vm8 =	vgt.s32 v48, v47  }
0x46c: {  	v50 =	vsel vm3, $0x0, v2;
	v15 =	vsel vm8, v12, v49  }
0x46d: {  	v12 =	vsel vm8, v50, v12;
	v51 =	vadd.s32 v5, v15  }
0x46e: {  	v16 =	vxor.u32 v51, v12  }
0x46f: {  	v14 =	vor.u32 v51, v12;
	v16 =	vshrl.u32 v16, $0x1  }
0x470: {  	v14 =	vsub.s32 v14, v16;
	_ =	sdelay $0x4  }
0x471: {  	v16 =	vld.idx.msk [tilespmem:v14+s15+$0x0], $0xffff;
	_ =	sdelay $0x4  }
0x472: {  	vm3 =	vgt.s32 v16, v47  }
0x473: {  	v12 =	vsel vm3, v12, v14;
	v14 =	vsel vm3, v14, v15  }
0x474: {  	v15 =	vxor.u32 v14, v12  }
0x475: {  	v52 =	vand.u32 v14, v12;
	v15 =	vshrl.u32 v15, $0x1  }
0x476: {  	v15 =	vadd.s32 v15, v52;
	_ =	sdelay $0x4  }
0x477: {  	v16 =	vld.idx.msk [tilespmem:v15+s15+$0x0], $0xffff;
	_ =	sdelay $0x4  }
0x478: {  	vm3 =	vgt.s32 v16, v47  }
0x479: {  	v12 =	vsel vm3, v12, v15;
	v14 =	vsel vm3, v15, v14  }
0x47a: {  	v15 =	vxor.u32 v14, v12  }
0x47b: {  	v53 =	vand.u32 v14, v12;
	v15 =	vshrl.u32 v15, $0x1  }
0x47c: {  	v15 =	vadd.s32 v15, v53;
	_ =	sdelay $0x4  }
0x47d: {  	v16 =	vld.idx.msk [tilespmem:v15+s15+$0x0], $0xffff;
	_ =	sdelay $0x4  }
0x47e: {  	vm3 =	vgt.s32 v16, v47  }
0x47f: {  	v12 =	vsel vm3, v12, v15;
	v14 =	vsel vm3, v15, v14  }
0x480: {  	v15 =	vadd.s32 v14, v12  }
0x481: {  	v15 =	vshrl.u32 v15, $0x1;
	_ =	sdelay $0x4  }
0x482: {  	v54 =	vld.idx.msk [tilespmem:v15+s15+$0x0], $0xffff;
	_ =	sdelay $0x4  }
0x483: {  	vm3 =	vgt.s32 v54, v47  }
0x484: {  	v12 =	vsel vm3, v12, v15;
	v14 =	vsel vm3, v15, v14  }
0x485: {  	v15 =	vadd.s32 v14, v12  }
0x486: {  	v15 =	vshrl.u32 v15, $0x1;
	_ =	sdelay $0x4  }
0x487: {  	v55 =	vld.idx.msk [tilespmem:v15+s15+$0x0], $0xffff;
	_ =	sdelay $0x4  }
0x488: {  	vm3 =	vgt.s32 v55, v47  }
0x489: {  	v12 =	vsel vm3, v12, v15;
	v14 =	vsel vm3, v15, v14  }
0x48a: {  	v15 =	vadd.s32 v14, v12  }
0x48b: {  	v15 =	vshrl.u32 v15, $0x1;
	_ =	sdelay $0x4  }
0x48c: {  	v56 =	vld.idx.msk [tilespmem:v15+s15+$0x0], $0xffff;
	_ =	sdelay $0x4  }
0x48d: {  	vm3 =	vgt.s32 v56, v47  }
0x48e: {  	v12 =	vsel vm3, v12, v15;
	v14 =	vsel vm3, v15, v14  }
0x48f: {  	v15 =	vadd.s32 v14, v12  }
0x490: {  	v15 =	vshrl.u32 v15, $0x1;
	_ =	sdelay $0x4  }
0x491: {  	v57 =	vld.idx.msk [tilespmem:v15+s15+$0x0], $0xffff;
	_ =	sdelay $0x4  }
0x492: {  	vm3 =	vgt.s32 v57, v47  }
0x493: {  	v12 =	vsel vm3, v12, v15;
	v14 =	vsel vm3, v15, v14  }
0x494: {  	v14 =	vadd.s32 v14, v12  }
0x495: {  	v14 =	vshrl.u32 v14, $0x1;
	_ =	sdelay $0x4  }
0x496: {  	v58 =	vld.idx.msk [tilespmem:v14+s15+$0x0], $0xffff;
	_ =	sdelay $0x4  }
0x497: {  	vm9 =	vge.s32 v47, s18;
	vm10 =	vlt.s32 v47, v0;
	vm3 =	vgt.s32 v58, v47  }
0x498: {  	v12 =	vsel vm3, v12, v14;
	vm3 =	vmand vm9, vm10  }
0x499: {  	v12 =	vnsel vm3, $0x200, v12  }
0x49a: {  	[tilespmem:$0x18350] =	vst v12  }
0x49b: {  	v59 =	vld.idx.msk [tilespmem:v2+s15+$0x0], $0xffff;
	_ =	sdelay $0x2  }
0x49c: {  	s12 =	sadd.s32 $0x60, s22  }
0x49d: {  	v60 =	vadd.s32 s12, v1  }
0x49e: {  	vm3 =	vgt.s32 v59, v60  }
0x49f: {  	v13 =	vsel vm3, $0x80, v4;
	_ =	sdelay $0x4  }
0x4a0: {  	v61 =	vld.idx.msk [tilespmem:v13+s15+$0x0], $0xffff;
	_ =	sdelay $0x4  }
0x4a1: {  	v62 =	vsel vm3, $0x100, v3;
	vm11 =	vgt.s32 v61, v60  }
0x4a2: {  	v63 =	vsel vm3, $0x0, v2;
	v16 =	vsel vm11, v13, v62  }
0x4a3: {  	v13 =	vsel vm11, v63, v13;
	v20 =	vadd.s32 v5, v16  }
0x4a4: {  	v17 =	vxor.u32 v20, v13  }
0x4a5: {  	v15 =	vor.u32 v20, v13;
	v17 =	vshrl.u32 v17, $0x1  }
0x4a6: {  	v15 =	vsub.s32 v15, v17;
	_ =	sdelay $0x4  }
0x4a7: {  	v17 =	vld.idx.msk [tilespmem:v15+s15+$0x0], $0xffff;
	_ =	sdelay $0x4  }
0x4a8: {  	vm3 =	vgt.s32 v17, v60  }
0x4a9: {  	v13 =	vsel vm3, v13, v15;
	v15 =	vsel vm3, v15, v16  }
0x4aa: {  	v16 =	vxor.u32 v15, v13  }
0x4ab: {  	v21 =	vand.u32 v15, v13;
	v16 =	vshrl.u32 v16, $0x1  }
0x4ac: {  	v16 =	vadd.s32 v16, v21;
	_ =	sdelay $0x4  }
0x4ad: {  	v17 =	vld.idx.msk [tilespmem:v16+s15+$0x0], $0xffff;
	_ =	sdelay $0x4  }
0x4ae: {  	vm3 =	vgt.s32 v17, v60  }
0x4af: {  	v13 =	vsel vm3, v13, v16;
	v15 =	vsel vm3, v16, v15  }
0x4b0: {  	v16 =	vxor.u32 v15, v13  }
0x4b1: {  	v22 =	vand.u32 v15, v13;
	v16 =	vshrl.u32 v16, $0x1  }
0x4b2: {  	v16 =	vadd.s32 v16, v22;
	_ =	sdelay $0x4  }
0x4b3: {  	v17 =	vld.idx.msk [tilespmem:v16+s15+$0x0], $0xffff;
	_ =	sdelay $0x4  }
0x4b4: {  	vm3 =	vgt.s32 v17, v60  }
0x4b5: {  	v13 =	vsel vm3, v13, v16;
	v15 =	vsel vm3, v16, v15  }
0x4b6: {  	v16 =	vadd.s32 v15, v13  }
0x4b7: {  	v16 =	vshrl.u32 v16, $0x1;
	_ =	sdelay $0x4  }
0x4b8: {  	v23 =	vld.idx.msk [tilespmem:v16+s15+$0x0], $0xffff;
	_ =	sdelay $0x4  }
0x4b9: {  	vm3 =	vgt.s32 v23, v60  }
0x4ba: {  	v13 =	vsel vm3, v13, v16;
	v15 =	vsel vm3, v16, v15  }
0x4bb: {  	v16 =	vadd.s32 v15, v13  }
0x4bc: {  	v16 =	vshrl.u32 v16, $0x1;
	_ =	sdelay $0x4  }
0x4bd: {  	v24 =	vld.idx.msk [tilespmem:v16+s15+$0x0], $0xffff;
	_ =	sdelay $0x4  }
0x4be: {  	vm3 =	vgt.s32 v24, v60  }
0x4bf: {  	v13 =	vsel vm3, v13, v16;
	v15 =	vsel vm3, v16, v15  }
0x4c0: {  	v16 =	vadd.s32 v15, v13  }
0x4c1: {  	v16 =	vshrl.u32 v16, $0x1;
	_ =	sdelay $0x4  }
0x4c2: {  	v25 =	vld.idx.msk [tilespmem:v16+s15+$0x0], $0xffff;
	_ =	sdelay $0x4  }
0x4c3: {  	vm3 =	vgt.s32 v25, v60  }
0x4c4: {  	v13 =	vsel vm3, v13, v16;
	v15 =	vsel vm3, v16, v15  }
0x4c5: {  	v16 =	vadd.s32 v15, v13  }
0x4c6: {  	v16 =	vshrl.u32 v16, $0x1;
	_ =	sdelay $0x4  }
0x4c7: {  	v26 =	vld.idx.msk [tilespmem:v16+s15+$0x0], $0xffff;
	_ =	sdelay $0x4  }
0x4c8: {  	vm3 =	vgt.s32 v26, v60  }
0x4c9: {  	v13 =	vsel vm3, v13, v16;
	v15 =	vsel vm3, v16, v15  }
0x4ca: {  	v15 =	vadd.s32 v15, v13  }
0x4cb: {  	v15 =	vshrl.u32 v15, $0x1;
	_ =	sdelay $0x4  }
0x4cc: {  	v27 =	vld.idx.msk [tilespmem:v15+s15+$0x0], $0xffff;
	_ =	sdelay $0x4  }
0x4cd: {  	vm12 =	vge.s32 v60, s18;
	vm13 =	vlt.s32 v60, v0;
	vm3 =	vgt.s32 v27, v60  }
0x4ce: {  	v13 =	vsel vm3, v13, v15;
	vm3 =	vmand vm12, vm13  }
0x4cf: {  	v13 =	vnsel vm3, $0x200, v13  }
0x4d0: {  	[tilespmem:$0x18360] =	vst v13  }
0x4d1: {  	v28 =	vld.idx.msk [tilespmem:v2+s15+$0x0], $0xffff;
	_ =	sdelay $0x2  }
0x4d2: {  	s14 =	sadd.s32 $0x70, s22  }
0x4d3: {  	v29 =	vadd.s32 s14, v1  }
0x4d4: {  	vm3 =	vgt.s32 v28, v29  }
0x4d5: {  	v14 =	vsel vm3, $0x80, v4;
	_ =	sdelay $0x4  }
0x4d6: {  	v30 =	vld.idx.msk [tilespmem:v14+s15+$0x0], $0xffff;
	_ =	sdelay $0x4  }
0x4d7: {  	v31 =	vsel vm3, $0x100, v3;
	vm14 =	vgt.s32 v30, v29  }
0x4d8: {  	v32 =	vsel vm3, $0x0, v2;
	v17 =	vsel vm14, v14, v31  }
0x4d9: {  	v14 =	vsel vm14, v32, v14;
	v33 =	vadd.s32 v5, v17  }
0x4da: {  	v18 =	vxor.u32 v33, v14  }
0x4db: {  	v16 =	vor.u32 v33, v14;
	v18 =	vshrl.u32 v18, $0x1  }
0x4dc: {  	v16 =	vsub.s32 v16, v18;
	_ =	sdelay $0x4  }
0x4dd: {  	v18 =	vld.idx.msk [tilespmem:v16+s15+$0x0], $0xffff;
	_ =	sdelay $0x4  }
0x4de: {  	vm3 =	vgt.s32 v18, v29  }
0x4df: {  	v14 =	vsel vm3, v14, v16;
	v16 =	vsel vm3, v16, v17  }
0x4e0: {  	v17 =	vxor.u32 v16, v14  }
0x4e1: {  	v34 =	vand.u32 v16, v14;
	v17 =	vshrl.u32 v17, $0x1  }
0x4e2: {  	v17 =	vadd.s32 v17, v34;
	_ =	sdelay $0x4  }
0x4e3: {  	v18 =	vld.idx.msk [tilespmem:v17+s15+$0x0], $0xffff;
	_ =	sdelay $0x4  }
0x4e4: {  	vm3 =	vgt.s32 v18, v29  }
0x4e5: {  	v14 =	vsel vm3, v14, v17;
	v16 =	vsel vm3, v17, v16  }
0x4e6: {  	v17 =	vxor.u32 v16, v14  }
0x4e7: {  	v35 =	vand.u32 v16, v14;
	v17 =	vshrl.u32 v17, $0x1  }
0x4e8: {  	v17 =	vadd.s32 v17, v35;
	_ =	sdelay $0x4  }
0x4e9: {  	v18 =	vld.idx.msk [tilespmem:v17+s15+$0x0], $0xffff;
	_ =	sdelay $0x4  }
0x4ea: {  	vm3 =	vgt.s32 v18, v29  }
0x4eb: {  	v14 =	vsel vm3, v14, v17;
	v16 =	vsel vm3, v17, v16  }
0x4ec: {  	v17 =	vadd.s32 v16, v14  }
0x4ed: {  	v17 =	vshrl.u32 v17, $0x1;
	_ =	sdelay $0x4  }
0x4ee: {  	v36 =	vld.idx.msk [tilespmem:v17+s15+$0x0], $0xffff;
	_ =	sdelay $0x4  }
0x4ef: {  	vm3 =	vgt.s32 v36, v29  }
0x4f0: {  	v14 =	vsel vm3, v14, v17;
	v16 =	vsel vm3, v17, v16  }
0x4f1: {  	v17 =	vadd.s32 v16, v14  }
0x4f2: {  	v17 =	vshrl.u32 v17, $0x1;
	_ =	sdelay $0x4  }
0x4f3: {  	v37 =	vld.idx.msk [tilespmem:v17+s15+$0x0], $0xffff;
	_ =	sdelay $0x4  }
0x4f4: {  	vm3 =	vgt.s32 v37, v29  }
0x4f5: {  	v14 =	vsel vm3, v14, v17;
	v16 =	vsel vm3, v17, v16  }
0x4f6: {  	v17 =	vadd.s32 v16, v14  }
0x4f7: {  	v17 =	vshrl.u32 v17, $0x1;
	_ =	sdelay $0x4  }
0x4f8: {  	v38 =	vld.idx.msk [tilespmem:v17+s15+$0x0], $0xffff;
	_ =	sdelay $0x4  }
0x4f9: {  	vm3 =	vgt.s32 v38, v29  }
0x4fa: {  	v14 =	vsel vm3, v14, v17;
	v16 =	vsel vm3, v17, v16  }
0x4fb: {  	v17 =	vadd.s32 v16, v14  }
0x4fc: {  	v17 =	vshrl.u32 v17, $0x1;
	_ =	sdelay $0x4  }
0x4fd: {  	v39 =	vld.idx.msk [tilespmem:v17+s15+$0x0], $0xffff;
	_ =	sdelay $0x3  }
0x4fe: {  	v19 =	vxor.u32 $0x80000000, v7  }
0x4ff: {  	(xrf0) =	vmax.scan.msk.u32 $0xffff, v19;
	vm3 =	vgt.s32 v39, v29  }
0x500: {  	(xrf0) =	vmin.scan.msk.u32 $0xffff, v19;
	v40 =	vxor.u32 $0x80000000, v8;
	v14 =	vsel vm3, v14, v17;
	v16 =	vsel vm3, v17, v16  }
0x501: {  	(xrf0) =	vmax.scan.msk.u32 $0xffff, v40;
	v16 =	vadd.s32 v16, v14  }
0x502: {  	(xrf0) =	vmin.scan.msk.u32 $0xffff, v40;
	v41 =	vxor.u32 $0x80000000, v9;
	v16 =	vshrl.u32 v16, $0x1  }
0x503: {  	(xrf0) =	vmax.scan.msk.u32 $0xffff, v41;
	_ =	sdelay $0x1  }
0x504: {  	v42, _, _ =	vpop (xrf0);
	(xrf0) =	vmin.scan.msk.u32 $0xffff, v41  }
0x505: {  	(v2sf) =	vpush v42, $0xF;
	v43, _, _ =	vpop (xrf0);
	v44 =	vxor.u32 $0x80000000, v10  }
0x506: {  	(v2sf) =	vpush v43, $0xF;
	(xrf0) =	vmax.scan.msk.u32 $0xffff, v44;
	v45, _, _ =	vpop (xrf0);
	v46 =	vld.idx.msk [tilespmem:v16+s15+$0x0], $0xffff  }
0x507: {  	(xrf0) =	vmin.scan.msk.u32 $0xffff, v44;
	(v2sf) =	vpush v45, $0xF;
	v48 =	vxor.u32 $0x80000000, v11;
	v47, _, _ =	vpop (xrf0)  }
0x508: {  	(xrf0) =	vmax.scan.msk.u32 $0xffff, v48;
	(v2sf) =	vpush v47, $0xF;
	v49, _, _ =	vpop (xrf0)  }
0x509: {  	(v2sf) =	vpush v49, $0xF  }
0x50a: {  	v50, _, _ =	vpop (xrf0);
	(xrf0) =	vmin.scan.msk.u32 $0xffff, v48;
	v51 =	vxor.u32 $0x80000000, v12  }
0x50b: {  	(v2sf) =	vpush v50, $0xF;
	(xrf0) =	vmax.scan.msk.u32 $0xffff, v51;
	vm3 =	vgt.s32 v46, v29  }
0x50c: {  	vm15 =	vlt.s32 v29, v0;
	v52, _, _ =	vpop (xrf0);
	(xrf0) =	vmin.scan.msk.u32 $0xffff, v51;
	v14 =	vsel vm3, v14, v16;
	vm3 =	vge.s32 v29, s18  }
0x50d: {  	(v2sf) =	vpush v52, $0xF;
	v53, _, _ =	vpop (xrf0);
	v54 =	vxor.u32 $0x80000000, v13;
	vm3 =	vmand vm3, vm15  }
0x50e: {  	(v2sf) =	vpush v53, $0xF;
	v55, _, _ =	vpop (xrf0);
	(xrf0) =	vmax.scan.msk.u32 $0xffff, v54;
	v14 =	vnsel vm3, $0x200, v14  }
0x50f: {  	(v2sf) =	vpush v55, $0xF;
	(xrf0) =	vmin.scan.msk.u32 $0xffff, v54;
	v56 =	vxor.u32 $0x80000000, v14  }
0x510: {  	v57, _, _ =	vpop (xrf0);
	(xrf0) =	vmax.scan.msk.u32 $0xffff, v56  }
0x511: {  	(v2sf) =	vpush v57, $0xF;
	v58, _, _ =	vpop (xrf0);
	(xrf0) =	vmin.scan.msk.u32 $0xffff, v56  }
0x512: {  	v59, _, _ =	vpop (xrf0);
	(v2sf) =	vpush v58, $0xF  }
0x513: {  	(v2sf) =	vpush v59, $0xF  }
0x514: {  	v60, _, _ =	vpop (xrf0);
	s18 =	spop (v2sf)  }
0x515: {  	v61, _, _ =	vpop (xrf0);
	s22 =	spop (v2sf);
	(v2sf) =	vpush v60, $0xF  }
0x516: {  	s14 =	spop (v2sf);
	(v2sf) =	vpush v61, $0xF;
	v62, _, _ =	vpop (xrf0)  }
0x517: {  	s2 =	sxor.u32 $0x80000000, s18;
	s14 =	sxor.u32 $0x80000000, s14;
	s23 =	spop (v2sf);
	(v2sf) =	vpush v62, $0xF;
	v63, _, _ =	vpop (xrf0)  }
0x518: {  	p0 =	sgt.s32 s2, s14;
	s28 =	spop (v2sf);
	(v2sf) =	vpush v63, $0xF  }
0x519: {  	s12 =	sxor.u32 $0x80000000, s22;
	s14 =	smov.u32 @p0 s2;
	s2 =	sxor.u32 $0x80000000, s23  }
0x51a: {  	s23 =	spop (v2sf);
	s22 =	sxor.u32 $0x80000000, s28;
	p0 =	slt.s32 s12, s2  }
0x51b: {  	s2 =	smov.u32 @p0 s12;
	p0 =	sgt.s32 s14, s22;
	s12 =	sxor.u32 $0x80000000, s23  }
0x51c: {  	s28 =	spop (v2sf);
	s22 =	smov.u32 @p0 s14;
	p0 =	slt.s32 s2, s12  }
0x51d: {  	s23 =	spop (v2sf);
	s12 =	smov.u32 @p0 s2;
	s2 =	sxor.u32 $0x80000000, s28  }
0x51e: {  	s14 =	sxor.u32 $0x80000000, s23;
	s28 =	spop (v2sf);
	p0 =	sgt.s32 s22, s2  }
0x51f: {  	s18 =	sxor.u32 $0x80000000, s28;
	s2 =	smov.u32 @p0 s22;
	p0 =	slt.s32 s12, s14  }
0x520: {  	s22 =	spop (v2sf);
	s14 =	smov.u32 @p0 s12;
	p0 =	sgt.s32 s2, s18  }
0x521: {  	s23 =	spop (v2sf);
	s18 =	smov.u32 @p0 s2;
	s2 =	sxor.u32 $0x80000000, s22  }
0x522: {  	s12 =	sxor.u32 $0x80000000, s23;
	s28 =	spop (v2sf);
	p0 =	slt.s32 s14, s2  }
0x523: {  	s2 =	smov.u32 @p0 s14;
	p0 =	sgt.s32 s18, s12;
	s14 =	sxor.u32 $0x80000000, s28  }
0x524: {  	s12 =	smov.u32 @p0 s18;
	p0 =	slt.s32 s2, s14;
	s23 =	spop (v2sf)  }
0x525: {  	s14 =	smov.u32 @p0 s2;
	s22 =	sxor.u32 $0x80000000, s23;
	s28 =	spop (v2sf)  }
0x526: {  	p0 =	sgt.s32 s12, s22;
	s23 =	sxor.u32 $0x80000000, s28;
	s18 =	spop (v2sf)  }
0x527: {  	s22 =	smov.u32 @p0 s12;
	p0 =	slt.s32 s14, s23;
	s28 =	spop (v2sf)  }
0x528: {  	s23 =	smov.u32 @p0 s14;
	s2 =	sxor.u32 $0x80000000, s18;
	s18 =	sxor.u32 $0x80000000, s28  }
0x529: {  	p0 =	sgt.s32 s22, s2;
	p1 =	slt.s32 s23, s18  }
0x52a: {  	s2 =	smov.u32 @p0 s22;
	s18 =	smov.u32 @p1 s23  }
0x52b: {  	p0 =	sgt.s32 s2, $0x0;
	p1 =	slt.s32 s18, $0x200  }
0x52c: {  	s2 =	simm.s32 @!p0 $0x0;
	s18 =	simm.s32 @!p1 $0x200  }
0x52d: {  	vm8 =	veq.s32 v7, s2;
	vm3 =	veq.s32 v7, s18  }
0x52e: {  	vm3 =	vmor vm3, vm8  }
0x52f: {  	vm9 =	veq.s32 v8, s2;
	v7 =	vsel vm3, $0x1, v6;
	vm3 =	veq.s32 v8, s18  }
0x530: {  	v7 =	vor.u32 $0x80000000, v7;
	vm3 =	vmor vm3, vm9  }
0x531: {  	vm10 =	veq.s32 v9, s2;
	(xrf0) =	vmin.scan.msk.u32 $0xffff, v7;
	v7 =	vsel vm3, $0x1, v6;
	vm3 =	veq.s32 v9, s18  }
0x532: {  	v7 =	vor.u32 $0x80000000, v7;
	vm3 =	vmor vm3, vm10  }
0x533: {  	vm11 =	veq.s32 v10, s2;
	(xrf0) =	vmin.scan.msk.u32 $0xffff, v7;
	v7 =	vsel vm3, $0x1, v6;
	vm3 =	veq.s32 v10, s18  }
0x534: {  	v7 =	vor.u32 $0x80000000, v7;
	vm3 =	vmor vm3, vm11  }
0x535: {  	vm12 =	veq.s32 v11, s2;
	(xrf0) =	vmin.scan.msk.u32 $0xffff, v7;
	v7 =	vsel vm3, $0x1, v6;
	vm3 =	veq.s32 v11, s18  }
0x536: {  	v7 =	vor.u32 $0x80000000, v7;
	vm3 =	vmor vm3, vm12  }
0x537: {  	vm13 =	veq.s32 v12, s2;
	v8, _, _ =	vpop (xrf0);
	(xrf0) =	vmin.scan.msk.u32 $0xffff, v7;
	v7 =	vsel vm3, $0x1, v6;
	vm3 =	veq.s32 v12, s18  }
0x538: {  	vm14 =	veq.s32 v13, s2;
	v7 =	vor.u32 $0x80000000, v7;
	vm3 =	vmor vm3, vm13  }
0x539: {  	(v2sf) =	vpush v8, $0xF;
	v8, _, _ =	vpop (xrf0);
	(xrf0) =	vmin.scan.msk.u32 $0xffff, v7;
	v7 =	vsel vm3, $0x1, v6;
	vm3 =	veq.s32 v13, s18  }
0x53a: {  	(v2sf) =	vpush v8, $0xF;
	v7 =	vor.u32 $0x80000000, v7;
	vm3 =	vmor vm3, vm14  }
0x53b: {  	vm15 =	veq.s32 v14, s2;
	v8, _, _ =	vpop (xrf0);
	(xrf0) =	vmin.scan.msk.u32 $0xffff, v7;
	v7 =	vsel vm3, $0x1, v6;
	vm3 =	veq.s32 v14, s18  }
0x53c: {  	(v2sf) =	vpush v8, $0xF;
	v7 =	vor.u32 $0x80000000, v7;
	vm3 =	vmor vm3, vm15  }
0x53d: {  	v8, _, _ =	vpop (xrf0);
	(xrf0) =	vmin.scan.msk.u32 $0xffff, v7;
	v7 =	vsel vm3, $0x1, v6  }
0x53e: {  	(v2sf) =	vpush v8, $0xF;
	v7 =	vor.u32 $0x80000000, v7  }
0x53f: {  	v8, _, _ =	vpop (xrf0);
	(xrf0) =	vmin.scan.msk.u32 $0xffff, v7  }
0x540: {  	(v2sf) =	vpush v8, $0xF  }
0x541: {  	v7, _, _ =	vpop (xrf0)  }
0x542: {  	(v2sf) =	vpush v7, $0xF  }
0x543: {  	v7, _, _ =	vpop (xrf0)  }
0x544: {  	(v2sf) =	vpush v7, $0xF  }
0x545: {  	v7, _, _ =	vpop (xrf0)  }
0x546: {  	(v2sf) =	vpush v7, $0xF;
	_ =	sdelay $0x1  }
0x547: {  	s14 =	spop (v2sf)  }
0x548: {  	s22 =	spop (v2sf)  }
0x549: {  	s12 =	sxor.u32 $0x80000000, s14;
	s14 =	sxor.u32 $0x80000000, s22  }
0x54a: {  	s23 =	spop (v2sf);
	p0 =	slt.s32 s12, s14  }
0x54b: {  	s14 =	smov.u32 @p0 s12;
	s12 =	sxor.u32 $0x80000000, s23  }
0x54c: {  	s28 =	spop (v2sf);
	p0 =	slt.s32 s14, s12  }
0x54d: {  	s12 =	smov.u32 @p0 s14;
	s14 =	sxor.u32 $0x80000000, s28  }
0x54e: {  	s23 =	spop (v2sf);
	p0 =	slt.s32 s12, s14  }
0x54f: {  	s14 =	smov.u32 @p0 s12;
	s12 =	sxor.u32 $0x80000000, s23  }
0x550: {  	s28 =	spop (v2sf);
	p0 =	slt.s32 s14, s12  }
0x551: {  	s12 =	smov.u32 @p0 s14;
	s14 =	sxor.u32 $0x80000000, s28  }
0x552: {  	s23 =	spop (v2sf);
	p0 =	slt.s32 s12, s14  }
0x553: {  	s14 =	smov.u32 @p0 s12;
	s12 =	sxor.u32 $0x80000000, s23  }
0x554: {  	p0 =	slt.s32 s14, s12;
	s28 =	spop (v2sf)  }
0x555: {  	s12 =	smov.u32 @p0 s14;
	s22 =	sxor.u32 $0x80000000, s28  }
0x556: {  	p0 =	slt.s32 s12, s22  }
0x557: {  	s22 =	smov.u32 @p0 s12  }
0x558: {  	p0 =	slt.s32 s22, $0x1;
	s14 =	smov.u32 s22  }
0x559: {  	s14 =	simm.s32 @!p0 $0x1  }
0x55a: {  	p0 =	seq.s32 s14, $0x0  }
.Ltmp11:
0x55b: {  	_ = 	snop;
	(pc) =	sbr.rel @p0 .LBB2_20-.Ltmp11, $2  }
0x55c: {  	_ =	sdelay $0x2  }
0x55d: {  	[tilespmem:$0x18370] =	vst v14  }
0x55e: {  	p0 =	sne.s32 s14, $0x1  }
.Ltmp12:
0x55f: {  	_ = 	snop;
	(pc) =	sbr.rel @p0 .LBB2_26-.Ltmp12, $1  }
0x560: {  	_ =	sdelay $0x3  }
0x561: {  	s12 =	simm.s32 $0x42C0  }
0x562: {  	s14 =	simm.s32 $0xC290;
	v14 =	vld [tilespmem:s12+$0x20]  }
0x563: {  	v22 =	vld [tilespmem:s14+$0xFFFFFFF0]  }
0x564: {  	v23 =	vld [tilespmem:s12+$0x10]  }
0x565: {  	v17 =	vld [tilespmem:s12+$0x0]  }
0x566: {  	v28 =	vld [tilespmem:s12+$0xFFFFFFD0]  }
0x567: {  	s23 =	simm.s32 $0x4340;
	v29 =	vld [tilespmem:s12+$0xFFFFFFF0]  }
0x568: {  	s28 =	simm.s32 $0xC310;
	v10 =	vld [tilespmem:s23+$0x20]  }
0x569: {  	v9 =	vld [tilespmem:s28+$0xFFFFFFF0]  }
0x56a: {  	v16 =	vld [tilespmem:s23+$0x10]  }
0x56b: {  	v7 =	vmov s15;
	v18 =	vld [tilespmem:s23+$0x0]  }
0x56c: {  	v21 =	vld [tilespmem:s12+$0xFFFFFFC0]  }
0x56d: {  	v27 =	vld [tilespmem:s12+$0xFFFFFFE0]  }
0x56e: {  	v24 =	vimm.f32 $0.0e+00;
	s15 =	simm.s32 $0x1;
	v13 =	vld [tilespmem:s14+$0x0]  }
0x56f: {  	v26 =	vld [tilespmem:s23+$0xFFFFFFD0];
	v36 =	vmov s15;
	v11 =	vadd.f32 v14, v24;
	v12 =	vadd.f32 v22, v24  }
0x570: {  	v8 =	vld.idx.msk [tilespmem:v7+s10+$0x0], $0xffff;
	v15 =	vadd.f32 v23, v24;
	v20 =	vadd.f32 v17, v24  }
0x571: {  	v19 =	vld [tilespmem:s12+$0x30];
	v25 =	vadd.f32 v28, v24;
	v37 =	vadd.f32 v29, v24  }
0x572: {  	s12 =	simm.s32 $0x2;
	v34 =	vadd.f32 v21, v24;
	v35 =	vadd.f32 v27, v24  }
0x573: {  	v33 =	vld [tilespmem:s23+$0xFFFFFFF0];
	v47 =	vmov s12;
	v30 =	vadd.f32 v10, v11;
	v32 =	vadd.f32 v9, v12  }
0x574: {  	s15 =	simm.s32 $0x43C0;
	v7 =	vmov s18;
	v44 =	vld.idx.msk [tilespmem:v36+s10+$0x0], $0xffff;
	v39 =	vadd.f32 v16, v15;
	v43 =	vadd.f32 v18, v20  }
0x575: {  	s14 =	simm.s32 $0xC390;
	v15 =	vld [tilespmem:s15+$0x20];
	v31 =	vadd.f32 v26, v25;
	vm3 =	veq.s32 v8, v7;
	v8 =	vmov s2  }
0x576: {  	v11 =	vld [tilespmem:s14+$0xFFFFFFF0];
	v12 =	vnsel vm3, $0x0, v13;
	v38 =	vnsel vm3, $0x0, v19;
	v13 =	vadd.f32 v13, v24  }
0x577: {  	v20 =	vld [tilespmem:s15+$0x10];
	v42 =	vnsel vm3, $0x0, v17;
	v19 =	vadd.f32 v19, v24;
	v45 =	vnsel vm3, $0x0, v21  }
0x578: {  	v25 =	vld [tilespmem:s15+$0x0];
	v48 =	vnsel vm3, $0x0, v27;
	v22 =	vnsel vm3, $0x0, v22;
	v12 =	vadd.f32 v12, v24  }
0x579: {  	v40 =	vld [tilespmem:s23+$0xFFFFFFE0];
	v41 =	vnsel vm3, $0x0, v14;
	v21 =	vadd.f32 v38, v24;
	v22 =	vadd.f32 v22, v24  }
0x57a: {  	v36 =	vld [tilespmem:s23+$0x30];
	v46 =	vnsel vm3, $0x0, v29;
	v29 =	vadd.f32 v41, v24;
	v45 =	vadd.f32 v45, v24  }
0x57b: {  	v23 =	vnsel vm3, $0x0, v23;
	v38 =	vld [tilespmem:s23+$0xFFFFFFC0];
	v17 =	vadd.f32 v15, v30;
	v14 =	vadd.f32 v11, v32  }
0x57c: {  	v27 =	vld [tilespmem:s28+$0x0];
	v49 =	vnsel vm3, $0x0, v28;
	v32 =	vadd.f32 v33, v37;
	v30 =	vadd.f32 v23, v24  }
0x57d: {  	vm3 =	veq.s32 v44, v7;
	v41 =	vld [tilespmem:s15+$0xFFFFFFD0];
	v23 =	vadd.f32 v20, v39;
	v28 =	vadd.f32 v25, v43  }
0x57e: {  	s2 =	simm.s32 $0xC390;
	s28 =	simm.s32 $0x4440;
	v44 =	vimm.f32 $0.0e+00;
	s23 =	simm.s32 $0x3;
	v39 =	vadd.f32 v48, v24;
	v37 =	vld [tilespmem:s15+$0xFFFFFFF0];
	v43 =	vadd.f32 v49, v24  }
.LBB2_17:
0x57f: {  	p0 =	sne.s32 s23, $0x7F  }
0x580: {  	v48 =	vld [tilespmem:s28+$0x20];
	s14 =	sadd.s32 $0x80, s14;
	v34 =	vadd.f32 v38, v34;
	v24 =	vadd.f32 v42, v24;
	s12 =	smov.u32 s23;
	s23 =	sadd.s32 $0x1, s23  }
0x581: {  	v35 =	vadd.f32 v40, v35;
	v44 =	vadd.f32 v46, v44;
	v49 =	vld [tilespmem:s14+$0xFFFFFFF0];
	v42 =	vnsel vm3, $0x0, v27  }
0x582: {  	v13 =	vadd.f32 v27, v13;
	v50 =	vld [tilespmem:s28+$0x10];
	v46 =	vnsel vm3, $0x0, v36;
	v12 =	vadd.f32 v42, v12  }
0x583: {  	v42 =	vnsel vm3, $0x0, v18;
	v19 =	vadd.f32 v36, v19;
	v18 =	vmovc v25;
	v51 =	vld.idx.msk [tilespmem:v47+s10+$0x0], $0xffff;
	v31 =	vadd.f32 v41, v31  }
0x584: {  	v52 =	vnsel vm3, $0x0, v38;
	v53 =	vnsel vm3, $0x0, v40;
	v21 =	vadd.f32 v46, v21;
	v25 =	vld [tilespmem:s28+$0x0]  }
0x585: {  	v27 =	vnsel vm3, $0x0, v9;
	v47 =	vnsel vm3, $0x0, v10;
	v10 =	vmovc v15;
	v17 =	vadd.f32 v48, v17;
	v38 =	vld [tilespmem:s15+$0xFFFFFFC0];
	v15 =	vmovc v48  }
.Ltmp13:
0x586: {  	v9 =	vmovc v11;
	v36 =	vnsel vm3, $0x0, v16;
	v22 =	vadd.f32 v27, v22;
	v14 =	vadd.f32 v49, v14;
	v40 =	vld [tilespmem:s15+$0xFFFFFFE0];
	v11 =	vmovc v49;
	(pc) =	sbr.rel @p0 .LBB2_17-.Ltmp13, $4  }
0x587: {  	v16 =	vmovc v20;
	v46 =	vnsel vm3, $0x0, v33;
	v30 =	vadd.f32 v36, v30;
	v32 =	vadd.f32 v37, v32;
	v27 =	vld [tilespmem:s2+$0x0];
	v20 =	vmovc v50;
	s2 =	smov.u32 s14  }
0x588: {  	v29 =	vadd.f32 v47, v29;
	v33 =	vmovc v37;
	v48 =	vnsel vm3, $0x0, v26;
	v26 =	vmovc v41;
	v23 =	vadd.f32 v20, v23;
	v36 =	vld [tilespmem:s15+$0x30];
	s15 =	smov.u32 s28  }
0x589: {  	v39 =	vadd.f32 v53, v39;
	v47 =	vmov s12;
	v41 =	vld [tilespmem:s28+$0xFFFFFFD0];
	v28 =	vadd.f32 v25, v28  }
0x58a: {  	v45 =	vadd.f32 v52, v45;
	v43 =	vadd.f32 v48, v43;
	vm3 =	veq.s32 v51, v7;
	s28 =	sadd.s32 $0x80, s28;
	v37 =	vld [tilespmem:s15+$0xFFFFFFF0]  }
0x58b: {  	_ =	sdelay $0x3  }
0x58c: {  	v47 =	vld.idx.msk [tilespmem:v47+s10+$0x0], $0xffff;
	v24 =	vadd.f32 v42, v24;
	v34 =	vadd.f32 v38, v34  }
0x58d: {  	v35 =	vadd.f32 v40, v35;
	v58 =	vnsel vm3, $0x0, v38;
	v59 =	vld [tilespmem:s15+$0xFFFFFFE0];
	v26 =	vnsel vm3, $0x0, v26  }
0x58e: {  	v48 =	vld [tilespmem:s15+$0xFFFFFFC0];
	v44 =	vadd.f32 v46, v44;
	v61 =	vnsel vm3, $0x0, v40;
	v33 =	vnsel vm3, $0x0, v33  }
0x58f: {  	v62 =	vld [tilespmem:s2+$0x0];
	v18 =	vnsel vm3, $0x0, v18;
	v16 =	vnsel vm3, $0x0, v16;
	v10 =	vnsel vm3, $0x0, v10  }
0x590: {  	v9 =	vnsel vm3, $0x0, v9;
	v38 =	vadd.f32 v58, v45;
	v26 =	vadd.f32 v26, v43  }
0x591: {  	v55 =	vnsel vm3, $0x0, v27;
	v13 =	vadd.f32 v27, v13;
	v51 =	vnsel vm3, $0x0, v36  }
0x592: {  	vm3 =	veq.s32 v1, $0x0;
	vm4 =	veq.s32 v47, v7;
	v35 =	vadd.f32 v59, v35  }
0x593: {  	v60 =	vnsel vm4, $0x0, v48;
	v63 =	vnsel vm4, $0x0, v41;
	v46 =	vnsel vm4, $0x0, v59  }
0x594: {  	v57 =	vnsel vm4, $0x0, v62;
	v59 =	vadd.f32 v62, v13;
	v62 =	vsel vm0, $0x200, v8  }
0x595: {  	v8 =	vsel vm1, $0x200, v8;
	v26 =	vadd.f32 v63, v26;
	v63 =	vsel vm3, s18, v62  }
0x596: {  	v39 =	vadd.f32 v61, v39;
	v45 =	vld [tilespmem:s15+$0x30];
	v38 =	vadd.f32 v60, v38;
	v7 =	vsel vm2, v8, v7;
	[tilespmem:$0x18B80] =	vst v63  }
0x597: {  	v33 =	vadd.f32 v33, v44;
	v18 =	vadd.f32 v18, v24;
	[tilespmem:$0x18C00] =	vst v7  }
0x598: {  	v34 =	vadd.f32 v48, v34;
	v48 =	vnsel vm4, $0x0, v37;
	v47 =	vadd.f32 v46, v39;
	[tilespmem:$0x18380] =	vst v38  }
0x599: {  	v16 =	vadd.f32 v16, v30;
	v25 =	vnsel vm4, $0x0, v25;
	v24 =	vadd.f32 v48, v33;
	[tilespmem:$0x18390] =	vst v26  }
0x59a: {  	v10 =	vadd.f32 v10, v29;
	v20 =	vnsel vm4, $0x0, v20;
	v18 =	vadd.f32 v25, v18;
	[tilespmem:$0x183A0] =	vst v47  }
0x59b: {  	v9 =	vadd.f32 v9, v22;
	v15 =	vnsel vm4, $0x0, v15;
	v16 =	vadd.f32 v20, v16;
	[tilespmem:$0x183B0] =	vst v24  }
0x59c: {  	v11 =	vnsel vm4, $0x0, v11;
	v10 =	vadd.f32 v15, v10;
	[tilespmem:$0x183C0] =	vst v18  }
0x59d: {  	v31 =	vadd.f32 v41, v31;
	v9 =	vadd.f32 v11, v9;
	[tilespmem:$0x183D0] =	vst v16  }
0x59e: {  	v34 =	vsub.f32 v34, v38;
	[tilespmem:$0x183E0] =	vst v10  }
0x59f: {  	v32 =	vadd.f32 v37, v32;
	v31 =	vsub.f32 v31, v26;
	[tilespmem:$0x18480] =	vst v9  }
0x5a0: {  	v49 =	vsub.f32 v35, v47;
	[tilespmem:$0x18400] =	vst v34  }
0x5a1: {  	v50 =	vsub.f32 v32, v24;
	[tilespmem:$0x18410] =	vst v31  }
0x5a2: {  	v52 =	vsub.f32 v28, v18;
	[tilespmem:$0x18420] =	vst v49  }
0x5a3: {  	v21 =	vadd.f32 v51, v21;
	v53 =	vsub.f32 v23, v16;
	[tilespmem:$0x18430] =	vst v50  }
0x5a4: {  	v19 =	vadd.f32 v36, v19;
	v54 =	vnsel vm4, $0x0, v45;
	v56 =	vsub.f32 v17, v10;
	[tilespmem:$0x18440] =	vst v52  }
0x5a5: {  	v12 =	vadd.f32 v55, v12;
	v18 =	vadd.f32 v54, v21;
	[tilespmem:$0x18450] =	vst v53  }
0x5a6: {  	v19 =	vadd.f32 v45, v19;
	v60 =	vsub.f32 v14, v9;
	[tilespmem:$0x18460] =	vst v56  }
0x5a7: {  	v10 =	vadd.f32 v57, v12;
	[tilespmem:$0x183F0] =	vst v18  }
0x5a8: {  	v58 =	vsub.f32 v19, v18;
	[tilespmem:$0x18500] =	vst v60  }
0x5a9: {  	v61 =	vsub.f32 v59, v10;
	[tilespmem:$0x18490] =	vst v10  }
0x5aa: {  	[tilespmem:$0x18470] =	vst v58  }
0x5ab: {  	s28 =	simm.s32 $0x18B80;
	[tilespmem:$0x18510] =	vst v61  }
0x5ac: {  	[spmem:s3] =	stream.indirect.scatter.add.f32 [tilespmem:s0], [sflag:$0x3], $0x80, s28, s11, $0xb8;
	[tilespmem:$0x1AD00] =	vst v63  }
0x5ad: {  	_ =	swait.ge [sflag:s21], $0x800  }
0x5ae: {  	p0 =	sne.s32 s22, $0x0;
	[sflag:s21] =	ssyncset.done $0x0  }
.Ltmp14:
0x5af: {  	[sflag:s21] =	ssyncadd.s32 $0xFFFFF800;
	(pc) =	sbr.rel @p0 .LBB2_26-.Ltmp14, $4  }
0x5b0: {  	[spmem:s4] =	stream.indirect.scatter.add.f32 [tilespmem:s0], [sflag:$0x3], $0x80, s13, s11, $0xb8;
	[tilespmem:$0x1AD00] =	vst v63  }
0x5b1: {  	_ =	swait.ge [sflag:s21], $0x800  }
0x5b2: {  	[sflag:s21] =	ssyncset.done $0x0  }
0x5b3: {  	[sflag:s21] =	ssyncadd.s32 $0xFFFFF800  }
0x5b4: {  	s14 =	simm.s32 $0x0  }
.LBB2_20:
0x5b5: {  	s12 =	ssub.s32 $0x20, s14  }
0x5b6: {  	s2 =	sshll.u32 s14, $0xB;
	p1 =	sne.s32 s12, $0x1  }
.Ltmp15:
0x5b7: {  	s28 =	sshra.s32 s2, $0x2;
	(pc) =	sbr.rel @!p1 .LBB2_21-.Ltmp15, $3  }
0x5b8: {  	s2 =	sadd.s32 $0xC380, s28  }
0x5b9: {  	v7 =	vld [tilespmem:s2+$0xFFFFFF00];
	_ =	sdelay $0x1  }
0x5ba: {  	p0 =	por $0x0, $0x0;
	s14 =	sadd.s32 $0xFFFFFFFF, s12;
	s15 =	sadd.s32 $0x14380, s28  }
0x5bb: {  	_ =	sdelay $0x1  }
0x5bc: {  	[tilespmem:s15+$0xFFFFFF00] =	vst v7  }
0x5bd: {  	v7 =	vld [tilespmem:s2+$0xFFFFFF10];
	_ =	sdelay $0x4  }
0x5be: {  	[tilespmem:s15+$0xFFFFFF10] =	vst v7  }
0x5bf: {  	v7 =	vld [tilespmem:s2+$0xFFFFFF80];
	_ =	sdelay $0x4  }
0x5c0: {  	[tilespmem:s15+$0xFFFFFF80] =	vst v7  }
0x5c1: {  	v7 =	vld [tilespmem:s2+$0xFFFFFF90];
	_ =	sdelay $0x4  }
0x5c2: {  	[tilespmem:s15+$0xFFFFFF90] =	vst v7  }
0x5c3: {  	v7 =	vld [tilespmem:s2+$0x0];
	_ =	sdelay $0x4  }
0x5c4: {  	[tilespmem:s15+$0x0] =	vst v7  }
0x5c5: {  	v7 =	vld [tilespmem:s2+$0x10];
	_ =	sdelay $0x4  }
0x5c6: {  	[tilespmem:s15+$0x10] =	vst v7  }
0x5c7: {  	v7 =	vld [tilespmem:s2+$0x80];
	_ =	sdelay $0x4  }
0x5c8: {  	[tilespmem:s15+$0x80] =	vst v7  }
0x5c9: {  	v7 =	vld [tilespmem:s2+$0x90];
	_ =	sdelay $0x2  }
0x5ca: {  	p1 =	sne.s32 s14, $0x1  }
.Ltmp16:
0x5cb: {  	_ = 	snop;
	(pc) =	sbr.rel @!p1 .LBB2_23-.Ltmp16, $3  }
0x5cc: {  	s2 =	sadd.s32 $0x200, s2;
	[tilespmem:s15+$0x90] =	vst v7  }
0x5cd: {  	v7 =	vld [tilespmem:s2+$0xFFFFFF00];
	_ =	sdelay $0x1  }
0x5ce: {  	s18 =	sadd.s32 $0xFFFFFFFF, s14;
	p0 =	por $0x1, $0x1;
	s14 =	smov.u32 s15  }
.LBB2_24:
0x5cf: {  	p1 =	sne.s32 s18, $0x1;
	_ =	sdelay $0x2  }
0x5d0: {  	s14 =	sadd.s32 $0x200, s14  }
0x5d1: {  	[tilespmem:s14+$0xFFFFFF00] =	vst v7  }
0x5d2: {  	v7 =	vld [tilespmem:s2+$0xFFFFFF10];
	_ =	sdelay $0x4  }
0x5d3: {  	[tilespmem:s14+$0xFFFFFF10] =	vst v7  }
0x5d4: {  	v7 =	vld [tilespmem:s2+$0xFFFFFF80];
	_ =	sdelay $0x4  }
0x5d5: {  	[tilespmem:s14+$0xFFFFFF80] =	vst v7  }
0x5d6: {  	v7 =	vld [tilespmem:s2+$0xFFFFFF90];
	_ =	sdelay $0x4  }
0x5d7: {  	[tilespmem:s14+$0xFFFFFF90] =	vst v7  }
0x5d8: {  	v7 =	vld [tilespmem:s2+$0x0];
	_ =	sdelay $0x4  }
0x5d9: {  	[tilespmem:s14+$0x0] =	vst v7  }
0x5da: {  	v7 =	vld [tilespmem:s2+$0x10];
	_ =	sdelay $0x4  }
0x5db: {  	[tilespmem:s14+$0x10] =	vst v7  }
0x5dc: {  	v7 =	vld [tilespmem:s2+$0x80];
	_ =	sdelay $0x4  }
0x5dd: {  	[tilespmem:s14+$0x80] =	vst v7  }
0x5de: {  	v7 =	vld [tilespmem:s2+$0x90];
	_ =	sdelay $0x1  }
.Ltmp17:
0x5df: {  	(pc) =	sbr.rel @p1 .LBB2_24-.Ltmp17, $3  }
0x5e0: {  	_ =	sdelay $0x1  }
0x5e1: {  	s2 =	sadd.s32 $0x200, s2;
	[tilespmem:s14+$0x90] =	vst v7  }
0x5e2: {  	s18 =	sadd.s32 $0xFFFFFFFF, s18;
	v7 =	vld [tilespmem:s2+$0xFFFFFF00]  }
.Ltmp18:
0x5e3: {  	_ = 	snop;
	(pc) =	sbr.rel .LBB2_25-.Ltmp18, $1  }
0x5e4: {  	_ =	sdelay $0x3  }
.LBB2_9:
.Ltmp19:
0x5e5: {  	(pc) =	sbr.rel .LBB2_13-.Ltmp19, $2  }
0x5e6: {  	_ =	sdelay $0x2  }
0x5e7: {  	s14 =	smov.u32 s15  }
.LBB2_11:
.Ltmp20:
0x5e8: {  	(pc) =	sbr.rel .LBB2_13-.Ltmp20, $2  }
0x5e9: {  	_ =	sdelay $0x2  }
0x5ea: {  	s14 =	smov.u32 s15  }
.LBB2_23:
.Ltmp21:
0x5eb: {  	(pc) =	sbr.rel .LBB2_25-.Ltmp21, $2  }
0x5ec: {  	_ =	sdelay $0x2  }
0x5ed: {  	s14 =	smov.u32 s15  }
.LBB2_28:
0x5ee: {  	_ =	sfence.sel $0x180000  }
0x5ef: {  	[bflag:$0x0] =	sbarrier.arrive $0xFFFF  }
0x5f0: {  	_ =	strace $0x90000047  }
0x5f1: {  	s0 =	stileid.u32;
	[bflag:$0x2] =	sbarrier.arrive $0xFFFF  }
0x5f2: {  	p0 =	sne.s32 s0, $0x0;
	s0 =	rddreg [dreg:$0x5]  }
0x5f3: {  	s0 =	sadd.s32 @!p0 $0x100000, s0  }
0x5f4: {  	[sflag:s0] =	ssyncadd.tile.s32 @!p0 $0x1;
	_ =	shalt  }
.Lfunc_end2:
_tile_overlayer_lowered:
.L_overlay_start_2:
0x5f5: {  	(tag) =	ssettag $0x2  }
0x5f6: {  	s0 =	rddreg [dreg:$0x0];
	s2 =	stileid.u32  }
0x5f7: {  	s1 =	rddreg [dreg:$0x1];
	p0 =	sne.s32 s2, $0x0  }
0x5f8: {  	s3 =	rddreg [dreg:$0x2];
	[bflag:$0x3] =	sbarrier.arrive $0xFFFF;
	s2 =	simm.s32 @!p0 $0x1C03  }
0x5f9: {  	[timem:s3], [sflag:s2] =	dma.local @!p0 [hbm:s0], s1  }
0x5fa: {  	s0 =	simm.s32 @!p0 $0x3  }
0x5fb: {  	_ =	swait.ge @!p0 [sflag:s0], s1  }
0x5fc: {  	s1 =	ssub.s32 @!p0 $0x0, s1;
	[sflag:s0] =	ssyncset.done @!p0 $0x0  }
0x5fd: {  	[sflag:s0] =	ssyncadd.s32 @!p0 s1  }
0x5fe: {  	[bflag:$0x3] =	sbarrier.arrive $0xFFFF  }
0x5ff: {  	_ =	shalt  }

</sc_bundles>
